<compile_context>
chip_gen: v7x
topology: tpu7x:2x2x1
jax: 0.10.2.dev20260603
libtpu: 0.0.44.dev20260713+nightly
codegen_flags: <defaults>
</compile_context>

<pallas_src>
import functools

import jax
import jax.numpy as jnp
from jax import lax
from jax.experimental import pallas as pl
from jax.experimental.pallas import tpu as pltpu
from jax.experimental.pallas import tpu_sc as plsc

N = 10000
E = 320000
D = 128
NC, NS = 2, 16
NW = NC * NS
G = 112
GPC = G // 16
CH = 90
HALVES = ((0, 48), (48, 42))
HB = 48
E_PAD = NW * CH * G
N_PAD = 10240
RPT = N_PAD // NS
ZR = 80


def _linear_body(x_ref, w_ref, b_ref, o_ref):
    o_ref[...] = lax.dot_general(
        x_ref[...], w_ref[...], (((1,), (1,)), ((), ())),
        preferred_element_type=jnp.float32) + b_ref[...]


def _linear(x, W, b):
    blk = 1000
    return pl.pallas_call(
        _linear_body,
        grid=(N // blk,),
        in_specs=[
            pl.BlockSpec((blk, D), lambda i: (i, 0)),
            pl.BlockSpec((D, D), lambda i: (0, 0)),
            pl.BlockSpec((1, D), lambda i: (0, 0)),
        ],
        out_specs=pl.BlockSpec((blk, D), lambda i: (i, 0)),
        out_shape=jax.ShapeDtypeStruct((N, D), jnp.float32),
    )(x, W, b.reshape(1, D))


def _sc_body(h_hbm, src_hbm, dst_hbm, w_hbm, out_hbm,
             acc, src_v, dst_v, w_v, rows_v, sem):
    cid = lax.axis_index("c")
    sid = lax.axis_index("s")
    wid = cid * NS + sid

    zero = jnp.zeros((16,), jnp.float32)

    def zrow(i, c):
        for j in range(D // 16):
            rows_v[i, pl.ds(j * 16, 16)] = zero
        return c

    lax.fori_loop(0, ZR, zrow, 0)
    for r in range(RPT // ZR):
        pltpu.sync_copy(rows_v.at[pl.ds(0, ZR)],
                        acc.at[pl.ds(sid * RPT + r * ZR, ZR)])
    plsc.subcore_barrier()

    def chunk(c, carry):
        pltpu.async_copy(h_hbm.at[src_v.at[c]], rows_v, sem).wait()

        def group(g, cc):
            w16 = w_v[c, pl.ds(g * 16, 16)]
            for k in range(16):
                r = g * 16 + k
                for j in range(D // 16):
                    sl = pl.ds(j * 16, 16)
                    rows_v[r, sl] = rows_v[r, sl] * w16[k]
            return cc

        lax.fori_loop(0, GPC, group, 0)

        pltpu.sync_copy(rows_v, acc.at[dst_v.at[c]], add=True)
        return carry

    for h0, hc in HALVES:
        pltpu.sync_copy(src_hbm.at[wid, pl.ds(h0, hc)],
                        src_v.at[pl.ds(0, hc)])
        pltpu.sync_copy(dst_hbm.at[wid, pl.ds(h0, hc)],
                        dst_v.at[pl.ds(0, hc)])
        pltpu.sync_copy(w_hbm.at[wid, pl.ds(h0, hc)],
                        w_v.at[pl.ds(0, hc)])
        lax.fori_loop(0, hc, chunk, 0)
    plsc.subcore_barrier()

    pltpu.sync_copy(acc.at[pl.ds(sid * RPT, RPT)],
                    out_hbm.at[cid, pl.ds(sid * RPT, RPT)])


_sc_scatter = functools.partial(
    pl.kernel,
    out_type=jax.ShapeDtypeStruct((NC, N_PAD, D), jnp.float32),
    mesh=plsc.VectorSubcoreMesh(core_axis_name="c", subcore_axis_name="s",
                                num_cores=NC, num_subcores=NS),
    scratch_types=[
        pltpu.VMEM_SHARED((N_PAD, D), jnp.float32),
        pltpu.VMEM((HB, G), jnp.int32),
        pltpu.VMEM((HB, G), jnp.int32),
        pltpu.VMEM((HB, G), jnp.float32),
        pltpu.VMEM((G, D), jnp.float32),
        pltpu.SemaphoreType.DMA,
    ],
)(_sc_body)


def _sum_body(p_ref, o_ref):
    o_ref[...] = p_ref[0] + p_ref[1]


def _sum_parts(p):
    blk = RPT
    return pl.pallas_call(
        _sum_body,
        grid=(N_PAD // blk,),
        in_specs=[pl.BlockSpec((NC, blk, D), lambda i: (0, i, 0))],
        out_specs=pl.BlockSpec((blk, D), lambda i: (i, 0)),
        out_shape=jax.ShapeDtypeStruct((N, D), jnp.float32),
    )(p)


def kernel(x, edge_index, w, W, b):
    h = _linear(x, W, b)
    pad = E_PAD - E
    src = jnp.concatenate(
        [edge_index[0], jnp.zeros((pad,), jnp.int32)]).reshape(NW, CH, G)
    dst = jnp.concatenate(
        [edge_index[1], jnp.zeros((pad,), jnp.int32)]).reshape(NW, CH, G)
    w3 = jnp.concatenate(
        [w, jnp.zeros((pad,), jnp.float32)]).reshape(NW, CH, G)
    parts = _sc_scatter(h, src, dst, w3)
    return _sum_parts(parts)

# --- scband reference (transcript-rebuilt; emitter-appended) ---
"""Pipeline reference for scband-graph-conv-6536940224559 (READ-ONLY COPY).

The authoritative reference and input builder live on the scoring server;
editing this copy changes nothing except your own understanding.
"""

import jax, jax.numpy as jnp
import numpy as np

N = 10000
E = 320000
D_IN = 128
D_OUT = 128


def setup_inputs(seed: int = 0) -> dict:
    key = jax.random.key(seed)
    k1, k2, k3, k4, k5 = jax.random.split(key, 5)
    x = jax.random.normal(k1, (N, D_IN), dtype=jnp.float32)
    edge_index = jax.random.randint(k2, (2, E), 0, N, dtype=jnp.int32)
    w = jax.random.uniform(k3, (E,), dtype=jnp.float32)
    # Learned params of nn.Linear(in_feats, n_classes)
    W = jax.random.normal(k4, (D_OUT, D_IN), dtype=jnp.float32) * (1.0 / np.sqrt(D_IN))
    b = jax.random.normal(k5, (D_OUT,), dtype=jnp.float32) * 0.01
    return {"x": x, "edge_index": edge_index, "w": w, "W": W, "b": b}


def reference(x, edge_index, w, W, b):
    # h = self.W(x)
    h = x @ W.T + b
    src = edge_index[0]
    dst = edge_index[1]
    # message: u_mul_e('x', 'w', 'm') -> m_e = h[src_e] * w_e (scalar edge weight broadcast)
    m = h[src] * w[:, None]
    # reduce: fn.sum('m', 'y') -> scatter-add into destination nodes
    y = jax.ops.segment_sum(m, dst, num_segments=N)
    return y

if __name__ == "__main__":
    import jax
    _d = setup_inputs()
    print(jax.jit(kernel)(*tuple(_d.values())))

</pallas_src>

<mosaic_0001>
#map = affine_map<(d0, d1) -> (0, 0)>
#map1 = affine_map<(d0, d1) -> (0, 0, 0)>
module attributes {stable_mosaic.version = 14 : i64} {
  func.func @_sc_body(%arg0: i32, %arg1: i32, %arg2: memref<10000x128xf32, #tpu.memory_space<hbm>>, %arg3: memref<32x90x112xi32, #tpu.memory_space<hbm>>, %arg4: memref<32x90x112xi32, #tpu.memory_space<hbm>>, %arg5: memref<32x90x112xf32, #tpu.memory_space<hbm>>, %arg6: memref<2x10240x128xf32, #tpu.memory_space<hbm>>, %arg7: memref<10240x128xf32, #tpu.memory_space<vmem_shared>>, %arg8: memref<48x112xi32, #tpu.memory_space<vmem>>, %arg9: memref<48x112xi32, #tpu.memory_space<vmem>>, %arg10: memref<48x112xf32, #tpu.memory_space<vmem>>, %arg11: memref<112x128xf32, #tpu.memory_space<vmem>>, %arg12: memref<!tpu.dma_semaphore, #tpu.memory_space<semaphore_mem>>) attributes {dimension_semantics = [#tpu.dimension_semantics<core_parallel>, #tpu.dimension_semantics<subcore_parallel>], iteration_bounds = array<i64: 2, 16>, scalar_prefetch = 0 : i64, scratch_operands = 6 : i64, tpu.core_type = #tpu.core_type<sc_vector_subcore>, window_params = [{transform_indices = #map}, {transform_indices = #map1}, {transform_indices = #map1}, {transform_indices = #map1}, {transform_indices = #map1}]} {
    %mul3A = arith.constant 16 : i32
    %mul3A_0 = arith.muli %arg0, %mul3A : i32
    %add3A = arith.addi %mul3A_0, %arg1 : i32
    %broadcast_in_dim3A = arith.constant 0.000000e+00 : f32
    %broadcast_in_dim3A_1 = vector.broadcast %broadcast_in_dim3A : f32 to vector<16xf32>
    %scan3A = arith.constant 0 : i32
    %scan3A_2 = arith.constant 0 : i32
    %scan3A_3 = arith.constant 80 : i32
    %scan3A_4 = arith.addi %scan3A_2, %scan3A_3 : i32
    %scan3A_5 = arith.constant 1 : i32
    scf.for %scan3A_56 = %scan3A_2 to %scan3A_4 step %scan3A_5  : i32 {
      %swap3A = arith.index_cast %scan3A_56 : i32 to index
      %swap3A_57 = arith.constant 0 : index
      %swap3A_58 = tpu.vector_load %arg11[%swap3A, %swap3A_57] {strides = array<i32>} : memref<112x128xf32, #tpu.memory_space<vmem>>, vector<1x16xf32>,
      %swap3A_59 = vector.shape_cast %swap3A_58 : vector<1x16xf32> to vector<16xf32>
      %swap3A_60 = vector.shape_cast %broadcast_in_dim3A_1 : vector<16xf32> to vector<1x16xf32>
      tpu.vector_store %arg11[%swap3A, %swap3A_57], %swap3A_60 {strides = array<i32>} : memref<112x128xf32, #tpu.memory_space<vmem>>, vector<1x16xf32>,
      %swap3A_61 = arith.index_cast %scan3A_56 : i32 to index
      %swap3A_62 = arith.constant 16 : index
      %swap3A_63 = tpu.vector_load %arg11[%swap3A_61, %swap3A_62] {strides = array<i32>} : memref<112x128xf32, #tpu.memory_space<vmem>>, vector<1x16xf32>,
      %swap3A_64 = vector.shape_cast %swap3A_63 : vector<1x16xf32> to vector<16xf32>
      %swap3A_65 = vector.shape_cast %broadcast_in_dim3A_1 : vector<16xf32> to vector<1x16xf32>
      tpu.vector_store %arg11[%swap3A_61, %swap3A_62], %swap3A_65 {strides = array<i32>} : memref<112x128xf32, #tpu.memory_space<vmem>>, vector<1x16xf32>,
      %swap3A_66 = arith.index_cast %scan3A_56 : i32 to index
      %swap3A_67 = arith.constant 32 : index
      %swap3A_68 = tpu.vector_load %arg11[%swap3A_66, %swap3A_67] {strides = array<i32>} : memref<112x128xf32, #tpu.memory_space<vmem>>, vector<1x16xf32>,
      %swap3A_69 = vector.shape_cast %swap3A_68 : vector<1x16xf32> to vector<16xf32>
      %swap3A_70 = vector.shape_cast %broadcast_in_dim3A_1 : vector<16xf32> to vector<1x16xf32>
      tpu.vector_store %arg11[%swap3A_66, %swap3A_67], %swap3A_70 {strides = array<i32>} : memref<112x128xf32, #tpu.memory_space<vmem>>, vector<1x16xf32>,
      %swap3A_71 = arith.index_cast %scan3A_56 : i32 to index
      %swap3A_72 = arith.constant 48 : index
      %swap3A_73 = tpu.vector_load %arg11[%swap3A_71, %swap3A_72] {strides = array<i32>} : memref<112x128xf32, #tpu.memory_space<vmem>>, vector<1x16xf32>,
      %swap3A_74 = vector.shape_cast %swap3A_73 : vector<1x16xf32> to vector<16xf32>
      %swap3A_75 = vector.shape_cast %broadcast_in_dim3A_1 : vector<16xf32> to vector<1x16xf32>
      tpu.vector_store %arg11[%swap3A_71, %swap3A_72], %swap3A_75 {strides = array<i32>} : memref<112x128xf32, #tpu.memory_space<vmem>>, vector<1x16xf32>,
      %swap3A_76 = arith.index_cast %scan3A_56 : i32 to index
      %swap3A_77 = arith.constant 64 : index
      %swap3A_78 = tpu.vector_load %arg11[%swap3A_76, %swap3A_77] {strides = array<i32>} : memref<112x128xf32, #tpu.memory_space<vmem>>, vector<1x16xf32>,
      %swap3A_79 = vector.shape_cast %swap3A_78 : vector<1x16xf32> to vector<16xf32>
      %swap3A_80 = vector.shape_cast %broadcast_in_dim3A_1 : vector<16xf32> to vector<1x16xf32>
      tpu.vector_store %arg11[%swap3A_76, %swap3A_77], %swap3A_80 {strides = array<i32>} : memref<112x128xf32, #tpu.memory_space<vmem>>, vector<1x16xf32>,
      %swap3A_81 = arith.index_cast %scan3A_56 : i32 to index
      %swap3A_82 = arith.constant 80 : index
      %swap3A_83 = tpu.vector_load %arg11[%swap3A_81, %swap3A_82] {strides = array<i32>} : memref<112x128xf32, #tpu.memory_space<vmem>>, vector<1x16xf32>,
      %swap3A_84 = vector.shape_cast %swap3A_83 : vector<1x16xf32> to vector<16xf32>
      %swap3A_85 = vector.shape_cast %broadcast_in_dim3A_1 : vector<16xf32> to vector<1x16xf32>
      tpu.vector_store %arg11[%swap3A_81, %swap3A_82], %swap3A_85 {strides = array<i32>} : memref<112x128xf32, #tpu.memory_space<vmem>>, vector<1x16xf32>,
      %swap3A_86 = arith.index_cast %scan3A_56 : i32 to index
      %swap3A_87 = arith.constant 96 : index
      %swap3A_88 = tpu.vector_load %arg11[%swap3A_86, %swap3A_87] {strides = array<i32>} : memref<112x128xf32, #tpu.memory_space<vmem>>, vector<1x16xf32>,
      %swap3A_89 = vector.shape_cast %swap3A_88 : vector<1x16xf32> to vector<16xf32>
      %swap3A_90 = vector.shape_cast %broadcast_in_dim3A_1 : vector<16xf32> to vector<1x16xf32>
      tpu.vector_store %arg11[%swap3A_86, %swap3A_87], %swap3A_90 {strides = array<i32>} : memref<112x128xf32, #tpu.memory_space<vmem>>, vector<1x16xf32>,
      %swap3A_91 = arith.index_cast %scan3A_56 : i32 to index
      %swap3A_92 = arith.constant 112 : index
      %swap3A_93 = tpu.vector_load %arg11[%swap3A_91, %swap3A_92] {strides = array<i32>} : memref<112x128xf32, #tpu.memory_space<vmem>>, vector<1x16xf32>,
      %swap3A_94 = vector.shape_cast %swap3A_93 : vector<1x16xf32> to vector<16xf32>
      %swap3A_95 = vector.shape_cast %broadcast_in_dim3A_1 : vector<16xf32> to vector<1x16xf32>
      tpu.vector_store %arg11[%swap3A_91, %swap3A_92], %swap3A_95 {strides = array<i32>} : memref<112x128xf32, #tpu.memory_space<vmem>>, vector<1x16xf32>,
    }
    %scan3A_6 = arith.constant 80 : i32
    %mul3A_7 = arith.constant 640 : i32
    %mul3A_8 = arith.muli %arg1, %mul3A_7 : i32
    %add3A_9 = arith.constant 0 : i32
    %add3A_10 = arith.addi %mul3A_8, %add3A_9 : i32
    "tpu.region"() ({
      %run_scoped3A = tpu.sem_alloc : memref<!tpu.dma_semaphore, #tpu.memory_space<semaphore_mem>>
      %dma_start3A = arith.constant 0 : i32
      %dma_start3A_56 = arith.constant 0 : i32
      %dma_start3A_57 = tpu.memref_slice %arg11[%dma_start3A, %dma_start3A_56] : memref<112x128xf32, #tpu.memory_space<vmem>> -> memref<80x128xf32, #tpu.memory_space<vmem>>
      %dma_start3A_58 = arith.constant 0 : i32
      %dma_start3A_59 = tpu.memref_slice %arg7[%add3A_10, %dma_start3A_58] : memref<10240x128xf32, #tpu.memory_space<vmem_shared>> -> memref<80x128xf32, #tpu.memory_space<vmem_shared>>
      %dma_start3A_60 = arith.constant 0 : i32
      %dma_start3A_61 = tpu.memref_slice %arg7[%add3A_10, %dma_start3A_60] : memref<10240x128xf32, #tpu.memory_space<vmem_shared>> -> memref<80x128xf32, #tpu.memory_space<vmem_shared>>
      %dma_start3A_62 = arith.constant 0 : i32
      %dma_start3A_63 = arith.constant 0 : i32
      %dma_start3A_64 = tpu.memref_slice %arg11[%dma_start3A_62, %dma_start3A_63] : memref<112x128xf32, #tpu.memory_space<vmem>> -> memref<80x128xf32, #tpu.memory_space<vmem>>
      tpu.enqueue_dma source(%dma_start3A_64 : memref<80x128xf32, #tpu.memory_space<vmem>>) target(%dma_start3A_61 : memref<80x128xf32, #tpu.memory_space<vmem_shared>>) target_semaphore(%run_scoped3A : memref<!tpu.dma_semaphore, #tpu.memory_space<semaphore_mem>>)
      %dma_wait3A = arith.constant 0 : i32
      %dma_wait3A_65 = arith.constant 0 : i32
      %dma_wait3A_66 = tpu.memref_slice %arg11[%dma_wait3A, %dma_wait3A_65] : memref<112x128xf32, #tpu.memory_space<vmem>> -> memref<80x128xf32, #tpu.memory_space<vmem>>
      %dma_wait3A_67 = arith.constant 0 : i32
      %dma_wait3A_68 = tpu.memref_slice %arg7[%add3A_10, %dma_wait3A_67] : memref<10240x128xf32, #tpu.memory_space<vmem_shared>> -> memref<80x128xf32, #tpu.memory_space<vmem_shared>>
      %dma_wait3A_69 = arith.constant 0 : i32
      %dma_wait3A_70 = tpu.memref_slice %arg7[%add3A_10, %dma_wait3A_69] : memref<10240x128xf32, #tpu.memory_space<vmem_shared>> -> memref<80x128xf32, #tpu.memory_space<vmem_shared>>
      %dma_wait3A_71 = arith.constant 0 : i32
      %dma_wait3A_72 = arith.constant 0 : i32
      %dma_wait3A_73 = tpu.memref_slice %arg11[%dma_wait3A_71, %dma_wait3A_72] : memref<112x128xf32, #tpu.memory_space<vmem>> -> memref<80x128xf32, #tpu.memory_space<vmem>>
      tpu.wait_dma2 semaphore(%run_scoped3A : memref<!tpu.dma_semaphore, #tpu.memory_space<semaphore_mem>>) src(%dma_wait3A_73 : memref<80x128xf32, #tpu.memory_space<vmem>>) dst(%dma_wait3A_70 : memref<80x128xf32, #tpu.memory_space<vmem_shared>>)
      tpu.yield
    }) : () -> ()
    %mul3A_11 = arith.constant 640 : i32
    %mul3A_12 = arith.muli %arg1, %mul3A_11 : i32
    %add3A_13 = arith.constant 80 : i32
    %add3A_14 = arith.addi %mul3A_12, %add3A_13 : i32
    "tpu.region"() ({
      %run_scoped3A = tpu.sem_alloc : memref<!tpu.dma_semaphore, #tpu.memory_space<semaphore_mem>>
      %dma_start3A = arith.constant 0 : i32
      %dma_start3A_56 = arith.constant 0 : i32
      %dma_start3A_57 = tpu.memref_slice %arg11[%dma_start3A, %dma_start3A_56] : memref<112x128xf32, #tpu.memory_space<vmem>> -> memref<80x128xf32, #tpu.memory_space<vmem>>
      %dma_start3A_58 = arith.constant 0 : i32
      %dma_start3A_59 = tpu.memref_slice %arg7[%add3A_14, %dma_start3A_58] : memref<10240x128xf32, #tpu.memory_space<vmem_shared>> -> memref<80x128xf32, #tpu.memory_space<vmem_shared>>
      %dma_start3A_60 = arith.constant 0 : i32
      %dma_start3A_61 = tpu.memref_slice %arg7[%add3A_14, %dma_start3A_60] : memref<10240x128xf32, #tpu.memory_space<vmem_shared>> -> memref<80x128xf32, #tpu.memory_space<vmem_shared>>
      %dma_start3A_62 = arith.constant 0 : i32
      %dma_start3A_63 = arith.constant 0 : i32
      %dma_start3A_64 = tpu.memref_slice %arg11[%dma_start3A_62, %dma_start3A_63] : memref<112x128xf32, #tpu.memory_space<vmem>> -> memref<80x128xf32, #tpu.memory_space<vmem>>
      tpu.enqueue_dma source(%dma_start3A_64 : memref<80x128xf32, #tpu.memory_space<vmem>>) target(%dma_start3A_61 : memref<80x128xf32, #tpu.memory_space<vmem_shared>>) target_semaphore(%run_scoped3A : memref<!tpu.dma_semaphore, #tpu.memory_space<semaphore_mem>>)
      %dma_wait3A = arith.constant 0 : i32
      %dma_wait3A_65 = arith.constant 0 : i32
      %dma_wait3A_66 = tpu.memref_slice %arg11[%dma_wait3A, %dma_wait3A_65] : memref<112x128xf32, #tpu.memory_space<vmem>> -> memref<80x128xf32, #tpu.memory_space<vmem>>
      %dma_wait3A_67 = arith.constant 0 : i32
      %dma_wait3A_68 = tpu.memref_slice %arg7[%add3A_14, %dma_wait3A_67] : memref<10240x128xf32, #tpu.memory_space<vmem_shared>> -> memref<80x128xf32, #tpu.memory_space<vmem_shared>>
      %dma_wait3A_69 = arith.constant 0 : i32
      %dma_wait3A_70 = tpu.memref_slice %arg7[%add3A_14, %dma_wait3A_69] : memref<10240x128xf32, #tpu.memory_space<vmem_shared>> -> memref<80x128xf32, #tpu.memory_space<vmem_shared>>
      %dma_wait3A_71 = arith.constant 0 : i32
      %dma_wait3A_72 = arith.constant 0 : i32
      %dma_wait3A_73 = tpu.memref_slice %arg11[%dma_wait3A_71, %dma_wait3A_72] : memref<112x128xf32, #tpu.memory_space<vmem>> -> memref<80x128xf32, #tpu.memory_space<vmem>>
      tpu.wait_dma2 semaphore(%run_scoped3A : memref<!tpu.dma_semaphore, #tpu.memory_space<semaphore_mem>>) src(%dma_wait3A_73 : memref<80x128xf32, #tpu.memory_space<vmem>>) dst(%dma_wait3A_70 : memref<80x128xf32, #tpu.memory_space<vmem_shared>>)
      tpu.yield
    }) : () -> ()
    %mul3A_15 = arith.constant 640 : i32
    %mul3A_16 = arith.muli %arg1, %mul3A_15 : i32
    %add3A_17 = arith.constant 160 : i32
    %add3A_18 = arith.addi %mul3A_16, %add3A_17 : i32
    "tpu.region"() ({
      %run_scoped3A = tpu.sem_alloc : memref<!tpu.dma_semaphore, #tpu.memory_space<semaphore_mem>>
      %dma_start3A = arith.constant 0 : i32
      %dma_start3A_56 = arith.constant 0 : i32
      %dma_start3A_57 = tpu.memref_slice %arg11[%dma_start3A, %dma_start3A_56] : memref<112x128xf32, #tpu.memory_space<vmem>> -> memref<80x128xf32, #tpu.memory_space<vmem>>
      %dma_start3A_58 = arith.constant 0 : i32
      %dma_start3A_59 = tpu.memref_slice %arg7[%add3A_18, %dma_start3A_58] : memref<10240x128xf32, #tpu.memory_space<vmem_shared>> -> memref<80x128xf32, #tpu.memory_space<vmem_shared>>
      %dma_start3A_60 = arith.constant 0 : i32
      %dma_start3A_61 = tpu.memref_slice %arg7[%add3A_18, %dma_start3A_60] : memref<10240x128xf32, #tpu.memory_space<vmem_shared>> -> memref<80x128xf32, #tpu.memory_space<vmem_shared>>
      %dma_start3A_62 = arith.constant 0 : i32
      %dma_start3A_63 = arith.constant 0 : i32
      %dma_start3A_64 = tpu.memref_slice %arg11[%dma_start3A_62, %dma_start3A_63] : memref<112x128xf32, #tpu.memory_space<vmem>> -> memref<80x128xf32, #tpu.memory_space<vmem>>
      tpu.enqueue_dma source(%dma_start3A_64 : memref<80x128xf32, #tpu.memory_space<vmem>>) target(%dma_start3A_61 : memref<80x128xf32, #tpu.memory_space<vmem_shared>>) target_semaphore(%run_scoped3A : memref<!tpu.dma_semaphore, #tpu.memory_space<semaphore_mem>>)
      %dma_wait3A = arith.constant 0 : i32
      %dma_wait3A_65 = arith.constant 0 : i32
      %dma_wait3A_66 = tpu.memref_slice %arg11[%dma_wait3A, %dma_wait3A_65] : memref<112x128xf32, #tpu.memory_space<vmem>> -> memref<80x128xf32, #tpu.memory_space<vmem>>
      %dma_wait3A_67 = arith.constant 0 : i32
      %dma_wait3A_68 = tpu.memref_slice %arg7[%add3A_18, %dma_wait3A_67] : memref<10240x128xf32, #tpu.memory_space<vmem_shared>> -> memref<80x128xf32, #tpu.memory_space<vmem_shared>>
      %dma_wait3A_69 = arith.constant 0 : i32
      %dma_wait3A_70 = tpu.memref_slice %arg7[%add3A_18, %dma_wait3A_69] : memref<10240x128xf32, #tpu.memory_space<vmem_shared>> -> memref<80x128xf32, #tpu.memory_space<vmem_shared>>
      %dma_wait3A_71 = arith.constant 0 : i32
      %dma_wait3A_72 = arith.constant 0 : i32
      %dma_wait3A_73 = tpu.memref_slice %arg11[%dma_wait3A_71, %dma_wait3A_72] : memref<112x128xf32, #tpu.memory_space<vmem>> -> memref<80x128xf32, #tpu.memory_space<vmem>>
      tpu.wait_dma2 semaphore(%run_scoped3A : memref<!tpu.dma_semaphore, #tpu.memory_space<semaphore_mem>>) src(%dma_wait3A_73 : memref<80x128xf32, #tpu.memory_space<vmem>>) dst(%dma_wait3A_70 : memref<80x128xf32, #tpu.memory_space<vmem_shared>>)
      tpu.yield
    }) : () -> ()
    %mul3A_19 = arith.constant 640 : i32
    %mul3A_20 = arith.muli %arg1, %mul3A_19 : i32
    %add3A_21 = arith.constant 240 : i32
    %add3A_22 = arith.addi %mul3A_20, %add3A_21 : i32
    "tpu.region"() ({
      %run_scoped3A = tpu.sem_alloc : memref<!tpu.dma_semaphore, #tpu.memory_space<semaphore_mem>>
      %dma_start3A = arith.constant 0 : i32
      %dma_start3A_56 = arith.constant 0 : i32
      %dma_start3A_57 = tpu.memref_slice %arg11[%dma_start3A, %dma_start3A_56] : memref<112x128xf32, #tpu.memory_space<vmem>> -> memref<80x128xf32, #tpu.memory_space<vmem>>
      %dma_start3A_58 = arith.constant 0 : i32
      %dma_start3A_59 = tpu.memref_slice %arg7[%add3A_22, %dma_start3A_58] : memref<10240x128xf32, #tpu.memory_space<vmem_shared>> -> memref<80x128xf32, #tpu.memory_space<vmem_shared>>
      %dma_start3A_60 = arith.constant 0 : i32
      %dma_start3A_61 = tpu.memref_slice %arg7[%add3A_22, %dma_start3A_60] : memref<10240x128xf32, #tpu.memory_space<vmem_shared>> -> memref<80x128xf32, #tpu.memory_space<vmem_shared>>
      %dma_start3A_62 = arith.constant 0 : i32
      %dma_start3A_63 = arith.constant 0 : i32
      %dma_start3A_64 = tpu.memref_slice %arg11[%dma_start3A_62, %dma_start3A_63] : memref<112x128xf32, #tpu.memory_space<vmem>> -> memref<80x128xf32, #tpu.memory_space<vmem>>
      tpu.enqueue_dma source(%dma_start3A_64 : memref<80x128xf32, #tpu.memory_space<vmem>>) target(%dma_start3A_61 : memref<80x128xf32, #tpu.memory_space<vmem_shared>>) target_semaphore(%run_scoped3A : memref<!tpu.dma_semaphore, #tpu.memory_space<semaphore_mem>>)
      %dma_wait3A = arith.constant 0 : i32
      %dma_wait3A_65 = arith.constant 0 : i32
      %dma_wait3A_66 = tpu.memref_slice %arg11[%dma_wait3A, %dma_wait3A_65] : memref<112x128xf32, #tpu.memory_space<vmem>> -> memref<80x128xf32, #tpu.memory_space<vmem>>
      %dma_wait3A_67 = arith.constant 0 : i32
      %dma_wait3A_68 = tpu.memref_slice %arg7[%add3A_22, %dma_wait3A_67] : memref<10240x128xf32, #tpu.memory_space<vmem_shared>> -> memref<80x128xf32, #tpu.memory_space<vmem_shared>>
      %dma_wait3A_69 = arith.constant 0 : i32
      %dma_wait3A_70 = tpu.memref_slice %arg7[%add3A_22, %dma_wait3A_69] : memref<10240x128xf32, #tpu.memory_space<vmem_shared>> -> memref<80x128xf32, #tpu.memory_space<vmem_shared>>
      %dma_wait3A_71 = arith.constant 0 : i32
      %dma_wait3A_72 = arith.constant 0 : i32
      %dma_wait3A_73 = tpu.memref_slice %arg11[%dma_wait3A_71, %dma_wait3A_72] : memref<112x128xf32, #tpu.memory_space<vmem>> -> memref<80x128xf32, #tpu.memory_space<vmem>>
      tpu.wait_dma2 semaphore(%run_scoped3A : memref<!tpu.dma_semaphore, #tpu.memory_space<semaphore_mem>>) src(%dma_wait3A_73 : memref<80x128xf32, #tpu.memory_space<vmem>>) dst(%dma_wait3A_70 : memref<80x128xf32, #tpu.memory_space<vmem_shared>>)
      tpu.yield
    }) : () -> ()
    %mul3A_23 = arith.constant 640 : i32
    %mul3A_24 = arith.muli %arg1, %mul3A_23 : i32
    %add3A_25 = arith.constant 320 : i32
    %add3A_26 = arith.addi %mul3A_24, %add3A_25 : i32
    "tpu.region"() ({
      %run_scoped3A = tpu.sem_alloc : memref<!tpu.dma_semaphore, #tpu.memory_space<semaphore_mem>>
      %dma_start3A = arith.constant 0 : i32
      %dma_start3A_56 = arith.constant 0 : i32
      %dma_start3A_57 = tpu.memref_slice %arg11[%dma_start3A, %dma_start3A_56] : memref<112x128xf32, #tpu.memory_space<vmem>> -> memref<80x128xf32, #tpu.memory_space<vmem>>
      %dma_start3A_58 = arith.constant 0 : i32
      %dma_start3A_59 = tpu.memref_slice %arg7[%add3A_26, %dma_start3A_58] : memref<10240x128xf32, #tpu.memory_space<vmem_shared>> -> memref<80x128xf32, #tpu.memory_space<vmem_shared>>
      %dma_start3A_60 = arith.constant 0 : i32
      %dma_start3A_61 = tpu.memref_slice %arg7[%add3A_26, %dma_start3A_60] : memref<10240x128xf32, #tpu.memory_space<vmem_shared>> -> memref<80x128xf32, #tpu.memory_space<vmem_shared>>
      %dma_start3A_62 = arith.constant 0 : i32
      %dma_start3A_63 = arith.constant 0 : i32
      %dma_start3A_64 = tpu.memref_slice %arg11[%dma_start3A_62, %dma_start3A_63] : memref<112x128xf32, #tpu.memory_space<vmem>> -> memref<80x128xf32, #tpu.memory_space<vmem>>
      tpu.enqueue_dma source(%dma_start3A_64 : memref<80x128xf32, #tpu.memory_space<vmem>>) target(%dma_start3A_61 : memref<80x128xf32, #tpu.memory_space<vmem_shared>>) target_semaphore(%run_scoped3A : memref<!tpu.dma_semaphore, #tpu.memory_space<semaphore_mem>>)
      %dma_wait3A = arith.constant 0 : i32
      %dma_wait3A_65 = arith.constant 0 : i32
      %dma_wait3A_66 = tpu.memref_slice %arg11[%dma_wait3A, %dma_wait3A_65] : memref<112x128xf32, #tpu.memory_space<vmem>> -> memref<80x128xf32, #tpu.memory_space<vmem>>
      %dma_wait3A_67 = arith.constant 0 : i32
      %dma_wait3A_68 = tpu.memref_slice %arg7[%add3A_26, %dma_wait3A_67] : memref<10240x128xf32, #tpu.memory_space<vmem_shared>> -> memref<80x128xf32, #tpu.memory_space<vmem_shared>>
      %dma_wait3A_69 = arith.constant 0 : i32
      %dma_wait3A_70 = tpu.memref_slice %arg7[%add3A_26, %dma_wait3A_69] : memref<10240x128xf32, #tpu.memory_space<vmem_shared>> -> memref<80x128xf32, #tpu.memory_space<vmem_shared>>
      %dma_wait3A_71 = arith.constant 0 : i32
      %dma_wait3A_72 = arith.constant 0 : i32
      %dma_wait3A_73 = tpu.memref_slice %arg11[%dma_wait3A_71, %dma_wait3A_72] : memref<112x128xf32, #tpu.memory_space<vmem>> -> memref<80x128xf32, #tpu.memory_space<vmem>>
      tpu.wait_dma2 semaphore(%run_scoped3A : memref<!tpu.dma_semaphore, #tpu.memory_space<semaphore_mem>>) src(%dma_wait3A_73 : memref<80x128xf32, #tpu.memory_space<vmem>>) dst(%dma_wait3A_70 : memref<80x128xf32, #tpu.memory_space<vmem_shared>>)
      tpu.yield
    }) : () -> ()
    %mul3A_27 = arith.constant 640 : i32
    %mul3A_28 = arith.muli %arg1, %mul3A_27 : i32
    %add3A_29 = arith.constant 400 : i32
    %add3A_30 = arith.addi %mul3A_28, %add3A_29 : i32
    "tpu.region"() ({
      %run_scoped3A = tpu.sem_alloc : memref<!tpu.dma_semaphore, #tpu.memory_space<semaphore_mem>>
      %dma_start3A = arith.constant 0 : i32
      %dma_start3A_56 = arith.constant 0 : i32
      %dma_start3A_57 = tpu.memref_slice %arg11[%dma_start3A, %dma_start3A_56] : memref<112x128xf32, #tpu.memory_space<vmem>> -> memref<80x128xf32, #tpu.memory_space<vmem>>
      %dma_start3A_58 = arith.constant 0 : i32
      %dma_start3A_59 = tpu.memref_slice %arg7[%add3A_30, %dma_start3A_58] : memref<10240x128xf32, #tpu.memory_space<vmem_shared>> -> memref<80x128xf32, #tpu.memory_space<vmem_shared>>
      %dma_start3A_60 = arith.constant 0 : i32
      %dma_start3A_61 = tpu.memref_slice %arg7[%add3A_30, %dma_start3A_60] : memref<10240x128xf32, #tpu.memory_space<vmem_shared>> -> memref<80x128xf32, #tpu.memory_space<vmem_shared>>
      %dma_start3A_62 = arith.constant 0 : i32
      %dma_start3A_63 = arith.constant 0 : i32
      %dma_start3A_64 = tpu.memref_slice %arg11[%dma_start3A_62, %dma_start3A_63] : memref<112x128xf32, #tpu.memory_space<vmem>> -> memref<80x128xf32, #tpu.memory_space<vmem>>
      tpu.enqueue_dma source(%dma_start3A_64 : memref<80x128xf32, #tpu.memory_space<vmem>>) target(%dma_start3A_61 : memref<80x128xf32, #tpu.memory_space<vmem_shared>>) target_semaphore(%run_scoped3A : memref<!tpu.dma_semaphore, #tpu.memory_space<semaphore_mem>>)
      %dma_wait3A = arith.constant 0 : i32
      %dma_wait3A_65 = arith.constant 0 : i32
      %dma_wait3A_66 = tpu.memref_slice %arg11[%dma_wait3A, %dma_wait3A_65] : memref<112x128xf32, #tpu.memory_space<vmem>> -> memref<80x128xf32, #tpu.memory_space<vmem>>
      %dma_wait3A_67 = arith.constant 0 : i32
      %dma_wait3A_68 = tpu.memref_slice %arg7[%add3A_30, %dma_wait3A_67] : memref<10240x128xf32, #tpu.memory_space<vmem_shared>> -> memref<80x128xf32, #tpu.memory_space<vmem_shared>>
      %dma_wait3A_69 = arith.constant 0 : i32
      %dma_wait3A_70 = tpu.memref_slice %arg7[%add3A_30, %dma_wait3A_69] : memref<10240x128xf32, #tpu.memory_space<vmem_shared>> -> memref<80x128xf32, #tpu.memory_space<vmem_shared>>
      %dma_wait3A_71 = arith.constant 0 : i32
      %dma_wait3A_72 = arith.constant 0 : i32
      %dma_wait3A_73 = tpu.memref_slice %arg11[%dma_wait3A_71, %dma_wait3A_72] : memref<112x128xf32, #tpu.memory_space<vmem>> -> memref<80x128xf32, #tpu.memory_space<vmem>>
      tpu.wait_dma2 semaphore(%run_scoped3A : memref<!tpu.dma_semaphore, #tpu.memory_space<semaphore_mem>>) src(%dma_wait3A_73 : memref<80x128xf32, #tpu.memory_space<vmem>>) dst(%dma_wait3A_70 : memref<80x128xf32, #tpu.memory_space<vmem_shared>>)
      tpu.yield
    }) : () -> ()
    %mul3A_31 = arith.constant 640 : i32
    %mul3A_32 = arith.muli %arg1, %mul3A_31 : i32
    %add3A_33 = arith.constant 480 : i32
    %add3A_34 = arith.addi %mul3A_32, %add3A_33 : i32
    "tpu.region"() ({
      %run_scoped3A = tpu.sem_alloc : memref<!tpu.dma_semaphore, #tpu.memory_space<semaphore_mem>>
      %dma_start3A = arith.constant 0 : i32
      %dma_start3A_56 = arith.constant 0 : i32
      %dma_start3A_57 = tpu.memref_slice %arg11[%dma_start3A, %dma_start3A_56] : memref<112x128xf32, #tpu.memory_space<vmem>> -> memref<80x128xf32, #tpu.memory_space<vmem>>
      %dma_start3A_58 = arith.constant 0 : i32
      %dma_start3A_59 = tpu.memref_slice %arg7[%add3A_34, %dma_start3A_58] : memref<10240x128xf32, #tpu.memory_space<vmem_shared>> -> memref<80x128xf32, #tpu.memory_space<vmem_shared>>
      %dma_start3A_60 = arith.constant 0 : i32
      %dma_start3A_61 = tpu.memref_slice %arg7[%add3A_34, %dma_start3A_60] : memref<10240x128xf32, #tpu.memory_space<vmem_shared>> -> memref<80x128xf32, #tpu.memory_space<vmem_shared>>
      %dma_start3A_62 = arith.constant 0 : i32
      %dma_start3A_63 = arith.constant 0 : i32
      %dma_start3A_64 = tpu.memref_slice %arg11[%dma_start3A_62, %dma_start3A_63] : memref<112x128xf32, #tpu.memory_space<vmem>> -> memref<80x128xf32, #tpu.memory_space<vmem>>
      tpu.enqueue_dma source(%dma_start3A_64 : memref<80x128xf32, #tpu.memory_space<vmem>>) target(%dma_start3A_61 : memref<80x128xf32, #tpu.memory_space<vmem_shared>>) target_semaphore(%run_scoped3A : memref<!tpu.dma_semaphore, #tpu.memory_space<semaphore_mem>>)
      %dma_wait3A = arith.constant 0 : i32
      %dma_wait3A_65 = arith.constant 0 : i32
      %dma_wait3A_66 = tpu.memref_slice %arg11[%dma_wait3A, %dma_wait3A_65] : memref<112x128xf32, #tpu.memory_space<vmem>> -> memref<80x128xf32, #tpu.memory_space<vmem>>
      %dma_wait3A_67 = arith.constant 0 : i32
      %dma_wait3A_68 = tpu.memref_slice %arg7[%add3A_34, %dma_wait3A_67] : memref<10240x128xf32, #tpu.memory_space<vmem_shared>> -> memref<80x128xf32, #tpu.memory_space<vmem_shared>>
      %dma_wait3A_69 = arith.constant 0 : i32
      %dma_wait3A_70 = tpu.memref_slice %arg7[%add3A_34, %dma_wait3A_69] : memref<10240x128xf32, #tpu.memory_space<vmem_shared>> -> memref<80x128xf32, #tpu.memory_space<vmem_shared>>
      %dma_wait3A_71 = arith.constant 0 : i32
      %dma_wait3A_72 = arith.constant 0 : i32
      %dma_wait3A_73 = tpu.memref_slice %arg11[%dma_wait3A_71, %dma_wait3A_72] : memref<112x128xf32, #tpu.memory_space<vmem>> -> memref<80x128xf32, #tpu.memory_space<vmem>>
      tpu.wait_dma2 semaphore(%run_scoped3A : memref<!tpu.dma_semaphore, #tpu.memory_space<semaphore_mem>>) src(%dma_wait3A_73 : memref<80x128xf32, #tpu.memory_space<vmem>>) dst(%dma_wait3A_70 : memref<80x128xf32, #tpu.memory_space<vmem_shared>>)
      tpu.yield
    }) : () -> ()
    %mul3A_35 = arith.constant 640 : i32
    %mul3A_36 = arith.muli %arg1, %mul3A_35 : i32
    %add3A_37 = arith.constant 560 : i32
    %add3A_38 = arith.addi %mul3A_36, %add3A_37 : i32
    "tpu.region"() ({
      %run_scoped3A = tpu.sem_alloc : memref<!tpu.dma_semaphore, #tpu.memory_space<semaphore_mem>>
      %dma_start3A = arith.constant 0 : i32
      %dma_start3A_56 = arith.constant 0 : i32
      %dma_start3A_57 = tpu.memref_slice %arg11[%dma_start3A, %dma_start3A_56] : memref<112x128xf32, #tpu.memory_space<vmem>> -> memref<80x128xf32, #tpu.memory_space<vmem>>
      %dma_start3A_58 = arith.constant 0 : i32
      %dma_start3A_59 = tpu.memref_slice %arg7[%add3A_38, %dma_start3A_58] : memref<10240x128xf32, #tpu.memory_space<vmem_shared>> -> memref<80x128xf32, #tpu.memory_space<vmem_shared>>
      %dma_start3A_60 = arith.constant 0 : i32
      %dma_start3A_61 = tpu.memref_slice %arg7[%add3A_38, %dma_start3A_60] : memref<10240x128xf32, #tpu.memory_space<vmem_shared>> -> memref<80x128xf32, #tpu.memory_space<vmem_shared>>
      %dma_start3A_62 = arith.constant 0 : i32
      %dma_start3A_63 = arith.constant 0 : i32
      %dma_start3A_64 = tpu.memref_slice %arg11[%dma_start3A_62, %dma_start3A_63] : memref<112x128xf32, #tpu.memory_space<vmem>> -> memref<80x128xf32, #tpu.memory_space<vmem>>
      tpu.enqueue_dma source(%dma_start3A_64 : memref<80x128xf32, #tpu.memory_space<vmem>>) target(%dma_start3A_61 : memref<80x128xf32, #tpu.memory_space<vmem_shared>>) target_semaphore(%run_scoped3A : memref<!tpu.dma_semaphore, #tpu.memory_space<semaphore_mem>>)
      %dma_wait3A = arith.constant 0 : i32
      %dma_wait3A_65 = arith.constant 0 : i32
      %dma_wait3A_66 = tpu.memref_slice %arg11[%dma_wait3A, %dma_wait3A_65] : memref<112x128xf32, #tpu.memory_space<vmem>> -> memref<80x128xf32, #tpu.memory_space<vmem>>
      %dma_wait3A_67 = arith.constant 0 : i32
      %dma_wait3A_68 = tpu.memref_slice %arg7[%add3A_38, %dma_wait3A_67] : memref<10240x128xf32, #tpu.memory_space<vmem_shared>> -> memref<80x128xf32, #tpu.memory_space<vmem_shared>>
      %dma_wait3A_69 = arith.constant 0 : i32
      %dma_wait3A_70 = tpu.memref_slice %arg7[%add3A_38, %dma_wait3A_69] : memref<10240x128xf32, #tpu.memory_space<vmem_shared>> -> memref<80x128xf32, #tpu.memory_space<vmem_shared>>
      %dma_wait3A_71 = arith.constant 0 : i32
      %dma_wait3A_72 = arith.constant 0 : i32
      %dma_wait3A_73 = tpu.memref_slice %arg11[%dma_wait3A_71, %dma_wait3A_72] : memref<112x128xf32, #tpu.memory_space<vmem>> -> memref<80x128xf32, #tpu.memory_space<vmem>>
      tpu.wait_dma2 semaphore(%run_scoped3A : memref<!tpu.dma_semaphore, #tpu.memory_space<semaphore_mem>>) src(%dma_wait3A_73 : memref<80x128xf32, #tpu.memory_space<vmem>>) dst(%dma_wait3A_70 : memref<80x128xf32, #tpu.memory_space<vmem_shared>>)
      tpu.yield
    }) : () -> ()
    %barrier3A = arith.constant 0 : index
    tpu.barrier barrier_id(%barrier3A)
    "tpu.region"() ({
      %run_scoped3A = tpu.sem_alloc : memref<!tpu.dma_semaphore, #tpu.memory_space<semaphore_mem>>
      %dma_start3A = arith.constant 0 : i32
      %dma_start3A_56 = arith.constant 0 : i32
      %dma_start3A_57 = tpu.memref_slice %arg8[%dma_start3A, %dma_start3A_56] : memref<48x112xi32, #tpu.memory_space<vmem>> -> memref<48x112xi32, #tpu.memory_space<vmem>>
      %dma_start3A_58 = arith.constant 0 : i32
      %dma_start3A_59 = arith.constant 0 : i32
      %dma_start3A_60 = tpu.memref_slice %arg3[%add3A, %dma_start3A_58, %dma_start3A_59] : memref<32x90x112xi32, #tpu.memory_space<hbm>> -> memref<1x48x112xi32, #tpu.memory_space<hbm>>
      %dma_start3A_61 = tpu.memref_squeeze %dma_start3A_60 : memref<1x48x112xi32, #tpu.memory_space<hbm>> -> memref<48x112xi32, #tpu.memory_space<hbm>>
      %dma_start3A_62 = arith.constant 0 : i32
      %dma_start3A_63 = arith.constant 0 : i32
      %dma_start3A_64 = tpu.memref_slice %arg8[%dma_start3A_62, %dma_start3A_63] : memref<48x112xi32, #tpu.memory_space<vmem>> -> memref<48x112xi32, #tpu.memory_space<vmem>>
      %dma_start3A_65 = arith.constant 0 : i32
      %dma_start3A_66 = arith.constant 0 : i32
      %dma_start3A_67 = tpu.memref_slice %arg3[%add3A, %dma_start3A_65, %dma_start3A_66] : memref<32x90x112xi32, #tpu.memory_space<hbm>> -> memref<1x48x112xi32, #tpu.memory_space<hbm>>
      %dma_start3A_68 = tpu.memref_squeeze %dma_start3A_67 : memref<1x48x112xi32, #tpu.memory_space<hbm>> -> memref<48x112xi32, #tpu.memory_space<hbm>>
      tpu.enqueue_dma source(%dma_start3A_68 : memref<48x112xi32, #tpu.memory_space<hbm>>) target(%dma_start3A_64 : memref<48x112xi32, #tpu.memory_space<vmem>>) target_semaphore(%run_scoped3A : memref<!tpu.dma_semaphore, #tpu.memory_space<semaphore_mem>>)
      %dma_wait3A = arith.constant 0 : i32
      %dma_wait3A_69 = arith.constant 0 : i32
      %dma_wait3A_70 = tpu.memref_slice %arg8[%dma_wait3A, %dma_wait3A_69] : memref<48x112xi32, #tpu.memory_space<vmem>> -> memref<48x112xi32, #tpu.memory_space<vmem>>
      %dma_wait3A_71 = arith.constant 0 : i32
      %dma_wait3A_72 = arith.constant 0 : i32
      %dma_wait3A_73 = tpu.memref_slice %arg3[%add3A, %dma_wait3A_71, %dma_wait3A_72] : memref<32x90x112xi32, #tpu.memory_space<hbm>> -> memref<1x48x112xi32, #tpu.memory_space<hbm>>
      %dma_wait3A_74 = tpu.memref_squeeze %dma_wait3A_73 : memref<1x48x112xi32, #tpu.memory_space<hbm>> -> memref<48x112xi32, #tpu.memory_space<hbm>>
      %dma_wait3A_75 = arith.constant 0 : i32
      %dma_wait3A_76 = arith.constant 0 : i32
      %dma_wait3A_77 = tpu.memref_slice %arg8[%dma_wait3A_75, %dma_wait3A_76] : memref<48x112xi32, #tpu.memory_space<vmem>> -> memref<48x112xi32, #tpu.memory_space<vmem>>
      %dma_wait3A_78 = arith.constant 0 : i32
      %dma_wait3A_79 = arith.constant 0 : i32
      %dma_wait3A_80 = tpu.memref_slice %arg3[%add3A, %dma_wait3A_78, %dma_wait3A_79] : memref<32x90x112xi32, #tpu.memory_space<hbm>> -> memref<1x48x112xi32, #tpu.memory_space<hbm>>
      %dma_wait3A_81 = tpu.memref_squeeze %dma_wait3A_80 : memref<1x48x112xi32, #tpu.memory_space<hbm>> -> memref<48x112xi32, #tpu.memory_space<hbm>>
      tpu.wait_dma2 semaphore(%run_scoped3A : memref<!tpu.dma_semaphore, #tpu.memory_space<semaphore_mem>>) src(%dma_wait3A_81 : memref<48x112xi32, #tpu.memory_space<hbm>>) dst(%dma_wait3A_77 : memref<48x112xi32, #tpu.memory_space<vmem>>)
      tpu.yield
    }) : () -> ()
    "tpu.region"() ({
      %run_scoped3A = tpu.sem_alloc : memref<!tpu.dma_semaphore, #tpu.memory_space<semaphore_mem>>
      %dma_start3A = arith.constant 0 : i32
      %dma_start3A_56 = arith.constant 0 : i32
      %dma_start3A_57 = tpu.memref_slice %arg9[%dma_start3A, %dma_start3A_56] : memref<48x112xi32, #tpu.memory_space<vmem>> -> memref<48x112xi32, #tpu.memory_space<vmem>>
      %dma_start3A_58 = arith.constant 0 : i32
      %dma_start3A_59 = arith.constant 0 : i32
      %dma_start3A_60 = tpu.memref_slice %arg4[%add3A, %dma_start3A_58, %dma_start3A_59] : memref<32x90x112xi32, #tpu.memory_space<hbm>> -> memref<1x48x112xi32, #tpu.memory_space<hbm>>
      %dma_start3A_61 = tpu.memref_squeeze %dma_start3A_60 : memref<1x48x112xi32, #tpu.memory_space<hbm>> -> memref<48x112xi32, #tpu.memory_space<hbm>>
      %dma_start3A_62 = arith.constant 0 : i32
      %dma_start3A_63 = arith.constant 0 : i32
      %dma_start3A_64 = tpu.memref_slice %arg9[%dma_start3A_62, %dma_start3A_63] : memref<48x112xi32, #tpu.memory_space<vmem>> -> memref<48x112xi32, #tpu.memory_space<vmem>>
      %dma_start3A_65 = arith.constant 0 : i32
      %dma_start3A_66 = arith.constant 0 : i32
      %dma_start3A_67 = tpu.memref_slice %arg4[%add3A, %dma_start3A_65, %dma_start3A_66] : memref<32x90x112xi32, #tpu.memory_space<hbm>> -> memref<1x48x112xi32, #tpu.memory_space<hbm>>
      %dma_start3A_68 = tpu.memref_squeeze %dma_start3A_67 : memref<1x48x112xi32, #tpu.memory_space<hbm>> -> memref<48x112xi32, #tpu.memory_space<hbm>>
      tpu.enqueue_dma source(%dma_start3A_68 : memref<48x112xi32, #tpu.memory_space<hbm>>) target(%dma_start3A_64 : memref<48x112xi32, #tpu.memory_space<vmem>>) target_semaphore(%run_scoped3A : memref<!tpu.dma_semaphore, #tpu.memory_space<semaphore_mem>>)
      %dma_wait3A = arith.constant 0 : i32
      %dma_wait3A_69 = arith.constant 0 : i32
      %dma_wait3A_70 = tpu.memref_slice %arg9[%dma_wait3A, %dma_wait3A_69] : memref<48x112xi32, #tpu.memory_space<vmem>> -> memref<48x112xi32, #tpu.memory_space<vmem>>
      %dma_wait3A_71 = arith.constant 0 : i32
      %dma_wait3A_72 = arith.constant 0 : i32
      %dma_wait3A_73 = tpu.memref_slice %arg4[%add3A, %dma_wait3A_71, %dma_wait3A_72] : memref<32x90x112xi32, #tpu.memory_space<hbm>> -> memref<1x48x112xi32, #tpu.memory_space<hbm>>
      %dma_wait3A_74 = tpu.memref_squeeze %dma_wait3A_73 : memref<1x48x112xi32, #tpu.memory_space<hbm>> -> memref<48x112xi32, #tpu.memory_space<hbm>>
      %dma_wait3A_75 = arith.constant 0 : i32
      %dma_wait3A_76 = arith.constant 0 : i32
      %dma_wait3A_77 = tpu.memref_slice %arg9[%dma_wait3A_75, %dma_wait3A_76] : memref<48x112xi32, #tpu.memory_space<vmem>> -> memref<48x112xi32, #tpu.memory_space<vmem>>
      %dma_wait3A_78 = arith.constant 0 : i32
      %dma_wait3A_79 = arith.constant 0 : i32
      %dma_wait3A_80 = tpu.memref_slice %arg4[%add3A, %dma_wait3A_78, %dma_wait3A_79] : memref<32x90x112xi32, #tpu.memory_space<hbm>> -> memref<1x48x112xi32, #tpu.memory_space<hbm>>
      %dma_wait3A_81 = tpu.memref_squeeze %dma_wait3A_80 : memref<1x48x112xi32, #tpu.memory_space<hbm>> -> memref<48x112xi32, #tpu.memory_space<hbm>>
      tpu.wait_dma2 semaphore(%run_scoped3A : memref<!tpu.dma_semaphore, #tpu.memory_space<semaphore_mem>>) src(%dma_wait3A_81 : memref<48x112xi32, #tpu.memory_space<hbm>>) dst(%dma_wait3A_77 : memref<48x112xi32, #tpu.memory_space<vmem>>)
      tpu.yield
    }) : () -> ()
    "tpu.region"() ({
      %run_scoped3A = tpu.sem_alloc : memref<!tpu.dma_semaphore, #tpu.memory_space<semaphore_mem>>
      %dma_start3A = arith.constant 0 : i32
      %dma_start3A_56 = arith.constant 0 : i32
      %dma_start3A_57 = tpu.memref_slice %arg10[%dma_start3A, %dma_start3A_56] : memref<48x112xf32, #tpu.memory_space<vmem>> -> memref<48x112xf32, #tpu.memory_space<vmem>>
      %dma_start3A_58 = arith.constant 0 : i32
      %dma_start3A_59 = arith.constant 0 : i32
      %dma_start3A_60 = tpu.memref_slice %arg5[%add3A, %dma_start3A_58, %dma_start3A_59] : memref<32x90x112xf32, #tpu.memory_space<hbm>> -> memref<1x48x112xf32, #tpu.memory_space<hbm>>
      %dma_start3A_61 = tpu.memref_squeeze %dma_start3A_60 : memref<1x48x112xf32, #tpu.memory_space<hbm>> -> memref<48x112xf32, #tpu.memory_space<hbm>>
      %dma_start3A_62 = arith.constant 0 : i32
      %dma_start3A_63 = arith.constant 0 : i32
      %dma_start3A_64 = tpu.memref_slice %arg10[%dma_start3A_62, %dma_start3A_63] : memref<48x112xf32, #tpu.memory_space<vmem>> -> memref<48x112xf32, #tpu.memory_space<vmem>>
      %dma_start3A_65 = arith.constant 0 : i32
      %dma_start3A_66 = arith.constant 0 : i32
      %dma_start3A_67 = tpu.memref_slice %arg5[%add3A, %dma_start3A_65, %dma_start3A_66] : memref<32x90x112xf32, #tpu.memory_space<hbm>> -> memref<1x48x112xf32, #tpu.memory_space<hbm>>
      %dma_start3A_68 = tpu.memref_squeeze %dma_start3A_67 : memref<1x48x112xf32, #tpu.memory_space<hbm>> -> memref<48x112xf32, #tpu.memory_space<hbm>>
      tpu.enqueue_dma source(%dma_start3A_68 : memref<48x112xf32, #tpu.memory_space<hbm>>) target(%dma_start3A_64 : memref<48x112xf32, #tpu.memory_space<vmem>>) target_semaphore(%run_scoped3A : memref<!tpu.dma_semaphore, #tpu.memory_space<semaphore_mem>>)
      %dma_wait3A = arith.constant 0 : i32
      %dma_wait3A_69 = arith.constant 0 : i32
      %dma_wait3A_70 = tpu.memref_slice %arg10[%dma_wait3A, %dma_wait3A_69] : memref<48x112xf32, #tpu.memory_space<vmem>> -> memref<48x112xf32, #tpu.memory_space<vmem>>
      %dma_wait3A_71 = arith.constant 0 : i32
      %dma_wait3A_72 = arith.constant 0 : i32
      %dma_wait3A_73 = tpu.memref_slice %arg5[%add3A, %dma_wait3A_71, %dma_wait3A_72] : memref<32x90x112xf32, #tpu.memory_space<hbm>> -> memref<1x48x112xf32, #tpu.memory_space<hbm>>
      %dma_wait3A_74 = tpu.memref_squeeze %dma_wait3A_73 : memref<1x48x112xf32, #tpu.memory_space<hbm>> -> memref<48x112xf32, #tpu.memory_space<hbm>>
      %dma_wait3A_75 = arith.constant 0 : i32
      %dma_wait3A_76 = arith.constant 0 : i32
      %dma_wait3A_77 = tpu.memref_slice %arg10[%dma_wait3A_75, %dma_wait3A_76] : memref<48x112xf32, #tpu.memory_space<vmem>> -> memref<48x112xf32, #tpu.memory_space<vmem>>
      %dma_wait3A_78 = arith.constant 0 : i32
      %dma_wait3A_79 = arith.constant 0 : i32
      %dma_wait3A_80 = tpu.memref_slice %arg5[%add3A, %dma_wait3A_78, %dma_wait3A_79] : memref<32x90x112xf32, #tpu.memory_space<hbm>> -> memref<1x48x112xf32, #tpu.memory_space<hbm>>
      %dma_wait3A_81 = tpu.memref_squeeze %dma_wait3A_80 : memref<1x48x112xf32, #tpu.memory_space<hbm>> -> memref<48x112xf32, #tpu.memory_space<hbm>>
      tpu.wait_dma2 semaphore(%run_scoped3A : memref<!tpu.dma_semaphore, #tpu.memory_space<semaphore_mem>>) src(%dma_wait3A_81 : memref<48x112xf32, #tpu.memory_space<hbm>>) dst(%dma_wait3A_77 : memref<48x112xf32, #tpu.memory_space<vmem>>)
      tpu.yield
    }) : () -> ()
    %scan3A_39 = arith.constant 0 : i32
    %scan3A_40 = arith.constant 0 : i32
    %scan3A_41 = arith.constant 48 : i32
    %scan3A_42 = arith.addi %scan3A_40, %scan3A_41 : i32
    %scan3A_43 = arith.constant 1 : i32
    scf.for %scan3A_56 = %scan3A_40 to %scan3A_42 step %scan3A_43  : i32 {
      %dma_start3A = arith.constant 0 : i32
      %dma_start3A_57 = tpu.memref_slice %arg8[%scan3A_56, %dma_start3A] : memref<48x112xi32, #tpu.memory_space<vmem>> -> memref<1x112xi32, #tpu.memory_space<vmem>>
      %dma_start3A_58 = tpu.memref_squeeze %dma_start3A_57 : memref<1x112xi32, #tpu.memory_space<vmem>> -> memref<112xi32, #tpu.memory_space<vmem>>
      %dma_start3A_59 = arith.constant 0 : i32
      %dma_start3A_60 = arith.constant 0 : i32
      %dma_start3A_61 = tpu.memref_slice %arg2[%dma_start3A_59, %dma_start3A_60] : memref<10000x128xf32, #tpu.memory_space<hbm>> -> memref<10000x128xf32, #tpu.memory_space<hbm>>
      tpu.enqueue_indirect_dma source(%dma_start3A_61 : memref<10000x128xf32, #tpu.memory_space<hbm>>) target(%arg11 : memref<112x128xf32, #tpu.memory_space<vmem>>) offsets(%dma_start3A_58 : memref<112xi32, #tpu.memory_space<vmem>>) semaphore(%arg12 : memref<!tpu.dma_semaphore, #tpu.memory_space<semaphore_mem>>)
      %dma_wait3A = arith.constant 0 : i32
      %dma_wait3A_62 = tpu.memref_slice %arg8[%scan3A_56, %dma_wait3A] : memref<48x112xi32, #tpu.memory_space<vmem>> -> memref<1x112xi32, #tpu.memory_space<vmem>>
      %dma_wait3A_63 = tpu.memref_squeeze %dma_wait3A_62 : memref<1x112xi32, #tpu.memory_space<vmem>> -> memref<112xi32, #tpu.memory_space<vmem>>
      %dma_wait3A_64 = arith.constant 0 : i32
      %dma_wait3A_65 = arith.constant 0 : i32
      %dma_wait3A_66 = tpu.memref_slice %arg2[%dma_wait3A_64, %dma_wait3A_65] : memref<10000x128xf32, #tpu.memory_space<hbm>> -> memref<10000x128xf32, #tpu.memory_space<hbm>>
      tpu.wait_indirect_dma semaphore(%arg12 : memref<!tpu.dma_semaphore, #tpu.memory_space<semaphore_mem>>) src(%dma_wait3A_66 : memref<10000x128xf32, #tpu.memory_space<hbm>>) dst(%arg11 : memref<112x128xf32, #tpu.memory_space<vmem>>)
      %scan3A_67 = arith.constant 0 : i32
      %scan3A_68 = arith.constant 0 : i32
      %scan3A_69 = arith.constant 7 : i32
      %scan3A_70 = arith.addi %scan3A_68, %scan3A_69 : i32
      %scan3A_71 = arith.constant 1 : i32
      scf.for %scan3A_73 = %scan3A_68 to %scan3A_70 step %scan3A_71  : i32 {
        %mul3A_74 = arith.constant 16 : i32
        %mul3A_75 = arith.muli %scan3A_73, %mul3A_74 : i32
        %get3A = arith.index_cast %scan3A_56 : i32 to index
        %get3A_76 = arith.index_cast %mul3A_75 : i32 to index
        %get3A_77 = tpu.vector_load %arg10[%get3A, %get3A_76] {strides = array<i32>} : memref<48x112xf32, #tpu.memory_space<vmem>>, vector<1x16xf32>,
        %get3A_78 = vector.shape_cast %get3A_77 : vector<1x16xf32> to vector<16xf32>
        %mul3A_79 = arith.constant 16 : i32
        %mul3A_80 = arith.muli %scan3A_73, %mul3A_79 : i32
        %add3A_81 = arith.constant 0 : i32
        %add3A_82 = arith.addi %mul3A_80, %add3A_81 : i32
        %get3A_83 = arith.index_cast %add3A_82 : i32 to index
        %get3A_84 = arith.constant 0 : index
        %get3A_85 = tpu.vector_load %arg11[%get3A_83, %get3A_84] {strides = array<i32>} : memref<112x128xf32, #tpu.memory_space<vmem>>, vector<1x16xf32>,
        %get3A_86 = vector.shape_cast %get3A_85 : vector<1x16xf32> to vector<16xf32>
        %slice3A = vector.extract_strided_slice %get3A_78 {offsets = [0], sizes = [1], strides = [1]} : vector<16xf32> to vector<1xf32>
        %squeeze3A = vector.extract %slice3A[0] : f32 from vector<1xf32>
        %mul3A_87 = vector.broadcast %squeeze3A : f32 to vector<16xf32>
        %mul3A_88 = arith.mulf %get3A_86, %mul3A_87 : vector<16xf32>
        %swap3A = arith.index_cast %add3A_82 : i32 to index
        %swap3A_89 = arith.constant 0 : index
        %swap3A_90 = tpu.vector_load %arg11[%swap3A, %swap3A_89] {strides = array<i32>} : memref<112x128xf32, #tpu.memory_space<vmem>>, vector<1x16xf32>,
        %swap3A_91 = vector.shape_cast %swap3A_90 : vector<1x16xf32> to vector<16xf32>
        %swap3A_92 = vector.shape_cast %mul3A_88 : vector<16xf32> to vector<1x16xf32>
        tpu.vector_store %arg11[%swap3A, %swap3A_89], %swap3A_92 {strides = array<i32>} : memref<112x128xf32, #tpu.memory_space<vmem>>, vector<1x16xf32>,
        %get3A_93 = arith.index_cast %add3A_82 : i32 to index
        %get3A_94 = arith.constant 16 : index
        %get3A_95 = tpu.vector_load %arg11[%get3A_93, %get3A_94] {strides = array<i32>} : memref<112x128xf32, #tpu.memory_space<vmem>>, vector<1x16xf32>,
        %get3A_96 = vector.shape_cast %get3A_95 : vector<1x16xf32> to vector<16xf32>
        %slice3A_97 = vector.extract_strided_slice %get3A_78 {offsets = [0], sizes = [1], strides = [1]} : vector<16xf32> to vector<1xf32>
        %squeeze3A_98 = vector.extract %slice3A_97[0] : f32 from vector<1xf32>
        %mul3A_99 = vector.broadcast %squeeze3A_98 : f32 to vector<16xf32>
        %mul3A_100 = arith.mulf %get3A_96, %mul3A_99 : vector<16xf32>
        %swap3A_101 = arith.index_cast %add3A_82 : i32 to index
        %swap3A_102 = arith.constant 16 : index
        %swap3A_103 = tpu.vector_load %arg11[%swap3A_101, %swap3A_102] {strides = array<i32>} : memref<112x128xf32, #tpu.memory_space<vmem>>, vector<1x16xf32>,
        %swap3A_104 = vector.shape_cast %swap3A_103 : vector<1x16xf32> to vector<16xf32>
        %swap3A_105 = vector.shape_cast %mul3A_100 : vector<16xf32> to vector<1x16xf32>
        tpu.vector_store %arg11[%swap3A_101, %swap3A_102], %swap3A_105 {strides = array<i32>} : memref<112x128xf32, #tpu.memory_space<vmem>>, vector<1x16xf32>,
        %get3A_106 = arith.index_cast %add3A_82 : i32 to index
        %get3A_107 = arith.constant 32 : index
        %get3A_108 = tpu.vector_load %arg11[%get3A_106, %get3A_107] {strides = array<i32>} : memref<112x128xf32, #tpu.memory_space<vmem>>, vector<1x16xf32>,
        %get3A_109 = vector.shape_cast %get3A_108 : vector<1x16xf32> to vector<16xf32>
        %slice3A_110 = vector.extract_strided_slice %get3A_78 {offsets = [0], sizes = [1], strides = [1]} : vector<16xf32> to vector<1xf32>
        %squeeze3A_111 = vector.extract %slice3A_110[0] : f32 from vector<1xf32>
        %mul3A_112 = vector.broadcast %squeeze3A_111 : f32 to vector<16xf32>
        %mul3A_113 = arith.mulf %get3A_109, %mul3A_112 : vector<16xf32>
        %swap3A_114 = arith.index_cast %add3A_82 : i32 to index
        %swap3A_115 = arith.constant 32 : index
        %swap3A_116 = tpu.vector_load %arg11[%swap3A_114, %swap3A_115] {strides = array<i32>} : memref<112x128xf32, #tpu.memory_space<vmem>>, vector<1x16xf32>,
        %swap3A_117 = vector.shape_cast %swap3A_116 : vector<1x16xf32> to vector<16xf32>
        %swap3A_118 = vector.shape_cast %mul3A_113 : vector<16xf32> to vector<1x16xf32>
        tpu.vector_store %arg11[%swap3A_114, %swap3A_115], %swap3A_118 {strides = array<i32>} : memref<112x128xf32, #tpu.memory_space<vmem>>, vector<1x16xf32>,
        %get3A_119 = arith.index_cast %add3A_82 : i32 to index
        %get3A_120 = arith.constant 48 : index
        %get3A_121 = tpu.vector_load %arg11[%get3A_119, %get3A_120] {strides = array<i32>} : memref<112x128xf32, #tpu.memory_space<vmem>>, vector<1x16xf32>,
        %get3A_122 = vector.shape_cast %get3A_121 : vector<1x16xf32> to vector<16xf32>
        %slice3A_123 = vector.extract_strided_slice %get3A_78 {offsets = [0], sizes = [1], strides = [1]} : vector<16xf32> to vector<1xf32>
        %squeeze3A_124 = vector.extract %slice3A_123[0] : f32 from vector<1xf32>
        %mul3A_125 = vector.broadcast %squeeze3A_124 : f32 to vector<16xf32>
        %mul3A_126 = arith.mulf %get3A_122, %mul3A_125 : vector<16xf32>
        %swap3A_127 = arith.index_cast %add3A_82 : i32 to index
        %swap3A_128 = arith.constant 48 : index
        %swap3A_129 = tpu.vector_load %arg11[%swap3A_127, %swap3A_128] {strides = array<i32>} : memref<112x128xf32, #tpu.memory_space<vmem>>, vector<1x16xf32>,
        %swap3A_130 = vector.shape_cast %swap3A_129 : vector<1x16xf32> to vector<16xf32>
        %swap3A_131 = vector.shape_cast %mul3A_126 : vector<16xf32> to vector<1x16xf32>
        tpu.vector_store %arg11[%swap3A_127, %swap3A_128], %swap3A_131 {strides = array<i32>} : memref<112x128xf32, #tpu.memory_space<vmem>>, vector<1x16xf32>,
        %get3A_132 = arith.index_cast %add3A_82 : i32 to index
        %get3A_133 = arith.constant 64 : index
        %get3A_134 = tpu.vector_load %arg11[%get3A_132, %get3A_133] {strides = array<i32>} : memref<112x128xf32, #tpu.memory_space<vmem>>, vector<1x16xf32>,
        %get3A_135 = vector.shape_cast %get3A_134 : vector<1x16xf32> to vector<16xf32>
        %slice3A_136 = vector.extract_strided_slice %get3A_78 {offsets = [0], sizes = [1], strides = [1]} : vector<16xf32> to vector<1xf32>
        %squeeze3A_137 = vector.extract %slice3A_136[0] : f32 from vector<1xf32>
        %mul3A_138 = vector.broadcast %squeeze3A_137 : f32 to vector<16xf32>
        %mul3A_139 = arith.mulf %get3A_135, %mul3A_138 : vector<16xf32>
        %swap3A_140 = arith.index_cast %add3A_82 : i32 to index
        %swap3A_141 = arith.constant 64 : index
        %swap3A_142 = tpu.vector_load %arg11[%swap3A_140, %swap3A_141] {strides = array<i32>} : memref<112x128xf32, #tpu.memory_space<vmem>>, vector<1x16xf32>,
        %swap3A_143 = vector.shape_cast %swap3A_142 : vector<1x16xf32> to vector<16xf32>
        %swap3A_144 = vector.shape_cast %mul3A_139 : vector<16xf32> to vector<1x16xf32>
        tpu.vector_store %arg11[%swap3A_140, %swap3A_141], %swap3A_144 {strides = array<i32>} : memref<112x128xf32, #tpu.memory_space<vmem>>, vector<1x16xf32>,
        %get3A_145 = arith.index_cast %add3A_82 : i32 to index
        %get3A_146 = arith.constant 80 : index
        %get3A_147 = tpu.vector_load %arg11[%get3A_145, %get3A_146] {strides = array<i32>} : memref<112x128xf32, #tpu.memory_space<vmem>>, vector<1x16xf32>,
        %get3A_148 = vector.shape_cast %get3A_147 : vector<1x16xf32> to vector<16xf32>
        %slice3A_149 = vector.extract_strided_slice %get3A_78 {offsets = [0], sizes = [1], strides = [1]} : vector<16xf32> to vector<1xf32>
        %squeeze3A_150 = vector.extract %slice3A_149[0] : f32 from vector<1xf32>
        %mul3A_151 = vector.broadcast %squeeze3A_150 : f32 to vector<16xf32>
        %mul3A_152 = arith.mulf %get3A_148, %mul3A_151 : vector<16xf32>
        %swap3A_153 = arith.index_cast %add3A_82 : i32 to index
        %swap3A_154 = arith.constant 80 : index
        %swap3A_155 = tpu.vector_load %arg11[%swap3A_153, %swap3A_154] {strides = array<i32>} : memref<112x128xf32, #tpu.memory_space<vmem>>, vector<1x16xf32>,
        %swap3A_156 = vector.shape_cast %swap3A_155 : vector<1x16xf32> to vector<16xf32>
        %swap3A_157 = vector.shape_cast %mul3A_152 : vector<16xf32> to vector<1x16xf32>
        tpu.vector_store %arg11[%swap3A_153, %swap3A_154], %swap3A_157 {strides = array<i32>} : memref<112x128xf32, #tpu.memory_space<vmem>>, vector<1x16xf32>,
        %get3A_158 = arith.index_cast %add3A_82 : i32 to index
        %get3A_159 = arith.constant 96 : index
        %get3A_160 = tpu.vector_load %arg11[%get3A_158, %get3A_159] {strides = array<i32>} : memref<112x128xf32, #tpu.memory_space<vmem>>, vector<1x16xf32>,
        %get3A_161 = vector.shape_cast %get3A_160 : vector<1x16xf32> to vector<16xf32>
        %slice3A_162 = vector.extract_strided_slice %get3A_78 {offsets = [0], sizes = [1], strides = [1]} : vector<16xf32> to vector<1xf32>
        %squeeze3A_163 = vector.extract %slice3A_162[0] : f32 from vector<1xf32>
        %mul3A_164 = vector.broadcast %squeeze3A_163 : f32 to vector<16xf32>
        %mul3A_165 = arith.mulf %get3A_161, %mul3A_164 : vector<16xf32>
        %swap3A_166 = arith.index_cast %add3A_82 : i32 to index
        %swap3A_167 = arith.constant 96 : index
        %swap3A_168 = tpu.vector_load %arg11[%swap3A_166, %swap3A_167] {strides = array<i32>} : memref<112x128xf32, #tpu.memory_space<vmem>>, vector<1x16xf32>,
        %swap3A_169 = vector.shape_cast %swap3A_168 : vector<1x16xf32> to vector<16xf32>
        %swap3A_170 = vector.shape_cast %mul3A_165 : vector<16xf32> to vector<1x16xf32>
        tpu.vector_store %arg11[%swap3A_166, %swap3A_167], %swap3A_170 {strides = array<i32>} : memref<112x128xf32, #tpu.memory_space<vmem>>, vector<1x16xf32>,
        %get3A_171 = arith.index_cast %add3A_82 : i32 to index
        %get3A_172 = arith.constant 112 : index
        %get3A_173 = tpu.vector_load %arg11[%get3A_171, %get3A_172] {strides = array<i32>} : memref<112x128xf32, #tpu.memory_space<vmem>>, vector<1x16xf32>,
        %get3A_174 = vector.shape_cast %get3A_173 : vector<1x16xf32> to vector<16xf32>
        %slice3A_175 = vector.extract_strided_slice %get3A_78 {offsets = [0], sizes = [1], strides = [1]} : vector<16xf32> to vector<1xf32>
        %squeeze3A_176 = vector.extract %slice3A_175[0] : f32 from vector<1xf32>
        %mul3A_177 = vector.broadcast %squeeze3A_176 : f32 to vector<16xf32>
        %mul3A_178 = arith.mulf %get3A_174, %mul3A_177 : vector<16xf32>
        %swap3A_179 = arith.index_cast %add3A_82 : i32 to index
        %swap3A_180 = arith.constant 112 : index
        %swap3A_181 = tpu.vector_load %arg11[%swap3A_179, %swap3A_180] {strides = array<i32>} : memref<112x128xf32, #tpu.memory_space<vmem>>, vector<1x16xf32>,
        %swap3A_182 = vector.shape_cast %swap3A_181 : vector<1x16xf32> to vector<16xf32>
        %swap3A_183 = vector.shape_cast %mul3A_178 : vector<16xf32> to vector<1x16xf32>
        tpu.vector_store %arg11[%swap3A_179, %swap3A_180], %swap3A_183 {strides = array<i32>} : memref<112x128xf32, #tpu.memory_space<vmem>>, vector<1x16xf32>,
        %mul3A_184 = arith.constant 16 : i32
        %mul3A_185 = arith.muli %scan3A_73, %mul3A_184 : i32
        %add3A_186 = arith.constant 1 : i32
        %add3A_187 = arith.addi %mul3A_185, %add3A_186 : i32
        %get3A_188 = arith.index_cast %add3A_187 : i32 to index
        %get3A_189 = arith.constant 0 : index
        %get3A_190 = tpu.vector_load %arg11[%get3A_188, %get3A_189] {strides = array<i32>} : memref<112x128xf32, #tpu.memory_space<vmem>>, vector<1x16xf32>,
        %get3A_191 = vector.shape_cast %get3A_190 : vector<1x16xf32> to vector<16xf32>
        %slice3A_192 = vector.extract_strided_slice %get3A_78 {offsets = [1], sizes = [1], strides = [1]} : vector<16xf32> to vector<1xf32>
        %squeeze3A_193 = vector.extract %slice3A_192[0] : f32 from vector<1xf32>
        %mul3A_194 = vector.broadcast %squeeze3A_193 : f32 to vector<16xf32>
        %mul3A_195 = arith.mulf %get3A_191, %mul3A_194 : vector<16xf32>
        %swap3A_196 = arith.index_cast %add3A_187 : i32 to index
        %swap3A_197 = arith.constant 0 : index
        %swap3A_198 = tpu.vector_load %arg11[%swap3A_196, %swap3A_197] {strides = array<i32>} : memref<112x128xf32, #tpu.memory_space<vmem>>, vector<1x16xf32>,
        %swap3A_199 = vector.shape_cast %swap3A_198 : vector<1x16xf32> to vector<16xf32>
        %swap3A_200 = vector.shape_cast %mul3A_195 : vector<16xf32> to vector<1x16xf32>
        tpu.vector_store %arg11[%swap3A_196, %swap3A_197], %swap3A_200 {strides = array<i32>} : memref<112x128xf32, #tpu.memory_space<vmem>>, vector<1x16xf32>,
        %get3A_201 = arith.index_cast %add3A_187 : i32 to index
        %get3A_202 = arith.constant 16 : index
        %get3A_203 = tpu.vector_load %arg11[%get3A_201, %get3A_202] {strides = array<i32>} : memref<112x128xf32, #tpu.memory_space<vmem>>, vector<1x16xf32>,
        %get3A_204 = vector.shape_cast %get3A_203 : vector<1x16xf32> to vector<16xf32>
        %slice3A_205 = vector.extract_strided_slice %get3A_78 {offsets = [1], sizes = [1], strides = [1]} : vector<16xf32> to vector<1xf32>
        %squeeze3A_206 = vector.extract %slice3A_205[0] : f32 from vector<1xf32>
        %mul3A_207 = vector.broadcast %squeeze3A_206 : f32 to vector<16xf32>
        %mul3A_208 = arith.mulf %get3A_204, %mul3A_207 : vector<16xf32>
        %swap3A_209 = arith.index_cast %add3A_187 : i32 to index
        %swap3A_210 = arith.constant 16 : index
        %swap3A_211 = tpu.vector_load %arg11[%swap3A_209, %swap3A_210] {strides = array<i32>} : memref<112x128xf32, #tpu.memory_space<vmem>>, vector<1x16xf32>,
        %swap3A_212 = vector.shape_cast %swap3A_211 : vector<1x16xf32> to vector<16xf32>
        %swap3A_213 = vector.shape_cast %mul3A_208 : vector<16xf32> to vector<1x16xf32>
        tpu.vector_store %arg11[%swap3A_209, %swap3A_210], %swap3A_213 {strides = array<i32>} : memref<112x128xf32, #tpu.memory_space<vmem>>, vector<1x16xf32>,
        %get3A_214 = arith.index_cast %add3A_187 : i32 to index
        %get3A_215 = arith.constant 32 : index
        %get3A_216 = tpu.vector_load %arg11[%get3A_214, %get3A_215] {strides = array<i32>} : memref<112x128xf32, #tpu.memory_space<vmem>>, vector<1x16xf32>,
        %get3A_217 = vector.shape_cast %get3A_216 : vector<1x16xf32> to vector<16xf32>
        %slice3A_218 = vector.extract_strided_slice %get3A_78 {offsets = [1], sizes = [1], strides = [1]} : vector<16xf32> to vector<1xf32>
        %squeeze3A_219 = vector.extract %slice3A_218[0] : f32 from vector<1xf32>
        %mul3A_220 = vector.broadcast %squeeze3A_219 : f32 to vector<16xf32>
        %mul3A_221 = arith.mulf %get3A_217, %mul3A_220 : vector<16xf32>
        %swap3A_222 = arith.index_cast %add3A_187 : i32 to index
        %swap3A_223 = arith.constant 32 : index
        %swap3A_224 = tpu.vector_load %arg11[%swap3A_222, %swap3A_223] {strides = array<i32>} : memref<112x128xf32, #tpu.memory_space<vmem>>, vector<1x16xf32>,
        %swap3A_225 = vector.shape_cast %swap3A_224 : vector<1x16xf32> to vector<16xf32>
        %swap3A_226 = vector.shape_cast %mul3A_221 : vector<16xf32> to vector<1x16xf32>
        tpu.vector_store %arg11[%swap3A_222, %swap3A_223], %swap3A_226 {strides = array<i32>} : memref<112x128xf32, #tpu.memory_space<vmem>>, vector<1x16xf32>,
        %get3A_227 = arith.index_cast %add3A_187 : i32 to index
        %get3A_228 = arith.constant 48 : index
        %get3A_229 = tpu.vector_load %arg11[%get3A_227, %get3A_228] {strides = array<i32>} : memref<112x128xf32, #tpu.memory_space<vmem>>, vector<1x16xf32>,
        %get3A_230 = vector.shape_cast %get3A_229 : vector<1x16xf32> to vector<16xf32>
        %slice3A_231 = vector.extract_strided_slice %get3A_78 {offsets = [1], sizes = [1], strides = [1]} : vector<16xf32> to vector<1xf32>
        %squeeze3A_232 = vector.extract %slice3A_231[0] : f32 from vector<1xf32>
        %mul3A_233 = vector.broadcast %squeeze3A_232 : f32 to vector<16xf32>
        %mul3A_234 = arith.mulf %get3A_230, %mul3A_233 : vector<16xf32>
        %swap3A_235 = arith.index_cast %add3A_187 : i32 to index
        %swap3A_236 = arith.constant 48 : index
        %swap3A_237 = tpu.vector_load %arg11[%swap3A_235, %swap3A_236] {strides = array<i32>} : memref<112x128xf32, #tpu.memory_space<vmem>>, vector<1x16xf32>,
        %swap3A_238 = vector.shape_cast %swap3A_237 : vector<1x16xf32> to vector<16xf32>
        %swap3A_239 = vector.shape_cast %mul3A_234 : vector<16xf32> to vector<1x16xf32>
        tpu.vector_store %arg11[%swap3A_235, %swap3A_236], %swap3A_239 {strides = array<i32>} : memref<112x128xf32, #tpu.memory_space<vmem>>, vector<1x16xf32>,
        %get3A_240 = arith.index_cast %add3A_187 : i32 to index
        %get3A_241 = arith.constant 64 : index
        %get3A_242 = tpu.vector_load %arg11[%get3A_240, %get3A_241] {strides = array<i32>} : memref<112x128xf32, #tpu.memory_space<vmem>>, vector<1x16xf32>,
        %get3A_243 = vector.shape_cast %get3A_242 : vector<1x16xf32> to vector<16xf32>
        %slice3A_244 = vector.extract_strided_slice %get3A_78 {offsets = [1], sizes = [1], strides = [1]} : vector<16xf32> to vector<1xf32>
        %squeeze3A_245 = vector.extract %slice3A_244[0] : f32 from vector<1xf32>
        %mul3A_246 = vector.broadcast %squeeze3A_245 : f32 to vector<16xf32>
        %mul3A_247 = arith.mulf %get3A_243, %mul3A_246 : vector<16xf32>
        %swap3A_248 = arith.index_cast %add3A_187 : i32 to index
        %swap3A_249 = arith.constant 64 : index
        %swap3A_250 = tpu.vector_load %arg11[%swap3A_248, %swap3A_249] {strides = array<i32>} : memref<112x128xf32, #tpu.memory_space<vmem>>, vector<1x16xf32>,
        %swap3A_251 = vector.shape_cast %swap3A_250 : vector<1x16xf32> to vector<16xf32>
        %swap3A_252 = vector.shape_cast %mul3A_247 : vector<16xf32> to vector<1x16xf32>
        tpu.vector_store %arg11[%swap3A_248, %swap3A_249], %swap3A_252 {strides = array<i32>} : memref<112x128xf32, #tpu.memory_space<vmem>>, vector<1x16xf32>,
        %get3A_253 = arith.index_cast %add3A_187 : i32 to index
        %get3A_254 = arith.constant 80 : index
        %get3A_255 = tpu.vector_load %arg11[%get3A_253, %get3A_254] {strides = array<i32>} : memref<112x128xf32, #tpu.memory_space<vmem>>, vector<1x16xf32>,
        %get3A_256 = vector.shape_cast %get3A_255 : vector<1x16xf32> to vector<16xf32>
        %slice3A_257 = vector.extract_strided_slice %get3A_78 {offsets = [1], sizes = [1], strides = [1]} : vector<16xf32> to vector<1xf32>
        %squeeze3A_258 = vector.extract %slice3A_257[0] : f32 from vector<1xf32>
        %mul3A_259 = vector.broadcast %squeeze3A_258 : f32 to vector<16xf32>
        %mul3A_260 = arith.mulf %get3A_256, %mul3A_259 : vector<16xf32>
        %swap3A_261 = arith.index_cast %add3A_187 : i32 to index
        %swap3A_262 = arith.constant 80 : index
        %swap3A_263 = tpu.vector_load %arg11[%swap3A_261, %swap3A_262] {strides = array<i32>} : memref<112x128xf32, #tpu.memory_space<vmem>>, vector<1x16xf32>,
        %swap3A_264 = vector.shape_cast %swap3A_263 : vector<1x16xf32> to vector<16xf32>
        %swap3A_265 = vector.shape_cast %mul3A_260 : vector<16xf32> to vector<1x16xf32>
        tpu.vector_store %arg11[%swap3A_261, %swap3A_262], %swap3A_265 {strides = array<i32>} : memref<112x128xf32, #tpu.memory_space<vmem>>, vector<1x16xf32>,
        %get3A_266 = arith.index_cast %add3A_187 : i32 to index
        %get3A_267 = arith.constant 96 : index
        %get3A_268 = tpu.vector_load %arg11[%get3A_266, %get3A_267] {strides = array<i32>} : memref<112x128xf32, #tpu.memory_space<vmem>>, vector<1x16xf32>,
        %get3A_269 = vector.shape_cast %get3A_268 : vector<1x16xf32> to vector<16xf32>
        %slice3A_270 = vector.extract_strided_slice %get3A_78 {offsets = [1], sizes = [1], strides = [1]} : vector<16xf32> to vector<1xf32>
        %squeeze3A_271 = vector.extract %slice3A_270[0] : f32 from vector<1xf32>
        %mul3A_272 = vector.broadcast %squeeze3A_271 : f32 to vector<16xf32>
        %mul3A_273 = arith.mulf %get3A_269, %mul3A_272 : vector<16xf32>
        %swap3A_274 = arith.index_cast %add3A_187 : i32 to index
        %swap3A_275 = arith.constant 96 : index
        %swap3A_276 = tpu.vector_load %arg11[%swap3A_274, %swap3A_275] {strides = array<i32>} : memref<112x128xf32, #tpu.memory_space<vmem>>, vector<1x16xf32>,
        %swap3A_277 = vector.shape_cast %swap3A_276 : vector<1x16xf32> to vector<16xf32>
        %swap3A_278 = vector.shape_cast %mul3A_273 : vector<16xf32> to vector<1x16xf32>
        tpu.vector_store %arg11[%swap3A_274, %swap3A_275], %swap3A_278 {strides = array<i32>} : memref<112x128xf32, #tpu.memory_space<vmem>>, vector<1x16xf32>,
        %get3A_279 = arith.index_cast %add3A_187 : i32 to index
        %get3A_280 = arith.constant 112 : index
        %get3A_281 = tpu.vector_load %arg11[%get3A_279, %get3A_280] {strides = array<i32>} : memref<112x128xf32, #tpu.memory_space<vmem>>, vector<1x16xf32>,
        %get3A_282 = vector.shape_cast %get3A_281 : vector<1x16xf32> to vector<16xf32>
        %slice3A_283 = vector.extract_strided_slice %get3A_78 {offsets = [1], sizes = [1], strides = [1]} : vector<16xf32> to vector<1xf32>
        %squeeze3A_284 = vector.extract %slice3A_283[0] : f32 from vector<1xf32>
        %mul3A_285 = vector.broadcast %squeeze3A_284 : f32 to vector<16xf32>
        %mul3A_286 = arith.mulf %get3A_282, %mul3A_285 : vector<16xf32>
        %swap3A_287 = arith.index_cast %add3A_187 : i32 to index
        %swap3A_288 = arith.constant 112 : index
        %swap3A_289 = tpu.vector_load %arg11[%swap3A_287, %swap3A_288] {strides = array<i32>} : memref<112x128xf32, #tpu.memory_space<vmem>>, vector<1x16xf32>,
        %swap3A_290 = vector.shape_cast %swap3A_289 : vector<1x16xf32> to vector<16xf32>
        %swap3A_291 = vector.shape_cast %mul3A_286 : vector<16xf32> to vector<1x16xf32>
        tpu.vector_store %arg11[%swap3A_287, %swap3A_288], %swap3A_291 {strides = array<i32>} : memref<112x128xf32, #tpu.memory_space<vmem>>, vector<1x16xf32>,
        %mul3A_292 = arith.constant 16 : i32
        %mul3A_293 = arith.muli %scan3A_73, %mul3A_292 : i32
        %add3A_294 = arith.constant 2 : i32
        %add3A_295 = arith.addi %mul3A_293, %add3A_294 : i32
        %get3A_296 = arith.index_cast %add3A_295 : i32 to index
        %get3A_297 = arith.constant 0 : index
        %get3A_298 = tpu.vector_load %arg11[%get3A_296, %get3A_297] {strides = array<i32>} : memref<112x128xf32, #tpu.memory_space<vmem>>, vector<1x16xf32>,
        %get3A_299 = vector.shape_cast %get3A_298 : vector<1x16xf32> to vector<16xf32>
        %slice3A_300 = vector.extract_strided_slice %get3A_78 {offsets = [2], sizes = [1], strides = [1]} : vector<16xf32> to vector<1xf32>
        %squeeze3A_301 = vector.extract %slice3A_300[0] : f32 from vector<1xf32>
        %mul3A_302 = vector.broadcast %squeeze3A_301 : f32 to vector<16xf32>
        %mul3A_303 = arith.mulf %get3A_299, %mul3A_302 : vector<16xf32>
        %swap3A_304 = arith.index_cast %add3A_295 : i32 to index
        %swap3A_305 = arith.constant 0 : index
        %swap3A_306 = tpu.vector_load %arg11[%swap3A_304, %swap3A_305] {strides = array<i32>} : memref<112x128xf32, #tpu.memory_space<vmem>>, vector<1x16xf32>,
        %swap3A_307 = vector.shape_cast %swap3A_306 : vector<1x16xf32> to vector<16xf32>
        %swap3A_308 = vector.shape_cast %mul3A_303 : vector<16xf32> to vector<1x16xf32>
        tpu.vector_store %arg11[%swap3A_304, %swap3A_305], %swap3A_308 {strides = array<i32>} : memref<112x128xf32, #tpu.memory_space<vmem>>, vector<1x16xf32>,
        %get3A_309 = arith.index_cast %add3A_295 : i32 to index
        %get3A_310 = arith.constant 16 : index
        %get3A_311 = tpu.vector_load %arg11[%get3A_309, %get3A_310] {strides = array<i32>} : memref<112x128xf32, #tpu.memory_space<vmem>>, vector<1x16xf32>,
        %get3A_312 = vector.shape_cast %get3A_311 : vector<1x16xf32> to vector<16xf32>
        %slice3A_313 = vector.extract_strided_slice %get3A_78 {offsets = [2], sizes = [1], strides = [1]} : vector<16xf32> to vector<1xf32>
        %squeeze3A_314 = vector.extract %slice3A_313[0] : f32 from vector<1xf32>
        %mul3A_315 = vector.broadcast %squeeze3A_314 : f32 to vector<16xf32>
        %mul3A_316 = arith.mulf %get3A_312, %mul3A_315 : vector<16xf32>
        %swap3A_317 = arith.index_cast %add3A_295 : i32 to index
        %swap3A_318 = arith.constant 16 : index
        %swap3A_319 = tpu.vector_load %arg11[%swap3A_317, %swap3A_318] {strides = array<i32>} : memref<112x128xf32, #tpu.memory_space<vmem>>, vector<1x16xf32>,
        %swap3A_320 = vector.shape_cast %swap3A_319 : vector<1x16xf32> to vector<16xf32>
        %swap3A_321 = vector.shape_cast %mul3A_316 : vector<16xf32> to vector<1x16xf32>
        tpu.vector_store %arg11[%swap3A_317, %swap3A_318], %swap3A_321 {strides = array<i32>} : memref<112x128xf32, #tpu.memory_space<vmem>>, vector<1x16xf32>,
        %get3A_322 = arith.index_cast %add3A_295 : i32 to index
        %get3A_323 = arith.constant 32 : index
        %get3A_324 = tpu.vector_load %arg11[%get3A_322, %get3A_323] {strides = array<i32>} : memref<112x128xf32, #tpu.memory_space<vmem>>, vector<1x16xf32>,
        %get3A_325 = vector.shape_cast %get3A_324 : vector<1x16xf32> to vector<16xf32>
        %slice3A_326 = vector.extract_strided_slice %get3A_78 {offsets = [2], sizes = [1], strides = [1]} : vector<16xf32> to vector<1xf32>
        %squeeze3A_327 = vector.extract %slice3A_326[0] : f32 from vector<1xf32>
        %mul3A_328 = vector.broadcast %squeeze3A_327 : f32 to vector<16xf32>
        %mul3A_329 = arith.mulf %get3A_325, %mul3A_328 : vector<16xf32>
        %swap3A_330 = arith.index_cast %add3A_295 : i32 to index
        %swap3A_331 = arith.constant 32 : index
        %swap3A_332 = tpu.vector_load %arg11[%swap3A_330, %swap3A_331] {strides = array<i32>} : memref<112x128xf32, #tpu.memory_space<vmem>>, vector<1x16xf32>,
        %swap3A_333 = vector.shape_cast %swap3A_332 : vector<1x16xf32> to vector<16xf32>
        %swap3A_334 = vector.shape_cast %mul3A_329 : vector<16xf32> to vector<1x16xf32>
        tpu.vector_store %arg11[%swap3A_330, %swap3A_331], %swap3A_334 {strides = array<i32>} : memref<112x128xf32, #tpu.memory_space<vmem>>, vector<1x16xf32>,
        %get3A_335 = arith.index_cast %add3A_295 : i32 to index
        %get3A_336 = arith.constant 48 : index
        %get3A_337 = tpu.vector_load %arg11[%get3A_335, %get3A_336] {strides = array<i32>} : memref<112x128xf32, #tpu.memory_space<vmem>>, vector<1x16xf32>,
        %get3A_338 = vector.shape_cast %get3A_337 : vector<1x16xf32> to vector<16xf32>
        %slice3A_339 = vector.extract_strided_slice %get3A_78 {offsets = [2], sizes = [1], strides = [1]} : vector<16xf32> to vector<1xf32>
        %squeeze3A_340 = vector.extract %slice3A_339[0] : f32 from vector<1xf32>
        %mul3A_341 = vector.broadcast %squeeze3A_340 : f32 to vector<16xf32>
        %mul3A_342 = arith.mulf %get3A_338, %mul3A_341 : vector<16xf32>
        %swap3A_343 = arith.index_cast %add3A_295 : i32 to index
        %swap3A_344 = arith.constant 48 : index
        %swap3A_345 = tpu.vector_load %arg11[%swap3A_343, %swap3A_344] {strides = array<i32>} : memref<112x128xf32, #tpu.memory_space<vmem>>, vector<1x16xf32>,
        %swap3A_346 = vector.shape_cast %swap3A_345 : vector<1x16xf32> to vector<16xf32>
        %swap3A_347 = vector.shape_cast %mul3A_342 : vector<16xf32> to vector<1x16xf32>
        tpu.vector_store %arg11[%swap3A_343, %swap3A_344], %swap3A_347 {strides = array<i32>} : memref<112x128xf32, #tpu.memory_space<vmem>>, vector<1x16xf32>,
        %get3A_348 = arith.index_cast %add3A_295 : i32 to index
        %get3A_349 = arith.constant 64 : index
        %get3A_350 = tpu.vector_load %arg11[%get3A_348, %get3A_349] {strides = array<i32>} : memref<112x128xf32, #tpu.memory_space<vmem>>, vector<1x16xf32>,
        %get3A_351 = vector.shape_cast %get3A_350 : vector<1x16xf32> to vector<16xf32>
        %slice3A_352 = vector.extract_strided_slice %get3A_78 {offsets = [2], sizes = [1], strides = [1]} : vector<16xf32> to vector<1xf32>
        %squeeze3A_353 = vector.extract %slice3A_352[0] : f32 from vector<1xf32>
        %mul3A_354 = vector.broadcast %squeeze3A_353 : f32 to vector<16xf32>
        %mul3A_355 = arith.mulf %get3A_351, %mul3A_354 : vector<16xf32>
        %swap3A_356 = arith.index_cast %add3A_295 : i32 to index
        %swap3A_357 = arith.constant 64 : index
        %swap3A_358 = tpu.vector_load %arg11[%swap3A_356, %swap3A_357] {strides = array<i32>} : memref<112x128xf32, #tpu.memory_space<vmem>>, vector<1x16xf32>,
        %swap3A_359 = vector.shape_cast %swap3A_358 : vector<1x16xf32> to vector<16xf32>
        %swap3A_360 = vector.shape_cast %mul3A_355 : vector<16xf32> to vector<1x16xf32>
        tpu.vector_store %arg11[%swap3A_356, %swap3A_357], %swap3A_360 {strides = array<i32>} : memref<112x128xf32, #tpu.memory_space<vmem>>, vector<1x16xf32>,
        %get3A_361 = arith.index_cast %add3A_295 : i32 to index
        %get3A_362 = arith.constant 80 : index
        %get3A_363 = tpu.vector_load %arg11[%get3A_361, %get3A_362] {strides = array<i32>} : memref<112x128xf32, #tpu.memory_space<vmem>>, vector<1x16xf32>,
        %get3A_364 = vector.shape_cast %get3A_363 : vector<1x16xf32> to vector<16xf32>
        %slice3A_365 = vector.extract_strided_slice %get3A_78 {offsets = [2], sizes = [1], strides = [1]} : vector<16xf32> to vector<1xf32>
        %squeeze3A_366 = vector.extract %slice3A_365[0] : f32 from vector<1xf32>
        %mul3A_367 = vector.broadcast %squeeze3A_366 : f32 to vector<16xf32>
        %mul3A_368 = arith.mulf %get3A_364, %mul3A_367 : vector<16xf32>
        %swap3A_369 = arith.index_cast %add3A_295 : i32 to index
        %swap3A_370 = arith.constant 80 : index
        %swap3A_371 = tpu.vector_load %arg11[%swap3A_369, %swap3A_370] {strides = array<i32>} : memref<112x128xf32, #tpu.memory_space<vmem>>, vector<1x16xf32>,
        %swap3A_372 = vector.shape_cast %swap3A_371 : vector<1x16xf32> to vector<16xf32>
        %swap3A_373 = vector.shape_cast %mul3A_368 : vector<16xf32> to vector<1x16xf32>
        tpu.vector_store %arg11[%swap3A_369, %swap3A_370], %swap3A_373 {strides = array<i32>} : memref<112x128xf32, #tpu.memory_space<vmem>>, vector<1x16xf32>,
        %get3A_374 = arith.index_cast %add3A_295 : i32 to index
        %get3A_375 = arith.constant 96 : index
        %get3A_376 = tpu.vector_load %arg11[%get3A_374, %get3A_375] {strides = array<i32>} : memref<112x128xf32, #tpu.memory_space<vmem>>, vector<1x16xf32>,
        %get3A_377 = vector.shape_cast %get3A_376 : vector<1x16xf32> to vector<16xf32>
        %slice3A_378 = vector.extract_strided_slice %get3A_78 {offsets = [2], sizes = [1], strides = [1]} : vector<16xf32> to vector<1xf32>
        %squeeze3A_379 = vector.extract %slice3A_378[0] : f32 from vector<1xf32>
        %mul3A_380 = vector.broadcast %squeeze3A_379 : f32 to vector<16xf32>
        %mul3A_381 = arith.mulf %get3A_377, %mul3A_380 : vector<16xf32>
        %swap3A_382 = arith.index_cast %add3A_295 : i32 to index
        %swap3A_383 = arith.constant 96 : index
        %swap3A_384 = tpu.vector_load %arg11[%swap3A_382, %swap3A_383] {strides = array<i32>} : memref<112x128xf32, #tpu.memory_space<vmem>>, vector<1x16xf32>,
        %swap3A_385 = vector.shape_cast %swap3A_384 : vector<1x16xf32> to vector<16xf32>
        %swap3A_386 = vector.shape_cast %mul3A_381 : vector<16xf32> to vector<1x16xf32>
        tpu.vector_store %arg11[%swap3A_382, %swap3A_383], %swap3A_386 {strides = array<i32>} : memref<112x128xf32, #tpu.memory_space<vmem>>, vector<1x16xf32>,
        %get3A_387 = arith.index_cast %add3A_295 : i32 to index
        %get3A_388 = arith.constant 112 : index
        %get3A_389 = tpu.vector_load %arg11[%get3A_387, %get3A_388] {strides = array<i32>} : memref<112x128xf32, #tpu.memory_space<vmem>>, vector<1x16xf32>,
        %get3A_390 = vector.shape_cast %get3A_389 : vector<1x16xf32> to vector<16xf32>
        %slice3A_391 = vector.extract_strided_slice %get3A_78 {offsets = [2], sizes = [1], strides = [1]} : vector<16xf32> to vector<1xf32>
        %squeeze3A_392 = vector.extract %slice3A_391[0] : f32 from vector<1xf32>
        %mul3A_393 = vector.broadcast %squeeze3A_392 : f32 to vector<16xf32>
        %mul3A_394 = arith.mulf %get3A_390, %mul3A_393 : vector<16xf32>
        %swap3A_395 = arith.index_cast %add3A_295 : i32 to index
        %swap3A_396 = arith.constant 112 : index
        %swap3A_397 = tpu.vector_load %arg11[%swap3A_395, %swap3A_396] {strides = array<i32>} : memref<112x128xf32, #tpu.memory_space<vmem>>, vector<1x16xf32>,
        %swap3A_398 = vector.shape_cast %swap3A_397 : vector<1x16xf32> to vector<16xf32>
        %swap3A_399 = vector.shape_cast %mul3A_394 : vector<16xf32> to vector<1x16xf32>
        tpu.vector_store %arg11[%swap3A_395, %swap3A_396], %swap3A_399 {strides = array<i32>} : memref<112x128xf32, #tpu.memory_space<vmem>>, vector<1x16xf32>,
        %mul3A_400 = arith.constant 16 : i32
        %mul3A_401 = arith.muli %scan3A_73, %mul3A_400 : i32
        %add3A_402 = arith.constant 3 : i32
        %add3A_403 = arith.addi %mul3A_401, %add3A_402 : i32
        %get3A_404 = arith.index_cast %add3A_403 : i32 to index
        %get3A_405 = arith.constant 0 : index
        %get3A_406 = tpu.vector_load %arg11[%get3A_404, %get3A_405] {strides = array<i32>} : memref<112x128xf32, #tpu.memory_space<vmem>>, vector<1x16xf32>,
        %get3A_407 = vector.shape_cast %get3A_406 : vector<1x16xf32> to vector<16xf32>
        %slice3A_408 = vector.extract_strided_slice %get3A_78 {offsets = [3], sizes = [1], strides = [1]} : vector<16xf32> to vector<1xf32>
        %squeeze3A_409 = vector.extract %slice3A_408[0] : f32 from vector<1xf32>
        %mul3A_410 = vector.broadcast %squeeze3A_409 : f32 to vector<16xf32>
        %mul3A_411 = arith.mulf %get3A_407, %mul3A_410 : vector<16xf32>
        %swap3A_412 = arith.index_cast %add3A_403 : i32 to index
        %swap3A_413 = arith.constant 0 : index
        %swap3A_414 = tpu.vector_load %arg11[%swap3A_412, %swap3A_413] {strides = array<i32>} : memref<112x128xf32, #tpu.memory_space<vmem>>, vector<1x16xf32>,
        %swap3A_415 = vector.shape_cast %swap3A_414 : vector<1x16xf32> to vector<16xf32>
        %swap3A_416 = vector.shape_cast %mul3A_411 : vector<16xf32> to vector<1x16xf32>
        tpu.vector_store %arg11[%swap3A_412, %swap3A_413], %swap3A_416 {strides = array<i32>} : memref<112x128xf32, #tpu.memory_space<vmem>>, vector<1x16xf32>,
        %get3A_417 = arith.index_cast %add3A_403 : i32 to index
        %get3A_418 = arith.constant 16 : index
        %get3A_419 = tpu.vector_load %arg11[%get3A_417, %get3A_418] {strides = array<i32>} : memref<112x128xf32, #tpu.memory_space<vmem>>, vector<1x16xf32>,
        %get3A_420 = vector.shape_cast %get3A_419 : vector<1x16xf32> to vector<16xf32>
        %slice3A_421 = vector.extract_strided_slice %get3A_78 {offsets = [3], sizes = [1], strides = [1]} : vector<16xf32> to vector<1xf32>
        %squeeze3A_422 = vector.extract %slice3A_421[0] : f32 from vector<1xf32>
        %mul3A_423 = vector.broadcast %squeeze3A_422 : f32 to vector<16xf32>
        %mul3A_424 = arith.mulf %get3A_420, %mul3A_423 : vector<16xf32>
        %swap3A_425 = arith.index_cast %add3A_403 : i32 to index
        %swap3A_426 = arith.constant 16 : index
        %swap3A_427 = tpu.vector_load %arg11[%swap3A_425, %swap3A_426] {strides = array<i32>} : memref<112x128xf32, #tpu.memory_space<vmem>>, vector<1x16xf32>,
        %swap3A_428 = vector.shape_cast %swap3A_427 : vector<1x16xf32> to vector<16xf32>
        %swap3A_429 = vector.shape_cast %mul3A_424 : vector<16xf32> to vector<1x16xf32>
        tpu.vector_store %arg11[%swap3A_425, %swap3A_426], %swap3A_429 {strides = array<i32>} : memref<112x128xf32, #tpu.memory_space<vmem>>, vector<1x16xf32>,
        %get3A_430 = arith.index_cast %add3A_403 : i32 to index
        %get3A_431 = arith.constant 32 : index
        %get3A_432 = tpu.vector_load %arg11[%get3A_430, %get3A_431] {strides = array<i32>} : memref<112x128xf32, #tpu.memory_space<vmem>>, vector<1x16xf32>,
        %get3A_433 = vector.shape_cast %get3A_432 : vector<1x16xf32> to vector<16xf32>
        %slice3A_434 = vector.extract_strided_slice %get3A_78 {offsets = [3], sizes = [1], strides = [1]} : vector<16xf32> to vector<1xf32>
        %squeeze3A_435 = vector.extract %slice3A_434[0] : f32 from vector<1xf32>
        %mul3A_436 = vector.broadcast %squeeze3A_435 : f32 to vector<16xf32>
        %mul3A_437 = arith.mulf %get3A_433, %mul3A_436 : vector<16xf32>
        %swap3A_438 = arith.index_cast %add3A_403 : i32 to index
        %swap3A_439 = arith.constant 32 : index
        %swap3A_440 = tpu.vector_load %arg11[%swap3A_438, %swap3A_439] {strides = array<i32>} : memref<112x128xf32, #tpu.memory_space<vmem>>, vector<1x16xf32>,
        %swap3A_441 = vector.shape_cast %swap3A_440 : vector<1x16xf32> to vector<16xf32>
        %swap3A_442 = vector.shape_cast %mul3A_437 : vector<16xf32> to vector<1x16xf32>
        tpu.vector_store %arg11[%swap3A_438, %swap3A_439], %swap3A_442 {strides = array<i32>} : memref<112x128xf32, #tpu.memory_space<vmem>>, vector<1x16xf32>,
        %get3A_443 = arith.index_cast %add3A_403 : i32 to index
        %get3A_444 = arith.constant 48 : index
        %get3A_445 = tpu.vector_load %arg11[%get3A_443, %get3A_444] {strides = array<i32>} : memref<112x128xf32, #tpu.memory_space<vmem>>, vector<1x16xf32>,
        %get3A_446 = vector.shape_cast %get3A_445 : vector<1x16xf32> to vector<16xf32>
        %slice3A_447 = vector.extract_strided_slice %get3A_78 {offsets = [3], sizes = [1], strides = [1]} : vector<16xf32> to vector<1xf32>
        %squeeze3A_448 = vector.extract %slice3A_447[0] : f32 from vector<1xf32>
        %mul3A_449 = vector.broadcast %squeeze3A_448 : f32 to vector<16xf32>
        %mul3A_450 = arith.mulf %get3A_446, %mul3A_449 : vector<16xf32>
        %swap3A_451 = arith.index_cast %add3A_403 : i32 to index
        %swap3A_452 = arith.constant 48 : index
        %swap3A_453 = tpu.vector_load %arg11[%swap3A_451, %swap3A_452] {strides = array<i32>} : memref<112x128xf32, #tpu.memory_space<vmem>>, vector<1x16xf32>,
        %swap3A_454 = vector.shape_cast %swap3A_453 : vector<1x16xf32> to vector<16xf32>
        %swap3A_455 = vector.shape_cast %mul3A_450 : vector<16xf32> to vector<1x16xf32>
        tpu.vector_store %arg11[%swap3A_451, %swap3A_452], %swap3A_455 {strides = array<i32>} : memref<112x128xf32, #tpu.memory_space<vmem>>, vector<1x16xf32>,
        %get3A_456 = arith.index_cast %add3A_403 : i32 to index
        %get3A_457 = arith.constant 64 : index
        %get3A_458 = tpu.vector_load %arg11[%get3A_456, %get3A_457] {strides = array<i32>} : memref<112x128xf32, #tpu.memory_space<vmem>>, vector<1x16xf32>,
        %get3A_459 = vector.shape_cast %get3A_458 : vector<1x16xf32> to vector<16xf32>
        %slice3A_460 = vector.extract_strided_slice %get3A_78 {offsets = [3], sizes = [1], strides = [1]} : vector<16xf32> to vector<1xf32>
        %squeeze3A_461 = vector.extract %slice3A_460[0] : f32 from vector<1xf32>
        %mul3A_462 = vector.broadcast %squeeze3A_461 : f32 to vector<16xf32>
        %mul3A_463 = arith.mulf %get3A_459, %mul3A_462 : vector<16xf32>
        %swap3A_464 = arith.index_cast %add3A_403 : i32 to index
        %swap3A_465 = arith.constant 64 : index
        %swap3A_466 = tpu.vector_load %arg11[%swap3A_464, %swap3A_465] {strides = array<i32>} : memref<112x128xf32, #tpu.memory_space<vmem>>, vector<1x16xf32>,
        %swap3A_467 = vector.shape_cast %swap3A_466 : vector<1x16xf32> to vector<16xf32>
        %swap3A_468 = vector.shape_cast %mul3A_463 : vector<16xf32> to vector<1x16xf32>
        tpu.vector_store %arg11[%swap3A_464, %swap3A_465], %swap3A_468 {strides = array<i32>} : memref<112x128xf32, #tpu.memory_space<vmem>>, vector<1x16xf32>,
        %get3A_469 = arith.index_cast %add3A_403 : i32 to index
        %get3A_470 = arith.constant 80 : index
        %get3A_471 = tpu.vector_load %arg11[%get3A_469, %get3A_470] {strides = array<i32>} : memref<112x128xf32, #tpu.memory_space<vmem>>, vector<1x16xf32>,
        %get3A_472 = vector.shape_cast %get3A_471 : vector<1x16xf32> to vector<16xf32>
        %slice3A_473 = vector.extract_strided_slice %get3A_78 {offsets = [3], sizes = [1], strides = [1]} : vector<16xf32> to vector<1xf32>
        %squeeze3A_474 = vector.extract %slice3A_473[0] : f32 from vector<1xf32>
        %mul3A_475 = vector.broadcast %squeeze3A_474 : f32 to vector<16xf32>
        %mul3A_476 = arith.mulf %get3A_472, %mul3A_475 : vector<16xf32>
        %swap3A_477 = arith.index_cast %add3A_403 : i32 to index
        %swap3A_478 = arith.constant 80 : index
        %swap3A_479 = tpu.vector_load %arg11[%swap3A_477, %swap3A_478] {strides = array<i32>} : memref<112x128xf32, #tpu.memory_space<vmem>>, vector<1x16xf32>,
        %swap3A_480 = vector.shape_cast %swap3A_479 : vector<1x16xf32> to vector<16xf32>
        %swap3A_481 = vector.shape_cast %mul3A_476 : vector<16xf32> to vector<1x16xf32>
        tpu.vector_store %arg11[%swap3A_477, %swap3A_478], %swap3A_481 {strides = array<i32>} : memref<112x128xf32, #tpu.memory_space<vmem>>, vector<1x16xf32>,
        %get3A_482 = arith.index_cast %add3A_403 : i32 to index
        %get3A_483 = arith.constant 96 : index
        %get3A_484 = tpu.vector_load %arg11[%get3A_482, %get3A_483] {strides = array<i32>} : memref<112x128xf32, #tpu.memory_space<vmem>>, vector<1x16xf32>,
        %get3A_485 = vector.shape_cast %get3A_484 : vector<1x16xf32> to vector<16xf32>
        %slice3A_486 = vector.extract_strided_slice %get3A_78 {offsets = [3], sizes = [1], strides = [1]} : vector<16xf32> to vector<1xf32>
        %squeeze3A_487 = vector.extract %slice3A_486[0] : f32 from vector<1xf32>
        %mul3A_488 = vector.broadcast %squeeze3A_487 : f32 to vector<16xf32>
        %mul3A_489 = arith.mulf %get3A_485, %mul3A_488 : vector<16xf32>
        %swap3A_490 = arith.index_cast %add3A_403 : i32 to index
        %swap3A_491 = arith.constant 96 : index
        %swap3A_492 = tpu.vector_load %arg11[%swap3A_490, %swap3A_491] {strides = array<i32>} : memref<112x128xf32, #tpu.memory_space<vmem>>, vector<1x16xf32>,
        %swap3A_493 = vector.shape_cast %swap3A_492 : vector<1x16xf32> to vector<16xf32>
        %swap3A_494 = vector.shape_cast %mul3A_489 : vector<16xf32> to vector<1x16xf32>
        tpu.vector_store %arg11[%swap3A_490, %swap3A_491], %swap3A_494 {strides = array<i32>} : memref<112x128xf32, #tpu.memory_space<vmem>>, vector<1x16xf32>,
        %get3A_495 = arith.index_cast %add3A_403 : i32 to index
        %get3A_496 = arith.constant 112 : index
        %get3A_497 = tpu.vector_load %arg11[%get3A_495, %get3A_496] {strides = array<i32>} : memref<112x128xf32, #tpu.memory_space<vmem>>, vector<1x16xf32>,
        %get3A_498 = vector.shape_cast %get3A_497 : vector<1x16xf32> to vector<16xf32>
        %slice3A_499 = vector.extract_strided_slice %get3A_78 {offsets = [3], sizes = [1], strides = [1]} : vector<16xf32> to vector<1xf32>
        %squeeze3A_500 = vector.extract %slice3A_499[0] : f32 from vector<1xf32>
        %mul3A_501 = vector.broadcast %squeeze3A_500 : f32 to vector<16xf32>
        %mul3A_502 = arith.mulf %get3A_498, %mul3A_501 : vector<16xf32>
        %swap3A_503 = arith.index_cast %add3A_403 : i32 to index
        %swap3A_504 = arith.constant 112 : index
        %swap3A_505 = tpu.vector_load %arg11[%swap3A_503, %swap3A_504] {strides = array<i32>} : memref<112x128xf32, #tpu.memory_space<vmem>>, vector<1x16xf32>,
        %swap3A_506 = vector.shape_cast %swap3A_505 : vector<1x16xf32> to vector<16xf32>
        %swap3A_507 = vector.shape_cast %mul3A_502 : vector<16xf32> to vector<1x16xf32>
        tpu.vector_store %arg11[%swap3A_503, %swap3A_504], %swap3A_507 {strides = array<i32>} : memref<112x128xf32, #tpu.memory_space<vmem>>, vector<1x16xf32>,
        %mul3A_508 = arith.constant 16 : i32
        %mul3A_509 = arith.muli %scan3A_73, %mul3A_508 : i32
        %add3A_510 = arith.constant 4 : i32
        %add3A_511 = arith.addi %mul3A_509, %add3A_510 : i32
        %get3A_512 = arith.index_cast %add3A_511 : i32 to index
        %get3A_513 = arith.constant 0 : index
        %get3A_514 = tpu.vector_load %arg11[%get3A_512, %get3A_513] {strides = array<i32>} : memref<112x128xf32, #tpu.memory_space<vmem>>, vector<1x16xf32>,
        %get3A_515 = vector.shape_cast %get3A_514 : vector<1x16xf32> to vector<16xf32>
        %slice3A_516 = vector.extract_strided_slice %get3A_78 {offsets = [4], sizes = [1], strides = [1]} : vector<16xf32> to vector<1xf32>
        %squeeze3A_517 = vector.extract %slice3A_516[0] : f32 from vector<1xf32>
        %mul3A_518 = vector.broadcast %squeeze3A_517 : f32 to vector<16xf32>
        %mul3A_519 = arith.mulf %get3A_515, %mul3A_518 : vector<16xf32>
        %swap3A_520 = arith.index_cast %add3A_511 : i32 to index
        %swap3A_521 = arith.constant 0 : index
        %swap3A_522 = tpu.vector_load %arg11[%swap3A_520, %swap3A_521] {strides = array<i32>} : memref<112x128xf32, #tpu.memory_space<vmem>>, vector<1x16xf32>,
        %swap3A_523 = vector.shape_cast %swap3A_522 : vector<1x16xf32> to vector<16xf32>
        %swap3A_524 = vector.shape_cast %mul3A_519 : vector<16xf32> to vector<1x16xf32>
        tpu.vector_store %arg11[%swap3A_520, %swap3A_521], %swap3A_524 {strides = array<i32>} : memref<112x128xf32, #tpu.memory_space<vmem>>, vector<1x16xf32>,
        %get3A_525 = arith.index_cast %add3A_511 : i32 to index
        %get3A_526 = arith.constant 16 : index
        %get3A_527 = tpu.vector_load %arg11[%get3A_525, %get3A_526] {strides = array<i32>} : memref<112x128xf32, #tpu.memory_space<vmem>>, vector<1x16xf32>,
        %get3A_528 = vector.shape_cast %get3A_527 : vector<1x16xf32> to vector<16xf32>
        %slice3A_529 = vector.extract_strided_slice %get3A_78 {offsets = [4], sizes = [1], strides = [1]} : vector<16xf32> to vector<1xf32>
        %squeeze3A_530 = vector.extract %slice3A_529[0] : f32 from vector<1xf32>
        %mul3A_531 = vector.broadcast %squeeze3A_530 : f32 to vector<16xf32>
        %mul3A_532 = arith.mulf %get3A_528, %mul3A_531 : vector<16xf32>
        %swap3A_533 = arith.index_cast %add3A_511 : i32 to index
        %swap3A_534 = arith.constant 16 : index
        %swap3A_535 = tpu.vector_load %arg11[%swap3A_533, %swap3A_534] {strides = array<i32>} : memref<112x128xf32, #tpu.memory_space<vmem>>, vector<1x16xf32>,
        %swap3A_536 = vector.shape_cast %swap3A_535 : vector<1x16xf32> to vector<16xf32>
        %swap3A_537 = vector.shape_cast %mul3A_532 : vector<16xf32> to vector<1x16xf32>
        tpu.vector_store %arg11[%swap3A_533, %swap3A_534], %swap3A_537 {strides = array<i32>} : memref<112x128xf32, #tpu.memory_space<vmem>>, vector<1x16xf32>,
        %get3A_538 = arith.index_cast %add3A_511 : i32 to index
        %get3A_539 = arith.constant 32 : index
        %get3A_540 = tpu.vector_load %arg11[%get3A_538, %get3A_539] {strides = array<i32>} : memref<112x128xf32, #tpu.memory_space<vmem>>, vector<1x16xf32>,
        %get3A_541 = vector.shape_cast %get3A_540 : vector<1x16xf32> to vector<16xf32>
        %slice3A_542 = vector.extract_strided_slice %get3A_78 {offsets = [4], sizes = [1], strides = [1]} : vector<16xf32> to vector<1xf32>
        %squeeze3A_543 = vector.extract %slice3A_542[0] : f32 from vector<1xf32>
        %mul3A_544 = vector.broadcast %squeeze3A_543 : f32 to vector<16xf32>
        %mul3A_545 = arith.mulf %get3A_541, %mul3A_544 : vector<16xf32>
        %swap3A_546 = arith.index_cast %add3A_511 : i32 to index
        %swap3A_547 = arith.constant 32 : index
        %swap3A_548 = tpu.vector_load %arg11[%swap3A_546, %swap3A_547] {strides = array<i32>} : memref<112x128xf32, #tpu.memory_space<vmem>>, vector<1x16xf32>,
        %swap3A_549 = vector.shape_cast %swap3A_548 : vector<1x16xf32> to vector<16xf32>
        %swap3A_550 = vector.shape_cast %mul3A_545 : vector<16xf32> to vector<1x16xf32>
        tpu.vector_store %arg11[%swap3A_546, %swap3A_547], %swap3A_550 {strides = array<i32>} : memref<112x128xf32, #tpu.memory_space<vmem>>, vector<1x16xf32>,
        %get3A_551 = arith.index_cast %add3A_511 : i32 to index
        %get3A_552 = arith.constant 48 : index
        %get3A_553 = tpu.vector_load %arg11[%get3A_551, %get3A_552] {strides = array<i32>} : memref<112x128xf32, #tpu.memory_space<vmem>>, vector<1x16xf32>,
        %get3A_554 = vector.shape_cast %get3A_553 : vector<1x16xf32> to vector<16xf32>
        %slice3A_555 = vector.extract_strided_slice %get3A_78 {offsets = [4], sizes = [1], strides = [1]} : vector<16xf32> to vector<1xf32>
        %squeeze3A_556 = vector.extract %slice3A_555[0] : f32 from vector<1xf32>
        %mul3A_557 = vector.broadcast %squeeze3A_556 : f32 to vector<16xf32>
        %mul3A_558 = arith.mulf %get3A_554, %mul3A_557 : vector<16xf32>
        %swap3A_559 = arith.index_cast %add3A_511 : i32 to index
        %swap3A_560 = arith.constant 48 : index
        %swap3A_561 = tpu.vector_load %arg11[%swap3A_559, %swap3A_560] {strides = array<i32>} : memref<112x128xf32, #tpu.memory_space<vmem>>, vector<1x16xf32>,
        %swap3A_562 = vector.shape_cast %swap3A_561 : vector<1x16xf32> to vector<16xf32>
        %swap3A_563 = vector.shape_cast %mul3A_558 : vector<16xf32> to vector<1x16xf32>
        tpu.vector_store %arg11[%swap3A_559, %swap3A_560], %swap3A_563 {strides = array<i32>} : memref<112x128xf32, #tpu.memory_space<vmem>>, vector<1x16xf32>,
        %get3A_564 = arith.index_cast %add3A_511 : i32 to index
        %get3A_565 = arith.constant 64 : index
        %get3A_566 = tpu.vector_load %arg11[%get3A_564, %get3A_565] {strides = array<i32>} : memref<112x128xf32, #tpu.memory_space<vmem>>, vector<1x16xf32>,
        %get3A_567 = vector.shape_cast %get3A_566 : vector<1x16xf32> to vector<16xf32>
        %slice3A_568 = vector.extract_strided_slice %get3A_78 {offsets = [4], sizes = [1], strides = [1]} : vector<16xf32> to vector<1xf32>
        %squeeze3A_569 = vector.extract %slice3A_568[0] : f32 from vector<1xf32>
        %mul3A_570 = vector.broadcast %squeeze3A_569 : f32 to vector<16xf32>
        %mul3A_571 = arith.mulf %get3A_567, %mul3A_570 : vector<16xf32>
        %swap3A_572 = arith.index_cast %add3A_511 : i32 to index
        %swap3A_573 = arith.constant 64 : index
        %swap3A_574 = tpu.vector_load %arg11[%swap3A_572, %swap3A_573] {strides = array<i32>} : memref<112x128xf32, #tpu.memory_space<vmem>>, vector<1x16xf32>,
        %swap3A_575 = vector.shape_cast %swap3A_574 : vector<1x16xf32> to vector<16xf32>
        %swap3A_576 = vector.shape_cast %mul3A_571 : vector<16xf32> to vector<1x16xf32>
        tpu.vector_store %arg11[%swap3A_572, %swap3A_573], %swap3A_576 {strides = array<i32>} : memref<112x128xf32, #tpu.memory_space<vmem>>, vector<1x16xf32>,
        %get3A_577 = arith.index_cast %add3A_511 : i32 to index
        %get3A_578 = arith.constant 80 : index
        %get3A_579 = tpu.vector_load %arg11[%get3A_577, %get3A_578] {strides = array<i32>} : memref<112x128xf32, #tpu.memory_space<vmem>>, vector<1x16xf32>,
        %get3A_580 = vector.shape_cast %get3A_579 : vector<1x16xf32> to vector<16xf32>
        %slice3A_581 = vector.extract_strided_slice %get3A_78 {offsets = [4], sizes = [1], strides = [1]} : vector<16xf32> to vector<1xf32>
        %squeeze3A_582 = vector.extract %slice3A_581[0] : f32 from vector<1xf32>
        %mul3A_583 = vector.broadcast %squeeze3A_582 : f32 to vector<16xf32>
        %mul3A_584 = arith.mulf %get3A_580, %mul3A_583 : vector<16xf32>
        %swap3A_585 = arith.index_cast %add3A_511 : i32 to index
        %swap3A_586 = arith.constant 80 : index
        %swap3A_587 = tpu.vector_load %arg11[%swap3A_585, %swap3A_586] {strides = array<i32>} : memref<112x128xf32, #tpu.memory_space<vmem>>, vector<1x16xf32>,
        %swap3A_588 = vector.shape_cast %swap3A_587 : vector<1x16xf32> to vector<16xf32>
        %swap3A_589 = vector.shape_cast %mul3A_584 : vector<16xf32> to vector<1x16xf32>
        tpu.vector_store %arg11[%swap3A_585, %swap3A_586], %swap3A_589 {strides = array<i32>} : memref<112x128xf32, #tpu.memory_space<vmem>>, vector<1x16xf32>,
        %get3A_590 = arith.index_cast %add3A_511 : i32 to index
        %get3A_591 = arith.constant 96 : index
        %get3A_592 = tpu.vector_load %arg11[%get3A_590, %get3A_591] {strides = array<i32>} : memref<112x128xf32, #tpu.memory_space<vmem>>, vector<1x16xf32>,
        %get3A_593 = vector.shape_cast %get3A_592 : vector<1x16xf32> to vector<16xf32>
        %slice3A_594 = vector.extract_strided_slice %get3A_78 {offsets = [4], sizes = [1], strides = [1]} : vector<16xf32> to vector<1xf32>
        %squeeze3A_595 = vector.extract %slice3A_594[0] : f32 from vector<1xf32>
        %mul3A_596 = vector.broadcast %squeeze3A_595 : f32 to vector<16xf32>
        %mul3A_597 = arith.mulf %get3A_593, %mul3A_596 : vector<16xf32>
        %swap3A_598 = arith.index_cast %add3A_511 : i32 to index
        %swap3A_599 = arith.constant 96 : index
        %swap3A_600 = tpu.vector_load %arg11[%swap3A_598, %swap3A_599] {strides = array<i32>} : memref<112x128xf32, #tpu.memory_space<vmem>>, vector<1x16xf32>,
        %swap3A_601 = vector.shape_cast %swap3A_600 : vector<1x16xf32> to vector<16xf32>
        %swap3A_602 = vector.shape_cast %mul3A_597 : vector<16xf32> to vector<1x16xf32>
        tpu.vector_store %arg11[%swap3A_598, %swap3A_599], %swap3A_602 {strides = array<i32>} : memref<112x128xf32, #tpu.memory_space<vmem>>, vector<1x16xf32>,
        %get3A_603 = arith.index_cast %add3A_511 : i32 to index
        %get3A_604 = arith.constant 112 : index
        %get3A_605 = tpu.vector_load %arg11[%get3A_603, %get3A_604] {strides = array<i32>} : memref<112x128xf32, #tpu.memory_space<vmem>>, vector<1x16xf32>,
        %get3A_606 = vector.shape_cast %get3A_605 : vector<1x16xf32> to vector<16xf32>
        %slice3A_607 = vector.extract_strided_slice %get3A_78 {offsets = [4], sizes = [1], strides = [1]} : vector<16xf32> to vector<1xf32>
        %squeeze3A_608 = vector.extract %slice3A_607[0] : f32 from vector<1xf32>
        %mul3A_609 = vector.broadcast %squeeze3A_608 : f32 to vector<16xf32>
        %mul3A_610 = arith.mulf %get3A_606, %mul3A_609 : vector<16xf32>
        %swap3A_611 = arith.index_cast %add3A_511 : i32 to index
        %swap3A_612 = arith.constant 112 : index
        %swap3A_613 = tpu.vector_load %arg11[%swap3A_611, %swap3A_612] {strides = array<i32>} : memref<112x128xf32, #tpu.memory_space<vmem>>, vector<1x16xf32>,
        %swap3A_614 = vector.shape_cast %swap3A_613 : vector<1x16xf32> to vector<16xf32>
        %swap3A_615 = vector.shape_cast %mul3A_610 : vector<16xf32> to vector<1x16xf32>
        tpu.vector_store %arg11[%swap3A_611, %swap3A_612], %swap3A_615 {strides = array<i32>} : memref<112x128xf32, #tpu.memory_space<vmem>>, vector<1x16xf32>,
        %mul3A_616 = arith.constant 16 : i32
        %mul3A_617 = arith.muli %scan3A_73, %mul3A_616 : i32
        %add3A_618 = arith.constant 5 : i32
        %add3A_619 = arith.addi %mul3A_617, %add3A_618 : i32
        %get3A_620 = arith.index_cast %add3A_619 : i32 to index
        %get3A_621 = arith.constant 0 : index
        %get3A_622 = tpu.vector_load %arg11[%get3A_620, %get3A_621] {strides = array<i32>} : memref<112x128xf32, #tpu.memory_space<vmem>>, vector<1x16xf32>,
        %get3A_623 = vector.shape_cast %get3A_622 : vector<1x16xf32> to vector<16xf32>
        %slice3A_624 = vector.extract_strided_slice %get3A_78 {offsets = [5], sizes = [1], strides = [1]} : vector<16xf32> to vector<1xf32>
        %squeeze3A_625 = vector.extract %slice3A_624[0] : f32 from vector<1xf32>
        %mul3A_626 = vector.broadcast %squeeze3A_625 : f32 to vector<16xf32>
        %mul3A_627 = arith.mulf %get3A_623, %mul3A_626 : vector<16xf32>
        %swap3A_628 = arith.index_cast %add3A_619 : i32 to index
        %swap3A_629 = arith.constant 0 : index
        %swap3A_630 = tpu.vector_load %arg11[%swap3A_628, %swap3A_629] {strides = array<i32>} : memref<112x128xf32, #tpu.memory_space<vmem>>, vector<1x16xf32>,
        %swap3A_631 = vector.shape_cast %swap3A_630 : vector<1x16xf32> to vector<16xf32>
        %swap3A_632 = vector.shape_cast %mul3A_627 : vector<16xf32> to vector<1x16xf32>
        tpu.vector_store %arg11[%swap3A_628, %swap3A_629], %swap3A_632 {strides = array<i32>} : memref<112x128xf32, #tpu.memory_space<vmem>>, vector<1x16xf32>,
        %get3A_633 = arith.index_cast %add3A_619 : i32 to index
        %get3A_634 = arith.constant 16 : index
        %get3A_635 = tpu.vector_load %arg11[%get3A_633, %get3A_634] {strides = array<i32>} : memref<112x128xf32, #tpu.memory_space<vmem>>, vector<1x16xf32>,
        %get3A_636 = vector.shape_cast %get3A_635 : vector<1x16xf32> to vector<16xf32>
        %slice3A_637 = vector.extract_strided_slice %get3A_78 {offsets = [5], sizes = [1], strides = [1]} : vector<16xf32> to vector<1xf32>
        %squeeze3A_638 = vector.extract %slice3A_637[0] : f32 from vector<1xf32>
        %mul3A_639 = vector.broadcast %squeeze3A_638 : f32 to vector<16xf32>
        %mul3A_640 = arith.mulf %get3A_636, %mul3A_639 : vector<16xf32>
        %swap3A_641 = arith.index_cast %add3A_619 : i32 to index
        %swap3A_642 = arith.constant 16 : index
        %swap3A_643 = tpu.vector_load %arg11[%swap3A_641, %swap3A_642] {strides = array<i32>} : memref<112x128xf32, #tpu.memory_space<vmem>>, vector<1x16xf32>,
        %swap3A_644 = vector.shape_cast %swap3A_643 : vector<1x16xf32> to vector<16xf32>
        %swap3A_645 = vector.shape_cast %mul3A_640 : vector<16xf32> to vector<1x16xf32>
        tpu.vector_store %arg11[%swap3A_641, %swap3A_642], %swap3A_645 {strides = array<i32>} : memref<112x128xf32, #tpu.memory_space<vmem>>, vector<1x16xf32>,
        %get3A_646 = arith.index_cast %add3A_619 : i32 to index
        %get3A_647 = arith.constant 32 : index
        %get3A_648 = tpu.vector_load %arg11[%get3A_646, %get3A_647] {strides = array<i32>} : memref<112x128xf32, #tpu.memory_space<vmem>>, vector<1x16xf32>,
        %get3A_649 = vector.shape_cast %get3A_648 : vector<1x16xf32> to vector<16xf32>
        %slice3A_650 = vector.extract_strided_slice %get3A_78 {offsets = [5], sizes = [1], strides = [1]} : vector<16xf32> to vector<1xf32>
        %squeeze3A_651 = vector.extract %slice3A_650[0] : f32 from vector<1xf32>
        %mul3A_652 = vector.broadcast %squeeze3A_651 : f32 to vector<16xf32>
        %mul3A_653 = arith.mulf %get3A_649, %mul3A_652 : vector<16xf32>
        %swap3A_654 = arith.index_cast %add3A_619 : i32 to index
        %swap3A_655 = arith.constant 32 : index
        %swap3A_656 = tpu.vector_load %arg11[%swap3A_654, %swap3A_655] {strides = array<i32>} : memref<112x128xf32, #tpu.memory_space<vmem>>, vector<1x16xf32>,
        %swap3A_657 = vector.shape_cast %swap3A_656 : vector<1x16xf32> to vector<16xf32>
        %swap3A_658 = vector.shape_cast %mul3A_653 : vector<16xf32> to vector<1x16xf32>
        tpu.vector_store %arg11[%swap3A_654, %swap3A_655], %swap3A_658 {strides = array<i32>} : memref<112x128xf32, #tpu.memory_space<vmem>>, vector<1x16xf32>,
        %get3A_659 = arith.index_cast %add3A_619 : i32 to index
        %get3A_660 = arith.constant 48 : index
        %get3A_661 = tpu.vector_load %arg11[%get3A_659, %get3A_660] {strides = array<i32>} : memref<112x128xf32, #tpu.memory_space<vmem>>, vector<1x16xf32>,
        %get3A_662 = vector.shape_cast %get3A_661 : vector<1x16xf32> to vector<16xf32>
        %slice3A_663 = vector.extract_strided_slice %get3A_78 {offsets = [5], sizes = [1], strides = [1]} : vector<16xf32> to vector<1xf32>
        %squeeze3A_664 = vector.extract %slice3A_663[0] : f32 from vector<1xf32>
        %mul3A_665 = vector.broadcast %squeeze3A_664 : f32 to vector<16xf32>
        %mul3A_666 = arith.mulf %get3A_662, %mul3A_665 : vector<16xf32>
        %swap3A_667 = arith.index_cast %add3A_619 : i32 to index
        %swap3A_668 = arith.constant 48 : index
        %swap3A_669 = tpu.vector_load %arg11[%swap3A_667, %swap3A_668] {strides = array<i32>} : memref<112x128xf32, #tpu.memory_space<vmem>>, vector<1x16xf32>,
        %swap3A_670 = vector.shape_cast %swap3A_669 : vector<1x16xf32> to vector<16xf32>
        %swap3A_671 = vector.shape_cast %mul3A_666 : vector<16xf32> to vector<1x16xf32>
        tpu.vector_store %arg11[%swap3A_667, %swap3A_668], %swap3A_671 {strides = array<i32>} : memref<112x128xf32, #tpu.memory_space<vmem>>, vector<1x16xf32>,
        %get3A_672 = arith.index_cast %add3A_619 : i32 to index
        %get3A_673 = arith.constant 64 : index
        %get3A_674 = tpu.vector_load %arg11[%get3A_672, %get3A_673] {strides = array<i32>} : memref<112x128xf32, #tpu.memory_space<vmem>>, vector<1x16xf32>,
        %get3A_675 = vector.shape_cast %get3A_674 : vector<1x16xf32> to vector<16xf32>
        %slice3A_676 = vector.extract_strided_slice %get3A_78 {offsets = [5], sizes = [1], strides = [1]} : vector<16xf32> to vector<1xf32>
        %squeeze3A_677 = vector.extract %slice3A_676[0] : f32 from vector<1xf32>
        %mul3A_678 = vector.broadcast %squeeze3A_677 : f32 to vector<16xf32>
        %mul3A_679 = arith.mulf %get3A_675, %mul3A_678 : vector<16xf32>
        %swap3A_680 = arith.index_cast %add3A_619 : i32 to index
        %swap3A_681 = arith.constant 64 : index
        %swap3A_682 = tpu.vector_load %arg11[%swap3A_680, %swap3A_681] {strides = array<i32>} : memref<112x128xf32, #tpu.memory_space<vmem>>, vector<1x16xf32>,
        %swap3A_683 = vector.shape_cast %swap3A_682 : vector<1x16xf32> to vector<16xf32>
        %swap3A_684 = vector.shape_cast %mul3A_679 : vector<16xf32> to vector<1x16xf32>
        tpu.vector_store %arg11[%swap3A_680, %swap3A_681], %swap3A_684 {strides = array<i32>} : memref<112x128xf32, #tpu.memory_space<vmem>>, vector<1x16xf32>,
        %get3A_685 = arith.index_cast %add3A_619 : i32 to index
        %get3A_686 = arith.constant 80 : index
        %get3A_687 = tpu.vector_load %arg11[%get3A_685, %get3A_686] {strides = array<i32>} : memref<112x128xf32, #tpu.memory_space<vmem>>, vector<1x16xf32>,
        %get3A_688 = vector.shape_cast %get3A_687 : vector<1x16xf32> to vector<16xf32>
        %slice3A_689 = vector.extract_strided_slice %get3A_78 {offsets = [5], sizes = [1], strides = [1]} : vector<16xf32> to vector<1xf32>
        %squeeze3A_690 = vector.extract %slice3A_689[0] : f32 from vector<1xf32>
        %mul3A_691 = vector.broadcast %squeeze3A_690 : f32 to vector<16xf32>
        %mul3A_692 = arith.mulf %get3A_688, %mul3A_691 : vector<16xf32>
        %swap3A_693 = arith.index_cast %add3A_619 : i32 to index
        %swap3A_694 = arith.constant 80 : index
        %swap3A_695 = tpu.vector_load %arg11[%swap3A_693, %swap3A_694] {strides = array<i32>} : memref<112x128xf32, #tpu.memory_space<vmem>>, vector<1x16xf32>,
        %swap3A_696 = vector.shape_cast %swap3A_695 : vector<1x16xf32> to vector<16xf32>
        %swap3A_697 = vector.shape_cast %mul3A_692 : vector<16xf32> to vector<1x16xf32>
        tpu.vector_store %arg11[%swap3A_693, %swap3A_694], %swap3A_697 {strides = array<i32>} : memref<112x128xf32, #tpu.memory_space<vmem>>, vector<1x16xf32>,
        %get3A_698 = arith.index_cast %add3A_619 : i32 to index
        %get3A_699 = arith.constant 96 : index
        %get3A_700 = tpu.vector_load %arg11[%get3A_698, %get3A_699] {strides = array<i32>} : memref<112x128xf32, #tpu.memory_space<vmem>>, vector<1x16xf32>,
        %get3A_701 = vector.shape_cast %get3A_700 : vector<1x16xf32> to vector<16xf32>
        %slice3A_702 = vector.extract_strided_slice %get3A_78 {offsets = [5], sizes = [1], strides = [1]} : vector<16xf32> to vector<1xf32>
        %squeeze3A_703 = vector.extract %slice3A_702[0] : f32 from vector<1xf32>
        %mul3A_704 = vector.broadcast %squeeze3A_703 : f32 to vector<16xf32>
        %mul3A_705 = arith.mulf %get3A_701, %mul3A_704 : vector<16xf32>
        %swap3A_706 = arith.index_cast %add3A_619 : i32 to index
        %swap3A_707 = arith.constant 96 : index
        %swap3A_708 = tpu.vector_load %arg11[%swap3A_706, %swap3A_707] {strides = array<i32>} : memref<112x128xf32, #tpu.memory_space<vmem>>, vector<1x16xf32>,
        %swap3A_709 = vector.shape_cast %swap3A_708 : vector<1x16xf32> to vector<16xf32>
        %swap3A_710 = vector.shape_cast %mul3A_705 : vector<16xf32> to vector<1x16xf32>
        tpu.vector_store %arg11[%swap3A_706, %swap3A_707], %swap3A_710 {strides = array<i32>} : memref<112x128xf32, #tpu.memory_space<vmem>>, vector<1x16xf32>,
        %get3A_711 = arith.index_cast %add3A_619 : i32 to index
        %get3A_712 = arith.constant 112 : index
        %get3A_713 = tpu.vector_load %arg11[%get3A_711, %get3A_712] {strides = array<i32>} : memref<112x128xf32, #tpu.memory_space<vmem>>, vector<1x16xf32>,
        %get3A_714 = vector.shape_cast %get3A_713 : vector<1x16xf32> to vector<16xf32>
        %slice3A_715 = vector.extract_strided_slice %get3A_78 {offsets = [5], sizes = [1], strides = [1]} : vector<16xf32> to vector<1xf32>
        %squeeze3A_716 = vector.extract %slice3A_715[0] : f32 from vector<1xf32>
        %mul3A_717 = vector.broadcast %squeeze3A_716 : f32 to vector<16xf32>
        %mul3A_718 = arith.mulf %get3A_714, %mul3A_717 : vector<16xf32>
        %swap3A_719 = arith.index_cast %add3A_619 : i32 to index
        %swap3A_720 = arith.constant 112 : index
        %swap3A_721 = tpu.vector_load %arg11[%swap3A_719, %swap3A_720] {strides = array<i32>} : memref<112x128xf32, #tpu.memory_space<vmem>>, vector<1x16xf32>,
        %swap3A_722 = vector.shape_cast %swap3A_721 : vector<1x16xf32> to vector<16xf32>
        %swap3A_723 = vector.shape_cast %mul3A_718 : vector<16xf32> to vector<1x16xf32>
        tpu.vector_store %arg11[%swap3A_719, %swap3A_720], %swap3A_723 {strides = array<i32>} : memref<112x128xf32, #tpu.memory_space<vmem>>, vector<1x16xf32>,
        %mul3A_724 = arith.constant 16 : i32
        %mul3A_725 = arith.muli %scan3A_73, %mul3A_724 : i32
        %add3A_726 = arith.constant 6 : i32
        %add3A_727 = arith.addi %mul3A_725, %add3A_726 : i32
        %get3A_728 = arith.index_cast %add3A_727 : i32 to index
        %get3A_729 = arith.constant 0 : index
        %get3A_730 = tpu.vector_load %arg11[%get3A_728, %get3A_729] {strides = array<i32>} : memref<112x128xf32, #tpu.memory_space<vmem>>, vector<1x16xf32>,
        %get3A_731 = vector.shape_cast %get3A_730 : vector<1x16xf32> to vector<16xf32>
        %slice3A_732 = vector.extract_strided_slice %get3A_78 {offsets = [6], sizes = [1], strides = [1]} : vector<16xf32> to vector<1xf32>
        %squeeze3A_733 = vector.extract %slice3A_732[0] : f32 from vector<1xf32>
        %mul3A_734 = vector.broadcast %squeeze3A_733 : f32 to vector<16xf32>
        %mul3A_735 = arith.mulf %get3A_731, %mul3A_734 : vector<16xf32>
        %swap3A_736 = arith.index_cast %add3A_727 : i32 to index
        %swap3A_737 = arith.constant 0 : index
        %swap3A_738 = tpu.vector_load %arg11[%swap3A_736, %swap3A_737] {strides = array<i32>} : memref<112x128xf32, #tpu.memory_space<vmem>>, vector<1x16xf32>,
        %swap3A_739 = vector.shape_cast %swap3A_738 : vector<1x16xf32> to vector<16xf32>
        %swap3A_740 = vector.shape_cast %mul3A_735 : vector<16xf32> to vector<1x16xf32>
        tpu.vector_store %arg11[%swap3A_736, %swap3A_737], %swap3A_740 {strides = array<i32>} : memref<112x128xf32, #tpu.memory_space<vmem>>, vector<1x16xf32>,
        %get3A_741 = arith.index_cast %add3A_727 : i32 to index
        %get3A_742 = arith.constant 16 : index
        %get3A_743 = tpu.vector_load %arg11[%get3A_741, %get3A_742] {strides = array<i32>} : memref<112x128xf32, #tpu.memory_space<vmem>>, vector<1x16xf32>,
        %get3A_744 = vector.shape_cast %get3A_743 : vector<1x16xf32> to vector<16xf32>
        %slice3A_745 = vector.extract_strided_slice %get3A_78 {offsets = [6], sizes = [1], strides = [1]} : vector<16xf32> to vector<1xf32>
        %squeeze3A_746 = vector.extract %slice3A_745[0] : f32 from vector<1xf32>
        %mul3A_747 = vector.broadcast %squeeze3A_746 : f32 to vector<16xf32>
        %mul3A_748 = arith.mulf %get3A_744, %mul3A_747 : vector<16xf32>
        %swap3A_749 = arith.index_cast %add3A_727 : i32 to index
        %swap3A_750 = arith.constant 16 : index
        %swap3A_751 = tpu.vector_load %arg11[%swap3A_749, %swap3A_750] {strides = array<i32>} : memref<112x128xf32, #tpu.memory_space<vmem>>, vector<1x16xf32>,
        %swap3A_752 = vector.shape_cast %swap3A_751 : vector<1x16xf32> to vector<16xf32>
        %swap3A_753 = vector.shape_cast %mul3A_748 : vector<16xf32> to vector<1x16xf32>
        tpu.vector_store %arg11[%swap3A_749, %swap3A_750], %swap3A_753 {strides = array<i32>} : memref<112x128xf32, #tpu.memory_space<vmem>>, vector<1x16xf32>,
        %get3A_754 = arith.index_cast %add3A_727 : i32 to index
        %get3A_755 = arith.constant 32 : index
        %get3A_756 = tpu.vector_load %arg11[%get3A_754, %get3A_755] {strides = array<i32>} : memref<112x128xf32, #tpu.memory_space<vmem>>, vector<1x16xf32>,
        %get3A_757 = vector.shape_cast %get3A_756 : vector<1x16xf32> to vector<16xf32>
        %slice3A_758 = vector.extract_strided_slice %get3A_78 {offsets = [6], sizes = [1], strides = [1]} : vector<16xf32> to vector<1xf32>
        %squeeze3A_759 = vector.extract %slice3A_758[0] : f32 from vector<1xf32>
        %mul3A_760 = vector.broadcast %squeeze3A_759 : f32 to vector<16xf32>
        %mul3A_761 = arith.mulf %get3A_757, %mul3A_760 : vector<16xf32>
        %swap3A_762 = arith.index_cast %add3A_727 : i32 to index
        %swap3A_763 = arith.constant 32 : index
        %swap3A_764 = tpu.vector_load %arg11[%swap3A_762, %swap3A_763] {strides = array<i32>} : memref<112x128xf32, #tpu.memory_space<vmem>>, vector<1x16xf32>,
        %swap3A_765 = vector.shape_cast %swap3A_764 : vector<1x16xf32> to vector<16xf32>
        %swap3A_766 = vector.shape_cast %mul3A_761 : vector<16xf32> to vector<1x16xf32>
        tpu.vector_store %arg11[%swap3A_762, %swap3A_763], %swap3A_766 {strides = array<i32>} : memref<112x128xf32, #tpu.memory_space<vmem>>, vector<1x16xf32>,
        %get3A_767 = arith.index_cast %add3A_727 : i32 to index
        %get3A_768 = arith.constant 48 : index
        %get3A_769 = tpu.vector_load %arg11[%get3A_767, %get3A_768] {strides = array<i32>} : memref<112x128xf32, #tpu.memory_space<vmem>>, vector<1x16xf32>,
        %get3A_770 = vector.shape_cast %get3A_769 : vector<1x16xf32> to vector<16xf32>
        %slice3A_771 = vector.extract_strided_slice %get3A_78 {offsets = [6], sizes = [1], strides = [1]} : vector<16xf32> to vector<1xf32>
        %squeeze3A_772 = vector.extract %slice3A_771[0] : f32 from vector<1xf32>
        %mul3A_773 = vector.broadcast %squeeze3A_772 : f32 to vector<16xf32>
        %mul3A_774 = arith.mulf %get3A_770, %mul3A_773 : vector<16xf32>
        %swap3A_775 = arith.index_cast %add3A_727 : i32 to index
        %swap3A_776 = arith.constant 48 : index
        %swap3A_777 = tpu.vector_load %arg11[%swap3A_775, %swap3A_776] {strides = array<i32>} : memref<112x128xf32, #tpu.memory_space<vmem>>, vector<1x16xf32>,
        %swap3A_778 = vector.shape_cast %swap3A_777 : vector<1x16xf32> to vector<16xf32>
        %swap3A_779 = vector.shape_cast %mul3A_774 : vector<16xf32> to vector<1x16xf32>
        tpu.vector_store %arg11[%swap3A_775, %swap3A_776], %swap3A_779 {strides = array<i32>} : memref<112x128xf32, #tpu.memory_space<vmem>>, vector<1x16xf32>,
        %get3A_780 = arith.index_cast %add3A_727 : i32 to index
        %get3A_781 = arith.constant 64 : index
        %get3A_782 = tpu.vector_load %arg11[%get3A_780, %get3A_781] {strides = array<i32>} : memref<112x128xf32, #tpu.memory_space<vmem>>, vector<1x16xf32>,
        %get3A_783 = vector.shape_cast %get3A_782 : vector<1x16xf32> to vector<16xf32>
        %slice3A_784 = vector.extract_strided_slice %get3A_78 {offsets = [6], sizes = [1], strides = [1]} : vector<16xf32> to vector<1xf32>
        %squeeze3A_785 = vector.extract %slice3A_784[0] : f32 from vector<1xf32>
        %mul3A_786 = vector.broadcast %squeeze3A_785 : f32 to vector<16xf32>
        %mul3A_787 = arith.mulf %get3A_783, %mul3A_786 : vector<16xf32>
        %swap3A_788 = arith.index_cast %add3A_727 : i32 to index
        %swap3A_789 = arith.constant 64 : index
        %swap3A_790 = tpu.vector_load %arg11[%swap3A_788, %swap3A_789] {strides = array<i32>} : memref<112x128xf32, #tpu.memory_space<vmem>>, vector<1x16xf32>,
        %swap3A_791 = vector.shape_cast %swap3A_790 : vector<1x16xf32> to vector<16xf32>
        %swap3A_792 = vector.shape_cast %mul3A_787 : vector<16xf32> to vector<1x16xf32>
        tpu.vector_store %arg11[%swap3A_788, %swap3A_789], %swap3A_792 {strides = array<i32>} : memref<112x128xf32, #tpu.memory_space<vmem>>, vector<1x16xf32>,
        %get3A_793 = arith.index_cast %add3A_727 : i32 to index
        %get3A_794 = arith.constant 80 : index
        %get3A_795 = tpu.vector_load %arg11[%get3A_793, %get3A_794] {strides = array<i32>} : memref<112x128xf32, #tpu.memory_space<vmem>>, vector<1x16xf32>,
        %get3A_796 = vector.shape_cast %get3A_795 : vector<1x16xf32> to vector<16xf32>
        %slice3A_797 = vector.extract_strided_slice %get3A_78 {offsets = [6], sizes = [1], strides = [1]} : vector<16xf32> to vector<1xf32>
        %squeeze3A_798 = vector.extract %slice3A_797[0] : f32 from vector<1xf32>
        %mul3A_799 = vector.broadcast %squeeze3A_798 : f32 to vector<16xf32>
        %mul3A_800 = arith.mulf %get3A_796, %mul3A_799 : vector<16xf32>
        %swap3A_801 = arith.index_cast %add3A_727 : i32 to index
        %swap3A_802 = arith.constant 80 : index
        %swap3A_803 = tpu.vector_load %arg11[%swap3A_801, %swap3A_802] {strides = array<i32>} : memref<112x128xf32, #tpu.memory_space<vmem>>, vector<1x16xf32>,
        %swap3A_804 = vector.shape_cast %swap3A_803 : vector<1x16xf32> to vector<16xf32>
        %swap3A_805 = vector.shape_cast %mul3A_800 : vector<16xf32> to vector<1x16xf32>
        tpu.vector_store %arg11[%swap3A_801, %swap3A_802], %swap3A_805 {strides = array<i32>} : memref<112x128xf32, #tpu.memory_space<vmem>>, vector<1x16xf32>,
        %get3A_806 = arith.index_cast %add3A_727 : i32 to index
        %get3A_807 = arith.constant 96 : index
        %get3A_808 = tpu.vector_load %arg11[%get3A_806, %get3A_807] {strides = array<i32>} : memref<112x128xf32, #tpu.memory_space<vmem>>, vector<1x16xf32>,
        %get3A_809 = vector.shape_cast %get3A_808 : vector<1x16xf32> to vector<16xf32>
        %slice3A_810 = vector.extract_strided_slice %get3A_78 {offsets = [6], sizes = [1], strides = [1]} : vector<16xf32> to vector<1xf32>
        %squeeze3A_811 = vector.extract %slice3A_810[0] : f32 from vector<1xf32>
        %mul3A_812 = vector.broadcast %squeeze3A_811 : f32 to vector<16xf32>
        %mul3A_813 = arith.mulf %get3A_809, %mul3A_812 : vector<16xf32>
        %swap3A_814 = arith.index_cast %add3A_727 : i32 to index
        %swap3A_815 = arith.constant 96 : index
        %swap3A_816 = tpu.vector_load %arg11[%swap3A_814, %swap3A_815] {strides = array<i32>} : memref<112x128xf32, #tpu.memory_space<vmem>>, vector<1x16xf32>,
        %swap3A_817 = vector.shape_cast %swap3A_816 : vector<1x16xf32> to vector<16xf32>
        %swap3A_818 = vector.shape_cast %mul3A_813 : vector<16xf32> to vector<1x16xf32>
        tpu.vector_store %arg11[%swap3A_814, %swap3A_815], %swap3A_818 {strides = array<i32>} : memref<112x128xf32, #tpu.memory_space<vmem>>, vector<1x16xf32>,
        %get3A_819 = arith.index_cast %add3A_727 : i32 to index
        %get3A_820 = arith.constant 112 : index
        %get3A_821 = tpu.vector_load %arg11[%get3A_819, %get3A_820] {strides = array<i32>} : memref<112x128xf32, #tpu.memory_space<vmem>>, vector<1x16xf32>,
        %get3A_822 = vector.shape_cast %get3A_821 : vector<1x16xf32> to vector<16xf32>
        %slice3A_823 = vector.extract_strided_slice %get3A_78 {offsets = [6], sizes = [1], strides = [1]} : vector<16xf32> to vector<1xf32>
        %squeeze3A_824 = vector.extract %slice3A_823[0] : f32 from vector<1xf32>
        %mul3A_825 = vector.broadcast %squeeze3A_824 : f32 to vector<16xf32>
        %mul3A_826 = arith.mulf %get3A_822, %mul3A_825 : vector<16xf32>
        %swap3A_827 = arith.index_cast %add3A_727 : i32 to index
        %swap3A_828 = arith.constant 112 : index
        %swap3A_829 = tpu.vector_load %arg11[%swap3A_827, %swap3A_828] {strides = array<i32>} : memref<112x128xf32, #tpu.memory_space<vmem>>, vector<1x16xf32>,
        %swap3A_830 = vector.shape_cast %swap3A_829 : vector<1x16xf32> to vector<16xf32>
        %swap3A_831 = vector.shape_cast %mul3A_826 : vector<16xf32> to vector<1x16xf32>
        tpu.vector_store %arg11[%swap3A_827, %swap3A_828], %swap3A_831 {strides = array<i32>} : memref<112x128xf32, #tpu.memory_space<vmem>>, vector<1x16xf32>,
        %mul3A_832 = arith.constant 16 : i32
        %mul3A_833 = arith.muli %scan3A_73, %mul3A_832 : i32
        %add3A_834 = arith.constant 7 : i32
        %add3A_835 = arith.addi %mul3A_833, %add3A_834 : i32
        %get3A_836 = arith.index_cast %add3A_835 : i32 to index
        %get3A_837 = arith.constant 0 : index
        %get3A_838 = tpu.vector_load %arg11[%get3A_836, %get3A_837] {strides = array<i32>} : memref<112x128xf32, #tpu.memory_space<vmem>>, vector<1x16xf32>,
        %get3A_839 = vector.shape_cast %get3A_838 : vector<1x16xf32> to vector<16xf32>
        %slice3A_840 = vector.extract_strided_slice %get3A_78 {offsets = [7], sizes = [1], strides = [1]} : vector<16xf32> to vector<1xf32>
        %squeeze3A_841 = vector.extract %slice3A_840[0] : f32 from vector<1xf32>
        %mul3A_842 = vector.broadcast %squeeze3A_841 : f32 to vector<16xf32>
        %mul3A_843 = arith.mulf %get3A_839, %mul3A_842 : vector<16xf32>
        %swap3A_844 = arith.index_cast %add3A_835 : i32 to index
        %swap3A_845 = arith.constant 0 : index
        %swap3A_846 = tpu.vector_load %arg11[%swap3A_844, %swap3A_845] {strides = array<i32>} : memref<112x128xf32, #tpu.memory_space<vmem>>, vector<1x16xf32>,
        %swap3A_847 = vector.shape_cast %swap3A_846 : vector<1x16xf32> to vector<16xf32>
        %swap3A_848 = vector.shape_cast %mul3A_843 : vector<16xf32> to vector<1x16xf32>
        tpu.vector_store %arg11[%swap3A_844, %swap3A_845], %swap3A_848 {strides = array<i32>} : memref<112x128xf32, #tpu.memory_space<vmem>>, vector<1x16xf32>,
        %get3A_849 = arith.index_cast %add3A_835 : i32 to index
        %get3A_850 = arith.constant 16 : index
        %get3A_851 = tpu.vector_load %arg11[%get3A_849, %get3A_850] {strides = array<i32>} : memref<112x128xf32, #tpu.memory_space<vmem>>, vector<1x16xf32>,
        %get3A_852 = vector.shape_cast %get3A_851 : vector<1x16xf32> to vector<16xf32>
        %slice3A_853 = vector.extract_strided_slice %get3A_78 {offsets = [7], sizes = [1], strides = [1]} : vector<16xf32> to vector<1xf32>
        %squeeze3A_854 = vector.extract %slice3A_853[0] : f32 from vector<1xf32>
        %mul3A_855 = vector.broadcast %squeeze3A_854 : f32 to vector<16xf32>
        %mul3A_856 = arith.mulf %get3A_852, %mul3A_855 : vector<16xf32>
        %swap3A_857 = arith.index_cast %add3A_835 : i32 to index
        %swap3A_858 = arith.constant 16 : index
        %swap3A_859 = tpu.vector_load %arg11[%swap3A_857, %swap3A_858] {strides = array<i32>} : memref<112x128xf32, #tpu.memory_space<vmem>>, vector<1x16xf32>,
        %swap3A_860 = vector.shape_cast %swap3A_859 : vector<1x16xf32> to vector<16xf32>
        %swap3A_861 = vector.shape_cast %mul3A_856 : vector<16xf32> to vector<1x16xf32>
        tpu.vector_store %arg11[%swap3A_857, %swap3A_858], %swap3A_861 {strides = array<i32>} : memref<112x128xf32, #tpu.memory_space<vmem>>, vector<1x16xf32>,
        %get3A_862 = arith.index_cast %add3A_835 : i32 to index
        %get3A_863 = arith.constant 32 : index
        %get3A_864 = tpu.vector_load %arg11[%get3A_862, %get3A_863] {strides = array<i32>} : memref<112x128xf32, #tpu.memory_space<vmem>>, vector<1x16xf32>,
        %get3A_865 = vector.shape_cast %get3A_864 : vector<1x16xf32> to vector<16xf32>
        %slice3A_866 = vector.extract_strided_slice %get3A_78 {offsets = [7], sizes = [1], strides = [1]} : vector<16xf32> to vector<1xf32>
        %squeeze3A_867 = vector.extract %slice3A_866[0] : f32 from vector<1xf32>
        %mul3A_868 = vector.broadcast %squeeze3A_867 : f32 to vector<16xf32>
        %mul3A_869 = arith.mulf %get3A_865, %mul3A_868 : vector<16xf32>
        %swap3A_870 = arith.index_cast %add3A_835 : i32 to index
        %swap3A_871 = arith.constant 32 : index
        %swap3A_872 = tpu.vector_load %arg11[%swap3A_870, %swap3A_871] {strides = array<i32>} : memref<112x128xf32, #tpu.memory_space<vmem>>, vector<1x16xf32>,
        %swap3A_873 = vector.shape_cast %swap3A_872 : vector<1x16xf32> to vector<16xf32>
        %swap3A_874 = vector.shape_cast %mul3A_869 : vector<16xf32> to vector<1x16xf32>
        tpu.vector_store %arg11[%swap3A_870, %swap3A_871], %swap3A_874 {strides = array<i32>} : memref<112x128xf32, #tpu.memory_space<vmem>>, vector<1x16xf32>,
        %get3A_875 = arith.index_cast %add3A_835 : i32 to index
        %get3A_876 = arith.constant 48 : index
        %get3A_877 = tpu.vector_load %arg11[%get3A_875, %get3A_876] {strides = array<i32>} : memref<112x128xf32, #tpu.memory_space<vmem>>, vector<1x16xf32>,
        %get3A_878 = vector.shape_cast %get3A_877 : vector<1x16xf32> to vector<16xf32>
        %slice3A_879 = vector.extract_strided_slice %get3A_78 {offsets = [7], sizes = [1], strides = [1]} : vector<16xf32> to vector<1xf32>
        %squeeze3A_880 = vector.extract %slice3A_879[0] : f32 from vector<1xf32>
        %mul3A_881 = vector.broadcast %squeeze3A_880 : f32 to vector<16xf32>
        %mul3A_882 = arith.mulf %get3A_878, %mul3A_881 : vector<16xf32>
        %swap3A_883 = arith.index_cast %add3A_835 : i32 to index
        %swap3A_884 = arith.constant 48 : index
        %swap3A_885 = tpu.vector_load %arg11[%swap3A_883, %swap3A_884] {strides = array<i32>} : memref<112x128xf32, #tpu.memory_space<vmem>>, vector<1x16xf32>,
        %swap3A_886 = vector.shape_cast %swap3A_885 : vector<1x16xf32> to vector<16xf32>
        %swap3A_887 = vector.shape_cast %mul3A_882 : vector<16xf32> to vector<1x16xf32>
        tpu.vector_store %arg11[%swap3A_883, %swap3A_884], %swap3A_887 {strides = array<i32>} : memref<112x128xf32, #tpu.memory_space<vmem>>, vector<1x16xf32>,
        %get3A_888 = arith.index_cast %add3A_835 : i32 to index
        %get3A_889 = arith.constant 64 : index
        %get3A_890 = tpu.vector_load %arg11[%get3A_888, %get3A_889] {strides = array<i32>} : memref<112x128xf32, #tpu.memory_space<vmem>>, vector<1x16xf32>,
        %get3A_891 = vector.shape_cast %get3A_890 : vector<1x16xf32> to vector<16xf32>
        %slice3A_892 = vector.extract_strided_slice %get3A_78 {offsets = [7], sizes = [1], strides = [1]} : vector<16xf32> to vector<1xf32>
        %squeeze3A_893 = vector.extract %slice3A_892[0] : f32 from vector<1xf32>
        %mul3A_894 = vector.broadcast %squeeze3A_893 : f32 to vector<16xf32>
        %mul3A_895 = arith.mulf %get3A_891, %mul3A_894 : vector<16xf32>
        %swap3A_896 = arith.index_cast %add3A_835 : i32 to index
        %swap3A_897 = arith.constant 64 : index
        %swap3A_898 = tpu.vector_load %arg11[%swap3A_896, %swap3A_897] {strides = array<i32>} : memref<112x128xf32, #tpu.memory_space<vmem>>, vector<1x16xf32>,
        %swap3A_899 = vector.shape_cast %swap3A_898 : vector<1x16xf32> to vector<16xf32>
        %swap3A_900 = vector.shape_cast %mul3A_895 : vector<16xf32> to vector<1x16xf32>
        tpu.vector_store %arg11[%swap3A_896, %swap3A_897], %swap3A_900 {strides = array<i32>} : memref<112x128xf32, #tpu.memory_space<vmem>>, vector<1x16xf32>,
        %get3A_901 = arith.index_cast %add3A_835 : i32 to index
        %get3A_902 = arith.constant 80 : index
        %get3A_903 = tpu.vector_load %arg11[%get3A_901, %get3A_902] {strides = array<i32>} : memref<112x128xf32, #tpu.memory_space<vmem>>, vector<1x16xf32>,
        %get3A_904 = vector.shape_cast %get3A_903 : vector<1x16xf32> to vector<16xf32>
        %slice3A_905 = vector.extract_strided_slice %get3A_78 {offsets = [7], sizes = [1], strides = [1]} : vector<16xf32> to vector<1xf32>
        %squeeze3A_906 = vector.extract %slice3A_905[0] : f32 from vector<1xf32>
        %mul3A_907 = vector.broadcast %squeeze3A_906 : f32 to vector<16xf32>
        %mul3A_908 = arith.mulf %get3A_904, %mul3A_907 : vector<16xf32>
        %swap3A_909 = arith.index_cast %add3A_835 : i32 to index
        %swap3A_910 = arith.constant 80 : index
        %swap3A_911 = tpu.vector_load %arg11[%swap3A_909, %swap3A_910] {strides = array<i32>} : memref<112x128xf32, #tpu.memory_space<vmem>>, vector<1x16xf32>,
        %swap3A_912 = vector.shape_cast %swap3A_911 : vector<1x16xf32> to vector<16xf32>
        %swap3A_913 = vector.shape_cast %mul3A_908 : vector<16xf32> to vector<1x16xf32>
        tpu.vector_store %arg11[%swap3A_909, %swap3A_910], %swap3A_913 {strides = array<i32>} : memref<112x128xf32, #tpu.memory_space<vmem>>, vector<1x16xf32>,
        %get3A_914 = arith.index_cast %add3A_835 : i32 to index
        %get3A_915 = arith.constant 96 : index
        %get3A_916 = tpu.vector_load %arg11[%get3A_914, %get3A_915] {strides = array<i32>} : memref<112x128xf32, #tpu.memory_space<vmem>>, vector<1x16xf32>,
        %get3A_917 = vector.shape_cast %get3A_916 : vector<1x16xf32> to vector<16xf32>
        %slice3A_918 = vector.extract_strided_slice %get3A_78 {offsets = [7], sizes = [1], strides = [1]} : vector<16xf32> to vector<1xf32>
        %squeeze3A_919 = vector.extract %slice3A_918[0] : f32 from vector<1xf32>
        %mul3A_920 = vector.broadcast %squeeze3A_919 : f32 to vector<16xf32>
        %mul3A_921 = arith.mulf %get3A_917, %mul3A_920 : vector<16xf32>
        %swap3A_922 = arith.index_cast %add3A_835 : i32 to index
        %swap3A_923 = arith.constant 96 : index
        %swap3A_924 = tpu.vector_load %arg11[%swap3A_922, %swap3A_923] {strides = array<i32>} : memref<112x128xf32, #tpu.memory_space<vmem>>, vector<1x16xf32>,
        %swap3A_925 = vector.shape_cast %swap3A_924 : vector<1x16xf32> to vector<16xf32>
        %swap3A_926 = vector.shape_cast %mul3A_921 : vector<16xf32> to vector<1x16xf32>
        tpu.vector_store %arg11[%swap3A_922, %swap3A_923], %swap3A_926 {strides = array<i32>} : memref<112x128xf32, #tpu.memory_space<vmem>>, vector<1x16xf32>,
        %get3A_927 = arith.index_cast %add3A_835 : i32 to index
        %get3A_928 = arith.constant 112 : index
        %get3A_929 = tpu.vector_load %arg11[%get3A_927, %get3A_928] {strides = array<i32>} : memref<112x128xf32, #tpu.memory_space<vmem>>, vector<1x16xf32>,
        %get3A_930 = vector.shape_cast %get3A_929 : vector<1x16xf32> to vector<16xf32>
        %slice3A_931 = vector.extract_strided_slice %get3A_78 {offsets = [7], sizes = [1], strides = [1]} : vector<16xf32> to vector<1xf32>
        %squeeze3A_932 = vector.extract %slice3A_931[0] : f32 from vector<1xf32>
        %mul3A_933 = vector.broadcast %squeeze3A_932 : f32 to vector<16xf32>
        %mul3A_934 = arith.mulf %get3A_930, %mul3A_933 : vector<16xf32>
        %swap3A_935 = arith.index_cast %add3A_835 : i32 to index
        %swap3A_936 = arith.constant 112 : index
        %swap3A_937 = tpu.vector_load %arg11[%swap3A_935, %swap3A_936] {strides = array<i32>} : memref<112x128xf32, #tpu.memory_space<vmem>>, vector<1x16xf32>,
        %swap3A_938 = vector.shape_cast %swap3A_937 : vector<1x16xf32> to vector<16xf32>
        %swap3A_939 = vector.shape_cast %mul3A_934 : vector<16xf32> to vector<1x16xf32>
        tpu.vector_store %arg11[%swap3A_935, %swap3A_936], %swap3A_939 {strides = array<i32>} : memref<112x128xf32, #tpu.memory_space<vmem>>, vector<1x16xf32>,
        %mul3A_940 = arith.constant 16 : i32
        %mul3A_941 = arith.muli %scan3A_73, %mul3A_940 : i32
        %add3A_942 = arith.constant 8 : i32
        %add3A_943 = arith.addi %mul3A_941, %add3A_942 : i32
        %get3A_944 = arith.index_cast %add3A_943 : i32 to index
        %get3A_945 = arith.constant 0 : index
        %get3A_946 = tpu.vector_load %arg11[%get3A_944, %get3A_945] {strides = array<i32>} : memref<112x128xf32, #tpu.memory_space<vmem>>, vector<1x16xf32>,
        %get3A_947 = vector.shape_cast %get3A_946 : vector<1x16xf32> to vector<16xf32>
        %slice3A_948 = vector.extract_strided_slice %get3A_78 {offsets = [8], sizes = [1], strides = [1]} : vector<16xf32> to vector<1xf32>
        %squeeze3A_949 = vector.extract %slice3A_948[0] : f32 from vector<1xf32>
        %mul3A_950 = vector.broadcast %squeeze3A_949 : f32 to vector<16xf32>
        %mul3A_951 = arith.mulf %get3A_947, %mul3A_950 : vector<16xf32>
        %swap3A_952 = arith.index_cast %add3A_943 : i32 to index
        %swap3A_953 = arith.constant 0 : index
        %swap3A_954 = tpu.vector_load %arg11[%swap3A_952, %swap3A_953] {strides = array<i32>} : memref<112x128xf32, #tpu.memory_space<vmem>>, vector<1x16xf32>,
        %swap3A_955 = vector.shape_cast %swap3A_954 : vector<1x16xf32> to vector<16xf32>
        %swap3A_956 = vector.shape_cast %mul3A_951 : vector<16xf32> to vector<1x16xf32>
        tpu.vector_store %arg11[%swap3A_952, %swap3A_953], %swap3A_956 {strides = array<i32>} : memref<112x128xf32, #tpu.memory_space<vmem>>, vector<1x16xf32>,
        %get3A_957 = arith.index_cast %add3A_943 : i32 to index
        %get3A_958 = arith.constant 16 : index
        %get3A_959 = tpu.vector_load %arg11[%get3A_957, %get3A_958] {strides = array<i32>} : memref<112x128xf32, #tpu.memory_space<vmem>>, vector<1x16xf32>,
        %get3A_960 = vector.shape_cast %get3A_959 : vector<1x16xf32> to vector<16xf32>
        %slice3A_961 = vector.extract_strided_slice %get3A_78 {offsets = [8], sizes = [1], strides = [1]} : vector<16xf32> to vector<1xf32>
        %squeeze3A_962 = vector.extract %slice3A_961[0] : f32 from vector<1xf32>
        %mul3A_963 = vector.broadcast %squeeze3A_962 : f32 to vector<16xf32>
        %mul3A_964 = arith.mulf %get3A_960, %mul3A_963 : vector<16xf32>
        %swap3A_965 = arith.index_cast %add3A_943 : i32 to index
        %swap3A_966 = arith.constant 16 : index
        %swap3A_967 = tpu.vector_load %arg11[%swap3A_965, %swap3A_966] {strides = array<i32>} : memref<112x128xf32, #tpu.memory_space<vmem>>, vector<1x16xf32>,
        %swap3A_968 = vector.shape_cast %swap3A_967 : vector<1x16xf32> to vector<16xf32>
        %swap3A_969 = vector.shape_cast %mul3A_964 : vector<16xf32> to vector<1x16xf32>
        tpu.vector_store %arg11[%swap3A_965, %swap3A_966], %swap3A_969 {strides = array<i32>} : memref<112x128xf32, #tpu.memory_space<vmem>>, vector<1x16xf32>,
        %get3A_970 = arith.index_cast %add3A_943 : i32 to index
        %get3A_971 = arith.constant 32 : index
        %get3A_972 = tpu.vector_load %arg11[%get3A_970, %get3A_971] {strides = array<i32>} : memref<112x128xf32, #tpu.memory_space<vmem>>, vector<1x16xf32>,
        %get3A_973 = vector.shape_cast %get3A_972 : vector<1x16xf32> to vector<16xf32>
        %slice3A_974 = vector.extract_strided_slice %get3A_78 {offsets = [8], sizes = [1], strides = [1]} : vector<16xf32> to vector<1xf32>
        %squeeze3A_975 = vector.extract %slice3A_974[0] : f32 from vector<1xf32>
        %mul3A_976 = vector.broadcast %squeeze3A_975 : f32 to vector<16xf32>
        %mul3A_977 = arith.mulf %get3A_973, %mul3A_976 : vector<16xf32>
        %swap3A_978 = arith.index_cast %add3A_943 : i32 to index
        %swap3A_979 = arith.constant 32 : index
        %swap3A_980 = tpu.vector_load %arg11[%swap3A_978, %swap3A_979] {strides = array<i32>} : memref<112x128xf32, #tpu.memory_space<vmem>>, vector<1x16xf32>,
        %swap3A_981 = vector.shape_cast %swap3A_980 : vector<1x16xf32> to vector<16xf32>
        %swap3A_982 = vector.shape_cast %mul3A_977 : vector<16xf32> to vector<1x16xf32>
        tpu.vector_store %arg11[%swap3A_978, %swap3A_979], %swap3A_982 {strides = array<i32>} : memref<112x128xf32, #tpu.memory_space<vmem>>, vector<1x16xf32>,
        %get3A_983 = arith.index_cast %add3A_943 : i32 to index
        %get3A_984 = arith.constant 48 : index
        %get3A_985 = tpu.vector_load %arg11[%get3A_983, %get3A_984] {strides = array<i32>} : memref<112x128xf32, #tpu.memory_space<vmem>>, vector<1x16xf32>,
        %get3A_986 = vector.shape_cast %get3A_985 : vector<1x16xf32> to vector<16xf32>
        %slice3A_987 = vector.extract_strided_slice %get3A_78 {offsets = [8], sizes = [1], strides = [1]} : vector<16xf32> to vector<1xf32>
        %squeeze3A_988 = vector.extract %slice3A_987[0] : f32 from vector<1xf32>
        %mul3A_989 = vector.broadcast %squeeze3A_988 : f32 to vector<16xf32>
        %mul3A_990 = arith.mulf %get3A_986, %mul3A_989 : vector<16xf32>
        %swap3A_991 = arith.index_cast %add3A_943 : i32 to index
        %swap3A_992 = arith.constant 48 : index
        %swap3A_993 = tpu.vector_load %arg11[%swap3A_991, %swap3A_992] {strides = array<i32>} : memref<112x128xf32, #tpu.memory_space<vmem>>, vector<1x16xf32>,
        %swap3A_994 = vector.shape_cast %swap3A_993 : vector<1x16xf32> to vector<16xf32>
        %swap3A_995 = vector.shape_cast %mul3A_990 : vector<16xf32> to vector<1x16xf32>
        tpu.vector_store %arg11[%swap3A_991, %swap3A_992], %swap3A_995 {strides = array<i32>} : memref<112x128xf32, #tpu.memory_space<vmem>>, vector<1x16xf32>,
        %get3A_996 = arith.index_cast %add3A_943 : i32 to index
        %get3A_997 = arith.constant 64 : index
        %get3A_998 = tpu.vector_load %arg11[%get3A_996, %get3A_997] {strides = array<i32>} : memref<112x128xf32, #tpu.memory_space<vmem>>, vector<1x16xf32>,
        %get3A_999 = vector.shape_cast %get3A_998 : vector<1x16xf32> to vector<16xf32>
        %slice3A_1000 = vector.extract_strided_slice %get3A_78 {offsets = [8], sizes = [1], strides = [1]} : vector<16xf32> to vector<1xf32>
        %squeeze3A_1001 = vector.extract %slice3A_1000[0] : f32 from vector<1xf32>
        %mul3A_1002 = vector.broadcast %squeeze3A_1001 : f32 to vector<16xf32>
        %mul3A_1003 = arith.mulf %get3A_999, %mul3A_1002 : vector<16xf32>
        %swap3A_1004 = arith.index_cast %add3A_943 : i32 to index
        %swap3A_1005 = arith.constant 64 : index
        %swap3A_1006 = tpu.vector_load %arg11[%swap3A_1004, %swap3A_1005] {strides = array<i32>} : memref<112x128xf32, #tpu.memory_space<vmem>>, vector<1x16xf32>,
        %swap3A_1007 = vector.shape_cast %swap3A_1006 : vector<1x16xf32> to vector<16xf32>
        %swap3A_1008 = vector.shape_cast %mul3A_1003 : vector<16xf32> to vector<1x16xf32>
        tpu.vector_store %arg11[%swap3A_1004, %swap3A_1005], %swap3A_1008 {strides = array<i32>} : memref<112x128xf32, #tpu.memory_space<vmem>>, vector<1x16xf32>,
        %get3A_1009 = arith.index_cast %add3A_943 : i32 to index
        %get3A_1010 = arith.constant 80 : index
        %get3A_1011 = tpu.vector_load %arg11[%get3A_1009, %get3A_1010] {strides = array<i32>} : memref<112x128xf32, #tpu.memory_space<vmem>>, vector<1x16xf32>,
        %get3A_1012 = vector.shape_cast %get3A_1011 : vector<1x16xf32> to vector<16xf32>
        %slice3A_1013 = vector.extract_strided_slice %get3A_78 {offsets = [8], sizes = [1], strides = [1]} : vector<16xf32> to vector<1xf32>
        %squeeze3A_1014 = vector.extract %slice3A_1013[0] : f32 from vector<1xf32>
        %mul3A_1015 = vector.broadcast %squeeze3A_1014 : f32 to vector<16xf32>
        %mul3A_1016 = arith.mulf %get3A_1012, %mul3A_1015 : vector<16xf32>
        %swap3A_1017 = arith.index_cast %add3A_943 : i32 to index
        %swap3A_1018 = arith.constant 80 : index
        %swap3A_1019 = tpu.vector_load %arg11[%swap3A_1017, %swap3A_1018] {strides = array<i32>} : memref<112x128xf32, #tpu.memory_space<vmem>>, vector<1x16xf32>,
        %swap3A_1020 = vector.shape_cast %swap3A_1019 : vector<1x16xf32> to vector<16xf32>
        %swap3A_1021 = vector.shape_cast %mul3A_1016 : vector<16xf32> to vector<1x16xf32>
        tpu.vector_store %arg11[%swap3A_1017, %swap3A_1018], %swap3A_1021 {strides = array<i32>} : memref<112x128xf32, #tpu.memory_space<vmem>>, vector<1x16xf32>,
        %get3A_1022 = arith.index_cast %add3A_943 : i32 to index
        %get3A_1023 = arith.constant 96 : index
        %get3A_1024 = tpu.vector_load %arg11[%get3A_1022, %get3A_1023] {strides = array<i32>} : memref<112x128xf32, #tpu.memory_space<vmem>>, vector<1x16xf32>,
        %get3A_1025 = vector.shape_cast %get3A_1024 : vector<1x16xf32> to vector<16xf32>
        %slice3A_1026 = vector.extract_strided_slice %get3A_78 {offsets = [8], sizes = [1], strides = [1]} : vector<16xf32> to vector<1xf32>
        %squeeze3A_1027 = vector.extract %slice3A_1026[0] : f32 from vector<1xf32>
        %mul3A_1028 = vector.broadcast %squeeze3A_1027 : f32 to vector<16xf32>
        %mul3A_1029 = arith.mulf %get3A_1025, %mul3A_1028 : vector<16xf32>
        %swap3A_1030 = arith.index_cast %add3A_943 : i32 to index
        %swap3A_1031 = arith.constant 96 : index
        %swap3A_1032 = tpu.vector_load %arg11[%swap3A_1030, %swap3A_1031] {strides = array<i32>} : memref<112x128xf32, #tpu.memory_space<vmem>>, vector<1x16xf32>,
        %swap3A_1033 = vector.shape_cast %swap3A_1032 : vector<1x16xf32> to vector<16xf32>
        %swap3A_1034 = vector.shape_cast %mul3A_1029 : vector<16xf32> to vector<1x16xf32>
        tpu.vector_store %arg11[%swap3A_1030, %swap3A_1031], %swap3A_1034 {strides = array<i32>} : memref<112x128xf32, #tpu.memory_space<vmem>>, vector<1x16xf32>,
        %get3A_1035 = arith.index_cast %add3A_943 : i32 to index
        %get3A_1036 = arith.constant 112 : index
        %get3A_1037 = tpu.vector_load %arg11[%get3A_1035, %get3A_1036] {strides = array<i32>} : memref<112x128xf32, #tpu.memory_space<vmem>>, vector<1x16xf32>,
        %get3A_1038 = vector.shape_cast %get3A_1037 : vector<1x16xf32> to vector<16xf32>
        %slice3A_1039 = vector.extract_strided_slice %get3A_78 {offsets = [8], sizes = [1], strides = [1]} : vector<16xf32> to vector<1xf32>
        %squeeze3A_1040 = vector.extract %slice3A_1039[0] : f32 from vector<1xf32>
        %mul3A_1041 = vector.broadcast %squeeze3A_1040 : f32 to vector<16xf32>
        %mul3A_1042 = arith.mulf %get3A_1038, %mul3A_1041 : vector<16xf32>
        %swap3A_1043 = arith.index_cast %add3A_943 : i32 to index
        %swap3A_1044 = arith.constant 112 : index
        %swap3A_1045 = tpu.vector_load %arg11[%swap3A_1043, %swap3A_1044] {strides = array<i32>} : memref<112x128xf32, #tpu.memory_space<vmem>>, vector<1x16xf32>,
        %swap3A_1046 = vector.shape_cast %swap3A_1045 : vector<1x16xf32> to vector<16xf32>
        %swap3A_1047 = vector.shape_cast %mul3A_1042 : vector<16xf32> to vector<1x16xf32>
        tpu.vector_store %arg11[%swap3A_1043, %swap3A_1044], %swap3A_1047 {strides = array<i32>} : memref<112x128xf32, #tpu.memory_space<vmem>>, vector<1x16xf32>,
        %mul3A_1048 = arith.constant 16 : i32
        %mul3A_1049 = arith.muli %scan3A_73, %mul3A_1048 : i32
        %add3A_1050 = arith.constant 9 : i32
        %add3A_1051 = arith.addi %mul3A_1049, %add3A_1050 : i32
        %get3A_1052 = arith.index_cast %add3A_1051 : i32 to index
        %get3A_1053 = arith.constant 0 : index
        %get3A_1054 = tpu.vector_load %arg11[%get3A_1052, %get3A_1053] {strides = array<i32>} : memref<112x128xf32, #tpu.memory_space<vmem>>, vector<1x16xf32>,
        %get3A_1055 = vector.shape_cast %get3A_1054 : vector<1x16xf32> to vector<16xf32>
        %slice3A_1056 = vector.extract_strided_slice %get3A_78 {offsets = [9], sizes = [1], strides = [1]} : vector<16xf32> to vector<1xf32>
        %squeeze3A_1057 = vector.extract %slice3A_1056[0] : f32 from vector<1xf32>
        %mul3A_1058 = vector.broadcast %squeeze3A_1057 : f32 to vector<16xf32>
        %mul3A_1059 = arith.mulf %get3A_1055, %mul3A_1058 : vector<16xf32>
        %swap3A_1060 = arith.index_cast %add3A_1051 : i32 to index
        %swap3A_1061 = arith.constant 0 : index
        %swap3A_1062 = tpu.vector_load %arg11[%swap3A_1060, %swap3A_1061] {strides = array<i32>} : memref<112x128xf32, #tpu.memory_space<vmem>>, vector<1x16xf32>,
        %swap3A_1063 = vector.shape_cast %swap3A_1062 : vector<1x16xf32> to vector<16xf32>
        %swap3A_1064 = vector.shape_cast %mul3A_1059 : vector<16xf32> to vector<1x16xf32>
        tpu.vector_store %arg11[%swap3A_1060, %swap3A_1061], %swap3A_1064 {strides = array<i32>} : memref<112x128xf32, #tpu.memory_space<vmem>>, vector<1x16xf32>,
        %get3A_1065 = arith.index_cast %add3A_1051 : i32 to index
        %get3A_1066 = arith.constant 16 : index
        %get3A_1067 = tpu.vector_load %arg11[%get3A_1065, %get3A_1066] {strides = array<i32>} : memref<112x128xf32, #tpu.memory_space<vmem>>, vector<1x16xf32>,
        %get3A_1068 = vector.shape_cast %get3A_1067 : vector<1x16xf32> to vector<16xf32>
        %slice3A_1069 = vector.extract_strided_slice %get3A_78 {offsets = [9], sizes = [1], strides = [1]} : vector<16xf32> to vector<1xf32>
        %squeeze3A_1070 = vector.extract %slice3A_1069[0] : f32 from vector<1xf32>
        %mul3A_1071 = vector.broadcast %squeeze3A_1070 : f32 to vector<16xf32>
        %mul3A_1072 = arith.mulf %get3A_1068, %mul3A_1071 : vector<16xf32>
        %swap3A_1073 = arith.index_cast %add3A_1051 : i32 to index
        %swap3A_1074 = arith.constant 16 : index
        %swap3A_1075 = tpu.vector_load %arg11[%swap3A_1073, %swap3A_1074] {strides = array<i32>} : memref<112x128xf32, #tpu.memory_space<vmem>>, vector<1x16xf32>,
        %swap3A_1076 = vector.shape_cast %swap3A_1075 : vector<1x16xf32> to vector<16xf32>
        %swap3A_1077 = vector.shape_cast %mul3A_1072 : vector<16xf32> to vector<1x16xf32>
        tpu.vector_store %arg11[%swap3A_1073, %swap3A_1074], %swap3A_1077 {strides = array<i32>} : memref<112x128xf32, #tpu.memory_space<vmem>>, vector<1x16xf32>,
        %get3A_1078 = arith.index_cast %add3A_1051 : i32 to index
        %get3A_1079 = arith.constant 32 : index
        %get3A_1080 = tpu.vector_load %arg11[%get3A_1078, %get3A_1079] {strides = array<i32>} : memref<112x128xf32, #tpu.memory_space<vmem>>, vector<1x16xf32>,
        %get3A_1081 = vector.shape_cast %get3A_1080 : vector<1x16xf32> to vector<16xf32>
        %slice3A_1082 = vector.extract_strided_slice %get3A_78 {offsets = [9], sizes = [1], strides = [1]} : vector<16xf32> to vector<1xf32>
        %squeeze3A_1083 = vector.extract %slice3A_1082[0] : f32 from vector<1xf32>
        %mul3A_1084 = vector.broadcast %squeeze3A_1083 : f32 to vector<16xf32>
        %mul3A_1085 = arith.mulf %get3A_1081, %mul3A_1084 : vector<16xf32>
        %swap3A_1086 = arith.index_cast %add3A_1051 : i32 to index
        %swap3A_1087 = arith.constant 32 : index
        %swap3A_1088 = tpu.vector_load %arg11[%swap3A_1086, %swap3A_1087] {strides = array<i32>} : memref<112x128xf32, #tpu.memory_space<vmem>>, vector<1x16xf32>,
        %swap3A_1089 = vector.shape_cast %swap3A_1088 : vector<1x16xf32> to vector<16xf32>
        %swap3A_1090 = vector.shape_cast %mul3A_1085 : vector<16xf32> to vector<1x16xf32>
        tpu.vector_store %arg11[%swap3A_1086, %swap3A_1087], %swap3A_1090 {strides = array<i32>} : memref<112x128xf32, #tpu.memory_space<vmem>>, vector<1x16xf32>,
        %get3A_1091 = arith.index_cast %add3A_1051 : i32 to index
        %get3A_1092 = arith.constant 48 : index
        %get3A_1093 = tpu.vector_load %arg11[%get3A_1091, %get3A_1092] {strides = array<i32>} : memref<112x128xf32, #tpu.memory_space<vmem>>, vector<1x16xf32>,
        %get3A_1094 = vector.shape_cast %get3A_1093 : vector<1x16xf32> to vector<16xf32>
        %slice3A_1095 = vector.extract_strided_slice %get3A_78 {offsets = [9], sizes = [1], strides = [1]} : vector<16xf32> to vector<1xf32>
        %squeeze3A_1096 = vector.extract %slice3A_1095[0] : f32 from vector<1xf32>
        %mul3A_1097 = vector.broadcast %squeeze3A_1096 : f32 to vector<16xf32>
        %mul3A_1098 = arith.mulf %get3A_1094, %mul3A_1097 : vector<16xf32>
        %swap3A_1099 = arith.index_cast %add3A_1051 : i32 to index
        %swap3A_1100 = arith.constant 48 : index
        %swap3A_1101 = tpu.vector_load %arg11[%swap3A_1099, %swap3A_1100] {strides = array<i32>} : memref<112x128xf32, #tpu.memory_space<vmem>>, vector<1x16xf32>,
        %swap3A_1102 = vector.shape_cast %swap3A_1101 : vector<1x16xf32> to vector<16xf32>
        %swap3A_1103 = vector.shape_cast %mul3A_1098 : vector<16xf32> to vector<1x16xf32>
        tpu.vector_store %arg11[%swap3A_1099, %swap3A_1100], %swap3A_1103 {strides = array<i32>} : memref<112x128xf32, #tpu.memory_space<vmem>>, vector<1x16xf32>,
        %get3A_1104 = arith.index_cast %add3A_1051 : i32 to index
        %get3A_1105 = arith.constant 64 : index
        %get3A_1106 = tpu.vector_load %arg11[%get3A_1104, %get3A_1105] {strides = array<i32>} : memref<112x128xf32, #tpu.memory_space<vmem>>, vector<1x16xf32>,
        %get3A_1107 = vector.shape_cast %get3A_1106 : vector<1x16xf32> to vector<16xf32>
        %slice3A_1108 = vector.extract_strided_slice %get3A_78 {offsets = [9], sizes = [1], strides = [1]} : vector<16xf32> to vector<1xf32>
        %squeeze3A_1109 = vector.extract %slice3A_1108[0] : f32 from vector<1xf32>
        %mul3A_1110 = vector.broadcast %squeeze3A_1109 : f32 to vector<16xf32>
        %mul3A_1111 = arith.mulf %get3A_1107, %mul3A_1110 : vector<16xf32>
        %swap3A_1112 = arith.index_cast %add3A_1051 : i32 to index
        %swap3A_1113 = arith.constant 64 : index
        %swap3A_1114 = tpu.vector_load %arg11[%swap3A_1112, %swap3A_1113] {strides = array<i32>} : memref<112x128xf32, #tpu.memory_space<vmem>>, vector<1x16xf32>,
        %swap3A_1115 = vector.shape_cast %swap3A_1114 : vector<1x16xf32> to vector<16xf32>
        %swap3A_1116 = vector.shape_cast %mul3A_1111 : vector<16xf32> to vector<1x16xf32>
        tpu.vector_store %arg11[%swap3A_1112, %swap3A_1113], %swap3A_1116 {strides = array<i32>} : memref<112x128xf32, #tpu.memory_space<vmem>>, vector<1x16xf32>,
        %get3A_1117 = arith.index_cast %add3A_1051 : i32 to index
        %get3A_1118 = arith.constant 80 : index
        %get3A_1119 = tpu.vector_load %arg11[%get3A_1117, %get3A_1118] {strides = array<i32>} : memref<112x128xf32, #tpu.memory_space<vmem>>, vector<1x16xf32>,
        %get3A_1120 = vector.shape_cast %get3A_1119 : vector<1x16xf32> to vector<16xf32>
        %slice3A_1121 = vector.extract_strided_slice %get3A_78 {offsets = [9], sizes = [1], strides = [1]} : vector<16xf32> to vector<1xf32>
        %squeeze3A_1122 = vector.extract %slice3A_1121[0] : f32 from vector<1xf32>
        %mul3A_1123 = vector.broadcast %squeeze3A_1122 : f32 to vector<16xf32>
        %mul3A_1124 = arith.mulf %get3A_1120, %mul3A_1123 : vector<16xf32>
        %swap3A_1125 = arith.index_cast %add3A_1051 : i32 to index
        %swap3A_1126 = arith.constant 80 : index
        %swap3A_1127 = tpu.vector_load %arg11[%swap3A_1125, %swap3A_1126] {strides = array<i32>} : memref<112x128xf32, #tpu.memory_space<vmem>>, vector<1x16xf32>,
        %swap3A_1128 = vector.shape_cast %swap3A_1127 : vector<1x16xf32> to vector<16xf32>
        %swap3A_1129 = vector.shape_cast %mul3A_1124 : vector<16xf32> to vector<1x16xf32>
        tpu.vector_store %arg11[%swap3A_1125, %swap3A_1126], %swap3A_1129 {strides = array<i32>} : memref<112x128xf32, #tpu.memory_space<vmem>>, vector<1x16xf32>,
        %get3A_1130 = arith.index_cast %add3A_1051 : i32 to index
        %get3A_1131 = arith.constant 96 : index
        %get3A_1132 = tpu.vector_load %arg11[%get3A_1130, %get3A_1131] {strides = array<i32>} : memref<112x128xf32, #tpu.memory_space<vmem>>, vector<1x16xf32>,
        %get3A_1133 = vector.shape_cast %get3A_1132 : vector<1x16xf32> to vector<16xf32>
        %slice3A_1134 = vector.extract_strided_slice %get3A_78 {offsets = [9], sizes = [1], strides = [1]} : vector<16xf32> to vector<1xf32>
        %squeeze3A_1135 = vector.extract %slice3A_1134[0] : f32 from vector<1xf32>
        %mul3A_1136 = vector.broadcast %squeeze3A_1135 : f32 to vector<16xf32>
        %mul3A_1137 = arith.mulf %get3A_1133, %mul3A_1136 : vector<16xf32>
        %swap3A_1138 = arith.index_cast %add3A_1051 : i32 to index
        %swap3A_1139 = arith.constant 96 : index
        %swap3A_1140 = tpu.vector_load %arg11[%swap3A_1138, %swap3A_1139] {strides = array<i32>} : memref<112x128xf32, #tpu.memory_space<vmem>>, vector<1x16xf32>,
        %swap3A_1141 = vector.shape_cast %swap3A_1140 : vector<1x16xf32> to vector<16xf32>
        %swap3A_1142 = vector.shape_cast %mul3A_1137 : vector<16xf32> to vector<1x16xf32>
        tpu.vector_store %arg11[%swap3A_1138, %swap3A_1139], %swap3A_1142 {strides = array<i32>} : memref<112x128xf32, #tpu.memory_space<vmem>>, vector<1x16xf32>,
        %get3A_1143 = arith.index_cast %add3A_1051 : i32 to index
        %get3A_1144 = arith.constant 112 : index
        %get3A_1145 = tpu.vector_load %arg11[%get3A_1143, %get3A_1144] {strides = array<i32>} : memref<112x128xf32, #tpu.memory_space<vmem>>, vector<1x16xf32>,
        %get3A_1146 = vector.shape_cast %get3A_1145 : vector<1x16xf32> to vector<16xf32>
        %slice3A_1147 = vector.extract_strided_slice %get3A_78 {offsets = [9], sizes = [1], strides = [1]} : vector<16xf32> to vector<1xf32>
        %squeeze3A_1148 = vector.extract %slice3A_1147[0] : f32 from vector<1xf32>
        %mul3A_1149 = vector.broadcast %squeeze3A_1148 : f32 to vector<16xf32>
        %mul3A_1150 = arith.mulf %get3A_1146, %mul3A_1149 : vector<16xf32>
        %swap3A_1151 = arith.index_cast %add3A_1051 : i32 to index
        %swap3A_1152 = arith.constant 112 : index
        %swap3A_1153 = tpu.vector_load %arg11[%swap3A_1151, %swap3A_1152] {strides = array<i32>} : memref<112x128xf32, #tpu.memory_space<vmem>>, vector<1x16xf32>,
        %swap3A_1154 = vector.shape_cast %swap3A_1153 : vector<1x16xf32> to vector<16xf32>
        %swap3A_1155 = vector.shape_cast %mul3A_1150 : vector<16xf32> to vector<1x16xf32>
        tpu.vector_store %arg11[%swap3A_1151, %swap3A_1152], %swap3A_1155 {strides = array<i32>} : memref<112x128xf32, #tpu.memory_space<vmem>>, vector<1x16xf32>,
        %mul3A_1156 = arith.constant 16 : i32
        %mul3A_1157 = arith.muli %scan3A_73, %mul3A_1156 : i32
        %add3A_1158 = arith.constant 10 : i32
        %add3A_1159 = arith.addi %mul3A_1157, %add3A_1158 : i32
        %get3A_1160 = arith.index_cast %add3A_1159 : i32 to index
        %get3A_1161 = arith.constant 0 : index
        %get3A_1162 = tpu.vector_load %arg11[%get3A_1160, %get3A_1161] {strides = array<i32>} : memref<112x128xf32, #tpu.memory_space<vmem>>, vector<1x16xf32>,
        %get3A_1163 = vector.shape_cast %get3A_1162 : vector<1x16xf32> to vector<16xf32>
        %slice3A_1164 = vector.extract_strided_slice %get3A_78 {offsets = [10], sizes = [1], strides = [1]} : vector<16xf32> to vector<1xf32>
        %squeeze3A_1165 = vector.extract %slice3A_1164[0] : f32 from vector<1xf32>
        %mul3A_1166 = vector.broadcast %squeeze3A_1165 : f32 to vector<16xf32>
        %mul3A_1167 = arith.mulf %get3A_1163, %mul3A_1166 : vector<16xf32>
        %swap3A_1168 = arith.index_cast %add3A_1159 : i32 to index
        %swap3A_1169 = arith.constant 0 : index
        %swap3A_1170 = tpu.vector_load %arg11[%swap3A_1168, %swap3A_1169] {strides = array<i32>} : memref<112x128xf32, #tpu.memory_space<vmem>>, vector<1x16xf32>,
        %swap3A_1171 = vector.shape_cast %swap3A_1170 : vector<1x16xf32> to vector<16xf32>
        %swap3A_1172 = vector.shape_cast %mul3A_1167 : vector<16xf32> to vector<1x16xf32>
        tpu.vector_store %arg11[%swap3A_1168, %swap3A_1169], %swap3A_1172 {strides = array<i32>} : memref<112x128xf32, #tpu.memory_space<vmem>>, vector<1x16xf32>,
        %get3A_1173 = arith.index_cast %add3A_1159 : i32 to index
        %get3A_1174 = arith.constant 16 : index
        %get3A_1175 = tpu.vector_load %arg11[%get3A_1173, %get3A_1174] {strides = array<i32>} : memref<112x128xf32, #tpu.memory_space<vmem>>, vector<1x16xf32>,
        %get3A_1176 = vector.shape_cast %get3A_1175 : vector<1x16xf32> to vector<16xf32>
        %slice3A_1177 = vector.extract_strided_slice %get3A_78 {offsets = [10], sizes = [1], strides = [1]} : vector<16xf32> to vector<1xf32>
        %squeeze3A_1178 = vector.extract %slice3A_1177[0] : f32 from vector<1xf32>
        %mul3A_1179 = vector.broadcast %squeeze3A_1178 : f32 to vector<16xf32>
        %mul3A_1180 = arith.mulf %get3A_1176, %mul3A_1179 : vector<16xf32>
        %swap3A_1181 = arith.index_cast %add3A_1159 : i32 to index
        %swap3A_1182 = arith.constant 16 : index
        %swap3A_1183 = tpu.vector_load %arg11[%swap3A_1181, %swap3A_1182] {strides = array<i32>} : memref<112x128xf32, #tpu.memory_space<vmem>>, vector<1x16xf32>,
        %swap3A_1184 = vector.shape_cast %swap3A_1183 : vector<1x16xf32> to vector<16xf32>
        %swap3A_1185 = vector.shape_cast %mul3A_1180 : vector<16xf32> to vector<1x16xf32>
        tpu.vector_store %arg11[%swap3A_1181, %swap3A_1182], %swap3A_1185 {strides = array<i32>} : memref<112x128xf32, #tpu.memory_space<vmem>>, vector<1x16xf32>,
        %get3A_1186 = arith.index_cast %add3A_1159 : i32 to index
        %get3A_1187 = arith.constant 32 : index
        %get3A_1188 = tpu.vector_load %arg11[%get3A_1186, %get3A_1187] {strides = array<i32>} : memref<112x128xf32, #tpu.memory_space<vmem>>, vector<1x16xf32>,
        %get3A_1189 = vector.shape_cast %get3A_1188 : vector<1x16xf32> to vector<16xf32>
        %slice3A_1190 = vector.extract_strided_slice %get3A_78 {offsets = [10], sizes = [1], strides = [1]} : vector<16xf32> to vector<1xf32>
        %squeeze3A_1191 = vector.extract %slice3A_1190[0] : f32 from vector<1xf32>
        %mul3A_1192 = vector.broadcast %squeeze3A_1191 : f32 to vector<16xf32>
        %mul3A_1193 = arith.mulf %get3A_1189, %mul3A_1192 : vector<16xf32>
        %swap3A_1194 = arith.index_cast %add3A_1159 : i32 to index
        %swap3A_1195 = arith.constant 32 : index
        %swap3A_1196 = tpu.vector_load %arg11[%swap3A_1194, %swap3A_1195] {strides = array<i32>} : memref<112x128xf32, #tpu.memory_space<vmem>>, vector<1x16xf32>,
        %swap3A_1197 = vector.shape_cast %swap3A_1196 : vector<1x16xf32> to vector<16xf32>
        %swap3A_1198 = vector.shape_cast %mul3A_1193 : vector<16xf32> to vector<1x16xf32>
        tpu.vector_store %arg11[%swap3A_1194, %swap3A_1195], %swap3A_1198 {strides = array<i32>} : memref<112x128xf32, #tpu.memory_space<vmem>>, vector<1x16xf32>,
        %get3A_1199 = arith.index_cast %add3A_1159 : i32 to index
        %get3A_1200 = arith.constant 48 : index
        %get3A_1201 = tpu.vector_load %arg11[%get3A_1199, %get3A_1200] {strides = array<i32>} : memref<112x128xf32, #tpu.memory_space<vmem>>, vector<1x16xf32>,
        %get3A_1202 = vector.shape_cast %get3A_1201 : vector<1x16xf32> to vector<16xf32>
        %slice3A_1203 = vector.extract_strided_slice %get3A_78 {offsets = [10], sizes = [1], strides = [1]} : vector<16xf32> to vector<1xf32>
        %squeeze3A_1204 = vector.extract %slice3A_1203[0] : f32 from vector<1xf32>
        %mul3A_1205 = vector.broadcast %squeeze3A_1204 : f32 to vector<16xf32>
        %mul3A_1206 = arith.mulf %get3A_1202, %mul3A_1205 : vector<16xf32>
        %swap3A_1207 = arith.index_cast %add3A_1159 : i32 to index
        %swap3A_1208 = arith.constant 48 : index
        %swap3A_1209 = tpu.vector_load %arg11[%swap3A_1207, %swap3A_1208] {strides = array<i32>} : memref<112x128xf32, #tpu.memory_space<vmem>>, vector<1x16xf32>,
        %swap3A_1210 = vector.shape_cast %swap3A_1209 : vector<1x16xf32> to vector<16xf32>
        %swap3A_1211 = vector.shape_cast %mul3A_1206 : vector<16xf32> to vector<1x16xf32>
        tpu.vector_store %arg11[%swap3A_1207, %swap3A_1208], %swap3A_1211 {strides = array<i32>} : memref<112x128xf32, #tpu.memory_space<vmem>>, vector<1x16xf32>,
        %get3A_1212 = arith.index_cast %add3A_1159 : i32 to index
        %get3A_1213 = arith.constant 64 : index
        %get3A_1214 = tpu.vector_load %arg11[%get3A_1212, %get3A_1213] {strides = array<i32>} : memref<112x128xf32, #tpu.memory_space<vmem>>, vector<1x16xf32>,
        %get3A_1215 = vector.shape_cast %get3A_1214 : vector<1x16xf32> to vector<16xf32>
        %slice3A_1216 = vector.extract_strided_slice %get3A_78 {offsets = [10], sizes = [1], strides = [1]} : vector<16xf32> to vector<1xf32>
        %squeeze3A_1217 = vector.extract %slice3A_1216[0] : f32 from vector<1xf32>
        %mul3A_1218 = vector.broadcast %squeeze3A_1217 : f32 to vector<16xf32>
        %mul3A_1219 = arith.mulf %get3A_1215, %mul3A_1218 : vector<16xf32>
        %swap3A_1220 = arith.index_cast %add3A_1159 : i32 to index
        %swap3A_1221 = arith.constant 64 : index
        %swap3A_1222 = tpu.vector_load %arg11[%swap3A_1220, %swap3A_1221] {strides = array<i32>} : memref<112x128xf32, #tpu.memory_space<vmem>>, vector<1x16xf32>,
        %swap3A_1223 = vector.shape_cast %swap3A_1222 : vector<1x16xf32> to vector<16xf32>
        %swap3A_1224 = vector.shape_cast %mul3A_1219 : vector<16xf32> to vector<1x16xf32>
        tpu.vector_store %arg11[%swap3A_1220, %swap3A_1221], %swap3A_1224 {strides = array<i32>} : memref<112x128xf32, #tpu.memory_space<vmem>>, vector<1x16xf32>,
        %get3A_1225 = arith.index_cast %add3A_1159 : i32 to index
        %get3A_1226 = arith.constant 80 : index
        %get3A_1227 = tpu.vector_load %arg11[%get3A_1225, %get3A_1226] {strides = array<i32>} : memref<112x128xf32, #tpu.memory_space<vmem>>, vector<1x16xf32>,
        %get3A_1228 = vector.shape_cast %get3A_1227 : vector<1x16xf32> to vector<16xf32>
        %slice3A_1229 = vector.extract_strided_slice %get3A_78 {offsets = [10], sizes = [1], strides = [1]} : vector<16xf32> to vector<1xf32>
        %squeeze3A_1230 = vector.extract %slice3A_1229[0] : f32 from vector<1xf32>
        %mul3A_1231 = vector.broadcast %squeeze3A_1230 : f32 to vector<16xf32>
        %mul3A_1232 = arith.mulf %get3A_1228, %mul3A_1231 : vector<16xf32>
        %swap3A_1233 = arith.index_cast %add3A_1159 : i32 to index
        %swap3A_1234 = arith.constant 80 : index
        %swap3A_1235 = tpu.vector_load %arg11[%swap3A_1233, %swap3A_1234] {strides = array<i32>} : memref<112x128xf32, #tpu.memory_space<vmem>>, vector<1x16xf32>,
        %swap3A_1236 = vector.shape_cast %swap3A_1235 : vector<1x16xf32> to vector<16xf32>
        %swap3A_1237 = vector.shape_cast %mul3A_1232 : vector<16xf32> to vector<1x16xf32>
        tpu.vector_store %arg11[%swap3A_1233, %swap3A_1234], %swap3A_1237 {strides = array<i32>} : memref<112x128xf32, #tpu.memory_space<vmem>>, vector<1x16xf32>,
        %get3A_1238 = arith.index_cast %add3A_1159 : i32 to index
        %get3A_1239 = arith.constant 96 : index
        %get3A_1240 = tpu.vector_load %arg11[%get3A_1238, %get3A_1239] {strides = array<i32>} : memref<112x128xf32, #tpu.memory_space<vmem>>, vector<1x16xf32>,
        %get3A_1241 = vector.shape_cast %get3A_1240 : vector<1x16xf32> to vector<16xf32>
        %slice3A_1242 = vector.extract_strided_slice %get3A_78 {offsets = [10], sizes = [1], strides = [1]} : vector<16xf32> to vector<1xf32>
        %squeeze3A_1243 = vector.extract %slice3A_1242[0] : f32 from vector<1xf32>
        %mul3A_1244 = vector.broadcast %squeeze3A_1243 : f32 to vector<16xf32>
        %mul3A_1245 = arith.mulf %get3A_1241, %mul3A_1244 : vector<16xf32>
        %swap3A_1246 = arith.index_cast %add3A_1159 : i32 to index
        %swap3A_1247 = arith.constant 96 : index
        %swap3A_1248 = tpu.vector_load %arg11[%swap3A_1246, %swap3A_1247] {strides = array<i32>} : memref<112x128xf32, #tpu.memory_space<vmem>>, vector<1x16xf32>,
        %swap3A_1249 = vector.shape_cast %swap3A_1248 : vector<1x16xf32> to vector<16xf32>
        %swap3A_1250 = vector.shape_cast %mul3A_1245 : vector<16xf32> to vector<1x16xf32>
        tpu.vector_store %arg11[%swap3A_1246, %swap3A_1247], %swap3A_1250 {strides = array<i32>} : memref<112x128xf32, #tpu.memory_space<vmem>>, vector<1x16xf32>,
        %get3A_1251 = arith.index_cast %add3A_1159 : i32 to index
        %get3A_1252 = arith.constant 112 : index
        %get3A_1253 = tpu.vector_load %arg11[%get3A_1251, %get3A_1252] {strides = array<i32>} : memref<112x128xf32, #tpu.memory_space<vmem>>, vector<1x16xf32>,
        %get3A_1254 = vector.shape_cast %get3A_1253 : vector<1x16xf32> to vector<16xf32>
        %slice3A_1255 = vector.extract_strided_slice %get3A_78 {offsets = [10], sizes = [1], strides = [1]} : vector<16xf32> to vector<1xf32>
        %squeeze3A_1256 = vector.extract %slice3A_1255[0] : f32 from vector<1xf32>
        %mul3A_1257 = vector.broadcast %squeeze3A_1256 : f32 to vector<16xf32>
        %mul3A_1258 = arith.mulf %get3A_1254, %mul3A_1257 : vector<16xf32>
        %swap3A_1259 = arith.index_cast %add3A_1159 : i32 to index
        %swap3A_1260 = arith.constant 112 : index
        %swap3A_1261 = tpu.vector_load %arg11[%swap3A_1259, %swap3A_1260] {strides = array<i32>} : memref<112x128xf32, #tpu.memory_space<vmem>>, vector<1x16xf32>,
        %swap3A_1262 = vector.shape_cast %swap3A_1261 : vector<1x16xf32> to vector<16xf32>
        %swap3A_1263 = vector.shape_cast %mul3A_1258 : vector<16xf32> to vector<1x16xf32>
        tpu.vector_store %arg11[%swap3A_1259, %swap3A_1260], %swap3A_1263 {strides = array<i32>} : memref<112x128xf32, #tpu.memory_space<vmem>>, vector<1x16xf32>,
        %mul3A_1264 = arith.constant 16 : i32
        %mul3A_1265 = arith.muli %scan3A_73, %mul3A_1264 : i32
        %add3A_1266 = arith.constant 11 : i32
        %add3A_1267 = arith.addi %mul3A_1265, %add3A_1266 : i32
        %get3A_1268 = arith.index_cast %add3A_1267 : i32 to index
        %get3A_1269 = arith.constant 0 : index
        %get3A_1270 = tpu.vector_load %arg11[%get3A_1268, %get3A_1269] {strides = array<i32>} : memref<112x128xf32, #tpu.memory_space<vmem>>, vector<1x16xf32>,
        %get3A_1271 = vector.shape_cast %get3A_1270 : vector<1x16xf32> to vector<16xf32>
        %slice3A_1272 = vector.extract_strided_slice %get3A_78 {offsets = [11], sizes = [1], strides = [1]} : vector<16xf32> to vector<1xf32>
        %squeeze3A_1273 = vector.extract %slice3A_1272[0] : f32 from vector<1xf32>
        %mul3A_1274 = vector.broadcast %squeeze3A_1273 : f32 to vector<16xf32>
        %mul3A_1275 = arith.mulf %get3A_1271, %mul3A_1274 : vector<16xf32>
        %swap3A_1276 = arith.index_cast %add3A_1267 : i32 to index
        %swap3A_1277 = arith.constant 0 : index
        %swap3A_1278 = tpu.vector_load %arg11[%swap3A_1276, %swap3A_1277] {strides = array<i32>} : memref<112x128xf32, #tpu.memory_space<vmem>>, vector<1x16xf32>,
        %swap3A_1279 = vector.shape_cast %swap3A_1278 : vector<1x16xf32> to vector<16xf32>
        %swap3A_1280 = vector.shape_cast %mul3A_1275 : vector<16xf32> to vector<1x16xf32>
        tpu.vector_store %arg11[%swap3A_1276, %swap3A_1277], %swap3A_1280 {strides = array<i32>} : memref<112x128xf32, #tpu.memory_space<vmem>>, vector<1x16xf32>,
        %get3A_1281 = arith.index_cast %add3A_1267 : i32 to index
        %get3A_1282 = arith.constant 16 : index
        %get3A_1283 = tpu.vector_load %arg11[%get3A_1281, %get3A_1282] {strides = array<i32>} : memref<112x128xf32, #tpu.memory_space<vmem>>, vector<1x16xf32>,
        %get3A_1284 = vector.shape_cast %get3A_1283 : vector<1x16xf32> to vector<16xf32>
        %slice3A_1285 = vector.extract_strided_slice %get3A_78 {offsets = [11], sizes = [1], strides = [1]} : vector<16xf32> to vector<1xf32>
        %squeeze3A_1286 = vector.extract %slice3A_1285[0] : f32 from vector<1xf32>
        %mul3A_1287 = vector.broadcast %squeeze3A_1286 : f32 to vector<16xf32>
        %mul3A_1288 = arith.mulf %get3A_1284, %mul3A_1287 : vector<16xf32>
        %swap3A_1289 = arith.index_cast %add3A_1267 : i32 to index
        %swap3A_1290 = arith.constant 16 : index
        %swap3A_1291 = tpu.vector_load %arg11[%swap3A_1289, %swap3A_1290] {strides = array<i32>} : memref<112x128xf32, #tpu.memory_space<vmem>>, vector<1x16xf32>,
        %swap3A_1292 = vector.shape_cast %swap3A_1291 : vector<1x16xf32> to vector<16xf32>
        %swap3A_1293 = vector.shape_cast %mul3A_1288 : vector<16xf32> to vector<1x16xf32>
        tpu.vector_store %arg11[%swap3A_1289, %swap3A_1290], %swap3A_1293 {strides = array<i32>} : memref<112x128xf32, #tpu.memory_space<vmem>>, vector<1x16xf32>,
        %get3A_1294 = arith.index_cast %add3A_1267 : i32 to index
        %get3A_1295 = arith.constant 32 : index
        %get3A_1296 = tpu.vector_load %arg11[%get3A_1294, %get3A_1295] {strides = array<i32>} : memref<112x128xf32, #tpu.memory_space<vmem>>, vector<1x16xf32>,
        %get3A_1297 = vector.shape_cast %get3A_1296 : vector<1x16xf32> to vector<16xf32>
        %slice3A_1298 = vector.extract_strided_slice %get3A_78 {offsets = [11], sizes = [1], strides = [1]} : vector<16xf32> to vector<1xf32>
        %squeeze3A_1299 = vector.extract %slice3A_1298[0] : f32 from vector<1xf32>
        %mul3A_1300 = vector.broadcast %squeeze3A_1299 : f32 to vector<16xf32>
        %mul3A_1301 = arith.mulf %get3A_1297, %mul3A_1300 : vector<16xf32>
        %swap3A_1302 = arith.index_cast %add3A_1267 : i32 to index
        %swap3A_1303 = arith.constant 32 : index
        %swap3A_1304 = tpu.vector_load %arg11[%swap3A_1302, %swap3A_1303] {strides = array<i32>} : memref<112x128xf32, #tpu.memory_space<vmem>>, vector<1x16xf32>,
        %swap3A_1305 = vector.shape_cast %swap3A_1304 : vector<1x16xf32> to vector<16xf32>
        %swap3A_1306 = vector.shape_cast %mul3A_1301 : vector<16xf32> to vector<1x16xf32>
        tpu.vector_store %arg11[%swap3A_1302, %swap3A_1303], %swap3A_1306 {strides = array<i32>} : memref<112x128xf32, #tpu.memory_space<vmem>>, vector<1x16xf32>,
        %get3A_1307 = arith.index_cast %add3A_1267 : i32 to index
        %get3A_1308 = arith.constant 48 : index
        %get3A_1309 = tpu.vector_load %arg11[%get3A_1307, %get3A_1308] {strides = array<i32>} : memref<112x128xf32, #tpu.memory_space<vmem>>, vector<1x16xf32>,
        %get3A_1310 = vector.shape_cast %get3A_1309 : vector<1x16xf32> to vector<16xf32>
        %slice3A_1311 = vector.extract_strided_slice %get3A_78 {offsets = [11], sizes = [1], strides = [1]} : vector<16xf32> to vector<1xf32>
        %squeeze3A_1312 = vector.extract %slice3A_1311[0] : f32 from vector<1xf32>
        %mul3A_1313 = vector.broadcast %squeeze3A_1312 : f32 to vector<16xf32>
        %mul3A_1314 = arith.mulf %get3A_1310, %mul3A_1313 : vector<16xf32>
        %swap3A_1315 = arith.index_cast %add3A_1267 : i32 to index
        %swap3A_1316 = arith.constant 48 : index
        %swap3A_1317 = tpu.vector_load %arg11[%swap3A_1315, %swap3A_1316] {strides = array<i32>} : memref<112x128xf32, #tpu.memory_space<vmem>>, vector<1x16xf32>,
        %swap3A_1318 = vector.shape_cast %swap3A_1317 : vector<1x16xf32> to vector<16xf32>
        %swap3A_1319 = vector.shape_cast %mul3A_1314 : vector<16xf32> to vector<1x16xf32>
        tpu.vector_store %arg11[%swap3A_1315, %swap3A_1316], %swap3A_1319 {strides = array<i32>} : memref<112x128xf32, #tpu.memory_space<vmem>>, vector<1x16xf32>,
        %get3A_1320 = arith.index_cast %add3A_1267 : i32 to index
        %get3A_1321 = arith.constant 64 : index
        %get3A_1322 = tpu.vector_load %arg11[%get3A_1320, %get3A_1321] {strides = array<i32>} : memref<112x128xf32, #tpu.memory_space<vmem>>, vector<1x16xf32>,
        %get3A_1323 = vector.shape_cast %get3A_1322 : vector<1x16xf32> to vector<16xf32>
        %slice3A_1324 = vector.extract_strided_slice %get3A_78 {offsets = [11], sizes = [1], strides = [1]} : vector<16xf32> to vector<1xf32>
        %squeeze3A_1325 = vector.extract %slice3A_1324[0] : f32 from vector<1xf32>
        %mul3A_1326 = vector.broadcast %squeeze3A_1325 : f32 to vector<16xf32>
        %mul3A_1327 = arith.mulf %get3A_1323, %mul3A_1326 : vector<16xf32>
        %swap3A_1328 = arith.index_cast %add3A_1267 : i32 to index
        %swap3A_1329 = arith.constant 64 : index
        %swap3A_1330 = tpu.vector_load %arg11[%swap3A_1328, %swap3A_1329] {strides = array<i32>} : memref<112x128xf32, #tpu.memory_space<vmem>>, vector<1x16xf32>,
        %swap3A_1331 = vector.shape_cast %swap3A_1330 : vector<1x16xf32> to vector<16xf32>
        %swap3A_1332 = vector.shape_cast %mul3A_1327 : vector<16xf32> to vector<1x16xf32>
        tpu.vector_store %arg11[%swap3A_1328, %swap3A_1329], %swap3A_1332 {strides = array<i32>} : memref<112x128xf32, #tpu.memory_space<vmem>>, vector<1x16xf32>,
        %get3A_1333 = arith.index_cast %add3A_1267 : i32 to index
        %get3A_1334 = arith.constant 80 : index
        %get3A_1335 = tpu.vector_load %arg11[%get3A_1333, %get3A_1334] {strides = array<i32>} : memref<112x128xf32, #tpu.memory_space<vmem>>, vector<1x16xf32>,
        %get3A_1336 = vector.shape_cast %get3A_1335 : vector<1x16xf32> to vector<16xf32>
        %slice3A_1337 = vector.extract_strided_slice %get3A_78 {offsets = [11], sizes = [1], strides = [1]} : vector<16xf32> to vector<1xf32>
        %squeeze3A_1338 = vector.extract %slice3A_1337[0] : f32 from vector<1xf32>
        %mul3A_1339 = vector.broadcast %squeeze3A_1338 : f32 to vector<16xf32>
        %mul3A_1340 = arith.mulf %get3A_1336, %mul3A_1339 : vector<16xf32>
        %swap3A_1341 = arith.index_cast %add3A_1267 : i32 to index
        %swap3A_1342 = arith.constant 80 : index
        %swap3A_1343 = tpu.vector_load %arg11[%swap3A_1341, %swap3A_1342] {strides = array<i32>} : memref<112x128xf32, #tpu.memory_space<vmem>>, vector<1x16xf32>,
        %swap3A_1344 = vector.shape_cast %swap3A_1343 : vector<1x16xf32> to vector<16xf32>
        %swap3A_1345 = vector.shape_cast %mul3A_1340 : vector<16xf32> to vector<1x16xf32>
        tpu.vector_store %arg11[%swap3A_1341, %swap3A_1342], %swap3A_1345 {strides = array<i32>} : memref<112x128xf32, #tpu.memory_space<vmem>>, vector<1x16xf32>,
        %get3A_1346 = arith.index_cast %add3A_1267 : i32 to index
        %get3A_1347 = arith.constant 96 : index
        %get3A_1348 = tpu.vector_load %arg11[%get3A_1346, %get3A_1347] {strides = array<i32>} : memref<112x128xf32, #tpu.memory_space<vmem>>, vector<1x16xf32>,
        %get3A_1349 = vector.shape_cast %get3A_1348 : vector<1x16xf32> to vector<16xf32>
        %slice3A_1350 = vector.extract_strided_slice %get3A_78 {offsets = [11], sizes = [1], strides = [1]} : vector<16xf32> to vector<1xf32>
        %squeeze3A_1351 = vector.extract %slice3A_1350[0] : f32 from vector<1xf32>
        %mul3A_1352 = vector.broadcast %squeeze3A_1351 : f32 to vector<16xf32>
        %mul3A_1353 = arith.mulf %get3A_1349, %mul3A_1352 : vector<16xf32>
        %swap3A_1354 = arith.index_cast %add3A_1267 : i32 to index
        %swap3A_1355 = arith.constant 96 : index
        %swap3A_1356 = tpu.vector_load %arg11[%swap3A_1354, %swap3A_1355] {strides = array<i32>} : memref<112x128xf32, #tpu.memory_space<vmem>>, vector<1x16xf32>,
        %swap3A_1357 = vector.shape_cast %swap3A_1356 : vector<1x16xf32> to vector<16xf32>
        %swap3A_1358 = vector.shape_cast %mul3A_1353 : vector<16xf32> to vector<1x16xf32>
        tpu.vector_store %arg11[%swap3A_1354, %swap3A_1355], %swap3A_1358 {strides = array<i32>} : memref<112x128xf32, #tpu.memory_space<vmem>>, vector<1x16xf32>,
        %get3A_1359 = arith.index_cast %add3A_1267 : i32 to index
        %get3A_1360 = arith.constant 112 : index
        %get3A_1361 = tpu.vector_load %arg11[%get3A_1359, %get3A_1360] {strides = array<i32>} : memref<112x128xf32, #tpu.memory_space<vmem>>, vector<1x16xf32>,
        %get3A_1362 = vector.shape_cast %get3A_1361 : vector<1x16xf32> to vector<16xf32>
        %slice3A_1363 = vector.extract_strided_slice %get3A_78 {offsets = [11], sizes = [1], strides = [1]} : vector<16xf32> to vector<1xf32>
        %squeeze3A_1364 = vector.extract %slice3A_1363[0] : f32 from vector<1xf32>
        %mul3A_1365 = vector.broadcast %squeeze3A_1364 : f32 to vector<16xf32>
        %mul3A_1366 = arith.mulf %get3A_1362, %mul3A_1365 : vector<16xf32>
        %swap3A_1367 = arith.index_cast %add3A_1267 : i32 to index
        %swap3A_1368 = arith.constant 112 : index
        %swap3A_1369 = tpu.vector_load %arg11[%swap3A_1367, %swap3A_1368] {strides = array<i32>} : memref<112x128xf32, #tpu.memory_space<vmem>>, vector<1x16xf32>,
        %swap3A_1370 = vector.shape_cast %swap3A_1369 : vector<1x16xf32> to vector<16xf32>
        %swap3A_1371 = vector.shape_cast %mul3A_1366 : vector<16xf32> to vector<1x16xf32>
        tpu.vector_store %arg11[%swap3A_1367, %swap3A_1368], %swap3A_1371 {strides = array<i32>} : memref<112x128xf32, #tpu.memory_space<vmem>>, vector<1x16xf32>,
        %mul3A_1372 = arith.constant 16 : i32
        %mul3A_1373 = arith.muli %scan3A_73, %mul3A_1372 : i32
        %add3A_1374 = arith.constant 12 : i32
        %add3A_1375 = arith.addi %mul3A_1373, %add3A_1374 : i32
        %get3A_1376 = arith.index_cast %add3A_1375 : i32 to index
        %get3A_1377 = arith.constant 0 : index
        %get3A_1378 = tpu.vector_load %arg11[%get3A_1376, %get3A_1377] {strides = array<i32>} : memref<112x128xf32, #tpu.memory_space<vmem>>, vector<1x16xf32>,
        %get3A_1379 = vector.shape_cast %get3A_1378 : vector<1x16xf32> to vector<16xf32>
        %slice3A_1380 = vector.extract_strided_slice %get3A_78 {offsets = [12], sizes = [1], strides = [1]} : vector<16xf32> to vector<1xf32>
        %squeeze3A_1381 = vector.extract %slice3A_1380[0] : f32 from vector<1xf32>
        %mul3A_1382 = vector.broadcast %squeeze3A_1381 : f32 to vector<16xf32>
        %mul3A_1383 = arith.mulf %get3A_1379, %mul3A_1382 : vector<16xf32>
        %swap3A_1384 = arith.index_cast %add3A_1375 : i32 to index
        %swap3A_1385 = arith.constant 0 : index
        %swap3A_1386 = tpu.vector_load %arg11[%swap3A_1384, %swap3A_1385] {strides = array<i32>} : memref<112x128xf32, #tpu.memory_space<vmem>>, vector<1x16xf32>,
        %swap3A_1387 = vector.shape_cast %swap3A_1386 : vector<1x16xf32> to vector<16xf32>
        %swap3A_1388 = vector.shape_cast %mul3A_1383 : vector<16xf32> to vector<1x16xf32>
        tpu.vector_store %arg11[%swap3A_1384, %swap3A_1385], %swap3A_1388 {strides = array<i32>} : memref<112x128xf32, #tpu.memory_space<vmem>>, vector<1x16xf32>,
        %get3A_1389 = arith.index_cast %add3A_1375 : i32 to index
        %get3A_1390 = arith.constant 16 : index
        %get3A_1391 = tpu.vector_load %arg11[%get3A_1389, %get3A_1390] {strides = array<i32>} : memref<112x128xf32, #tpu.memory_space<vmem>>, vector<1x16xf32>,
        %get3A_1392 = vector.shape_cast %get3A_1391 : vector<1x16xf32> to vector<16xf32>
        %slice3A_1393 = vector.extract_strided_slice %get3A_78 {offsets = [12], sizes = [1], strides = [1]} : vector<16xf32> to vector<1xf32>
        %squeeze3A_1394 = vector.extract %slice3A_1393[0] : f32 from vector<1xf32>
        %mul3A_1395 = vector.broadcast %squeeze3A_1394 : f32 to vector<16xf32>
        %mul3A_1396 = arith.mulf %get3A_1392, %mul3A_1395 : vector<16xf32>
        %swap3A_1397 = arith.index_cast %add3A_1375 : i32 to index
        %swap3A_1398 = arith.constant 16 : index
        %swap3A_1399 = tpu.vector_load %arg11[%swap3A_1397, %swap3A_1398] {strides = array<i32>} : memref<112x128xf32, #tpu.memory_space<vmem>>, vector<1x16xf32>,
        %swap3A_1400 = vector.shape_cast %swap3A_1399 : vector<1x16xf32> to vector<16xf32>
        %swap3A_1401 = vector.shape_cast %mul3A_1396 : vector<16xf32> to vector<1x16xf32>
        tpu.vector_store %arg11[%swap3A_1397, %swap3A_1398], %swap3A_1401 {strides = array<i32>} : memref<112x128xf32, #tpu.memory_space<vmem>>, vector<1x16xf32>,
        %get3A_1402 = arith.index_cast %add3A_1375 : i32 to index
        %get3A_1403 = arith.constant 32 : index
        %get3A_1404 = tpu.vector_load %arg11[%get3A_1402, %get3A_1403] {strides = array<i32>} : memref<112x128xf32, #tpu.memory_space<vmem>>, vector<1x16xf32>,
        %get3A_1405 = vector.shape_cast %get3A_1404 : vector<1x16xf32> to vector<16xf32>
        %slice3A_1406 = vector.extract_strided_slice %get3A_78 {offsets = [12], sizes = [1], strides = [1]} : vector<16xf32> to vector<1xf32>
        %squeeze3A_1407 = vector.extract %slice3A_1406[0] : f32 from vector<1xf32>
        %mul3A_1408 = vector.broadcast %squeeze3A_1407 : f32 to vector<16xf32>
        %mul3A_1409 = arith.mulf %get3A_1405, %mul3A_1408 : vector<16xf32>
        %swap3A_1410 = arith.index_cast %add3A_1375 : i32 to index
        %swap3A_1411 = arith.constant 32 : index
        %swap3A_1412 = tpu.vector_load %arg11[%swap3A_1410, %swap3A_1411] {strides = array<i32>} : memref<112x128xf32, #tpu.memory_space<vmem>>, vector<1x16xf32>,
        %swap3A_1413 = vector.shape_cast %swap3A_1412 : vector<1x16xf32> to vector<16xf32>
        %swap3A_1414 = vector.shape_cast %mul3A_1409 : vector<16xf32> to vector<1x16xf32>
        tpu.vector_store %arg11[%swap3A_1410, %swap3A_1411], %swap3A_1414 {strides = array<i32>} : memref<112x128xf32, #tpu.memory_space<vmem>>, vector<1x16xf32>,
        %get3A_1415 = arith.index_cast %add3A_1375 : i32 to index
        %get3A_1416 = arith.constant 48 : index
        %get3A_1417 = tpu.vector_load %arg11[%get3A_1415, %get3A_1416] {strides = array<i32>} : memref<112x128xf32, #tpu.memory_space<vmem>>, vector<1x16xf32>,
        %get3A_1418 = vector.shape_cast %get3A_1417 : vector<1x16xf32> to vector<16xf32>
        %slice3A_1419 = vector.extract_strided_slice %get3A_78 {offsets = [12], sizes = [1], strides = [1]} : vector<16xf32> to vector<1xf32>
        %squeeze3A_1420 = vector.extract %slice3A_1419[0] : f32 from vector<1xf32>
        %mul3A_1421 = vector.broadcast %squeeze3A_1420 : f32 to vector<16xf32>
        %mul3A_1422 = arith.mulf %get3A_1418, %mul3A_1421 : vector<16xf32>
        %swap3A_1423 = arith.index_cast %add3A_1375 : i32 to index
        %swap3A_1424 = arith.constant 48 : index
        %swap3A_1425 = tpu.vector_load %arg11[%swap3A_1423, %swap3A_1424] {strides = array<i32>} : memref<112x128xf32, #tpu.memory_space<vmem>>, vector<1x16xf32>,
        %swap3A_1426 = vector.shape_cast %swap3A_1425 : vector<1x16xf32> to vector<16xf32>
        %swap3A_1427 = vector.shape_cast %mul3A_1422 : vector<16xf32> to vector<1x16xf32>
        tpu.vector_store %arg11[%swap3A_1423, %swap3A_1424], %swap3A_1427 {strides = array<i32>} : memref<112x128xf32, #tpu.memory_space<vmem>>, vector<1x16xf32>,
        %get3A_1428 = arith.index_cast %add3A_1375 : i32 to index
        %get3A_1429 = arith.constant 64 : index
        %get3A_1430 = tpu.vector_load %arg11[%get3A_1428, %get3A_1429] {strides = array<i32>} : memref<112x128xf32, #tpu.memory_space<vmem>>, vector<1x16xf32>,
        %get3A_1431 = vector.shape_cast %get3A_1430 : vector<1x16xf32> to vector<16xf32>
        %slice3A_1432 = vector.extract_strided_slice %get3A_78 {offsets = [12], sizes = [1], strides = [1]} : vector<16xf32> to vector<1xf32>
        %squeeze3A_1433 = vector.extract %slice3A_1432[0] : f32 from vector<1xf32>
        %mul3A_1434 = vector.broadcast %squeeze3A_1433 : f32 to vector<16xf32>
        %mul3A_1435 = arith.mulf %get3A_1431, %mul3A_1434 : vector<16xf32>
        %swap3A_1436 = arith.index_cast %add3A_1375 : i32 to index
        %swap3A_1437 = arith.constant 64 : index
        %swap3A_1438 = tpu.vector_load %arg11[%swap3A_1436, %swap3A_1437] {strides = array<i32>} : memref<112x128xf32, #tpu.memory_space<vmem>>, vector<1x16xf32>,
        %swap3A_1439 = vector.shape_cast %swap3A_1438 : vector<1x16xf32> to vector<16xf32>
        %swap3A_1440 = vector.shape_cast %mul3A_1435 : vector<16xf32> to vector<1x16xf32>
        tpu.vector_store %arg11[%swap3A_1436, %swap3A_1437], %swap3A_1440 {strides = array<i32>} : memref<112x128xf32, #tpu.memory_space<vmem>>, vector<1x16xf32>,
        %get3A_1441 = arith.index_cast %add3A_1375 : i32 to index
        %get3A_1442 = arith.constant 80 : index
        %get3A_1443 = tpu.vector_load %arg11[%get3A_1441, %get3A_1442] {strides = array<i32>} : memref<112x128xf32, #tpu.memory_space<vmem>>, vector<1x16xf32>,
        %get3A_1444 = vector.shape_cast %get3A_1443 : vector<1x16xf32> to vector<16xf32>
        %slice3A_1445 = vector.extract_strided_slice %get3A_78 {offsets = [12], sizes = [1], strides = [1]} : vector<16xf32> to vector<1xf32>
        %squeeze3A_1446 = vector.extract %slice3A_1445[0] : f32 from vector<1xf32>
        %mul3A_1447 = vector.broadcast %squeeze3A_1446 : f32 to vector<16xf32>
        %mul3A_1448 = arith.mulf %get3A_1444, %mul3A_1447 : vector<16xf32>
        %swap3A_1449 = arith.index_cast %add3A_1375 : i32 to index
        %swap3A_1450 = arith.constant 80 : index
        %swap3A_1451 = tpu.vector_load %arg11[%swap3A_1449, %swap3A_1450] {strides = array<i32>} : memref<112x128xf32, #tpu.memory_space<vmem>>, vector<1x16xf32>,
        %swap3A_1452 = vector.shape_cast %swap3A_1451 : vector<1x16xf32> to vector<16xf32>
        %swap3A_1453 = vector.shape_cast %mul3A_1448 : vector<16xf32> to vector<1x16xf32>
        tpu.vector_store %arg11[%swap3A_1449, %swap3A_1450], %swap3A_1453 {strides = array<i32>} : memref<112x128xf32, #tpu.memory_space<vmem>>, vector<1x16xf32>,
        %get3A_1454 = arith.index_cast %add3A_1375 : i32 to index
        %get3A_1455 = arith.constant 96 : index
        %get3A_1456 = tpu.vector_load %arg11[%get3A_1454, %get3A_1455] {strides = array<i32>} : memref<112x128xf32, #tpu.memory_space<vmem>>, vector<1x16xf32>,
        %get3A_1457 = vector.shape_cast %get3A_1456 : vector<1x16xf32> to vector<16xf32>
        %slice3A_1458 = vector.extract_strided_slice %get3A_78 {offsets = [12], sizes = [1], strides = [1]} : vector<16xf32> to vector<1xf32>
        %squeeze3A_1459 = vector.extract %slice3A_1458[0] : f32 from vector<1xf32>
        %mul3A_1460 = vector.broadcast %squeeze3A_1459 : f32 to vector<16xf32>
        %mul3A_1461 = arith.mulf %get3A_1457, %mul3A_1460 : vector<16xf32>
        %swap3A_1462 = arith.index_cast %add3A_1375 : i32 to index
        %swap3A_1463 = arith.constant 96 : index
        %swap3A_1464 = tpu.vector_load %arg11[%swap3A_1462, %swap3A_1463] {strides = array<i32>} : memref<112x128xf32, #tpu.memory_space<vmem>>, vector<1x16xf32>,
        %swap3A_1465 = vector.shape_cast %swap3A_1464 : vector<1x16xf32> to vector<16xf32>
        %swap3A_1466 = vector.shape_cast %mul3A_1461 : vector<16xf32> to vector<1x16xf32>
        tpu.vector_store %arg11[%swap3A_1462, %swap3A_1463], %swap3A_1466 {strides = array<i32>} : memref<112x128xf32, #tpu.memory_space<vmem>>, vector<1x16xf32>,
        %get3A_1467 = arith.index_cast %add3A_1375 : i32 to index
        %get3A_1468 = arith.constant 112 : index
        %get3A_1469 = tpu.vector_load %arg11[%get3A_1467, %get3A_1468] {strides = array<i32>} : memref<112x128xf32, #tpu.memory_space<vmem>>, vector<1x16xf32>,
        %get3A_1470 = vector.shape_cast %get3A_1469 : vector<1x16xf32> to vector<16xf32>
        %slice3A_1471 = vector.extract_strided_slice %get3A_78 {offsets = [12], sizes = [1], strides = [1]} : vector<16xf32> to vector<1xf32>
        %squeeze3A_1472 = vector.extract %slice3A_1471[0] : f32 from vector<1xf32>
        %mul3A_1473 = vector.broadcast %squeeze3A_1472 : f32 to vector<16xf32>
        %mul3A_1474 = arith.mulf %get3A_1470, %mul3A_1473 : vector<16xf32>
        %swap3A_1475 = arith.index_cast %add3A_1375 : i32 to index
        %swap3A_1476 = arith.constant 112 : index
        %swap3A_1477 = tpu.vector_load %arg11[%swap3A_1475, %swap3A_1476] {strides = array<i32>} : memref<112x128xf32, #tpu.memory_space<vmem>>, vector<1x16xf32>,
        %swap3A_1478 = vector.shape_cast %swap3A_1477 : vector<1x16xf32> to vector<16xf32>
        %swap3A_1479 = vector.shape_cast %mul3A_1474 : vector<16xf32> to vector<1x16xf32>
        tpu.vector_store %arg11[%swap3A_1475, %swap3A_1476], %swap3A_1479 {strides = array<i32>} : memref<112x128xf32, #tpu.memory_space<vmem>>, vector<1x16xf32>,
        %mul3A_1480 = arith.constant 16 : i32
        %mul3A_1481 = arith.muli %scan3A_73, %mul3A_1480 : i32
        %add3A_1482 = arith.constant 13 : i32
        %add3A_1483 = arith.addi %mul3A_1481, %add3A_1482 : i32
        %get3A_1484 = arith.index_cast %add3A_1483 : i32 to index
        %get3A_1485 = arith.constant 0 : index
        %get3A_1486 = tpu.vector_load %arg11[%get3A_1484, %get3A_1485] {strides = array<i32>} : memref<112x128xf32, #tpu.memory_space<vmem>>, vector<1x16xf32>,
        %get3A_1487 = vector.shape_cast %get3A_1486 : vector<1x16xf32> to vector<16xf32>
        %slice3A_1488 = vector.extract_strided_slice %get3A_78 {offsets = [13], sizes = [1], strides = [1]} : vector<16xf32> to vector<1xf32>
        %squeeze3A_1489 = vector.extract %slice3A_1488[0] : f32 from vector<1xf32>
        %mul3A_1490 = vector.broadcast %squeeze3A_1489 : f32 to vector<16xf32>
        %mul3A_1491 = arith.mulf %get3A_1487, %mul3A_1490 : vector<16xf32>
        %swap3A_1492 = arith.index_cast %add3A_1483 : i32 to index
        %swap3A_1493 = arith.constant 0 : index
        %swap3A_1494 = tpu.vector_load %arg11[%swap3A_1492, %swap3A_1493] {strides = array<i32>} : memref<112x128xf32, #tpu.memory_space<vmem>>, vector<1x16xf32>,
        %swap3A_1495 = vector.shape_cast %swap3A_1494 : vector<1x16xf32> to vector<16xf32>
        %swap3A_1496 = vector.shape_cast %mul3A_1491 : vector<16xf32> to vector<1x16xf32>
        tpu.vector_store %arg11[%swap3A_1492, %swap3A_1493], %swap3A_1496 {strides = array<i32>} : memref<112x128xf32, #tpu.memory_space<vmem>>, vector<1x16xf32>,
        %get3A_1497 = arith.index_cast %add3A_1483 : i32 to index
        %get3A_1498 = arith.constant 16 : index
        %get3A_1499 = tpu.vector_load %arg11[%get3A_1497, %get3A_1498] {strides = array<i32>} : memref<112x128xf32, #tpu.memory_space<vmem>>, vector<1x16xf32>,
        %get3A_1500 = vector.shape_cast %get3A_1499 : vector<1x16xf32> to vector<16xf32>
        %slice3A_1501 = vector.extract_strided_slice %get3A_78 {offsets = [13], sizes = [1], strides = [1]} : vector<16xf32> to vector<1xf32>
        %squeeze3A_1502 = vector.extract %slice3A_1501[0] : f32 from vector<1xf32>
        %mul3A_1503 = vector.broadcast %squeeze3A_1502 : f32 to vector<16xf32>
        %mul3A_1504 = arith.mulf %get3A_1500, %mul3A_1503 : vector<16xf32>
        %swap3A_1505 = arith.index_cast %add3A_1483 : i32 to index
        %swap3A_1506 = arith.constant 16 : index
        %swap3A_1507 = tpu.vector_load %arg11[%swap3A_1505, %swap3A_1506] {strides = array<i32>} : memref<112x128xf32, #tpu.memory_space<vmem>>, vector<1x16xf32>,
        %swap3A_1508 = vector.shape_cast %swap3A_1507 : vector<1x16xf32> to vector<16xf32>
        %swap3A_1509 = vector.shape_cast %mul3A_1504 : vector<16xf32> to vector<1x16xf32>
        tpu.vector_store %arg11[%swap3A_1505, %swap3A_1506], %swap3A_1509 {strides = array<i32>} : memref<112x128xf32, #tpu.memory_space<vmem>>, vector<1x16xf32>,
        %get3A_1510 = arith.index_cast %add3A_1483 : i32 to index
        %get3A_1511 = arith.constant 32 : index
        %get3A_1512 = tpu.vector_load %arg11[%get3A_1510, %get3A_1511] {strides = array<i32>} : memref<112x128xf32, #tpu.memory_space<vmem>>, vector<1x16xf32>,
        %get3A_1513 = vector.shape_cast %get3A_1512 : vector<1x16xf32> to vector<16xf32>
        %slice3A_1514 = vector.extract_strided_slice %get3A_78 {offsets = [13], sizes = [1], strides = [1]} : vector<16xf32> to vector<1xf32>
        %squeeze3A_1515 = vector.extract %slice3A_1514[0] : f32 from vector<1xf32>
        %mul3A_1516 = vector.broadcast %squeeze3A_1515 : f32 to vector<16xf32>
        %mul3A_1517 = arith.mulf %get3A_1513, %mul3A_1516 : vector<16xf32>
        %swap3A_1518 = arith.index_cast %add3A_1483 : i32 to index
        %swap3A_1519 = arith.constant 32 : index
        %swap3A_1520 = tpu.vector_load %arg11[%swap3A_1518, %swap3A_1519] {strides = array<i32>} : memref<112x128xf32, #tpu.memory_space<vmem>>, vector<1x16xf32>,
        %swap3A_1521 = vector.shape_cast %swap3A_1520 : vector<1x16xf32> to vector<16xf32>
        %swap3A_1522 = vector.shape_cast %mul3A_1517 : vector<16xf32> to vector<1x16xf32>
        tpu.vector_store %arg11[%swap3A_1518, %swap3A_1519], %swap3A_1522 {strides = array<i32>} : memref<112x128xf32, #tpu.memory_space<vmem>>, vector<1x16xf32>,
        %get3A_1523 = arith.index_cast %add3A_1483 : i32 to index
        %get3A_1524 = arith.constant 48 : index
        %get3A_1525 = tpu.vector_load %arg11[%get3A_1523, %get3A_1524] {strides = array<i32>} : memref<112x128xf32, #tpu.memory_space<vmem>>, vector<1x16xf32>,
        %get3A_1526 = vector.shape_cast %get3A_1525 : vector<1x16xf32> to vector<16xf32>
        %slice3A_1527 = vector.extract_strided_slice %get3A_78 {offsets = [13], sizes = [1], strides = [1]} : vector<16xf32> to vector<1xf32>
        %squeeze3A_1528 = vector.extract %slice3A_1527[0] : f32 from vector<1xf32>
        %mul3A_1529 = vector.broadcast %squeeze3A_1528 : f32 to vector<16xf32>
        %mul3A_1530 = arith.mulf %get3A_1526, %mul3A_1529 : vector<16xf32>
        %swap3A_1531 = arith.index_cast %add3A_1483 : i32 to index
        %swap3A_1532 = arith.constant 48 : index
        %swap3A_1533 = tpu.vector_load %arg11[%swap3A_1531, %swap3A_1532] {strides = array<i32>} : memref<112x128xf32, #tpu.memory_space<vmem>>, vector<1x16xf32>,
        %swap3A_1534 = vector.shape_cast %swap3A_1533 : vector<1x16xf32> to vector<16xf32>
        %swap3A_1535 = vector.shape_cast %mul3A_1530 : vector<16xf32> to vector<1x16xf32>
        tpu.vector_store %arg11[%swap3A_1531, %swap3A_1532], %swap3A_1535 {strides = array<i32>} : memref<112x128xf32, #tpu.memory_space<vmem>>, vector<1x16xf32>,
        %get3A_1536 = arith.index_cast %add3A_1483 : i32 to index
        %get3A_1537 = arith.constant 64 : index
        %get3A_1538 = tpu.vector_load %arg11[%get3A_1536, %get3A_1537] {strides = array<i32>} : memref<112x128xf32, #tpu.memory_space<vmem>>, vector<1x16xf32>,
        %get3A_1539 = vector.shape_cast %get3A_1538 : vector<1x16xf32> to vector<16xf32>
        %slice3A_1540 = vector.extract_strided_slice %get3A_78 {offsets = [13], sizes = [1], strides = [1]} : vector<16xf32> to vector<1xf32>
        %squeeze3A_1541 = vector.extract %slice3A_1540[0] : f32 from vector<1xf32>
        %mul3A_1542 = vector.broadcast %squeeze3A_1541 : f32 to vector<16xf32>
        %mul3A_1543 = arith.mulf %get3A_1539, %mul3A_1542 : vector<16xf32>
        %swap3A_1544 = arith.index_cast %add3A_1483 : i32 to index
        %swap3A_1545 = arith.constant 64 : index
        %swap3A_1546 = tpu.vector_load %arg11[%swap3A_1544, %swap3A_1545] {strides = array<i32>} : memref<112x128xf32, #tpu.memory_space<vmem>>, vector<1x16xf32>,
        %swap3A_1547 = vector.shape_cast %swap3A_1546 : vector<1x16xf32> to vector<16xf32>
        %swap3A_1548 = vector.shape_cast %mul3A_1543 : vector<16xf32> to vector<1x16xf32>
        tpu.vector_store %arg11[%swap3A_1544, %swap3A_1545], %swap3A_1548 {strides = array<i32>} : memref<112x128xf32, #tpu.memory_space<vmem>>, vector<1x16xf32>,
        %get3A_1549 = arith.index_cast %add3A_1483 : i32 to index
        %get3A_1550 = arith.constant 80 : index
        %get3A_1551 = tpu.vector_load %arg11[%get3A_1549, %get3A_1550] {strides = array<i32>} : memref<112x128xf32, #tpu.memory_space<vmem>>, vector<1x16xf32>,
        %get3A_1552 = vector.shape_cast %get3A_1551 : vector<1x16xf32> to vector<16xf32>
        %slice3A_1553 = vector.extract_strided_slice %get3A_78 {offsets = [13], sizes = [1], strides = [1]} : vector<16xf32> to vector<1xf32>
        %squeeze3A_1554 = vector.extract %slice3A_1553[0] : f32 from vector<1xf32>
        %mul3A_1555 = vector.broadcast %squeeze3A_1554 : f32 to vector<16xf32>
        %mul3A_1556 = arith.mulf %get3A_1552, %mul3A_1555 : vector<16xf32>
        %swap3A_1557 = arith.index_cast %add3A_1483 : i32 to index
        %swap3A_1558 = arith.constant 80 : index
        %swap3A_1559 = tpu.vector_load %arg11[%swap3A_1557, %swap3A_1558] {strides = array<i32>} : memref<112x128xf32, #tpu.memory_space<vmem>>, vector<1x16xf32>,
        %swap3A_1560 = vector.shape_cast %swap3A_1559 : vector<1x16xf32> to vector<16xf32>
        %swap3A_1561 = vector.shape_cast %mul3A_1556 : vector<16xf32> to vector<1x16xf32>
        tpu.vector_store %arg11[%swap3A_1557, %swap3A_1558], %swap3A_1561 {strides = array<i32>} : memref<112x128xf32, #tpu.memory_space<vmem>>, vector<1x16xf32>,
        %get3A_1562 = arith.index_cast %add3A_1483 : i32 to index
        %get3A_1563 = arith.constant 96 : index
        %get3A_1564 = tpu.vector_load %arg11[%get3A_1562, %get3A_1563] {strides = array<i32>} : memref<112x128xf32, #tpu.memory_space<vmem>>, vector<1x16xf32>,
        %get3A_1565 = vector.shape_cast %get3A_1564 : vector<1x16xf32> to vector<16xf32>
        %slice3A_1566 = vector.extract_strided_slice %get3A_78 {offsets = [13], sizes = [1], strides = [1]} : vector<16xf32> to vector<1xf32>
        %squeeze3A_1567 = vector.extract %slice3A_1566[0] : f32 from vector<1xf32>
        %mul3A_1568 = vector.broadcast %squeeze3A_1567 : f32 to vector<16xf32>
        %mul3A_1569 = arith.mulf %get3A_1565, %mul3A_1568 : vector<16xf32>
        %swap3A_1570 = arith.index_cast %add3A_1483 : i32 to index
        %swap3A_1571 = arith.constant 96 : index
        %swap3A_1572 = tpu.vector_load %arg11[%swap3A_1570, %swap3A_1571] {strides = array<i32>} : memref<112x128xf32, #tpu.memory_space<vmem>>, vector<1x16xf32>,
        %swap3A_1573 = vector.shape_cast %swap3A_1572 : vector<1x16xf32> to vector<16xf32>
        %swap3A_1574 = vector.shape_cast %mul3A_1569 : vector<16xf32> to vector<1x16xf32>
        tpu.vector_store %arg11[%swap3A_1570, %swap3A_1571], %swap3A_1574 {strides = array<i32>} : memref<112x128xf32, #tpu.memory_space<vmem>>, vector<1x16xf32>,
        %get3A_1575 = arith.index_cast %add3A_1483 : i32 to index
        %get3A_1576 = arith.constant 112 : index
        %get3A_1577 = tpu.vector_load %arg11[%get3A_1575, %get3A_1576] {strides = array<i32>} : memref<112x128xf32, #tpu.memory_space<vmem>>, vector<1x16xf32>,
        %get3A_1578 = vector.shape_cast %get3A_1577 : vector<1x16xf32> to vector<16xf32>
        %slice3A_1579 = vector.extract_strided_slice %get3A_78 {offsets = [13], sizes = [1], strides = [1]} : vector<16xf32> to vector<1xf32>
        %squeeze3A_1580 = vector.extract %slice3A_1579[0] : f32 from vector<1xf32>
        %mul3A_1581 = vector.broadcast %squeeze3A_1580 : f32 to vector<16xf32>
        %mul3A_1582 = arith.mulf %get3A_1578, %mul3A_1581 : vector<16xf32>
        %swap3A_1583 = arith.index_cast %add3A_1483 : i32 to index
        %swap3A_1584 = arith.constant 112 : index
        %swap3A_1585 = tpu.vector_load %arg11[%swap3A_1583, %swap3A_1584] {strides = array<i32>} : memref<112x128xf32, #tpu.memory_space<vmem>>, vector<1x16xf32>,
        %swap3A_1586 = vector.shape_cast %swap3A_1585 : vector<1x16xf32> to vector<16xf32>
        %swap3A_1587 = vector.shape_cast %mul3A_1582 : vector<16xf32> to vector<1x16xf32>
        tpu.vector_store %arg11[%swap3A_1583, %swap3A_1584], %swap3A_1587 {strides = array<i32>} : memref<112x128xf32, #tpu.memory_space<vmem>>, vector<1x16xf32>,
        %mul3A_1588 = arith.constant 16 : i32
        %mul3A_1589 = arith.muli %scan3A_73, %mul3A_1588 : i32
        %add3A_1590 = arith.constant 14 : i32
        %add3A_1591 = arith.addi %mul3A_1589, %add3A_1590 : i32
        %get3A_1592 = arith.index_cast %add3A_1591 : i32 to index
        %get3A_1593 = arith.constant 0 : index
        %get3A_1594 = tpu.vector_load %arg11[%get3A_1592, %get3A_1593] {strides = array<i32>} : memref<112x128xf32, #tpu.memory_space<vmem>>, vector<1x16xf32>,
        %get3A_1595 = vector.shape_cast %get3A_1594 : vector<1x16xf32> to vector<16xf32>
        %slice3A_1596 = vector.extract_strided_slice %get3A_78 {offsets = [14], sizes = [1], strides = [1]} : vector<16xf32> to vector<1xf32>
        %squeeze3A_1597 = vector.extract %slice3A_1596[0] : f32 from vector<1xf32>
        %mul3A_1598 = vector.broadcast %squeeze3A_1597 : f32 to vector<16xf32>
        %mul3A_1599 = arith.mulf %get3A_1595, %mul3A_1598 : vector<16xf32>
        %swap3A_1600 = arith.index_cast %add3A_1591 : i32 to index
        %swap3A_1601 = arith.constant 0 : index
        %swap3A_1602 = tpu.vector_load %arg11[%swap3A_1600, %swap3A_1601] {strides = array<i32>} : memref<112x128xf32, #tpu.memory_space<vmem>>, vector<1x16xf32>,
        %swap3A_1603 = vector.shape_cast %swap3A_1602 : vector<1x16xf32> to vector<16xf32>
        %swap3A_1604 = vector.shape_cast %mul3A_1599 : vector<16xf32> to vector<1x16xf32>
        tpu.vector_store %arg11[%swap3A_1600, %swap3A_1601], %swap3A_1604 {strides = array<i32>} : memref<112x128xf32, #tpu.memory_space<vmem>>, vector<1x16xf32>,
        %get3A_1605 = arith.index_cast %add3A_1591 : i32 to index
        %get3A_1606 = arith.constant 16 : index
        %get3A_1607 = tpu.vector_load %arg11[%get3A_1605, %get3A_1606] {strides = array<i32>} : memref<112x128xf32, #tpu.memory_space<vmem>>, vector<1x16xf32>,
        %get3A_1608 = vector.shape_cast %get3A_1607 : vector<1x16xf32> to vector<16xf32>
        %slice3A_1609 = vector.extract_strided_slice %get3A_78 {offsets = [14], sizes = [1], strides = [1]} : vector<16xf32> to vector<1xf32>
        %squeeze3A_1610 = vector.extract %slice3A_1609[0] : f32 from vector<1xf32>
        %mul3A_1611 = vector.broadcast %squeeze3A_1610 : f32 to vector<16xf32>
        %mul3A_1612 = arith.mulf %get3A_1608, %mul3A_1611 : vector<16xf32>
        %swap3A_1613 = arith.index_cast %add3A_1591 : i32 to index
        %swap3A_1614 = arith.constant 16 : index
        %swap3A_1615 = tpu.vector_load %arg11[%swap3A_1613, %swap3A_1614] {strides = array<i32>} : memref<112x128xf32, #tpu.memory_space<vmem>>, vector<1x16xf32>,
        %swap3A_1616 = vector.shape_cast %swap3A_1615 : vector<1x16xf32> to vector<16xf32>
        %swap3A_1617 = vector.shape_cast %mul3A_1612 : vector<16xf32> to vector<1x16xf32>
        tpu.vector_store %arg11[%swap3A_1613, %swap3A_1614], %swap3A_1617 {strides = array<i32>} : memref<112x128xf32, #tpu.memory_space<vmem>>, vector<1x16xf32>,
        %get3A_1618 = arith.index_cast %add3A_1591 : i32 to index
        %get3A_1619 = arith.constant 32 : index
        %get3A_1620 = tpu.vector_load %arg11[%get3A_1618, %get3A_1619] {strides = array<i32>} : memref<112x128xf32, #tpu.memory_space<vmem>>, vector<1x16xf32>,
        %get3A_1621 = vector.shape_cast %get3A_1620 : vector<1x16xf32> to vector<16xf32>
        %slice3A_1622 = vector.extract_strided_slice %get3A_78 {offsets = [14], sizes = [1], strides = [1]} : vector<16xf32> to vector<1xf32>
        %squeeze3A_1623 = vector.extract %slice3A_1622[0] : f32 from vector<1xf32>
        %mul3A_1624 = vector.broadcast %squeeze3A_1623 : f32 to vector<16xf32>
        %mul3A_1625 = arith.mulf %get3A_1621, %mul3A_1624 : vector<16xf32>
        %swap3A_1626 = arith.index_cast %add3A_1591 : i32 to index
        %swap3A_1627 = arith.constant 32 : index
        %swap3A_1628 = tpu.vector_load %arg11[%swap3A_1626, %swap3A_1627] {strides = array<i32>} : memref<112x128xf32, #tpu.memory_space<vmem>>, vector<1x16xf32>,
        %swap3A_1629 = vector.shape_cast %swap3A_1628 : vector<1x16xf32> to vector<16xf32>
        %swap3A_1630 = vector.shape_cast %mul3A_1625 : vector<16xf32> to vector<1x16xf32>
        tpu.vector_store %arg11[%swap3A_1626, %swap3A_1627], %swap3A_1630 {strides = array<i32>} : memref<112x128xf32, #tpu.memory_space<vmem>>, vector<1x16xf32>,
        %get3A_1631 = arith.index_cast %add3A_1591 : i32 to index
        %get3A_1632 = arith.constant 48 : index
        %get3A_1633 = tpu.vector_load %arg11[%get3A_1631, %get3A_1632] {strides = array<i32>} : memref<112x128xf32, #tpu.memory_space<vmem>>, vector<1x16xf32>,
        %get3A_1634 = vector.shape_cast %get3A_1633 : vector<1x16xf32> to vector<16xf32>
        %slice3A_1635 = vector.extract_strided_slice %get3A_78 {offsets = [14], sizes = [1], strides = [1]} : vector<16xf32> to vector<1xf32>
        %squeeze3A_1636 = vector.extract %slice3A_1635[0] : f32 from vector<1xf32>
        %mul3A_1637 = vector.broadcast %squeeze3A_1636 : f32 to vector<16xf32>
        %mul3A_1638 = arith.mulf %get3A_1634, %mul3A_1637 : vector<16xf32>
        %swap3A_1639 = arith.index_cast %add3A_1591 : i32 to index
        %swap3A_1640 = arith.constant 48 : index
        %swap3A_1641 = tpu.vector_load %arg11[%swap3A_1639, %swap3A_1640] {strides = array<i32>} : memref<112x128xf32, #tpu.memory_space<vmem>>, vector<1x16xf32>,
        %swap3A_1642 = vector.shape_cast %swap3A_1641 : vector<1x16xf32> to vector<16xf32>
        %swap3A_1643 = vector.shape_cast %mul3A_1638 : vector<16xf32> to vector<1x16xf32>
        tpu.vector_store %arg11[%swap3A_1639, %swap3A_1640], %swap3A_1643 {strides = array<i32>} : memref<112x128xf32, #tpu.memory_space<vmem>>, vector<1x16xf32>,
        %get3A_1644 = arith.index_cast %add3A_1591 : i32 to index
        %get3A_1645 = arith.constant 64 : index
        %get3A_1646 = tpu.vector_load %arg11[%get3A_1644, %get3A_1645] {strides = array<i32>} : memref<112x128xf32, #tpu.memory_space<vmem>>, vector<1x16xf32>,
        %get3A_1647 = vector.shape_cast %get3A_1646 : vector<1x16xf32> to vector<16xf32>
        %slice3A_1648 = vector.extract_strided_slice %get3A_78 {offsets = [14], sizes = [1], strides = [1]} : vector<16xf32> to vector<1xf32>
        %squeeze3A_1649 = vector.extract %slice3A_1648[0] : f32 from vector<1xf32>
        %mul3A_1650 = vector.broadcast %squeeze3A_1649 : f32 to vector<16xf32>
        %mul3A_1651 = arith.mulf %get3A_1647, %mul3A_1650 : vector<16xf32>
        %swap3A_1652 = arith.index_cast %add3A_1591 : i32 to index
        %swap3A_1653 = arith.constant 64 : index
        %swap3A_1654 = tpu.vector_load %arg11[%swap3A_1652, %swap3A_1653] {strides = array<i32>} : memref<112x128xf32, #tpu.memory_space<vmem>>, vector<1x16xf32>,
        %swap3A_1655 = vector.shape_cast %swap3A_1654 : vector<1x16xf32> to vector<16xf32>
        %swap3A_1656 = vector.shape_cast %mul3A_1651 : vector<16xf32> to vector<1x16xf32>
        tpu.vector_store %arg11[%swap3A_1652, %swap3A_1653], %swap3A_1656 {strides = array<i32>} : memref<112x128xf32, #tpu.memory_space<vmem>>, vector<1x16xf32>,
        %get3A_1657 = arith.index_cast %add3A_1591 : i32 to index
        %get3A_1658 = arith.constant 80 : index
        %get3A_1659 = tpu.vector_load %arg11[%get3A_1657, %get3A_1658] {strides = array<i32>} : memref<112x128xf32, #tpu.memory_space<vmem>>, vector<1x16xf32>,
        %get3A_1660 = vector.shape_cast %get3A_1659 : vector<1x16xf32> to vector<16xf32>
        %slice3A_1661 = vector.extract_strided_slice %get3A_78 {offsets = [14], sizes = [1], strides = [1]} : vector<16xf32> to vector<1xf32>
        %squeeze3A_1662 = vector.extract %slice3A_1661[0] : f32 from vector<1xf32>
        %mul3A_1663 = vector.broadcast %squeeze3A_1662 : f32 to vector<16xf32>
        %mul3A_1664 = arith.mulf %get3A_1660, %mul3A_1663 : vector<16xf32>
        %swap3A_1665 = arith.index_cast %add3A_1591 : i32 to index
        %swap3A_1666 = arith.constant 80 : index
        %swap3A_1667 = tpu.vector_load %arg11[%swap3A_1665, %swap3A_1666] {strides = array<i32>} : memref<112x128xf32, #tpu.memory_space<vmem>>, vector<1x16xf32>,
        %swap3A_1668 = vector.shape_cast %swap3A_1667 : vector<1x16xf32> to vector<16xf32>
        %swap3A_1669 = vector.shape_cast %mul3A_1664 : vector<16xf32> to vector<1x16xf32>
        tpu.vector_store %arg11[%swap3A_1665, %swap3A_1666], %swap3A_1669 {strides = array<i32>} : memref<112x128xf32, #tpu.memory_space<vmem>>, vector<1x16xf32>,
        %get3A_1670 = arith.index_cast %add3A_1591 : i32 to index
        %get3A_1671 = arith.constant 96 : index
        %get3A_1672 = tpu.vector_load %arg11[%get3A_1670, %get3A_1671] {strides = array<i32>} : memref<112x128xf32, #tpu.memory_space<vmem>>, vector<1x16xf32>,
        %get3A_1673 = vector.shape_cast %get3A_1672 : vector<1x16xf32> to vector<16xf32>
        %slice3A_1674 = vector.extract_strided_slice %get3A_78 {offsets = [14], sizes = [1], strides = [1]} : vector<16xf32> to vector<1xf32>
        %squeeze3A_1675 = vector.extract %slice3A_1674[0] : f32 from vector<1xf32>
        %mul3A_1676 = vector.broadcast %squeeze3A_1675 : f32 to vector<16xf32>
        %mul3A_1677 = arith.mulf %get3A_1673, %mul3A_1676 : vector<16xf32>
        %swap3A_1678 = arith.index_cast %add3A_1591 : i32 to index
        %swap3A_1679 = arith.constant 96 : index
        %swap3A_1680 = tpu.vector_load %arg11[%swap3A_1678, %swap3A_1679] {strides = array<i32>} : memref<112x128xf32, #tpu.memory_space<vmem>>, vector<1x16xf32>,
        %swap3A_1681 = vector.shape_cast %swap3A_1680 : vector<1x16xf32> to vector<16xf32>
        %swap3A_1682 = vector.shape_cast %mul3A_1677 : vector<16xf32> to vector<1x16xf32>
        tpu.vector_store %arg11[%swap3A_1678, %swap3A_1679], %swap3A_1682 {strides = array<i32>} : memref<112x128xf32, #tpu.memory_space<vmem>>, vector<1x16xf32>,
        %get3A_1683 = arith.index_cast %add3A_1591 : i32 to index
        %get3A_1684 = arith.constant 112 : index
        %get3A_1685 = tpu.vector_load %arg11[%get3A_1683, %get3A_1684] {strides = array<i32>} : memref<112x128xf32, #tpu.memory_space<vmem>>, vector<1x16xf32>,
        %get3A_1686 = vector.shape_cast %get3A_1685 : vector<1x16xf32> to vector<16xf32>
        %slice3A_1687 = vector.extract_strided_slice %get3A_78 {offsets = [14], sizes = [1], strides = [1]} : vector<16xf32> to vector<1xf32>
        %squeeze3A_1688 = vector.extract %slice3A_1687[0] : f32 from vector<1xf32>
        %mul3A_1689 = vector.broadcast %squeeze3A_1688 : f32 to vector<16xf32>
        %mul3A_1690 = arith.mulf %get3A_1686, %mul3A_1689 : vector<16xf32>
        %swap3A_1691 = arith.index_cast %add3A_1591 : i32 to index
        %swap3A_1692 = arith.constant 112 : index
        %swap3A_1693 = tpu.vector_load %arg11[%swap3A_1691, %swap3A_1692] {strides = array<i32>} : memref<112x128xf32, #tpu.memory_space<vmem>>, vector<1x16xf32>,
        %swap3A_1694 = vector.shape_cast %swap3A_1693 : vector<1x16xf32> to vector<16xf32>
        %swap3A_1695 = vector.shape_cast %mul3A_1690 : vector<16xf32> to vector<1x16xf32>
        tpu.vector_store %arg11[%swap3A_1691, %swap3A_1692], %swap3A_1695 {strides = array<i32>} : memref<112x128xf32, #tpu.memory_space<vmem>>, vector<1x16xf32>,
        %mul3A_1696 = arith.constant 16 : i32
        %mul3A_1697 = arith.muli %scan3A_73, %mul3A_1696 : i32
        %add3A_1698 = arith.constant 15 : i32
        %add3A_1699 = arith.addi %mul3A_1697, %add3A_1698 : i32
        %get3A_1700 = arith.index_cast %add3A_1699 : i32 to index
        %get3A_1701 = arith.constant 0 : index
        %get3A_1702 = tpu.vector_load %arg11[%get3A_1700, %get3A_1701] {strides = array<i32>} : memref<112x128xf32, #tpu.memory_space<vmem>>, vector<1x16xf32>,
        %get3A_1703 = vector.shape_cast %get3A_1702 : vector<1x16xf32> to vector<16xf32>
        %slice3A_1704 = vector.extract_strided_slice %get3A_78 {offsets = [15], sizes = [1], strides = [1]} : vector<16xf32> to vector<1xf32>
        %squeeze3A_1705 = vector.extract %slice3A_1704[0] : f32 from vector<1xf32>
        %mul3A_1706 = vector.broadcast %squeeze3A_1705 : f32 to vector<16xf32>
        %mul3A_1707 = arith.mulf %get3A_1703, %mul3A_1706 : vector<16xf32>
        %swap3A_1708 = arith.index_cast %add3A_1699 : i32 to index
        %swap3A_1709 = arith.constant 0 : index
        %swap3A_1710 = tpu.vector_load %arg11[%swap3A_1708, %swap3A_1709] {strides = array<i32>} : memref<112x128xf32, #tpu.memory_space<vmem>>, vector<1x16xf32>,
        %swap3A_1711 = vector.shape_cast %swap3A_1710 : vector<1x16xf32> to vector<16xf32>
        %swap3A_1712 = vector.shape_cast %mul3A_1707 : vector<16xf32> to vector<1x16xf32>
        tpu.vector_store %arg11[%swap3A_1708, %swap3A_1709], %swap3A_1712 {strides = array<i32>} : memref<112x128xf32, #tpu.memory_space<vmem>>, vector<1x16xf32>,
        %get3A_1713 = arith.index_cast %add3A_1699 : i32 to index
        %get3A_1714 = arith.constant 16 : index
        %get3A_1715 = tpu.vector_load %arg11[%get3A_1713, %get3A_1714] {strides = array<i32>} : memref<112x128xf32, #tpu.memory_space<vmem>>, vector<1x16xf32>,
        %get3A_1716 = vector.shape_cast %get3A_1715 : vector<1x16xf32> to vector<16xf32>
        %slice3A_1717 = vector.extract_strided_slice %get3A_78 {offsets = [15], sizes = [1], strides = [1]} : vector<16xf32> to vector<1xf32>
        %squeeze3A_1718 = vector.extract %slice3A_1717[0] : f32 from vector<1xf32>
        %mul3A_1719 = vector.broadcast %squeeze3A_1718 : f32 to vector<16xf32>
        %mul3A_1720 = arith.mulf %get3A_1716, %mul3A_1719 : vector<16xf32>
        %swap3A_1721 = arith.index_cast %add3A_1699 : i32 to index
        %swap3A_1722 = arith.constant 16 : index
        %swap3A_1723 = tpu.vector_load %arg11[%swap3A_1721, %swap3A_1722] {strides = array<i32>} : memref<112x128xf32, #tpu.memory_space<vmem>>, vector<1x16xf32>,
        %swap3A_1724 = vector.shape_cast %swap3A_1723 : vector<1x16xf32> to vector<16xf32>
        %swap3A_1725 = vector.shape_cast %mul3A_1720 : vector<16xf32> to vector<1x16xf32>
        tpu.vector_store %arg11[%swap3A_1721, %swap3A_1722], %swap3A_1725 {strides = array<i32>} : memref<112x128xf32, #tpu.memory_space<vmem>>, vector<1x16xf32>,
        %get3A_1726 = arith.index_cast %add3A_1699 : i32 to index
        %get3A_1727 = arith.constant 32 : index
        %get3A_1728 = tpu.vector_load %arg11[%get3A_1726, %get3A_1727] {strides = array<i32>} : memref<112x128xf32, #tpu.memory_space<vmem>>, vector<1x16xf32>,
        %get3A_1729 = vector.shape_cast %get3A_1728 : vector<1x16xf32> to vector<16xf32>
        %slice3A_1730 = vector.extract_strided_slice %get3A_78 {offsets = [15], sizes = [1], strides = [1]} : vector<16xf32> to vector<1xf32>
        %squeeze3A_1731 = vector.extract %slice3A_1730[0] : f32 from vector<1xf32>
        %mul3A_1732 = vector.broadcast %squeeze3A_1731 : f32 to vector<16xf32>
        %mul3A_1733 = arith.mulf %get3A_1729, %mul3A_1732 : vector<16xf32>
        %swap3A_1734 = arith.index_cast %add3A_1699 : i32 to index
        %swap3A_1735 = arith.constant 32 : index
        %swap3A_1736 = tpu.vector_load %arg11[%swap3A_1734, %swap3A_1735] {strides = array<i32>} : memref<112x128xf32, #tpu.memory_space<vmem>>, vector<1x16xf32>,
        %swap3A_1737 = vector.shape_cast %swap3A_1736 : vector<1x16xf32> to vector<16xf32>
        %swap3A_1738 = vector.shape_cast %mul3A_1733 : vector<16xf32> to vector<1x16xf32>
        tpu.vector_store %arg11[%swap3A_1734, %swap3A_1735], %swap3A_1738 {strides = array<i32>} : memref<112x128xf32, #tpu.memory_space<vmem>>, vector<1x16xf32>,
        %get3A_1739 = arith.index_cast %add3A_1699 : i32 to index
        %get3A_1740 = arith.constant 48 : index
        %get3A_1741 = tpu.vector_load %arg11[%get3A_1739, %get3A_1740] {strides = array<i32>} : memref<112x128xf32, #tpu.memory_space<vmem>>, vector<1x16xf32>,
        %get3A_1742 = vector.shape_cast %get3A_1741 : vector<1x16xf32> to vector<16xf32>
        %slice3A_1743 = vector.extract_strided_slice %get3A_78 {offsets = [15], sizes = [1], strides = [1]} : vector<16xf32> to vector<1xf32>
        %squeeze3A_1744 = vector.extract %slice3A_1743[0] : f32 from vector<1xf32>
        %mul3A_1745 = vector.broadcast %squeeze3A_1744 : f32 to vector<16xf32>
        %mul3A_1746 = arith.mulf %get3A_1742, %mul3A_1745 : vector<16xf32>
        %swap3A_1747 = arith.index_cast %add3A_1699 : i32 to index
        %swap3A_1748 = arith.constant 48 : index
        %swap3A_1749 = tpu.vector_load %arg11[%swap3A_1747, %swap3A_1748] {strides = array<i32>} : memref<112x128xf32, #tpu.memory_space<vmem>>, vector<1x16xf32>,
        %swap3A_1750 = vector.shape_cast %swap3A_1749 : vector<1x16xf32> to vector<16xf32>
        %swap3A_1751 = vector.shape_cast %mul3A_1746 : vector<16xf32> to vector<1x16xf32>
        tpu.vector_store %arg11[%swap3A_1747, %swap3A_1748], %swap3A_1751 {strides = array<i32>} : memref<112x128xf32, #tpu.memory_space<vmem>>, vector<1x16xf32>,
        %get3A_1752 = arith.index_cast %add3A_1699 : i32 to index
        %get3A_1753 = arith.constant 64 : index
        %get3A_1754 = tpu.vector_load %arg11[%get3A_1752, %get3A_1753] {strides = array<i32>} : memref<112x128xf32, #tpu.memory_space<vmem>>, vector<1x16xf32>,
        %get3A_1755 = vector.shape_cast %get3A_1754 : vector<1x16xf32> to vector<16xf32>
        %slice3A_1756 = vector.extract_strided_slice %get3A_78 {offsets = [15], sizes = [1], strides = [1]} : vector<16xf32> to vector<1xf32>
        %squeeze3A_1757 = vector.extract %slice3A_1756[0] : f32 from vector<1xf32>
        %mul3A_1758 = vector.broadcast %squeeze3A_1757 : f32 to vector<16xf32>
        %mul3A_1759 = arith.mulf %get3A_1755, %mul3A_1758 : vector<16xf32>
        %swap3A_1760 = arith.index_cast %add3A_1699 : i32 to index
        %swap3A_1761 = arith.constant 64 : index
        %swap3A_1762 = tpu.vector_load %arg11[%swap3A_1760, %swap3A_1761] {strides = array<i32>} : memref<112x128xf32, #tpu.memory_space<vmem>>, vector<1x16xf32>,
        %swap3A_1763 = vector.shape_cast %swap3A_1762 : vector<1x16xf32> to vector<16xf32>
        %swap3A_1764 = vector.shape_cast %mul3A_1759 : vector<16xf32> to vector<1x16xf32>
        tpu.vector_store %arg11[%swap3A_1760, %swap3A_1761], %swap3A_1764 {strides = array<i32>} : memref<112x128xf32, #tpu.memory_space<vmem>>, vector<1x16xf32>,
        %get3A_1765 = arith.index_cast %add3A_1699 : i32 to index
        %get3A_1766 = arith.constant 80 : index
        %get3A_1767 = tpu.vector_load %arg11[%get3A_1765, %get3A_1766] {strides = array<i32>} : memref<112x128xf32, #tpu.memory_space<vmem>>, vector<1x16xf32>,
        %get3A_1768 = vector.shape_cast %get3A_1767 : vector<1x16xf32> to vector<16xf32>
        %slice3A_1769 = vector.extract_strided_slice %get3A_78 {offsets = [15], sizes = [1], strides = [1]} : vector<16xf32> to vector<1xf32>
        %squeeze3A_1770 = vector.extract %slice3A_1769[0] : f32 from vector<1xf32>
        %mul3A_1771 = vector.broadcast %squeeze3A_1770 : f32 to vector<16xf32>
        %mul3A_1772 = arith.mulf %get3A_1768, %mul3A_1771 : vector<16xf32>
        %swap3A_1773 = arith.index_cast %add3A_1699 : i32 to index
        %swap3A_1774 = arith.constant 80 : index
        %swap3A_1775 = tpu.vector_load %arg11[%swap3A_1773, %swap3A_1774] {strides = array<i32>} : memref<112x128xf32, #tpu.memory_space<vmem>>, vector<1x16xf32>,
        %swap3A_1776 = vector.shape_cast %swap3A_1775 : vector<1x16xf32> to vector<16xf32>
        %swap3A_1777 = vector.shape_cast %mul3A_1772 : vector<16xf32> to vector<1x16xf32>
        tpu.vector_store %arg11[%swap3A_1773, %swap3A_1774], %swap3A_1777 {strides = array<i32>} : memref<112x128xf32, #tpu.memory_space<vmem>>, vector<1x16xf32>,
        %get3A_1778 = arith.index_cast %add3A_1699 : i32 to index
        %get3A_1779 = arith.constant 96 : index
        %get3A_1780 = tpu.vector_load %arg11[%get3A_1778, %get3A_1779] {strides = array<i32>} : memref<112x128xf32, #tpu.memory_space<vmem>>, vector<1x16xf32>,
        %get3A_1781 = vector.shape_cast %get3A_1780 : vector<1x16xf32> to vector<16xf32>
        %slice3A_1782 = vector.extract_strided_slice %get3A_78 {offsets = [15], sizes = [1], strides = [1]} : vector<16xf32> to vector<1xf32>
        %squeeze3A_1783 = vector.extract %slice3A_1782[0] : f32 from vector<1xf32>
        %mul3A_1784 = vector.broadcast %squeeze3A_1783 : f32 to vector<16xf32>
        %mul3A_1785 = arith.mulf %get3A_1781, %mul3A_1784 : vector<16xf32>
        %swap3A_1786 = arith.index_cast %add3A_1699 : i32 to index
        %swap3A_1787 = arith.constant 96 : index
        %swap3A_1788 = tpu.vector_load %arg11[%swap3A_1786, %swap3A_1787] {strides = array<i32>} : memref<112x128xf32, #tpu.memory_space<vmem>>, vector<1x16xf32>,
        %swap3A_1789 = vector.shape_cast %swap3A_1788 : vector<1x16xf32> to vector<16xf32>
        %swap3A_1790 = vector.shape_cast %mul3A_1785 : vector<16xf32> to vector<1x16xf32>
        tpu.vector_store %arg11[%swap3A_1786, %swap3A_1787], %swap3A_1790 {strides = array<i32>} : memref<112x128xf32, #tpu.memory_space<vmem>>, vector<1x16xf32>,
        %get3A_1791 = arith.index_cast %add3A_1699 : i32 to index
        %get3A_1792 = arith.constant 112 : index
        %get3A_1793 = tpu.vector_load %arg11[%get3A_1791, %get3A_1792] {strides = array<i32>} : memref<112x128xf32, #tpu.memory_space<vmem>>, vector<1x16xf32>,
        %get3A_1794 = vector.shape_cast %get3A_1793 : vector<1x16xf32> to vector<16xf32>
        %slice3A_1795 = vector.extract_strided_slice %get3A_78 {offsets = [15], sizes = [1], strides = [1]} : vector<16xf32> to vector<1xf32>
        %squeeze3A_1796 = vector.extract %slice3A_1795[0] : f32 from vector<1xf32>
        %mul3A_1797 = vector.broadcast %squeeze3A_1796 : f32 to vector<16xf32>
        %mul3A_1798 = arith.mulf %get3A_1794, %mul3A_1797 : vector<16xf32>
        %swap3A_1799 = arith.index_cast %add3A_1699 : i32 to index
        %swap3A_1800 = arith.constant 112 : index
        %swap3A_1801 = tpu.vector_load %arg11[%swap3A_1799, %swap3A_1800] {strides = array<i32>} : memref<112x128xf32, #tpu.memory_space<vmem>>, vector<1x16xf32>,
        %swap3A_1802 = vector.shape_cast %swap3A_1801 : vector<1x16xf32> to vector<16xf32>
        %swap3A_1803 = vector.shape_cast %mul3A_1798 : vector<16xf32> to vector<1x16xf32>
        tpu.vector_store %arg11[%swap3A_1799, %swap3A_1800], %swap3A_1803 {strides = array<i32>} : memref<112x128xf32, #tpu.memory_space<vmem>>, vector<1x16xf32>,
      }
      %scan3A_72 = arith.constant 7 : i32
      "tpu.region"() ({
        %run_scoped3A = tpu.sem_alloc : memref<!tpu.dma_semaphore, #tpu.memory_space<semaphore_mem>>
        %dma_start3A_73 = arith.constant 0 : i32
        %dma_start3A_74 = tpu.memref_slice %arg9[%scan3A_56, %dma_start3A_73] : memref<48x112xi32, #tpu.memory_space<vmem>> -> memref<1x112xi32, #tpu.memory_space<vmem>>
        %dma_start3A_75 = tpu.memref_squeeze %dma_start3A_74 : memref<1x112xi32, #tpu.memory_space<vmem>> -> memref<112xi32, #tpu.memory_space<vmem>>
        %dma_start3A_76 = arith.constant 0 : i32
        %dma_start3A_77 = arith.constant 0 : i32
        %dma_start3A_78 = tpu.memref_slice %arg7[%dma_start3A_76, %dma_start3A_77] : memref<10240x128xf32, #tpu.memory_space<vmem_shared>> -> memref<10240x128xf32, #tpu.memory_space<vmem_shared>>
        tpu.enqueue_indirect_dma source(%arg11 : memref<112x128xf32, #tpu.memory_space<vmem>>) target(%dma_start3A_78 : memref<10240x128xf32, #tpu.memory_space<vmem_shared>>) offsets(%dma_start3A_75 : memref<112xi32, #tpu.memory_space<vmem>>) semaphore(%run_scoped3A : memref<!tpu.dma_semaphore, #tpu.memory_space<semaphore_mem>>) {add = true}
        %dma_wait3A_79 = arith.constant 0 : i32
        %dma_wait3A_80 = tpu.memref_slice %arg9[%scan3A_56, %dma_wait3A_79] : memref<48x112xi32, #tpu.memory_space<vmem>> -> memref<1x112xi32, #tpu.memory_space<vmem>>
        %dma_wait3A_81 = tpu.memref_squeeze %dma_wait3A_80 : memref<1x112xi32, #tpu.memory_space<vmem>> -> memref<112xi32, #tpu.memory_space<vmem>>
        %dma_wait3A_82 = arith.constant 0 : i32
        %dma_wait3A_83 = arith.constant 0 : i32
        %dma_wait3A_84 = tpu.memref_slice %arg7[%dma_wait3A_82, %dma_wait3A_83] : memref<10240x128xf32, #tpu.memory_space<vmem_shared>> -> memref<10240x128xf32, #tpu.memory_space<vmem_shared>>
        tpu.wait_indirect_dma semaphore(%run_scoped3A : memref<!tpu.dma_semaphore, #tpu.memory_space<semaphore_mem>>) src(%arg11 : memref<112x128xf32, #tpu.memory_space<vmem>>) dst(%dma_wait3A_84 : memref<10240x128xf32, #tpu.memory_space<vmem_shared>>)
        tpu.yield
      }) : () -> ()
    }
    %scan3A_44 = arith.constant 48 : i32
    "tpu.region"() ({
      %run_scoped3A = tpu.sem_alloc : memref<!tpu.dma_semaphore, #tpu.memory_space<semaphore_mem>>
      %dma_start3A = arith.constant 0 : i32
      %dma_start3A_56 = arith.constant 0 : i32
      %dma_start3A_57 = tpu.memref_slice %arg8[%dma_start3A, %dma_start3A_56] : memref<48x112xi32, #tpu.memory_space<vmem>> -> memref<42x112xi32, #tpu.memory_space<vmem>>
      %dma_start3A_58 = arith.constant 48 : i32
      %dma_start3A_59 = arith.constant 0 : i32
      %dma_start3A_60 = tpu.memref_slice %arg3[%add3A, %dma_start3A_58, %dma_start3A_59] : memref<32x90x112xi32, #tpu.memory_space<hbm>> -> memref<1x42x112xi32, #tpu.memory_space<hbm>>
      %dma_start3A_61 = tpu.memref_squeeze %dma_start3A_60 : memref<1x42x112xi32, #tpu.memory_space<hbm>> -> memref<42x112xi32, #tpu.memory_space<hbm>>
      %dma_start3A_62 = arith.constant 0 : i32
      %dma_start3A_63 = arith.constant 0 : i32
      %dma_start3A_64 = tpu.memref_slice %arg8[%dma_start3A_62, %dma_start3A_63] : memref<48x112xi32, #tpu.memory_space<vmem>> -> memref<42x112xi32, #tpu.memory_space<vmem>>
      %dma_start3A_65 = arith.constant 48 : i32
      %dma_start3A_66 = arith.constant 0 : i32
      %dma_start3A_67 = tpu.memref_slice %arg3[%add3A, %dma_start3A_65, %dma_start3A_66] : memref<32x90x112xi32, #tpu.memory_space<hbm>> -> memref<1x42x112xi32, #tpu.memory_space<hbm>>
      %dma_start3A_68 = tpu.memref_squeeze %dma_start3A_67 : memref<1x42x112xi32, #tpu.memory_space<hbm>> -> memref<42x112xi32, #tpu.memory_space<hbm>>
      tpu.enqueue_dma source(%dma_start3A_68 : memref<42x112xi32, #tpu.memory_space<hbm>>) target(%dma_start3A_64 : memref<42x112xi32, #tpu.memory_space<vmem>>) target_semaphore(%run_scoped3A : memref<!tpu.dma_semaphore, #tpu.memory_space<semaphore_mem>>)
      %dma_wait3A = arith.constant 0 : i32
      %dma_wait3A_69 = arith.constant 0 : i32
      %dma_wait3A_70 = tpu.memref_slice %arg8[%dma_wait3A, %dma_wait3A_69] : memref<48x112xi32, #tpu.memory_space<vmem>> -> memref<42x112xi32, #tpu.memory_space<vmem>>
      %dma_wait3A_71 = arith.constant 48 : i32
      %dma_wait3A_72 = arith.constant 0 : i32
      %dma_wait3A_73 = tpu.memref_slice %arg3[%add3A, %dma_wait3A_71, %dma_wait3A_72] : memref<32x90x112xi32, #tpu.memory_space<hbm>> -> memref<1x42x112xi32, #tpu.memory_space<hbm>>
      %dma_wait3A_74 = tpu.memref_squeeze %dma_wait3A_73 : memref<1x42x112xi32, #tpu.memory_space<hbm>> -> memref<42x112xi32, #tpu.memory_space<hbm>>
      %dma_wait3A_75 = arith.constant 0 : i32
      %dma_wait3A_76 = arith.constant 0 : i32
      %dma_wait3A_77 = tpu.memref_slice %arg8[%dma_wait3A_75, %dma_wait3A_76] : memref<48x112xi32, #tpu.memory_space<vmem>> -> memref<42x112xi32, #tpu.memory_space<vmem>>
      %dma_wait3A_78 = arith.constant 48 : i32
      %dma_wait3A_79 = arith.constant 0 : i32
      %dma_wait3A_80 = tpu.memref_slice %arg3[%add3A, %dma_wait3A_78, %dma_wait3A_79] : memref<32x90x112xi32, #tpu.memory_space<hbm>> -> memref<1x42x112xi32, #tpu.memory_space<hbm>>
      %dma_wait3A_81 = tpu.memref_squeeze %dma_wait3A_80 : memref<1x42x112xi32, #tpu.memory_space<hbm>> -> memref<42x112xi32, #tpu.memory_space<hbm>>
      tpu.wait_dma2 semaphore(%run_scoped3A : memref<!tpu.dma_semaphore, #tpu.memory_space<semaphore_mem>>) src(%dma_wait3A_81 : memref<42x112xi32, #tpu.memory_space<hbm>>) dst(%dma_wait3A_77 : memref<42x112xi32, #tpu.memory_space<vmem>>)
      tpu.yield
    }) : () -> ()
    "tpu.region"() ({
      %run_scoped3A = tpu.sem_alloc : memref<!tpu.dma_semaphore, #tpu.memory_space<semaphore_mem>>
      %dma_start3A = arith.constant 0 : i32
      %dma_start3A_56 = arith.constant 0 : i32
      %dma_start3A_57 = tpu.memref_slice %arg9[%dma_start3A, %dma_start3A_56] : memref<48x112xi32, #tpu.memory_space<vmem>> -> memref<42x112xi32, #tpu.memory_space<vmem>>
      %dma_start3A_58 = arith.constant 48 : i32
      %dma_start3A_59 = arith.constant 0 : i32
      %dma_start3A_60 = tpu.memref_slice %arg4[%add3A, %dma_start3A_58, %dma_start3A_59] : memref<32x90x112xi32, #tpu.memory_space<hbm>> -> memref<1x42x112xi32, #tpu.memory_space<hbm>>
      %dma_start3A_61 = tpu.memref_squeeze %dma_start3A_60 : memref<1x42x112xi32, #tpu.memory_space<hbm>> -> memref<42x112xi32, #tpu.memory_space<hbm>>
      %dma_start3A_62 = arith.constant 0 : i32
      %dma_start3A_63 = arith.constant 0 : i32
      %dma_start3A_64 = tpu.memref_slice %arg9[%dma_start3A_62, %dma_start3A_63] : memref<48x112xi32, #tpu.memory_space<vmem>> -> memref<42x112xi32, #tpu.memory_space<vmem>>
      %dma_start3A_65 = arith.constant 48 : i32
      %dma_start3A_66 = arith.constant 0 : i32
      %dma_start3A_67 = tpu.memref_slice %arg4[%add3A, %dma_start3A_65, %dma_start3A_66] : memref<32x90x112xi32, #tpu.memory_space<hbm>> -> memref<1x42x112xi32, #tpu.memory_space<hbm>>
      %dma_start3A_68 = tpu.memref_squeeze %dma_start3A_67 : memref<1x42x112xi32, #tpu.memory_space<hbm>> -> memref<42x112xi32, #tpu.memory_space<hbm>>
      tpu.enqueue_dma source(%dma_start3A_68 : memref<42x112xi32, #tpu.memory_space<hbm>>) target(%dma_start3A_64 : memref<42x112xi32, #tpu.memory_space<vmem>>) target_semaphore(%run_scoped3A : memref<!tpu.dma_semaphore, #tpu.memory_space<semaphore_mem>>)
      %dma_wait3A = arith.constant 0 : i32
      %dma_wait3A_69 = arith.constant 0 : i32
      %dma_wait3A_70 = tpu.memref_slice %arg9[%dma_wait3A, %dma_wait3A_69] : memref<48x112xi32, #tpu.memory_space<vmem>> -> memref<42x112xi32, #tpu.memory_space<vmem>>
      %dma_wait3A_71 = arith.constant 48 : i32
      %dma_wait3A_72 = arith.constant 0 : i32
      %dma_wait3A_73 = tpu.memref_slice %arg4[%add3A, %dma_wait3A_71, %dma_wait3A_72] : memref<32x90x112xi32, #tpu.memory_space<hbm>> -> memref<1x42x112xi32, #tpu.memory_space<hbm>>
      %dma_wait3A_74 = tpu.memref_squeeze %dma_wait3A_73 : memref<1x42x112xi32, #tpu.memory_space<hbm>> -> memref<42x112xi32, #tpu.memory_space<hbm>>
      %dma_wait3A_75 = arith.constant 0 : i32
      %dma_wait3A_76 = arith.constant 0 : i32
      %dma_wait3A_77 = tpu.memref_slice %arg9[%dma_wait3A_75, %dma_wait3A_76] : memref<48x112xi32, #tpu.memory_space<vmem>> -> memref<42x112xi32, #tpu.memory_space<vmem>>
      %dma_wait3A_78 = arith.constant 48 : i32
      %dma_wait3A_79 = arith.constant 0 : i32
      %dma_wait3A_80 = tpu.memref_slice %arg4[%add3A, %dma_wait3A_78, %dma_wait3A_79] : memref<32x90x112xi32, #tpu.memory_space<hbm>> -> memref<1x42x112xi32, #tpu.memory_space<hbm>>
      %dma_wait3A_81 = tpu.memref_squeeze %dma_wait3A_80 : memref<1x42x112xi32, #tpu.memory_space<hbm>> -> memref<42x112xi32, #tpu.memory_space<hbm>>
      tpu.wait_dma2 semaphore(%run_scoped3A : memref<!tpu.dma_semaphore, #tpu.memory_space<semaphore_mem>>) src(%dma_wait3A_81 : memref<42x112xi32, #tpu.memory_space<hbm>>) dst(%dma_wait3A_77 : memref<42x112xi32, #tpu.memory_space<vmem>>)
      tpu.yield
    }) : () -> ()
    "tpu.region"() ({
      %run_scoped3A = tpu.sem_alloc : memref<!tpu.dma_semaphore, #tpu.memory_space<semaphore_mem>>
      %dma_start3A = arith.constant 0 : i32
      %dma_start3A_56 = arith.constant 0 : i32
      %dma_start3A_57 = tpu.memref_slice %arg10[%dma_start3A, %dma_start3A_56] : memref<48x112xf32, #tpu.memory_space<vmem>> -> memref<42x112xf32, #tpu.memory_space<vmem>>
      %dma_start3A_58 = arith.constant 48 : i32
      %dma_start3A_59 = arith.constant 0 : i32
      %dma_start3A_60 = tpu.memref_slice %arg5[%add3A, %dma_start3A_58, %dma_start3A_59] : memref<32x90x112xf32, #tpu.memory_space<hbm>> -> memref<1x42x112xf32, #tpu.memory_space<hbm>>
      %dma_start3A_61 = tpu.memref_squeeze %dma_start3A_60 : memref<1x42x112xf32, #tpu.memory_space<hbm>> -> memref<42x112xf32, #tpu.memory_space<hbm>>
      %dma_start3A_62 = arith.constant 0 : i32
      %dma_start3A_63 = arith.constant 0 : i32
      %dma_start3A_64 = tpu.memref_slice %arg10[%dma_start3A_62, %dma_start3A_63] : memref<48x112xf32, #tpu.memory_space<vmem>> -> memref<42x112xf32, #tpu.memory_space<vmem>>
      %dma_start3A_65 = arith.constant 48 : i32
      %dma_start3A_66 = arith.constant 0 : i32
      %dma_start3A_67 = tpu.memref_slice %arg5[%add3A, %dma_start3A_65, %dma_start3A_66] : memref<32x90x112xf32, #tpu.memory_space<hbm>> -> memref<1x42x112xf32, #tpu.memory_space<hbm>>
      %dma_start3A_68 = tpu.memref_squeeze %dma_start3A_67 : memref<1x42x112xf32, #tpu.memory_space<hbm>> -> memref<42x112xf32, #tpu.memory_space<hbm>>
      tpu.enqueue_dma source(%dma_start3A_68 : memref<42x112xf32, #tpu.memory_space<hbm>>) target(%dma_start3A_64 : memref<42x112xf32, #tpu.memory_space<vmem>>) target_semaphore(%run_scoped3A : memref<!tpu.dma_semaphore, #tpu.memory_space<semaphore_mem>>)
      %dma_wait3A = arith.constant 0 : i32
      %dma_wait3A_69 = arith.constant 0 : i32
      %dma_wait3A_70 = tpu.memref_slice %arg10[%dma_wait3A, %dma_wait3A_69] : memref<48x112xf32, #tpu.memory_space<vmem>> -> memref<42x112xf32, #tpu.memory_space<vmem>>
      %dma_wait3A_71 = arith.constant 48 : i32
      %dma_wait3A_72 = arith.constant 0 : i32
      %dma_wait3A_73 = tpu.memref_slice %arg5[%add3A, %dma_wait3A_71, %dma_wait3A_72] : memref<32x90x112xf32, #tpu.memory_space<hbm>> -> memref<1x42x112xf32, #tpu.memory_space<hbm>>
      %dma_wait3A_74 = tpu.memref_squeeze %dma_wait3A_73 : memref<1x42x112xf32, #tpu.memory_space<hbm>> -> memref<42x112xf32, #tpu.memory_space<hbm>>
      %dma_wait3A_75 = arith.constant 0 : i32
      %dma_wait3A_76 = arith.constant 0 : i32
      %dma_wait3A_77 = tpu.memref_slice %arg10[%dma_wait3A_75, %dma_wait3A_76] : memref<48x112xf32, #tpu.memory_space<vmem>> -> memref<42x112xf32, #tpu.memory_space<vmem>>
      %dma_wait3A_78 = arith.constant 48 : i32
      %dma_wait3A_79 = arith.constant 0 : i32
      %dma_wait3A_80 = tpu.memref_slice %arg5[%add3A, %dma_wait3A_78, %dma_wait3A_79] : memref<32x90x112xf32, #tpu.memory_space<hbm>> -> memref<1x42x112xf32, #tpu.memory_space<hbm>>
      %dma_wait3A_81 = tpu.memref_squeeze %dma_wait3A_80 : memref<1x42x112xf32, #tpu.memory_space<hbm>> -> memref<42x112xf32, #tpu.memory_space<hbm>>
      tpu.wait_dma2 semaphore(%run_scoped3A : memref<!tpu.dma_semaphore, #tpu.memory_space<semaphore_mem>>) src(%dma_wait3A_81 : memref<42x112xf32, #tpu.memory_space<hbm>>) dst(%dma_wait3A_77 : memref<42x112xf32, #tpu.memory_space<vmem>>)
      tpu.yield
    }) : () -> ()
    %scan3A_45 = arith.constant 0 : i32
    %scan3A_46 = arith.constant 0 : i32
    %scan3A_47 = arith.constant 42 : i32
    %scan3A_48 = arith.addi %scan3A_46, %scan3A_47 : i32
    %scan3A_49 = arith.constant 1 : i32
    scf.for %scan3A_56 = %scan3A_46 to %scan3A_48 step %scan3A_49  : i32 {
      %dma_start3A = arith.constant 0 : i32
      %dma_start3A_57 = tpu.memref_slice %arg8[%scan3A_56, %dma_start3A] : memref<48x112xi32, #tpu.memory_space<vmem>> -> memref<1x112xi32, #tpu.memory_space<vmem>>
      %dma_start3A_58 = tpu.memref_squeeze %dma_start3A_57 : memref<1x112xi32, #tpu.memory_space<vmem>> -> memref<112xi32, #tpu.memory_space<vmem>>
      %dma_start3A_59 = arith.constant 0 : i32
      %dma_start3A_60 = arith.constant 0 : i32
      %dma_start3A_61 = tpu.memref_slice %arg2[%dma_start3A_59, %dma_start3A_60] : memref<10000x128xf32, #tpu.memory_space<hbm>> -> memref<10000x128xf32, #tpu.memory_space<hbm>>
      tpu.enqueue_indirect_dma source(%dma_start3A_61 : memref<10000x128xf32, #tpu.memory_space<hbm>>) target(%arg11 : memref<112x128xf32, #tpu.memory_space<vmem>>) offsets(%dma_start3A_58 : memref<112xi32, #tpu.memory_space<vmem>>) semaphore(%arg12 : memref<!tpu.dma_semaphore, #tpu.memory_space<semaphore_mem>>)
      %dma_wait3A = arith.constant 0 : i32
      %dma_wait3A_62 = tpu.memref_slice %arg8[%scan3A_56, %dma_wait3A] : memref<48x112xi32, #tpu.memory_space<vmem>> -> memref<1x112xi32, #tpu.memory_space<vmem>>
      %dma_wait3A_63 = tpu.memref_squeeze %dma_wait3A_62 : memref<1x112xi32, #tpu.memory_space<vmem>> -> memref<112xi32, #tpu.memory_space<vmem>>
      %dma_wait3A_64 = arith.constant 0 : i32
      %dma_wait3A_65 = arith.constant 0 : i32
      %dma_wait3A_66 = tpu.memref_slice %arg2[%dma_wait3A_64, %dma_wait3A_65] : memref<10000x128xf32, #tpu.memory_space<hbm>> -> memref<10000x128xf32, #tpu.memory_space<hbm>>
      tpu.wait_indirect_dma semaphore(%arg12 : memref<!tpu.dma_semaphore, #tpu.memory_space<semaphore_mem>>) src(%dma_wait3A_66 : memref<10000x128xf32, #tpu.memory_space<hbm>>) dst(%arg11 : memref<112x128xf32, #tpu.memory_space<vmem>>)
      %scan3A_67 = arith.constant 0 : i32
      %scan3A_68 = arith.constant 0 : i32
      %scan3A_69 = arith.constant 7 : i32
      %scan3A_70 = arith.addi %scan3A_68, %scan3A_69 : i32
      %scan3A_71 = arith.constant 1 : i32
      scf.for %scan3A_73 = %scan3A_68 to %scan3A_70 step %scan3A_71  : i32 {
        %mul3A_74 = arith.constant 16 : i32
        %mul3A_75 = arith.muli %scan3A_73, %mul3A_74 : i32
        %get3A = arith.index_cast %scan3A_56 : i32 to index
        %get3A_76 = arith.index_cast %mul3A_75 : i32 to index
        %get3A_77 = tpu.vector_load %arg10[%get3A, %get3A_76] {strides = array<i32>} : memref<48x112xf32, #tpu.memory_space<vmem>>, vector<1x16xf32>,
        %get3A_78 = vector.shape_cast %get3A_77 : vector<1x16xf32> to vector<16xf32>
        %mul3A_79 = arith.constant 16 : i32
        %mul3A_80 = arith.muli %scan3A_73, %mul3A_79 : i32
        %add3A_81 = arith.constant 0 : i32
        %add3A_82 = arith.addi %mul3A_80, %add3A_81 : i32
        %get3A_83 = arith.index_cast %add3A_82 : i32 to index
        %get3A_84 = arith.constant 0 : index
        %get3A_85 = tpu.vector_load %arg11[%get3A_83, %get3A_84] {strides = array<i32>} : memref<112x128xf32, #tpu.memory_space<vmem>>, vector<1x16xf32>,
        %get3A_86 = vector.shape_cast %get3A_85 : vector<1x16xf32> to vector<16xf32>
        %slice3A = vector.extract_strided_slice %get3A_78 {offsets = [0], sizes = [1], strides = [1]} : vector<16xf32> to vector<1xf32>
        %squeeze3A = vector.extract %slice3A[0] : f32 from vector<1xf32>
        %mul3A_87 = vector.broadcast %squeeze3A : f32 to vector<16xf32>
        %mul3A_88 = arith.mulf %get3A_86, %mul3A_87 : vector<16xf32>
        %swap3A = arith.index_cast %add3A_82 : i32 to index
        %swap3A_89 = arith.constant 0 : index
        %swap3A_90 = tpu.vector_load %arg11[%swap3A, %swap3A_89] {strides = array<i32>} : memref<112x128xf32, #tpu.memory_space<vmem>>, vector<1x16xf32>,
        %swap3A_91 = vector.shape_cast %swap3A_90 : vector<1x16xf32> to vector<16xf32>
        %swap3A_92 = vector.shape_cast %mul3A_88 : vector<16xf32> to vector<1x16xf32>
        tpu.vector_store %arg11[%swap3A, %swap3A_89], %swap3A_92 {strides = array<i32>} : memref<112x128xf32, #tpu.memory_space<vmem>>, vector<1x16xf32>,
        %get3A_93 = arith.index_cast %add3A_82 : i32 to index
        %get3A_94 = arith.constant 16 : index
        %get3A_95 = tpu.vector_load %arg11[%get3A_93, %get3A_94] {strides = array<i32>} : memref<112x128xf32, #tpu.memory_space<vmem>>, vector<1x16xf32>,
        %get3A_96 = vector.shape_cast %get3A_95 : vector<1x16xf32> to vector<16xf32>
        %slice3A_97 = vector.extract_strided_slice %get3A_78 {offsets = [0], sizes = [1], strides = [1]} : vector<16xf32> to vector<1xf32>
        %squeeze3A_98 = vector.extract %slice3A_97[0] : f32 from vector<1xf32>
        %mul3A_99 = vector.broadcast %squeeze3A_98 : f32 to vector<16xf32>
        %mul3A_100 = arith.mulf %get3A_96, %mul3A_99 : vector<16xf32>
        %swap3A_101 = arith.index_cast %add3A_82 : i32 to index
        %swap3A_102 = arith.constant 16 : index
        %swap3A_103 = tpu.vector_load %arg11[%swap3A_101, %swap3A_102] {strides = array<i32>} : memref<112x128xf32, #tpu.memory_space<vmem>>, vector<1x16xf32>,
        %swap3A_104 = vector.shape_cast %swap3A_103 : vector<1x16xf32> to vector<16xf32>
        %swap3A_105 = vector.shape_cast %mul3A_100 : vector<16xf32> to vector<1x16xf32>
        tpu.vector_store %arg11[%swap3A_101, %swap3A_102], %swap3A_105 {strides = array<i32>} : memref<112x128xf32, #tpu.memory_space<vmem>>, vector<1x16xf32>,
        %get3A_106 = arith.index_cast %add3A_82 : i32 to index
        %get3A_107 = arith.constant 32 : index
        %get3A_108 = tpu.vector_load %arg11[%get3A_106, %get3A_107] {strides = array<i32>} : memref<112x128xf32, #tpu.memory_space<vmem>>, vector<1x16xf32>,
        %get3A_109 = vector.shape_cast %get3A_108 : vector<1x16xf32> to vector<16xf32>
        %slice3A_110 = vector.extract_strided_slice %get3A_78 {offsets = [0], sizes = [1], strides = [1]} : vector<16xf32> to vector<1xf32>
        %squeeze3A_111 = vector.extract %slice3A_110[0] : f32 from vector<1xf32>
        %mul3A_112 = vector.broadcast %squeeze3A_111 : f32 to vector<16xf32>
        %mul3A_113 = arith.mulf %get3A_109, %mul3A_112 : vector<16xf32>
        %swap3A_114 = arith.index_cast %add3A_82 : i32 to index
        %swap3A_115 = arith.constant 32 : index
        %swap3A_116 = tpu.vector_load %arg11[%swap3A_114, %swap3A_115] {strides = array<i32>} : memref<112x128xf32, #tpu.memory_space<vmem>>, vector<1x16xf32>,
        %swap3A_117 = vector.shape_cast %swap3A_116 : vector<1x16xf32> to vector<16xf32>
        %swap3A_118 = vector.shape_cast %mul3A_113 : vector<16xf32> to vector<1x16xf32>
        tpu.vector_store %arg11[%swap3A_114, %swap3A_115], %swap3A_118 {strides = array<i32>} : memref<112x128xf32, #tpu.memory_space<vmem>>, vector<1x16xf32>,
        %get3A_119 = arith.index_cast %add3A_82 : i32 to index
        %get3A_120 = arith.constant 48 : index
        %get3A_121 = tpu.vector_load %arg11[%get3A_119, %get3A_120] {strides = array<i32>} : memref<112x128xf32, #tpu.memory_space<vmem>>, vector<1x16xf32>,
        %get3A_122 = vector.shape_cast %get3A_121 : vector<1x16xf32> to vector<16xf32>
        %slice3A_123 = vector.extract_strided_slice %get3A_78 {offsets = [0], sizes = [1], strides = [1]} : vector<16xf32> to vector<1xf32>
        %squeeze3A_124 = vector.extract %slice3A_123[0] : f32 from vector<1xf32>
        %mul3A_125 = vector.broadcast %squeeze3A_124 : f32 to vector<16xf32>
        %mul3A_126 = arith.mulf %get3A_122, %mul3A_125 : vector<16xf32>
        %swap3A_127 = arith.index_cast %add3A_82 : i32 to index
        %swap3A_128 = arith.constant 48 : index
        %swap3A_129 = tpu.vector_load %arg11[%swap3A_127, %swap3A_128] {strides = array<i32>} : memref<112x128xf32, #tpu.memory_space<vmem>>, vector<1x16xf32>,
        %swap3A_130 = vector.shape_cast %swap3A_129 : vector<1x16xf32> to vector<16xf32>
        %swap3A_131 = vector.shape_cast %mul3A_126 : vector<16xf32> to vector<1x16xf32>
        tpu.vector_store %arg11[%swap3A_127, %swap3A_128], %swap3A_131 {strides = array<i32>} : memref<112x128xf32, #tpu.memory_space<vmem>>, vector<1x16xf32>,
        %get3A_132 = arith.index_cast %add3A_82 : i32 to index
        %get3A_133 = arith.constant 64 : index
        %get3A_134 = tpu.vector_load %arg11[%get3A_132, %get3A_133] {strides = array<i32>} : memref<112x128xf32, #tpu.memory_space<vmem>>, vector<1x16xf32>,
        %get3A_135 = vector.shape_cast %get3A_134 : vector<1x16xf32> to vector<16xf32>
        %slice3A_136 = vector.extract_strided_slice %get3A_78 {offsets = [0], sizes = [1], strides = [1]} : vector<16xf32> to vector<1xf32>
        %squeeze3A_137 = vector.extract %slice3A_136[0] : f32 from vector<1xf32>
        %mul3A_138 = vector.broadcast %squeeze3A_137 : f32 to vector<16xf32>
        %mul3A_139 = arith.mulf %get3A_135, %mul3A_138 : vector<16xf32>
        %swap3A_140 = arith.index_cast %add3A_82 : i32 to index
        %swap3A_141 = arith.constant 64 : index
        %swap3A_142 = tpu.vector_load %arg11[%swap3A_140, %swap3A_141] {strides = array<i32>} : memref<112x128xf32, #tpu.memory_space<vmem>>, vector<1x16xf32>,
        %swap3A_143 = vector.shape_cast %swap3A_142 : vector<1x16xf32> to vector<16xf32>
        %swap3A_144 = vector.shape_cast %mul3A_139 : vector<16xf32> to vector<1x16xf32>
        tpu.vector_store %arg11[%swap3A_140, %swap3A_141], %swap3A_144 {strides = array<i32>} : memref<112x128xf32, #tpu.memory_space<vmem>>, vector<1x16xf32>,
        %get3A_145 = arith.index_cast %add3A_82 : i32 to index
        %get3A_146 = arith.constant 80 : index
        %get3A_147 = tpu.vector_load %arg11[%get3A_145, %get3A_146] {strides = array<i32>} : memref<112x128xf32, #tpu.memory_space<vmem>>, vector<1x16xf32>,
        %get3A_148 = vector.shape_cast %get3A_147 : vector<1x16xf32> to vector<16xf32>
        %slice3A_149 = vector.extract_strided_slice %get3A_78 {offsets = [0], sizes = [1], strides = [1]} : vector<16xf32> to vector<1xf32>
        %squeeze3A_150 = vector.extract %slice3A_149[0] : f32 from vector<1xf32>
        %mul3A_151 = vector.broadcast %squeeze3A_150 : f32 to vector<16xf32>
        %mul3A_152 = arith.mulf %get3A_148, %mul3A_151 : vector<16xf32>
        %swap3A_153 = arith.index_cast %add3A_82 : i32 to index
        %swap3A_154 = arith.constant 80 : index
        %swap3A_155 = tpu.vector_load %arg11[%swap3A_153, %swap3A_154] {strides = array<i32>} : memref<112x128xf32, #tpu.memory_space<vmem>>, vector<1x16xf32>,
        %swap3A_156 = vector.shape_cast %swap3A_155 : vector<1x16xf32> to vector<16xf32>
        %swap3A_157 = vector.shape_cast %mul3A_152 : vector<16xf32> to vector<1x16xf32>
        tpu.vector_store %arg11[%swap3A_153, %swap3A_154], %swap3A_157 {strides = array<i32>} : memref<112x128xf32, #tpu.memory_space<vmem>>, vector<1x16xf32>,
        %get3A_158 = arith.index_cast %add3A_82 : i32 to index
        %get3A_159 = arith.constant 96 : index
        %get3A_160 = tpu.vector_load %arg11[%get3A_158, %get3A_159] {strides = array<i32>} : memref<112x128xf32, #tpu.memory_space<vmem>>, vector<1x16xf32>,
        %get3A_161 = vector.shape_cast %get3A_160 : vector<1x16xf32> to vector<16xf32>
        %slice3A_162 = vector.extract_strided_slice %get3A_78 {offsets = [0], sizes = [1], strides = [1]} : vector<16xf32> to vector<1xf32>
        %squeeze3A_163 = vector.extract %slice3A_162[0] : f32 from vector<1xf32>
        %mul3A_164 = vector.broadcast %squeeze3A_163 : f32 to vector<16xf32>
        %mul3A_165 = arith.mulf %get3A_161, %mul3A_164 : vector<16xf32>
        %swap3A_166 = arith.index_cast %add3A_82 : i32 to index
        %swap3A_167 = arith.constant 96 : index
        %swap3A_168 = tpu.vector_load %arg11[%swap3A_166, %swap3A_167] {strides = array<i32>} : memref<112x128xf32, #tpu.memory_space<vmem>>, vector<1x16xf32>,
        %swap3A_169 = vector.shape_cast %swap3A_168 : vector<1x16xf32> to vector<16xf32>
        %swap3A_170 = vector.shape_cast %mul3A_165 : vector<16xf32> to vector<1x16xf32>
        tpu.vector_store %arg11[%swap3A_166, %swap3A_167], %swap3A_170 {strides = array<i32>} : memref<112x128xf32, #tpu.memory_space<vmem>>, vector<1x16xf32>,
        %get3A_171 = arith.index_cast %add3A_82 : i32 to index
        %get3A_172 = arith.constant 112 : index
        %get3A_173 = tpu.vector_load %arg11[%get3A_171, %get3A_172] {strides = array<i32>} : memref<112x128xf32, #tpu.memory_space<vmem>>, vector<1x16xf32>,
        %get3A_174 = vector.shape_cast %get3A_173 : vector<1x16xf32> to vector<16xf32>
        %slice3A_175 = vector.extract_strided_slice %get3A_78 {offsets = [0], sizes = [1], strides = [1]} : vector<16xf32> to vector<1xf32>
        %squeeze3A_176 = vector.extract %slice3A_175[0] : f32 from vector<1xf32>
        %mul3A_177 = vector.broadcast %squeeze3A_176 : f32 to vector<16xf32>
        %mul3A_178 = arith.mulf %get3A_174, %mul3A_177 : vector<16xf32>
        %swap3A_179 = arith.index_cast %add3A_82 : i32 to index
        %swap3A_180 = arith.constant 112 : index
        %swap3A_181 = tpu.vector_load %arg11[%swap3A_179, %swap3A_180] {strides = array<i32>} : memref<112x128xf32, #tpu.memory_space<vmem>>, vector<1x16xf32>,
        %swap3A_182 = vector.shape_cast %swap3A_181 : vector<1x16xf32> to vector<16xf32>
        %swap3A_183 = vector.shape_cast %mul3A_178 : vector<16xf32> to vector<1x16xf32>
        tpu.vector_store %arg11[%swap3A_179, %swap3A_180], %swap3A_183 {strides = array<i32>} : memref<112x128xf32, #tpu.memory_space<vmem>>, vector<1x16xf32>,
        %mul3A_184 = arith.constant 16 : i32
        %mul3A_185 = arith.muli %scan3A_73, %mul3A_184 : i32
        %add3A_186 = arith.constant 1 : i32
        %add3A_187 = arith.addi %mul3A_185, %add3A_186 : i32
        %get3A_188 = arith.index_cast %add3A_187 : i32 to index
        %get3A_189 = arith.constant 0 : index
        %get3A_190 = tpu.vector_load %arg11[%get3A_188, %get3A_189] {strides = array<i32>} : memref<112x128xf32, #tpu.memory_space<vmem>>, vector<1x16xf32>,
        %get3A_191 = vector.shape_cast %get3A_190 : vector<1x16xf32> to vector<16xf32>
        %slice3A_192 = vector.extract_strided_slice %get3A_78 {offsets = [1], sizes = [1], strides = [1]} : vector<16xf32> to vector<1xf32>
        %squeeze3A_193 = vector.extract %slice3A_192[0] : f32 from vector<1xf32>
        %mul3A_194 = vector.broadcast %squeeze3A_193 : f32 to vector<16xf32>
        %mul3A_195 = arith.mulf %get3A_191, %mul3A_194 : vector<16xf32>
        %swap3A_196 = arith.index_cast %add3A_187 : i32 to index
        %swap3A_197 = arith.constant 0 : index
        %swap3A_198 = tpu.vector_load %arg11[%swap3A_196, %swap3A_197] {strides = array<i32>} : memref<112x128xf32, #tpu.memory_space<vmem>>, vector<1x16xf32>,
        %swap3A_199 = vector.shape_cast %swap3A_198 : vector<1x16xf32> to vector<16xf32>
        %swap3A_200 = vector.shape_cast %mul3A_195 : vector<16xf32> to vector<1x16xf32>
        tpu.vector_store %arg11[%swap3A_196, %swap3A_197], %swap3A_200 {strides = array<i32>} : memref<112x128xf32, #tpu.memory_space<vmem>>, vector<1x16xf32>,
        %get3A_201 = arith.index_cast %add3A_187 : i32 to index
        %get3A_202 = arith.constant 16 : index
        %get3A_203 = tpu.vector_load %arg11[%get3A_201, %get3A_202] {strides = array<i32>} : memref<112x128xf32, #tpu.memory_space<vmem>>, vector<1x16xf32>,
        %get3A_204 = vector.shape_cast %get3A_203 : vector<1x16xf32> to vector<16xf32>
        %slice3A_205 = vector.extract_strided_slice %get3A_78 {offsets = [1], sizes = [1], strides = [1]} : vector<16xf32> to vector<1xf32>
        %squeeze3A_206 = vector.extract %slice3A_205[0] : f32 from vector<1xf32>
        %mul3A_207 = vector.broadcast %squeeze3A_206 : f32 to vector<16xf32>
        %mul3A_208 = arith.mulf %get3A_204, %mul3A_207 : vector<16xf32>
        %swap3A_209 = arith.index_cast %add3A_187 : i32 to index
        %swap3A_210 = arith.constant 16 : index
        %swap3A_211 = tpu.vector_load %arg11[%swap3A_209, %swap3A_210] {strides = array<i32>} : memref<112x128xf32, #tpu.memory_space<vmem>>, vector<1x16xf32>,
        %swap3A_212 = vector.shape_cast %swap3A_211 : vector<1x16xf32> to vector<16xf32>
        %swap3A_213 = vector.shape_cast %mul3A_208 : vector<16xf32> to vector<1x16xf32>
        tpu.vector_store %arg11[%swap3A_209, %swap3A_210], %swap3A_213 {strides = array<i32>} : memref<112x128xf32, #tpu.memory_space<vmem>>, vector<1x16xf32>,
        %get3A_214 = arith.index_cast %add3A_187 : i32 to index
        %get3A_215 = arith.constant 32 : index
        %get3A_216 = tpu.vector_load %arg11[%get3A_214, %get3A_215] {strides = array<i32>} : memref<112x128xf32, #tpu.memory_space<vmem>>, vector<1x16xf32>,
        %get3A_217 = vector.shape_cast %get3A_216 : vector<1x16xf32> to vector<16xf32>
        %slice3A_218 = vector.extract_strided_slice %get3A_78 {offsets = [1], sizes = [1], strides = [1]} : vector<16xf32> to vector<1xf32>
        %squeeze3A_219 = vector.extract %slice3A_218[0] : f32 from vector<1xf32>
        %mul3A_220 = vector.broadcast %squeeze3A_219 : f32 to vector<16xf32>
        %mul3A_221 = arith.mulf %get3A_217, %mul3A_220 : vector<16xf32>
        %swap3A_222 = arith.index_cast %add3A_187 : i32 to index
        %swap3A_223 = arith.constant 32 : index
        %swap3A_224 = tpu.vector_load %arg11[%swap3A_222, %swap3A_223] {strides = array<i32>} : memref<112x128xf32, #tpu.memory_space<vmem>>, vector<1x16xf32>,
        %swap3A_225 = vector.shape_cast %swap3A_224 : vector<1x16xf32> to vector<16xf32>
        %swap3A_226 = vector.shape_cast %mul3A_221 : vector<16xf32> to vector<1x16xf32>
        tpu.vector_store %arg11[%swap3A_222, %swap3A_223], %swap3A_226 {strides = array<i32>} : memref<112x128xf32, #tpu.memory_space<vmem>>, vector<1x16xf32>,
        %get3A_227 = arith.index_cast %add3A_187 : i32 to index
        %get3A_228 = arith.constant 48 : index
        %get3A_229 = tpu.vector_load %arg11[%get3A_227, %get3A_228] {strides = array<i32>} : memref<112x128xf32, #tpu.memory_space<vmem>>, vector<1x16xf32>,
        %get3A_230 = vector.shape_cast %get3A_229 : vector<1x16xf32> to vector<16xf32>
        %slice3A_231 = vector.extract_strided_slice %get3A_78 {offsets = [1], sizes = [1], strides = [1]} : vector<16xf32> to vector<1xf32>
        %squeeze3A_232 = vector.extract %slice3A_231[0] : f32 from vector<1xf32>
        %mul3A_233 = vector.broadcast %squeeze3A_232 : f32 to vector<16xf32>
        %mul3A_234 = arith.mulf %get3A_230, %mul3A_233 : vector<16xf32>
        %swap3A_235 = arith.index_cast %add3A_187 : i32 to index
        %swap3A_236 = arith.constant 48 : index
        %swap3A_237 = tpu.vector_load %arg11[%swap3A_235, %swap3A_236] {strides = array<i32>} : memref<112x128xf32, #tpu.memory_space<vmem>>, vector<1x16xf32>,
        %swap3A_238 = vector.shape_cast %swap3A_237 : vector<1x16xf32> to vector<16xf32>
        %swap3A_239 = vector.shape_cast %mul3A_234 : vector<16xf32> to vector<1x16xf32>
        tpu.vector_store %arg11[%swap3A_235, %swap3A_236], %swap3A_239 {strides = array<i32>} : memref<112x128xf32, #tpu.memory_space<vmem>>, vector<1x16xf32>,
        %get3A_240 = arith.index_cast %add3A_187 : i32 to index
        %get3A_241 = arith.constant 64 : index
        %get3A_242 = tpu.vector_load %arg11[%get3A_240, %get3A_241] {strides = array<i32>} : memref<112x128xf32, #tpu.memory_space<vmem>>, vector<1x16xf32>,
        %get3A_243 = vector.shape_cast %get3A_242 : vector<1x16xf32> to vector<16xf32>
        %slice3A_244 = vector.extract_strided_slice %get3A_78 {offsets = [1], sizes = [1], strides = [1]} : vector<16xf32> to vector<1xf32>
        %squeeze3A_245 = vector.extract %slice3A_244[0] : f32 from vector<1xf32>
        %mul3A_246 = vector.broadcast %squeeze3A_245 : f32 to vector<16xf32>
        %mul3A_247 = arith.mulf %get3A_243, %mul3A_246 : vector<16xf32>
        %swap3A_248 = arith.index_cast %add3A_187 : i32 to index
        %swap3A_249 = arith.constant 64 : index
        %swap3A_250 = tpu.vector_load %arg11[%swap3A_248, %swap3A_249] {strides = array<i32>} : memref<112x128xf32, #tpu.memory_space<vmem>>, vector<1x16xf32>,
        %swap3A_251 = vector.shape_cast %swap3A_250 : vector<1x16xf32> to vector<16xf32>
        %swap3A_252 = vector.shape_cast %mul3A_247 : vector<16xf32> to vector<1x16xf32>
        tpu.vector_store %arg11[%swap3A_248, %swap3A_249], %swap3A_252 {strides = array<i32>} : memref<112x128xf32, #tpu.memory_space<vmem>>, vector<1x16xf32>,
        %get3A_253 = arith.index_cast %add3A_187 : i32 to index
        %get3A_254 = arith.constant 80 : index
        %get3A_255 = tpu.vector_load %arg11[%get3A_253, %get3A_254] {strides = array<i32>} : memref<112x128xf32, #tpu.memory_space<vmem>>, vector<1x16xf32>,
        %get3A_256 = vector.shape_cast %get3A_255 : vector<1x16xf32> to vector<16xf32>
        %slice3A_257 = vector.extract_strided_slice %get3A_78 {offsets = [1], sizes = [1], strides = [1]} : vector<16xf32> to vector<1xf32>
        %squeeze3A_258 = vector.extract %slice3A_257[0] : f32 from vector<1xf32>
        %mul3A_259 = vector.broadcast %squeeze3A_258 : f32 to vector<16xf32>
        %mul3A_260 = arith.mulf %get3A_256, %mul3A_259 : vector<16xf32>
        %swap3A_261 = arith.index_cast %add3A_187 : i32 to index
        %swap3A_262 = arith.constant 80 : index
        %swap3A_263 = tpu.vector_load %arg11[%swap3A_261, %swap3A_262] {strides = array<i32>} : memref<112x128xf32, #tpu.memory_space<vmem>>, vector<1x16xf32>,
        %swap3A_264 = vector.shape_cast %swap3A_263 : vector<1x16xf32> to vector<16xf32>
        %swap3A_265 = vector.shape_cast %mul3A_260 : vector<16xf32> to vector<1x16xf32>
        tpu.vector_store %arg11[%swap3A_261, %swap3A_262], %swap3A_265 {strides = array<i32>} : memref<112x128xf32, #tpu.memory_space<vmem>>, vector<1x16xf32>,
        %get3A_266 = arith.index_cast %add3A_187 : i32 to index
        %get3A_267 = arith.constant 96 : index
        %get3A_268 = tpu.vector_load %arg11[%get3A_266, %get3A_267] {strides = array<i32>} : memref<112x128xf32, #tpu.memory_space<vmem>>, vector<1x16xf32>,
        %get3A_269 = vector.shape_cast %get3A_268 : vector<1x16xf32> to vector<16xf32>
        %slice3A_270 = vector.extract_strided_slice %get3A_78 {offsets = [1], sizes = [1], strides = [1]} : vector<16xf32> to vector<1xf32>
        %squeeze3A_271 = vector.extract %slice3A_270[0] : f32 from vector<1xf32>
        %mul3A_272 = vector.broadcast %squeeze3A_271 : f32 to vector<16xf32>
        %mul3A_273 = arith.mulf %get3A_269, %mul3A_272 : vector<16xf32>
        %swap3A_274 = arith.index_cast %add3A_187 : i32 to index
        %swap3A_275 = arith.constant 96 : index
        %swap3A_276 = tpu.vector_load %arg11[%swap3A_274, %swap3A_275] {strides = array<i32>} : memref<112x128xf32, #tpu.memory_space<vmem>>, vector<1x16xf32>,
        %swap3A_277 = vector.shape_cast %swap3A_276 : vector<1x16xf32> to vector<16xf32>
        %swap3A_278 = vector.shape_cast %mul3A_273 : vector<16xf32> to vector<1x16xf32>
        tpu.vector_store %arg11[%swap3A_274, %swap3A_275], %swap3A_278 {strides = array<i32>} : memref<112x128xf32, #tpu.memory_space<vmem>>, vector<1x16xf32>,
        %get3A_279 = arith.index_cast %add3A_187 : i32 to index
        %get3A_280 = arith.constant 112 : index
        %get3A_281 = tpu.vector_load %arg11[%get3A_279, %get3A_280] {strides = array<i32>} : memref<112x128xf32, #tpu.memory_space<vmem>>, vector<1x16xf32>,
        %get3A_282 = vector.shape_cast %get3A_281 : vector<1x16xf32> to vector<16xf32>
        %slice3A_283 = vector.extract_strided_slice %get3A_78 {offsets = [1], sizes = [1], strides = [1]} : vector<16xf32> to vector<1xf32>
        %squeeze3A_284 = vector.extract %slice3A_283[0] : f32 from vector<1xf32>
        %mul3A_285 = vector.broadcast %squeeze3A_284 : f32 to vector<16xf32>
        %mul3A_286 = arith.mulf %get3A_282, %mul3A_285 : vector<16xf32>
        %swap3A_287 = arith.index_cast %add3A_187 : i32 to index
        %swap3A_288 = arith.constant 112 : index
        %swap3A_289 = tpu.vector_load %arg11[%swap3A_287, %swap3A_288] {strides = array<i32>} : memref<112x128xf32, #tpu.memory_space<vmem>>, vector<1x16xf32>,
        %swap3A_290 = vector.shape_cast %swap3A_289 : vector<1x16xf32> to vector<16xf32>
        %swap3A_291 = vector.shape_cast %mul3A_286 : vector<16xf32> to vector<1x16xf32>
        tpu.vector_store %arg11[%swap3A_287, %swap3A_288], %swap3A_291 {strides = array<i32>} : memref<112x128xf32, #tpu.memory_space<vmem>>, vector<1x16xf32>,
        %mul3A_292 = arith.constant 16 : i32
        %mul3A_293 = arith.muli %scan3A_73, %mul3A_292 : i32
        %add3A_294 = arith.constant 2 : i32
        %add3A_295 = arith.addi %mul3A_293, %add3A_294 : i32
        %get3A_296 = arith.index_cast %add3A_295 : i32 to index
        %get3A_297 = arith.constant 0 : index
        %get3A_298 = tpu.vector_load %arg11[%get3A_296, %get3A_297] {strides = array<i32>} : memref<112x128xf32, #tpu.memory_space<vmem>>, vector<1x16xf32>,
        %get3A_299 = vector.shape_cast %get3A_298 : vector<1x16xf32> to vector<16xf32>
        %slice3A_300 = vector.extract_strided_slice %get3A_78 {offsets = [2], sizes = [1], strides = [1]} : vector<16xf32> to vector<1xf32>
        %squeeze3A_301 = vector.extract %slice3A_300[0] : f32 from vector<1xf32>
        %mul3A_302 = vector.broadcast %squeeze3A_301 : f32 to vector<16xf32>
        %mul3A_303 = arith.mulf %get3A_299, %mul3A_302 : vector<16xf32>
        %swap3A_304 = arith.index_cast %add3A_295 : i32 to index
        %swap3A_305 = arith.constant 0 : index
        %swap3A_306 = tpu.vector_load %arg11[%swap3A_304, %swap3A_305] {strides = array<i32>} : memref<112x128xf32, #tpu.memory_space<vmem>>, vector<1x16xf32>,
        %swap3A_307 = vector.shape_cast %swap3A_306 : vector<1x16xf32> to vector<16xf32>
        %swap3A_308 = vector.shape_cast %mul3A_303 : vector<16xf32> to vector<1x16xf32>
        tpu.vector_store %arg11[%swap3A_304, %swap3A_305], %swap3A_308 {strides = array<i32>} : memref<112x128xf32, #tpu.memory_space<vmem>>, vector<1x16xf32>,
        %get3A_309 = arith.index_cast %add3A_295 : i32 to index
        %get3A_310 = arith.constant 16 : index
        %get3A_311 = tpu.vector_load %arg11[%get3A_309, %get3A_310] {strides = array<i32>} : memref<112x128xf32, #tpu.memory_space<vmem>>, vector<1x16xf32>,
        %get3A_312 = vector.shape_cast %get3A_311 : vector<1x16xf32> to vector<16xf32>
        %slice3A_313 = vector.extract_strided_slice %get3A_78 {offsets = [2], sizes = [1], strides = [1]} : vector<16xf32> to vector<1xf32>
        %squeeze3A_314 = vector.extract %slice3A_313[0] : f32 from vector<1xf32>
        %mul3A_315 = vector.broadcast %squeeze3A_314 : f32 to vector<16xf32>
        %mul3A_316 = arith.mulf %get3A_312, %mul3A_315 : vector<16xf32>
        %swap3A_317 = arith.index_cast %add3A_295 : i32 to index
        %swap3A_318 = arith.constant 16 : index
        %swap3A_319 = tpu.vector_load %arg11[%swap3A_317, %swap3A_318] {strides = array<i32>} : memref<112x128xf32, #tpu.memory_space<vmem>>, vector<1x16xf32>,
        %swap3A_320 = vector.shape_cast %swap3A_319 : vector<1x16xf32> to vector<16xf32>
        %swap3A_321 = vector.shape_cast %mul3A_316 : vector<16xf32> to vector<1x16xf32>
        tpu.vector_store %arg11[%swap3A_317, %swap3A_318], %swap3A_321 {strides = array<i32>} : memref<112x128xf32, #tpu.memory_space<vmem>>, vector<1x16xf32>,
        %get3A_322 = arith.index_cast %add3A_295 : i32 to index
        %get3A_323 = arith.constant 32 : index
        %get3A_324 = tpu.vector_load %arg11[%get3A_322, %get3A_323] {strides = array<i32>} : memref<112x128xf32, #tpu.memory_space<vmem>>, vector<1x16xf32>,
        %get3A_325 = vector.shape_cast %get3A_324 : vector<1x16xf32> to vector<16xf32>
        %slice3A_326 = vector.extract_strided_slice %get3A_78 {offsets = [2], sizes = [1], strides = [1]} : vector<16xf32> to vector<1xf32>
        %squeeze3A_327 = vector.extract %slice3A_326[0] : f32 from vector<1xf32>
        %mul3A_328 = vector.broadcast %squeeze3A_327 : f32 to vector<16xf32>
        %mul3A_329 = arith.mulf %get3A_325, %mul3A_328 : vector<16xf32>
        %swap3A_330 = arith.index_cast %add3A_295 : i32 to index
        %swap3A_331 = arith.constant 32 : index
        %swap3A_332 = tpu.vector_load %arg11[%swap3A_330, %swap3A_331] {strides = array<i32>} : memref<112x128xf32, #tpu.memory_space<vmem>>, vector<1x16xf32>,
        %swap3A_333 = vector.shape_cast %swap3A_332 : vector<1x16xf32> to vector<16xf32>
        %swap3A_334 = vector.shape_cast %mul3A_329 : vector<16xf32> to vector<1x16xf32>
        tpu.vector_store %arg11[%swap3A_330, %swap3A_331], %swap3A_334 {strides = array<i32>} : memref<112x128xf32, #tpu.memory_space<vmem>>, vector<1x16xf32>,
        %get3A_335 = arith.index_cast %add3A_295 : i32 to index
        %get3A_336 = arith.constant 48 : index
        %get3A_337 = tpu.vector_load %arg11[%get3A_335, %get3A_336] {strides = array<i32>} : memref<112x128xf32, #tpu.memory_space<vmem>>, vector<1x16xf32>,
        %get3A_338 = vector.shape_cast %get3A_337 : vector<1x16xf32> to vector<16xf32>
        %slice3A_339 = vector.extract_strided_slice %get3A_78 {offsets = [2], sizes = [1], strides = [1]} : vector<16xf32> to vector<1xf32>
        %squeeze3A_340 = vector.extract %slice3A_339[0] : f32 from vector<1xf32>
        %mul3A_341 = vector.broadcast %squeeze3A_340 : f32 to vector<16xf32>
        %mul3A_342 = arith.mulf %get3A_338, %mul3A_341 : vector<16xf32>
        %swap3A_343 = arith.index_cast %add3A_295 : i32 to index
        %swap3A_344 = arith.constant 48 : index
        %swap3A_345 = tpu.vector_load %arg11[%swap3A_343, %swap3A_344] {strides = array<i32>} : memref<112x128xf32, #tpu.memory_space<vmem>>, vector<1x16xf32>,
        %swap3A_346 = vector.shape_cast %swap3A_345 : vector<1x16xf32> to vector<16xf32>
        %swap3A_347 = vector.shape_cast %mul3A_342 : vector<16xf32> to vector<1x16xf32>
        tpu.vector_store %arg11[%swap3A_343, %swap3A_344], %swap3A_347 {strides = array<i32>} : memref<112x128xf32, #tpu.memory_space<vmem>>, vector<1x16xf32>,
        %get3A_348 = arith.index_cast %add3A_295 : i32 to index
        %get3A_349 = arith.constant 64 : index
        %get3A_350 = tpu.vector_load %arg11[%get3A_348, %get3A_349] {strides = array<i32>} : memref<112x128xf32, #tpu.memory_space<vmem>>, vector<1x16xf32>,
        %get3A_351 = vector.shape_cast %get3A_350 : vector<1x16xf32> to vector<16xf32>
        %slice3A_352 = vector.extract_strided_slice %get3A_78 {offsets = [2], sizes = [1], strides = [1]} : vector<16xf32> to vector<1xf32>
        %squeeze3A_353 = vector.extract %slice3A_352[0] : f32 from vector<1xf32>
        %mul3A_354 = vector.broadcast %squeeze3A_353 : f32 to vector<16xf32>
        %mul3A_355 = arith.mulf %get3A_351, %mul3A_354 : vector<16xf32>
        %swap3A_356 = arith.index_cast %add3A_295 : i32 to index
        %swap3A_357 = arith.constant 64 : index
        %swap3A_358 = tpu.vector_load %arg11[%swap3A_356, %swap3A_357] {strides = array<i32>} : memref<112x128xf32, #tpu.memory_space<vmem>>, vector<1x16xf32>,
        %swap3A_359 = vector.shape_cast %swap3A_358 : vector<1x16xf32> to vector<16xf32>
        %swap3A_360 = vector.shape_cast %mul3A_355 : vector<16xf32> to vector<1x16xf32>
        tpu.vector_store %arg11[%swap3A_356, %swap3A_357], %swap3A_360 {strides = array<i32>} : memref<112x128xf32, #tpu.memory_space<vmem>>, vector<1x16xf32>,
        %get3A_361 = arith.index_cast %add3A_295 : i32 to index
        %get3A_362 = arith.constant 80 : index
        %get3A_363 = tpu.vector_load %arg11[%get3A_361, %get3A_362] {strides = array<i32>} : memref<112x128xf32, #tpu.memory_space<vmem>>, vector<1x16xf32>,
        %get3A_364 = vector.shape_cast %get3A_363 : vector<1x16xf32> to vector<16xf32>
        %slice3A_365 = vector.extract_strided_slice %get3A_78 {offsets = [2], sizes = [1], strides = [1]} : vector<16xf32> to vector<1xf32>
        %squeeze3A_366 = vector.extract %slice3A_365[0] : f32 from vector<1xf32>
        %mul3A_367 = vector.broadcast %squeeze3A_366 : f32 to vector<16xf32>
        %mul3A_368 = arith.mulf %get3A_364, %mul3A_367 : vector<16xf32>
        %swap3A_369 = arith.index_cast %add3A_295 : i32 to index
        %swap3A_370 = arith.constant 80 : index
        %swap3A_371 = tpu.vector_load %arg11[%swap3A_369, %swap3A_370] {strides = array<i32>} : memref<112x128xf32, #tpu.memory_space<vmem>>, vector<1x16xf32>,
        %swap3A_372 = vector.shape_cast %swap3A_371 : vector<1x16xf32> to vector<16xf32>
        %swap3A_373 = vector.shape_cast %mul3A_368 : vector<16xf32> to vector<1x16xf32>
        tpu.vector_store %arg11[%swap3A_369, %swap3A_370], %swap3A_373 {strides = array<i32>} : memref<112x128xf32, #tpu.memory_space<vmem>>, vector<1x16xf32>,
        %get3A_374 = arith.index_cast %add3A_295 : i32 to index
        %get3A_375 = arith.constant 96 : index
        %get3A_376 = tpu.vector_load %arg11[%get3A_374, %get3A_375] {strides = array<i32>} : memref<112x128xf32, #tpu.memory_space<vmem>>, vector<1x16xf32>,
        %get3A_377 = vector.shape_cast %get3A_376 : vector<1x16xf32> to vector<16xf32>
        %slice3A_378 = vector.extract_strided_slice %get3A_78 {offsets = [2], sizes = [1], strides = [1]} : vector<16xf32> to vector<1xf32>
        %squeeze3A_379 = vector.extract %slice3A_378[0] : f32 from vector<1xf32>
        %mul3A_380 = vector.broadcast %squeeze3A_379 : f32 to vector<16xf32>
        %mul3A_381 = arith.mulf %get3A_377, %mul3A_380 : vector<16xf32>
        %swap3A_382 = arith.index_cast %add3A_295 : i32 to index
        %swap3A_383 = arith.constant 96 : index
        %swap3A_384 = tpu.vector_load %arg11[%swap3A_382, %swap3A_383] {strides = array<i32>} : memref<112x128xf32, #tpu.memory_space<vmem>>, vector<1x16xf32>,
        %swap3A_385 = vector.shape_cast %swap3A_384 : vector<1x16xf32> to vector<16xf32>
        %swap3A_386 = vector.shape_cast %mul3A_381 : vector<16xf32> to vector<1x16xf32>
        tpu.vector_store %arg11[%swap3A_382, %swap3A_383], %swap3A_386 {strides = array<i32>} : memref<112x128xf32, #tpu.memory_space<vmem>>, vector<1x16xf32>,
        %get3A_387 = arith.index_cast %add3A_295 : i32 to index
        %get3A_388 = arith.constant 112 : index
        %get3A_389 = tpu.vector_load %arg11[%get3A_387, %get3A_388] {strides = array<i32>} : memref<112x128xf32, #tpu.memory_space<vmem>>, vector<1x16xf32>,
        %get3A_390 = vector.shape_cast %get3A_389 : vector<1x16xf32> to vector<16xf32>
        %slice3A_391 = vector.extract_strided_slice %get3A_78 {offsets = [2], sizes = [1], strides = [1]} : vector<16xf32> to vector<1xf32>
        %squeeze3A_392 = vector.extract %slice3A_391[0] : f32 from vector<1xf32>
        %mul3A_393 = vector.broadcast %squeeze3A_392 : f32 to vector<16xf32>
        %mul3A_394 = arith.mulf %get3A_390, %mul3A_393 : vector<16xf32>
        %swap3A_395 = arith.index_cast %add3A_295 : i32 to index
        %swap3A_396 = arith.constant 112 : index
        %swap3A_397 = tpu.vector_load %arg11[%swap3A_395, %swap3A_396] {strides = array<i32>} : memref<112x128xf32, #tpu.memory_space<vmem>>, vector<1x16xf32>,
        %swap3A_398 = vector.shape_cast %swap3A_397 : vector<1x16xf32> to vector<16xf32>
        %swap3A_399 = vector.shape_cast %mul3A_394 : vector<16xf32> to vector<1x16xf32>
        tpu.vector_store %arg11[%swap3A_395, %swap3A_396], %swap3A_399 {strides = array<i32>} : memref<112x128xf32, #tpu.memory_space<vmem>>, vector<1x16xf32>,
        %mul3A_400 = arith.constant 16 : i32
        %mul3A_401 = arith.muli %scan3A_73, %mul3A_400 : i32
        %add3A_402 = arith.constant 3 : i32
        %add3A_403 = arith.addi %mul3A_401, %add3A_402 : i32
        %get3A_404 = arith.index_cast %add3A_403 : i32 to index
        %get3A_405 = arith.constant 0 : index
        %get3A_406 = tpu.vector_load %arg11[%get3A_404, %get3A_405] {strides = array<i32>} : memref<112x128xf32, #tpu.memory_space<vmem>>, vector<1x16xf32>,
        %get3A_407 = vector.shape_cast %get3A_406 : vector<1x16xf32> to vector<16xf32>
        %slice3A_408 = vector.extract_strided_slice %get3A_78 {offsets = [3], sizes = [1], strides = [1]} : vector<16xf32> to vector<1xf32>
        %squeeze3A_409 = vector.extract %slice3A_408[0] : f32 from vector<1xf32>
        %mul3A_410 = vector.broadcast %squeeze3A_409 : f32 to vector<16xf32>
        %mul3A_411 = arith.mulf %get3A_407, %mul3A_410 : vector<16xf32>
        %swap3A_412 = arith.index_cast %add3A_403 : i32 to index
        %swap3A_413 = arith.constant 0 : index
        %swap3A_414 = tpu.vector_load %arg11[%swap3A_412, %swap3A_413] {strides = array<i32>} : memref<112x128xf32, #tpu.memory_space<vmem>>, vector<1x16xf32>,
        %swap3A_415 = vector.shape_cast %swap3A_414 : vector<1x16xf32> to vector<16xf32>
        %swap3A_416 = vector.shape_cast %mul3A_411 : vector<16xf32> to vector<1x16xf32>
        tpu.vector_store %arg11[%swap3A_412, %swap3A_413], %swap3A_416 {strides = array<i32>} : memref<112x128xf32, #tpu.memory_space<vmem>>, vector<1x16xf32>,
        %get3A_417 = arith.index_cast %add3A_403 : i32 to index
        %get3A_418 = arith.constant 16 : index
        %get3A_419 = tpu.vector_load %arg11[%get3A_417, %get3A_418] {strides = array<i32>} : memref<112x128xf32, #tpu.memory_space<vmem>>, vector<1x16xf32>,
        %get3A_420 = vector.shape_cast %get3A_419 : vector<1x16xf32> to vector<16xf32>
        %slice3A_421 = vector.extract_strided_slice %get3A_78 {offsets = [3], sizes = [1], strides = [1]} : vector<16xf32> to vector<1xf32>
        %squeeze3A_422 = vector.extract %slice3A_421[0] : f32 from vector<1xf32>
        %mul3A_423 = vector.broadcast %squeeze3A_422 : f32 to vector<16xf32>
        %mul3A_424 = arith.mulf %get3A_420, %mul3A_423 : vector<16xf32>
        %swap3A_425 = arith.index_cast %add3A_403 : i32 to index
        %swap3A_426 = arith.constant 16 : index
        %swap3A_427 = tpu.vector_load %arg11[%swap3A_425, %swap3A_426] {strides = array<i32>} : memref<112x128xf32, #tpu.memory_space<vmem>>, vector<1x16xf32>,
        %swap3A_428 = vector.shape_cast %swap3A_427 : vector<1x16xf32> to vector<16xf32>
        %swap3A_429 = vector.shape_cast %mul3A_424 : vector<16xf32> to vector<1x16xf32>
        tpu.vector_store %arg11[%swap3A_425, %swap3A_426], %swap3A_429 {strides = array<i32>} : memref<112x128xf32, #tpu.memory_space<vmem>>, vector<1x16xf32>,
        %get3A_430 = arith.index_cast %add3A_403 : i32 to index
        %get3A_431 = arith.constant 32 : index
        %get3A_432 = tpu.vector_load %arg11[%get3A_430, %get3A_431] {strides = array<i32>} : memref<112x128xf32, #tpu.memory_space<vmem>>, vector<1x16xf32>,
        %get3A_433 = vector.shape_cast %get3A_432 : vector<1x16xf32> to vector<16xf32>
        %slice3A_434 = vector.extract_strided_slice %get3A_78 {offsets = [3], sizes = [1], strides = [1]} : vector<16xf32> to vector<1xf32>
        %squeeze3A_435 = vector.extract %slice3A_434[0] : f32 from vector<1xf32>
        %mul3A_436 = vector.broadcast %squeeze3A_435 : f32 to vector<16xf32>
        %mul3A_437 = arith.mulf %get3A_433, %mul3A_436 : vector<16xf32>
        %swap3A_438 = arith.index_cast %add3A_403 : i32 to index
        %swap3A_439 = arith.constant 32 : index
        %swap3A_440 = tpu.vector_load %arg11[%swap3A_438, %swap3A_439] {strides = array<i32>} : memref<112x128xf32, #tpu.memory_space<vmem>>, vector<1x16xf32>,
        %swap3A_441 = vector.shape_cast %swap3A_440 : vector<1x16xf32> to vector<16xf32>
        %swap3A_442 = vector.shape_cast %mul3A_437 : vector<16xf32> to vector<1x16xf32>
        tpu.vector_store %arg11[%swap3A_438, %swap3A_439], %swap3A_442 {strides = array<i32>} : memref<112x128xf32, #tpu.memory_space<vmem>>, vector<1x16xf32>,
        %get3A_443 = arith.index_cast %add3A_403 : i32 to index
        %get3A_444 = arith.constant 48 : index
        %get3A_445 = tpu.vector_load %arg11[%get3A_443, %get3A_444] {strides = array<i32>} : memref<112x128xf32, #tpu.memory_space<vmem>>, vector<1x16xf32>,
        %get3A_446 = vector.shape_cast %get3A_445 : vector<1x16xf32> to vector<16xf32>
        %slice3A_447 = vector.extract_strided_slice %get3A_78 {offsets = [3], sizes = [1], strides = [1]} : vector<16xf32> to vector<1xf32>
        %squeeze3A_448 = vector.extract %slice3A_447[0] : f32 from vector<1xf32>
        %mul3A_449 = vector.broadcast %squeeze3A_448 : f32 to vector<16xf32>
        %mul3A_450 = arith.mulf %get3A_446, %mul3A_449 : vector<16xf32>
        %swap3A_451 = arith.index_cast %add3A_403 : i32 to index
        %swap3A_452 = arith.constant 48 : index
        %swap3A_453 = tpu.vector_load %arg11[%swap3A_451, %swap3A_452] {strides = array<i32>} : memref<112x128xf32, #tpu.memory_space<vmem>>, vector<1x16xf32>,
        %swap3A_454 = vector.shape_cast %swap3A_453 : vector<1x16xf32> to vector<16xf32>
        %swap3A_455 = vector.shape_cast %mul3A_450 : vector<16xf32> to vector<1x16xf32>
        tpu.vector_store %arg11[%swap3A_451, %swap3A_452], %swap3A_455 {strides = array<i32>} : memref<112x128xf32, #tpu.memory_space<vmem>>, vector<1x16xf32>,
        %get3A_456 = arith.index_cast %add3A_403 : i32 to index
        %get3A_457 = arith.constant 64 : index
        %get3A_458 = tpu.vector_load %arg11[%get3A_456, %get3A_457] {strides = array<i32>} : memref<112x128xf32, #tpu.memory_space<vmem>>, vector<1x16xf32>,
        %get3A_459 = vector.shape_cast %get3A_458 : vector<1x16xf32> to vector<16xf32>
        %slice3A_460 = vector.extract_strided_slice %get3A_78 {offsets = [3], sizes = [1], strides = [1]} : vector<16xf32> to vector<1xf32>
        %squeeze3A_461 = vector.extract %slice3A_460[0] : f32 from vector<1xf32>
        %mul3A_462 = vector.broadcast %squeeze3A_461 : f32 to vector<16xf32>
        %mul3A_463 = arith.mulf %get3A_459, %mul3A_462 : vector<16xf32>
        %swap3A_464 = arith.index_cast %add3A_403 : i32 to index
        %swap3A_465 = arith.constant 64 : index
        %swap3A_466 = tpu.vector_load %arg11[%swap3A_464, %swap3A_465] {strides = array<i32>} : memref<112x128xf32, #tpu.memory_space<vmem>>, vector<1x16xf32>,
        %swap3A_467 = vector.shape_cast %swap3A_466 : vector<1x16xf32> to vector<16xf32>
        %swap3A_468 = vector.shape_cast %mul3A_463 : vector<16xf32> to vector<1x16xf32>
        tpu.vector_store %arg11[%swap3A_464, %swap3A_465], %swap3A_468 {strides = array<i32>} : memref<112x128xf32, #tpu.memory_space<vmem>>, vector<1x16xf32>,
        %get3A_469 = arith.index_cast %add3A_403 : i32 to index
        %get3A_470 = arith.constant 80 : index
        %get3A_471 = tpu.vector_load %arg11[%get3A_469, %get3A_470] {strides = array<i32>} : memref<112x128xf32, #tpu.memory_space<vmem>>, vector<1x16xf32>,
        %get3A_472 = vector.shape_cast %get3A_471 : vector<1x16xf32> to vector<16xf32>
        %slice3A_473 = vector.extract_strided_slice %get3A_78 {offsets = [3], sizes = [1], strides = [1]} : vector<16xf32> to vector<1xf32>
        %squeeze3A_474 = vector.extract %slice3A_473[0] : f32 from vector<1xf32>
        %mul3A_475 = vector.broadcast %squeeze3A_474 : f32 to vector<16xf32>
        %mul3A_476 = arith.mulf %get3A_472, %mul3A_475 : vector<16xf32>
        %swap3A_477 = arith.index_cast %add3A_403 : i32 to index
        %swap3A_478 = arith.constant 80 : index
        %swap3A_479 = tpu.vector_load %arg11[%swap3A_477, %swap3A_478] {strides = array<i32>} : memref<112x128xf32, #tpu.memory_space<vmem>>, vector<1x16xf32>,
        %swap3A_480 = vector.shape_cast %swap3A_479 : vector<1x16xf32> to vector<16xf32>
        %swap3A_481 = vector.shape_cast %mul3A_476 : vector<16xf32> to vector<1x16xf32>
        tpu.vector_store %arg11[%swap3A_477, %swap3A_478], %swap3A_481 {strides = array<i32>} : memref<112x128xf32, #tpu.memory_space<vmem>>, vector<1x16xf32>,
        %get3A_482 = arith.index_cast %add3A_403 : i32 to index
        %get3A_483 = arith.constant 96 : index
        %get3A_484 = tpu.vector_load %arg11[%get3A_482, %get3A_483] {strides = array<i32>} : memref<112x128xf32, #tpu.memory_space<vmem>>, vector<1x16xf32>,
        %get3A_485 = vector.shape_cast %get3A_484 : vector<1x16xf32> to vector<16xf32>
        %slice3A_486 = vector.extract_strided_slice %get3A_78 {offsets = [3], sizes = [1], strides = [1]} : vector<16xf32> to vector<1xf32>
        %squeeze3A_487 = vector.extract %slice3A_486[0] : f32 from vector<1xf32>
        %mul3A_488 = vector.broadcast %squeeze3A_487 : f32 to vector<16xf32>
        %mul3A_489 = arith.mulf %get3A_485, %mul3A_488 : vector<16xf32>
        %swap3A_490 = arith.index_cast %add3A_403 : i32 to index
        %swap3A_491 = arith.constant 96 : index
        %swap3A_492 = tpu.vector_load %arg11[%swap3A_490, %swap3A_491] {strides = array<i32>} : memref<112x128xf32, #tpu.memory_space<vmem>>, vector<1x16xf32>,
        %swap3A_493 = vector.shape_cast %swap3A_492 : vector<1x16xf32> to vector<16xf32>
        %swap3A_494 = vector.shape_cast %mul3A_489 : vector<16xf32> to vector<1x16xf32>
        tpu.vector_store %arg11[%swap3A_490, %swap3A_491], %swap3A_494 {strides = array<i32>} : memref<112x128xf32, #tpu.memory_space<vmem>>, vector<1x16xf32>,
        %get3A_495 = arith.index_cast %add3A_403 : i32 to index
        %get3A_496 = arith.constant 112 : index
        %get3A_497 = tpu.vector_load %arg11[%get3A_495, %get3A_496] {strides = array<i32>} : memref<112x128xf32, #tpu.memory_space<vmem>>, vector<1x16xf32>,
        %get3A_498 = vector.shape_cast %get3A_497 : vector<1x16xf32> to vector<16xf32>
        %slice3A_499 = vector.extract_strided_slice %get3A_78 {offsets = [3], sizes = [1], strides = [1]} : vector<16xf32> to vector<1xf32>
        %squeeze3A_500 = vector.extract %slice3A_499[0] : f32 from vector<1xf32>
        %mul3A_501 = vector.broadcast %squeeze3A_500 : f32 to vector<16xf32>
        %mul3A_502 = arith.mulf %get3A_498, %mul3A_501 : vector<16xf32>
        %swap3A_503 = arith.index_cast %add3A_403 : i32 to index
        %swap3A_504 = arith.constant 112 : index
        %swap3A_505 = tpu.vector_load %arg11[%swap3A_503, %swap3A_504] {strides = array<i32>} : memref<112x128xf32, #tpu.memory_space<vmem>>, vector<1x16xf32>,
        %swap3A_506 = vector.shape_cast %swap3A_505 : vector<1x16xf32> to vector<16xf32>
        %swap3A_507 = vector.shape_cast %mul3A_502 : vector<16xf32> to vector<1x16xf32>
        tpu.vector_store %arg11[%swap3A_503, %swap3A_504], %swap3A_507 {strides = array<i32>} : memref<112x128xf32, #tpu.memory_space<vmem>>, vector<1x16xf32>,
        %mul3A_508 = arith.constant 16 : i32
        %mul3A_509 = arith.muli %scan3A_73, %mul3A_508 : i32
        %add3A_510 = arith.constant 4 : i32
        %add3A_511 = arith.addi %mul3A_509, %add3A_510 : i32
        %get3A_512 = arith.index_cast %add3A_511 : i32 to index
        %get3A_513 = arith.constant 0 : index
        %get3A_514 = tpu.vector_load %arg11[%get3A_512, %get3A_513] {strides = array<i32>} : memref<112x128xf32, #tpu.memory_space<vmem>>, vector<1x16xf32>,
        %get3A_515 = vector.shape_cast %get3A_514 : vector<1x16xf32> to vector<16xf32>
        %slice3A_516 = vector.extract_strided_slice %get3A_78 {offsets = [4], sizes = [1], strides = [1]} : vector<16xf32> to vector<1xf32>
        %squeeze3A_517 = vector.extract %slice3A_516[0] : f32 from vector<1xf32>
        %mul3A_518 = vector.broadcast %squeeze3A_517 : f32 to vector<16xf32>
        %mul3A_519 = arith.mulf %get3A_515, %mul3A_518 : vector<16xf32>
        %swap3A_520 = arith.index_cast %add3A_511 : i32 to index
        %swap3A_521 = arith.constant 0 : index
        %swap3A_522 = tpu.vector_load %arg11[%swap3A_520, %swap3A_521] {strides = array<i32>} : memref<112x128xf32, #tpu.memory_space<vmem>>, vector<1x16xf32>,
        %swap3A_523 = vector.shape_cast %swap3A_522 : vector<1x16xf32> to vector<16xf32>
        %swap3A_524 = vector.shape_cast %mul3A_519 : vector<16xf32> to vector<1x16xf32>
        tpu.vector_store %arg11[%swap3A_520, %swap3A_521], %swap3A_524 {strides = array<i32>} : memref<112x128xf32, #tpu.memory_space<vmem>>, vector<1x16xf32>,
        %get3A_525 = arith.index_cast %add3A_511 : i32 to index
        %get3A_526 = arith.constant 16 : index
        %get3A_527 = tpu.vector_load %arg11[%get3A_525, %get3A_526] {strides = array<i32>} : memref<112x128xf32, #tpu.memory_space<vmem>>, vector<1x16xf32>,
        %get3A_528 = vector.shape_cast %get3A_527 : vector<1x16xf32> to vector<16xf32>
        %slice3A_529 = vector.extract_strided_slice %get3A_78 {offsets = [4], sizes = [1], strides = [1]} : vector<16xf32> to vector<1xf32>
        %squeeze3A_530 = vector.extract %slice3A_529[0] : f32 from vector<1xf32>
        %mul3A_531 = vector.broadcast %squeeze3A_530 : f32 to vector<16xf32>
        %mul3A_532 = arith.mulf %get3A_528, %mul3A_531 : vector<16xf32>
        %swap3A_533 = arith.index_cast %add3A_511 : i32 to index
        %swap3A_534 = arith.constant 16 : index
        %swap3A_535 = tpu.vector_load %arg11[%swap3A_533, %swap3A_534] {strides = array<i32>} : memref<112x128xf32, #tpu.memory_space<vmem>>, vector<1x16xf32>,
        %swap3A_536 = vector.shape_cast %swap3A_535 : vector<1x16xf32> to vector<16xf32>
        %swap3A_537 = vector.shape_cast %mul3A_532 : vector<16xf32> to vector<1x16xf32>
        tpu.vector_store %arg11[%swap3A_533, %swap3A_534], %swap3A_537 {strides = array<i32>} : memref<112x128xf32, #tpu.memory_space<vmem>>, vector<1x16xf32>,
        %get3A_538 = arith.index_cast %add3A_511 : i32 to index
        %get3A_539 = arith.constant 32 : index
        %get3A_540 = tpu.vector_load %arg11[%get3A_538, %get3A_539] {strides = array<i32>} : memref<112x128xf32, #tpu.memory_space<vmem>>, vector<1x16xf32>,
        %get3A_541 = vector.shape_cast %get3A_540 : vector<1x16xf32> to vector<16xf32>
        %slice3A_542 = vector.extract_strided_slice %get3A_78 {offsets = [4], sizes = [1], strides = [1]} : vector<16xf32> to vector<1xf32>
        %squeeze3A_543 = vector.extract %slice3A_542[0] : f32 from vector<1xf32>
        %mul3A_544 = vector.broadcast %squeeze3A_543 : f32 to vector<16xf32>
        %mul3A_545 = arith.mulf %get3A_541, %mul3A_544 : vector<16xf32>
        %swap3A_546 = arith.index_cast %add3A_511 : i32 to index
        %swap3A_547 = arith.constant 32 : index
        %swap3A_548 = tpu.vector_load %arg11[%swap3A_546, %swap3A_547] {strides = array<i32>} : memref<112x128xf32, #tpu.memory_space<vmem>>, vector<1x16xf32>,
        %swap3A_549 = vector.shape_cast %swap3A_548 : vector<1x16xf32> to vector<16xf32>
        %swap3A_550 = vector.shape_cast %mul3A_545 : vector<16xf32> to vector<1x16xf32>
        tpu.vector_store %arg11[%swap3A_546, %swap3A_547], %swap3A_550 {strides = array<i32>} : memref<112x128xf32, #tpu.memory_space<vmem>>, vector<1x16xf32>,
        %get3A_551 = arith.index_cast %add3A_511 : i32 to index
        %get3A_552 = arith.constant 48 : index
        %get3A_553 = tpu.vector_load %arg11[%get3A_551, %get3A_552] {strides = array<i32>} : memref<112x128xf32, #tpu.memory_space<vmem>>, vector<1x16xf32>,
        %get3A_554 = vector.shape_cast %get3A_553 : vector<1x16xf32> to vector<16xf32>
        %slice3A_555 = vector.extract_strided_slice %get3A_78 {offsets = [4], sizes = [1], strides = [1]} : vector<16xf32> to vector<1xf32>
        %squeeze3A_556 = vector.extract %slice3A_555[0] : f32 from vector<1xf32>
        %mul3A_557 = vector.broadcast %squeeze3A_556 : f32 to vector<16xf32>
        %mul3A_558 = arith.mulf %get3A_554, %mul3A_557 : vector<16xf32>
        %swap3A_559 = arith.index_cast %add3A_511 : i32 to index
        %swap3A_560 = arith.constant 48 : index
        %swap3A_561 = tpu.vector_load %arg11[%swap3A_559, %swap3A_560] {strides = array<i32>} : memref<112x128xf32, #tpu.memory_space<vmem>>, vector<1x16xf32>,
        %swap3A_562 = vector.shape_cast %swap3A_561 : vector<1x16xf32> to vector<16xf32>
        %swap3A_563 = vector.shape_cast %mul3A_558 : vector<16xf32> to vector<1x16xf32>
        tpu.vector_store %arg11[%swap3A_559, %swap3A_560], %swap3A_563 {strides = array<i32>} : memref<112x128xf32, #tpu.memory_space<vmem>>, vector<1x16xf32>,
        %get3A_564 = arith.index_cast %add3A_511 : i32 to index
        %get3A_565 = arith.constant 64 : index
        %get3A_566 = tpu.vector_load %arg11[%get3A_564, %get3A_565] {strides = array<i32>} : memref<112x128xf32, #tpu.memory_space<vmem>>, vector<1x16xf32>,
        %get3A_567 = vector.shape_cast %get3A_566 : vector<1x16xf32> to vector<16xf32>
        %slice3A_568 = vector.extract_strided_slice %get3A_78 {offsets = [4], sizes = [1], strides = [1]} : vector<16xf32> to vector<1xf32>
        %squeeze3A_569 = vector.extract %slice3A_568[0] : f32 from vector<1xf32>
        %mul3A_570 = vector.broadcast %squeeze3A_569 : f32 to vector<16xf32>
        %mul3A_571 = arith.mulf %get3A_567, %mul3A_570 : vector<16xf32>
        %swap3A_572 = arith.index_cast %add3A_511 : i32 to index
        %swap3A_573 = arith.constant 64 : index
        %swap3A_574 = tpu.vector_load %arg11[%swap3A_572, %swap3A_573] {strides = array<i32>} : memref<112x128xf32, #tpu.memory_space<vmem>>, vector<1x16xf32>,
        %swap3A_575 = vector.shape_cast %swap3A_574 : vector<1x16xf32> to vector<16xf32>
        %swap3A_576 = vector.shape_cast %mul3A_571 : vector<16xf32> to vector<1x16xf32>
        tpu.vector_store %arg11[%swap3A_572, %swap3A_573], %swap3A_576 {strides = array<i32>} : memref<112x128xf32, #tpu.memory_space<vmem>>, vector<1x16xf32>,
        %get3A_577 = arith.index_cast %add3A_511 : i32 to index
        %get3A_578 = arith.constant 80 : index
        %get3A_579 = tpu.vector_load %arg11[%get3A_577, %get3A_578] {strides = array<i32>} : memref<112x128xf32, #tpu.memory_space<vmem>>, vector<1x16xf32>,
        %get3A_580 = vector.shape_cast %get3A_579 : vector<1x16xf32> to vector<16xf32>
        %slice3A_581 = vector.extract_strided_slice %get3A_78 {offsets = [4], sizes = [1], strides = [1]} : vector<16xf32> to vector<1xf32>
        %squeeze3A_582 = vector.extract %slice3A_581[0] : f32 from vector<1xf32>
        %mul3A_583 = vector.broadcast %squeeze3A_582 : f32 to vector<16xf32>
        %mul3A_584 = arith.mulf %get3A_580, %mul3A_583 : vector<16xf32>
        %swap3A_585 = arith.index_cast %add3A_511 : i32 to index
        %swap3A_586 = arith.constant 80 : index
        %swap3A_587 = tpu.vector_load %arg11[%swap3A_585, %swap3A_586] {strides = array<i32>} : memref<112x128xf32, #tpu.memory_space<vmem>>, vector<1x16xf32>,
        %swap3A_588 = vector.shape_cast %swap3A_587 : vector<1x16xf32> to vector<16xf32>
        %swap3A_589 = vector.shape_cast %mul3A_584 : vector<16xf32> to vector<1x16xf32>
        tpu.vector_store %arg11[%swap3A_585, %swap3A_586], %swap3A_589 {strides = array<i32>} : memref<112x128xf32, #tpu.memory_space<vmem>>, vector<1x16xf32>,
        %get3A_590 = arith.index_cast %add3A_511 : i32 to index
        %get3A_591 = arith.constant 96 : index
        %get3A_592 = tpu.vector_load %arg11[%get3A_590, %get3A_591] {strides = array<i32>} : memref<112x128xf32, #tpu.memory_space<vmem>>, vector<1x16xf32>,
        %get3A_593 = vector.shape_cast %get3A_592 : vector<1x16xf32> to vector<16xf32>
        %slice3A_594 = vector.extract_strided_slice %get3A_78 {offsets = [4], sizes = [1], strides = [1]} : vector<16xf32> to vector<1xf32>
        %squeeze3A_595 = vector.extract %slice3A_594[0] : f32 from vector<1xf32>
        %mul3A_596 = vector.broadcast %squeeze3A_595 : f32 to vector<16xf32>
        %mul3A_597 = arith.mulf %get3A_593, %mul3A_596 : vector<16xf32>
        %swap3A_598 = arith.index_cast %add3A_511 : i32 to index
        %swap3A_599 = arith.constant 96 : index
        %swap3A_600 = tpu.vector_load %arg11[%swap3A_598, %swap3A_599] {strides = array<i32>} : memref<112x128xf32, #tpu.memory_space<vmem>>, vector<1x16xf32>,
        %swap3A_601 = vector.shape_cast %swap3A_600 : vector<1x16xf32> to vector<16xf32>
        %swap3A_602 = vector.shape_cast %mul3A_597 : vector<16xf32> to vector<1x16xf32>
        tpu.vector_store %arg11[%swap3A_598, %swap3A_599], %swap3A_602 {strides = array<i32>} : memref<112x128xf32, #tpu.memory_space<vmem>>, vector<1x16xf32>,
        %get3A_603 = arith.index_cast %add3A_511 : i32 to index
        %get3A_604 = arith.constant 112 : index
        %get3A_605 = tpu.vector_load %arg11[%get3A_603, %get3A_604] {strides = array<i32>} : memref<112x128xf32, #tpu.memory_space<vmem>>, vector<1x16xf32>,
        %get3A_606 = vector.shape_cast %get3A_605 : vector<1x16xf32> to vector<16xf32>
        %slice3A_607 = vector.extract_strided_slice %get3A_78 {offsets = [4], sizes = [1], strides = [1]} : vector<16xf32> to vector<1xf32>
        %squeeze3A_608 = vector.extract %slice3A_607[0] : f32 from vector<1xf32>
        %mul3A_609 = vector.broadcast %squeeze3A_608 : f32 to vector<16xf32>
        %mul3A_610 = arith.mulf %get3A_606, %mul3A_609 : vector<16xf32>
        %swap3A_611 = arith.index_cast %add3A_511 : i32 to index
        %swap3A_612 = arith.constant 112 : index
        %swap3A_613 = tpu.vector_load %arg11[%swap3A_611, %swap3A_612] {strides = array<i32>} : memref<112x128xf32, #tpu.memory_space<vmem>>, vector<1x16xf32>,
        %swap3A_614 = vector.shape_cast %swap3A_613 : vector<1x16xf32> to vector<16xf32>
        %swap3A_615 = vector.shape_cast %mul3A_610 : vector<16xf32> to vector<1x16xf32>
        tpu.vector_store %arg11[%swap3A_611, %swap3A_612], %swap3A_615 {strides = array<i32>} : memref<112x128xf32, #tpu.memory_space<vmem>>, vector<1x16xf32>,
        %mul3A_616 = arith.constant 16 : i32
        %mul3A_617 = arith.muli %scan3A_73, %mul3A_616 : i32
        %add3A_618 = arith.constant 5 : i32
        %add3A_619 = arith.addi %mul3A_617, %add3A_618 : i32
        %get3A_620 = arith.index_cast %add3A_619 : i32 to index
        %get3A_621 = arith.constant 0 : index
        %get3A_622 = tpu.vector_load %arg11[%get3A_620, %get3A_621] {strides = array<i32>} : memref<112x128xf32, #tpu.memory_space<vmem>>, vector<1x16xf32>,
        %get3A_623 = vector.shape_cast %get3A_622 : vector<1x16xf32> to vector<16xf32>
        %slice3A_624 = vector.extract_strided_slice %get3A_78 {offsets = [5], sizes = [1], strides = [1]} : vector<16xf32> to vector<1xf32>
        %squeeze3A_625 = vector.extract %slice3A_624[0] : f32 from vector<1xf32>
        %mul3A_626 = vector.broadcast %squeeze3A_625 : f32 to vector<16xf32>
        %mul3A_627 = arith.mulf %get3A_623, %mul3A_626 : vector<16xf32>
        %swap3A_628 = arith.index_cast %add3A_619 : i32 to index
        %swap3A_629 = arith.constant 0 : index
        %swap3A_630 = tpu.vector_load %arg11[%swap3A_628, %swap3A_629] {strides = array<i32>} : memref<112x128xf32, #tpu.memory_space<vmem>>, vector<1x16xf32>,
        %swap3A_631 = vector.shape_cast %swap3A_630 : vector<1x16xf32> to vector<16xf32>
        %swap3A_632 = vector.shape_cast %mul3A_627 : vector<16xf32> to vector<1x16xf32>
        tpu.vector_store %arg11[%swap3A_628, %swap3A_629], %swap3A_632 {strides = array<i32>} : memref<112x128xf32, #tpu.memory_space<vmem>>, vector<1x16xf32>,
        %get3A_633 = arith.index_cast %add3A_619 : i32 to index
        %get3A_634 = arith.constant 16 : index
        %get3A_635 = tpu.vector_load %arg11[%get3A_633, %get3A_634] {strides = array<i32>} : memref<112x128xf32, #tpu.memory_space<vmem>>, vector<1x16xf32>,
        %get3A_636 = vector.shape_cast %get3A_635 : vector<1x16xf32> to vector<16xf32>
        %slice3A_637 = vector.extract_strided_slice %get3A_78 {offsets = [5], sizes = [1], strides = [1]} : vector<16xf32> to vector<1xf32>
        %squeeze3A_638 = vector.extract %slice3A_637[0] : f32 from vector<1xf32>
        %mul3A_639 = vector.broadcast %squeeze3A_638 : f32 to vector<16xf32>
        %mul3A_640 = arith.mulf %get3A_636, %mul3A_639 : vector<16xf32>
        %swap3A_641 = arith.index_cast %add3A_619 : i32 to index
        %swap3A_642 = arith.constant 16 : index
        %swap3A_643 = tpu.vector_load %arg11[%swap3A_641, %swap3A_642] {strides = array<i32>} : memref<112x128xf32, #tpu.memory_space<vmem>>, vector<1x16xf32>,
        %swap3A_644 = vector.shape_cast %swap3A_643 : vector<1x16xf32> to vector<16xf32>
        %swap3A_645 = vector.shape_cast %mul3A_640 : vector<16xf32> to vector<1x16xf32>
        tpu.vector_store %arg11[%swap3A_641, %swap3A_642], %swap3A_645 {strides = array<i32>} : memref<112x128xf32, #tpu.memory_space<vmem>>, vector<1x16xf32>,
        %get3A_646 = arith.index_cast %add3A_619 : i32 to index
        %get3A_647 = arith.constant 32 : index
        %get3A_648 = tpu.vector_load %arg11[%get3A_646, %get3A_647] {strides = array<i32>} : memref<112x128xf32, #tpu.memory_space<vmem>>, vector<1x16xf32>,
        %get3A_649 = vector.shape_cast %get3A_648 : vector<1x16xf32> to vector<16xf32>
        %slice3A_650 = vector.extract_strided_slice %get3A_78 {offsets = [5], sizes = [1], strides = [1]} : vector<16xf32> to vector<1xf32>
        %squeeze3A_651 = vector.extract %slice3A_650[0] : f32 from vector<1xf32>
        %mul3A_652 = vector.broadcast %squeeze3A_651 : f32 to vector<16xf32>
        %mul3A_653 = arith.mulf %get3A_649, %mul3A_652 : vector<16xf32>
        %swap3A_654 = arith.index_cast %add3A_619 : i32 to index
        %swap3A_655 = arith.constant 32 : index
        %swap3A_656 = tpu.vector_load %arg11[%swap3A_654, %swap3A_655] {strides = array<i32>} : memref<112x128xf32, #tpu.memory_space<vmem>>, vector<1x16xf32>,
        %swap3A_657 = vector.shape_cast %swap3A_656 : vector<1x16xf32> to vector<16xf32>
        %swap3A_658 = vector.shape_cast %mul3A_653 : vector<16xf32> to vector<1x16xf32>
        tpu.vector_store %arg11[%swap3A_654, %swap3A_655], %swap3A_658 {strides = array<i32>} : memref<112x128xf32, #tpu.memory_space<vmem>>, vector<1x16xf32>,
        %get3A_659 = arith.index_cast %add3A_619 : i32 to index
        %get3A_660 = arith.constant 48 : index
        %get3A_661 = tpu.vector_load %arg11[%get3A_659, %get3A_660] {strides = array<i32>} : memref<112x128xf32, #tpu.memory_space<vmem>>, vector<1x16xf32>,
        %get3A_662 = vector.shape_cast %get3A_661 : vector<1x16xf32> to vector<16xf32>
        %slice3A_663 = vector.extract_strided_slice %get3A_78 {offsets = [5], sizes = [1], strides = [1]} : vector<16xf32> to vector<1xf32>
        %squeeze3A_664 = vector.extract %slice3A_663[0] : f32 from vector<1xf32>
        %mul3A_665 = vector.broadcast %squeeze3A_664 : f32 to vector<16xf32>
        %mul3A_666 = arith.mulf %get3A_662, %mul3A_665 : vector<16xf32>
        %swap3A_667 = arith.index_cast %add3A_619 : i32 to index
        %swap3A_668 = arith.constant 48 : index
        %swap3A_669 = tpu.vector_load %arg11[%swap3A_667, %swap3A_668] {strides = array<i32>} : memref<112x128xf32, #tpu.memory_space<vmem>>, vector<1x16xf32>,
        %swap3A_670 = vector.shape_cast %swap3A_669 : vector<1x16xf32> to vector<16xf32>
        %swap3A_671 = vector.shape_cast %mul3A_666 : vector<16xf32> to vector<1x16xf32>
        tpu.vector_store %arg11[%swap3A_667, %swap3A_668], %swap3A_671 {strides = array<i32>} : memref<112x128xf32, #tpu.memory_space<vmem>>, vector<1x16xf32>,
        %get3A_672 = arith.index_cast %add3A_619 : i32 to index
        %get3A_673 = arith.constant 64 : index
        %get3A_674 = tpu.vector_load %arg11[%get3A_672, %get3A_673] {strides = array<i32>} : memref<112x128xf32, #tpu.memory_space<vmem>>, vector<1x16xf32>,
        %get3A_675 = vector.shape_cast %get3A_674 : vector<1x16xf32> to vector<16xf32>
        %slice3A_676 = vector.extract_strided_slice %get3A_78 {offsets = [5], sizes = [1], strides = [1]} : vector<16xf32> to vector<1xf32>
        %squeeze3A_677 = vector.extract %slice3A_676[0] : f32 from vector<1xf32>
        %mul3A_678 = vector.broadcast %squeeze3A_677 : f32 to vector<16xf32>
        %mul3A_679 = arith.mulf %get3A_675, %mul3A_678 : vector<16xf32>
        %swap3A_680 = arith.index_cast %add3A_619 : i32 to index
        %swap3A_681 = arith.constant 64 : index
        %swap3A_682 = tpu.vector_load %arg11[%swap3A_680, %swap3A_681] {strides = array<i32>} : memref<112x128xf32, #tpu.memory_space<vmem>>, vector<1x16xf32>,
        %swap3A_683 = vector.shape_cast %swap3A_682 : vector<1x16xf32> to vector<16xf32>
        %swap3A_684 = vector.shape_cast %mul3A_679 : vector<16xf32> to vector<1x16xf32>
        tpu.vector_store %arg11[%swap3A_680, %swap3A_681], %swap3A_684 {strides = array<i32>} : memref<112x128xf32, #tpu.memory_space<vmem>>, vector<1x16xf32>,
        %get3A_685 = arith.index_cast %add3A_619 : i32 to index
        %get3A_686 = arith.constant 80 : index
        %get3A_687 = tpu.vector_load %arg11[%get3A_685, %get3A_686] {strides = array<i32>} : memref<112x128xf32, #tpu.memory_space<vmem>>, vector<1x16xf32>,
        %get3A_688 = vector.shape_cast %get3A_687 : vector<1x16xf32> to vector<16xf32>
        %slice3A_689 = vector.extract_strided_slice %get3A_78 {offsets = [5], sizes = [1], strides = [1]} : vector<16xf32> to vector<1xf32>
        %squeeze3A_690 = vector.extract %slice3A_689[0] : f32 from vector<1xf32>
        %mul3A_691 = vector.broadcast %squeeze3A_690 : f32 to vector<16xf32>
        %mul3A_692 = arith.mulf %get3A_688, %mul3A_691 : vector<16xf32>
        %swap3A_693 = arith.index_cast %add3A_619 : i32 to index
        %swap3A_694 = arith.constant 80 : index
        %swap3A_695 = tpu.vector_load %arg11[%swap3A_693, %swap3A_694] {strides = array<i32>} : memref<112x128xf32, #tpu.memory_space<vmem>>, vector<1x16xf32>,
        %swap3A_696 = vector.shape_cast %swap3A_695 : vector<1x16xf32> to vector<16xf32>
        %swap3A_697 = vector.shape_cast %mul3A_692 : vector<16xf32> to vector<1x16xf32>
        tpu.vector_store %arg11[%swap3A_693, %swap3A_694], %swap3A_697 {strides = array<i32>} : memref<112x128xf32, #tpu.memory_space<vmem>>, vector<1x16xf32>,
        %get3A_698 = arith.index_cast %add3A_619 : i32 to index
        %get3A_699 = arith.constant 96 : index
        %get3A_700 = tpu.vector_load %arg11[%get3A_698, %get3A_699] {strides = array<i32>} : memref<112x128xf32, #tpu.memory_space<vmem>>, vector<1x16xf32>,
        %get3A_701 = vector.shape_cast %get3A_700 : vector<1x16xf32> to vector<16xf32>
        %slice3A_702 = vector.extract_strided_slice %get3A_78 {offsets = [5], sizes = [1], strides = [1]} : vector<16xf32> to vector<1xf32>
        %squeeze3A_703 = vector.extract %slice3A_702[0] : f32 from vector<1xf32>
        %mul3A_704 = vector.broadcast %squeeze3A_703 : f32 to vector<16xf32>
        %mul3A_705 = arith.mulf %get3A_701, %mul3A_704 : vector<16xf32>
        %swap3A_706 = arith.index_cast %add3A_619 : i32 to index
        %swap3A_707 = arith.constant 96 : index
        %swap3A_708 = tpu.vector_load %arg11[%swap3A_706, %swap3A_707] {strides = array<i32>} : memref<112x128xf32, #tpu.memory_space<vmem>>, vector<1x16xf32>,
        %swap3A_709 = vector.shape_cast %swap3A_708 : vector<1x16xf32> to vector<16xf32>
        %swap3A_710 = vector.shape_cast %mul3A_705 : vector<16xf32> to vector<1x16xf32>
        tpu.vector_store %arg11[%swap3A_706, %swap3A_707], %swap3A_710 {strides = array<i32>} : memref<112x128xf32, #tpu.memory_space<vmem>>, vector<1x16xf32>,
        %get3A_711 = arith.index_cast %add3A_619 : i32 to index
        %get3A_712 = arith.constant 112 : index
        %get3A_713 = tpu.vector_load %arg11[%get3A_711, %get3A_712] {strides = array<i32>} : memref<112x128xf32, #tpu.memory_space<vmem>>, vector<1x16xf32>,
        %get3A_714 = vector.shape_cast %get3A_713 : vector<1x16xf32> to vector<16xf32>
        %slice3A_715 = vector.extract_strided_slice %get3A_78 {offsets = [5], sizes = [1], strides = [1]} : vector<16xf32> to vector<1xf32>
        %squeeze3A_716 = vector.extract %slice3A_715[0] : f32 from vector<1xf32>
        %mul3A_717 = vector.broadcast %squeeze3A_716 : f32 to vector<16xf32>
        %mul3A_718 = arith.mulf %get3A_714, %mul3A_717 : vector<16xf32>
        %swap3A_719 = arith.index_cast %add3A_619 : i32 to index
        %swap3A_720 = arith.constant 112 : index
        %swap3A_721 = tpu.vector_load %arg11[%swap3A_719, %swap3A_720] {strides = array<i32>} : memref<112x128xf32, #tpu.memory_space<vmem>>, vector<1x16xf32>,
        %swap3A_722 = vector.shape_cast %swap3A_721 : vector<1x16xf32> to vector<16xf32>
        %swap3A_723 = vector.shape_cast %mul3A_718 : vector<16xf32> to vector<1x16xf32>
        tpu.vector_store %arg11[%swap3A_719, %swap3A_720], %swap3A_723 {strides = array<i32>} : memref<112x128xf32, #tpu.memory_space<vmem>>, vector<1x16xf32>,
        %mul3A_724 = arith.constant 16 : i32
        %mul3A_725 = arith.muli %scan3A_73, %mul3A_724 : i32
        %add3A_726 = arith.constant 6 : i32
        %add3A_727 = arith.addi %mul3A_725, %add3A_726 : i32
        %get3A_728 = arith.index_cast %add3A_727 : i32 to index
        %get3A_729 = arith.constant 0 : index
        %get3A_730 = tpu.vector_load %arg11[%get3A_728, %get3A_729] {strides = array<i32>} : memref<112x128xf32, #tpu.memory_space<vmem>>, vector<1x16xf32>,
        %get3A_731 = vector.shape_cast %get3A_730 : vector<1x16xf32> to vector<16xf32>
        %slice3A_732 = vector.extract_strided_slice %get3A_78 {offsets = [6], sizes = [1], strides = [1]} : vector<16xf32> to vector<1xf32>
        %squeeze3A_733 = vector.extract %slice3A_732[0] : f32 from vector<1xf32>
        %mul3A_734 = vector.broadcast %squeeze3A_733 : f32 to vector<16xf32>
        %mul3A_735 = arith.mulf %get3A_731, %mul3A_734 : vector<16xf32>
        %swap3A_736 = arith.index_cast %add3A_727 : i32 to index
        %swap3A_737 = arith.constant 0 : index
        %swap3A_738 = tpu.vector_load %arg11[%swap3A_736, %swap3A_737] {strides = array<i32>} : memref<112x128xf32, #tpu.memory_space<vmem>>, vector<1x16xf32>,
        %swap3A_739 = vector.shape_cast %swap3A_738 : vector<1x16xf32> to vector<16xf32>
        %swap3A_740 = vector.shape_cast %mul3A_735 : vector<16xf32> to vector<1x16xf32>
        tpu.vector_store %arg11[%swap3A_736, %swap3A_737], %swap3A_740 {strides = array<i32>} : memref<112x128xf32, #tpu.memory_space<vmem>>, vector<1x16xf32>,
        %get3A_741 = arith.index_cast %add3A_727 : i32 to index
        %get3A_742 = arith.constant 16 : index
        %get3A_743 = tpu.vector_load %arg11[%get3A_741, %get3A_742] {strides = array<i32>} : memref<112x128xf32, #tpu.memory_space<vmem>>, vector<1x16xf32>,
        %get3A_744 = vector.shape_cast %get3A_743 : vector<1x16xf32> to vector<16xf32>
        %slice3A_745 = vector.extract_strided_slice %get3A_78 {offsets = [6], sizes = [1], strides = [1]} : vector<16xf32> to vector<1xf32>
        %squeeze3A_746 = vector.extract %slice3A_745[0] : f32 from vector<1xf32>
        %mul3A_747 = vector.broadcast %squeeze3A_746 : f32 to vector<16xf32>
        %mul3A_748 = arith.mulf %get3A_744, %mul3A_747 : vector<16xf32>
        %swap3A_749 = arith.index_cast %add3A_727 : i32 to index
        %swap3A_750 = arith.constant 16 : index
        %swap3A_751 = tpu.vector_load %arg11[%swap3A_749, %swap3A_750] {strides = array<i32>} : memref<112x128xf32, #tpu.memory_space<vmem>>, vector<1x16xf32>,
        %swap3A_752 = vector.shape_cast %swap3A_751 : vector<1x16xf32> to vector<16xf32>
        %swap3A_753 = vector.shape_cast %mul3A_748 : vector<16xf32> to vector<1x16xf32>
        tpu.vector_store %arg11[%swap3A_749, %swap3A_750], %swap3A_753 {strides = array<i32>} : memref<112x128xf32, #tpu.memory_space<vmem>>, vector<1x16xf32>,
        %get3A_754 = arith.index_cast %add3A_727 : i32 to index
        %get3A_755 = arith.constant 32 : index
        %get3A_756 = tpu.vector_load %arg11[%get3A_754, %get3A_755] {strides = array<i32>} : memref<112x128xf32, #tpu.memory_space<vmem>>, vector<1x16xf32>,
        %get3A_757 = vector.shape_cast %get3A_756 : vector<1x16xf32> to vector<16xf32>
        %slice3A_758 = vector.extract_strided_slice %get3A_78 {offsets = [6], sizes = [1], strides = [1]} : vector<16xf32> to vector<1xf32>
        %squeeze3A_759 = vector.extract %slice3A_758[0] : f32 from vector<1xf32>
        %mul3A_760 = vector.broadcast %squeeze3A_759 : f32 to vector<16xf32>
        %mul3A_761 = arith.mulf %get3A_757, %mul3A_760 : vector<16xf32>
        %swap3A_762 = arith.index_cast %add3A_727 : i32 to index
        %swap3A_763 = arith.constant 32 : index
        %swap3A_764 = tpu.vector_load %arg11[%swap3A_762, %swap3A_763] {strides = array<i32>} : memref<112x128xf32, #tpu.memory_space<vmem>>, vector<1x16xf32>,
        %swap3A_765 = vector.shape_cast %swap3A_764 : vector<1x16xf32> to vector<16xf32>
        %swap3A_766 = vector.shape_cast %mul3A_761 : vector<16xf32> to vector<1x16xf32>
        tpu.vector_store %arg11[%swap3A_762, %swap3A_763], %swap3A_766 {strides = array<i32>} : memref<112x128xf32, #tpu.memory_space<vmem>>, vector<1x16xf32>,
        %get3A_767 = arith.index_cast %add3A_727 : i32 to index
        %get3A_768 = arith.constant 48 : index
        %get3A_769 = tpu.vector_load %arg11[%get3A_767, %get3A_768] {strides = array<i32>} : memref<112x128xf32, #tpu.memory_space<vmem>>, vector<1x16xf32>,
        %get3A_770 = vector.shape_cast %get3A_769 : vector<1x16xf32> to vector<16xf32>
        %slice3A_771 = vector.extract_strided_slice %get3A_78 {offsets = [6], sizes = [1], strides = [1]} : vector<16xf32> to vector<1xf32>
        %squeeze3A_772 = vector.extract %slice3A_771[0] : f32 from vector<1xf32>
        %mul3A_773 = vector.broadcast %squeeze3A_772 : f32 to vector<16xf32>
        %mul3A_774 = arith.mulf %get3A_770, %mul3A_773 : vector<16xf32>
        %swap3A_775 = arith.index_cast %add3A_727 : i32 to index
        %swap3A_776 = arith.constant 48 : index
        %swap3A_777 = tpu.vector_load %arg11[%swap3A_775, %swap3A_776] {strides = array<i32>} : memref<112x128xf32, #tpu.memory_space<vmem>>, vector<1x16xf32>,
        %swap3A_778 = vector.shape_cast %swap3A_777 : vector<1x16xf32> to vector<16xf32>
        %swap3A_779 = vector.shape_cast %mul3A_774 : vector<16xf32> to vector<1x16xf32>
        tpu.vector_store %arg11[%swap3A_775, %swap3A_776], %swap3A_779 {strides = array<i32>} : memref<112x128xf32, #tpu.memory_space<vmem>>, vector<1x16xf32>,
        %get3A_780 = arith.index_cast %add3A_727 : i32 to index
        %get3A_781 = arith.constant 64 : index
        %get3A_782 = tpu.vector_load %arg11[%get3A_780, %get3A_781] {strides = array<i32>} : memref<112x128xf32, #tpu.memory_space<vmem>>, vector<1x16xf32>,
        %get3A_783 = vector.shape_cast %get3A_782 : vector<1x16xf32> to vector<16xf32>
        %slice3A_784 = vector.extract_strided_slice %get3A_78 {offsets = [6], sizes = [1], strides = [1]} : vector<16xf32> to vector<1xf32>
        %squeeze3A_785 = vector.extract %slice3A_784[0] : f32 from vector<1xf32>
        %mul3A_786 = vector.broadcast %squeeze3A_785 : f32 to vector<16xf32>
        %mul3A_787 = arith.mulf %get3A_783, %mul3A_786 : vector<16xf32>
        %swap3A_788 = arith.index_cast %add3A_727 : i32 to index
        %swap3A_789 = arith.constant 64 : index
        %swap3A_790 = tpu.vector_load %arg11[%swap3A_788, %swap3A_789] {strides = array<i32>} : memref<112x128xf32, #tpu.memory_space<vmem>>, vector<1x16xf32>,
        %swap3A_791 = vector.shape_cast %swap3A_790 : vector<1x16xf32> to vector<16xf32>
        %swap3A_792 = vector.shape_cast %mul3A_787 : vector<16xf32> to vector<1x16xf32>
        tpu.vector_store %arg11[%swap3A_788, %swap3A_789], %swap3A_792 {strides = array<i32>} : memref<112x128xf32, #tpu.memory_space<vmem>>, vector<1x16xf32>,
        %get3A_793 = arith.index_cast %add3A_727 : i32 to index
        %get3A_794 = arith.constant 80 : index
        %get3A_795 = tpu.vector_load %arg11[%get3A_793, %get3A_794] {strides = array<i32>} : memref<112x128xf32, #tpu.memory_space<vmem>>, vector<1x16xf32>,
        %get3A_796 = vector.shape_cast %get3A_795 : vector<1x16xf32> to vector<16xf32>
        %slice3A_797 = vector.extract_strided_slice %get3A_78 {offsets = [6], sizes = [1], strides = [1]} : vector<16xf32> to vector<1xf32>
        %squeeze3A_798 = vector.extract %slice3A_797[0] : f32 from vector<1xf32>
        %mul3A_799 = vector.broadcast %squeeze3A_798 : f32 to vector<16xf32>
        %mul3A_800 = arith.mulf %get3A_796, %mul3A_799 : vector<16xf32>
        %swap3A_801 = arith.index_cast %add3A_727 : i32 to index
        %swap3A_802 = arith.constant 80 : index
        %swap3A_803 = tpu.vector_load %arg11[%swap3A_801, %swap3A_802] {strides = array<i32>} : memref<112x128xf32, #tpu.memory_space<vmem>>, vector<1x16xf32>,
        %swap3A_804 = vector.shape_cast %swap3A_803 : vector<1x16xf32> to vector<16xf32>
        %swap3A_805 = vector.shape_cast %mul3A_800 : vector<16xf32> to vector<1x16xf32>
        tpu.vector_store %arg11[%swap3A_801, %swap3A_802], %swap3A_805 {strides = array<i32>} : memref<112x128xf32, #tpu.memory_space<vmem>>, vector<1x16xf32>,
        %get3A_806 = arith.index_cast %add3A_727 : i32 to index
        %get3A_807 = arith.constant 96 : index
        %get3A_808 = tpu.vector_load %arg11[%get3A_806, %get3A_807] {strides = array<i32>} : memref<112x128xf32, #tpu.memory_space<vmem>>, vector<1x16xf32>,
        %get3A_809 = vector.shape_cast %get3A_808 : vector<1x16xf32> to vector<16xf32>
        %slice3A_810 = vector.extract_strided_slice %get3A_78 {offsets = [6], sizes = [1], strides = [1]} : vector<16xf32> to vector<1xf32>
        %squeeze3A_811 = vector.extract %slice3A_810[0] : f32 from vector<1xf32>
        %mul3A_812 = vector.broadcast %squeeze3A_811 : f32 to vector<16xf32>
        %mul3A_813 = arith.mulf %get3A_809, %mul3A_812 : vector<16xf32>
        %swap3A_814 = arith.index_cast %add3A_727 : i32 to index
        %swap3A_815 = arith.constant 96 : index
        %swap3A_816 = tpu.vector_load %arg11[%swap3A_814, %swap3A_815] {strides = array<i32>} : memref<112x128xf32, #tpu.memory_space<vmem>>, vector<1x16xf32>,
        %swap3A_817 = vector.shape_cast %swap3A_816 : vector<1x16xf32> to vector<16xf32>
        %swap3A_818 = vector.shape_cast %mul3A_813 : vector<16xf32> to vector<1x16xf32>
        tpu.vector_store %arg11[%swap3A_814, %swap3A_815], %swap3A_818 {strides = array<i32>} : memref<112x128xf32, #tpu.memory_space<vmem>>, vector<1x16xf32>,
        %get3A_819 = arith.index_cast %add3A_727 : i32 to index
        %get3A_820 = arith.constant 112 : index
        %get3A_821 = tpu.vector_load %arg11[%get3A_819, %get3A_820] {strides = array<i32>} : memref<112x128xf32, #tpu.memory_space<vmem>>, vector<1x16xf32>,
        %get3A_822 = vector.shape_cast %get3A_821 : vector<1x16xf32> to vector<16xf32>
        %slice3A_823 = vector.extract_strided_slice %get3A_78 {offsets = [6], sizes = [1], strides = [1]} : vector<16xf32> to vector<1xf32>
        %squeeze3A_824 = vector.extract %slice3A_823[0] : f32 from vector<1xf32>
        %mul3A_825 = vector.broadcast %squeeze3A_824 : f32 to vector<16xf32>
        %mul3A_826 = arith.mulf %get3A_822, %mul3A_825 : vector<16xf32>
        %swap3A_827 = arith.index_cast %add3A_727 : i32 to index
        %swap3A_828 = arith.constant 112 : index
        %swap3A_829 = tpu.vector_load %arg11[%swap3A_827, %swap3A_828] {strides = array<i32>} : memref<112x128xf32, #tpu.memory_space<vmem>>, vector<1x16xf32>,
        %swap3A_830 = vector.shape_cast %swap3A_829 : vector<1x16xf32> to vector<16xf32>
        %swap3A_831 = vector.shape_cast %mul3A_826 : vector<16xf32> to vector<1x16xf32>
        tpu.vector_store %arg11[%swap3A_827, %swap3A_828], %swap3A_831 {strides = array<i32>} : memref<112x128xf32, #tpu.memory_space<vmem>>, vector<1x16xf32>,
        %mul3A_832 = arith.constant 16 : i32
        %mul3A_833 = arith.muli %scan3A_73, %mul3A_832 : i32
        %add3A_834 = arith.constant 7 : i32
        %add3A_835 = arith.addi %mul3A_833, %add3A_834 : i32
        %get3A_836 = arith.index_cast %add3A_835 : i32 to index
        %get3A_837 = arith.constant 0 : index
        %get3A_838 = tpu.vector_load %arg11[%get3A_836, %get3A_837] {strides = array<i32>} : memref<112x128xf32, #tpu.memory_space<vmem>>, vector<1x16xf32>,
        %get3A_839 = vector.shape_cast %get3A_838 : vector<1x16xf32> to vector<16xf32>
        %slice3A_840 = vector.extract_strided_slice %get3A_78 {offsets = [7], sizes = [1], strides = [1]} : vector<16xf32> to vector<1xf32>
        %squeeze3A_841 = vector.extract %slice3A_840[0] : f32 from vector<1xf32>
        %mul3A_842 = vector.broadcast %squeeze3A_841 : f32 to vector<16xf32>
        %mul3A_843 = arith.mulf %get3A_839, %mul3A_842 : vector<16xf32>
        %swap3A_844 = arith.index_cast %add3A_835 : i32 to index
        %swap3A_845 = arith.constant 0 : index
        %swap3A_846 = tpu.vector_load %arg11[%swap3A_844, %swap3A_845] {strides = array<i32>} : memref<112x128xf32, #tpu.memory_space<vmem>>, vector<1x16xf32>,
        %swap3A_847 = vector.shape_cast %swap3A_846 : vector<1x16xf32> to vector<16xf32>
        %swap3A_848 = vector.shape_cast %mul3A_843 : vector<16xf32> to vector<1x16xf32>
        tpu.vector_store %arg11[%swap3A_844, %swap3A_845], %swap3A_848 {strides = array<i32>} : memref<112x128xf32, #tpu.memory_space<vmem>>, vector<1x16xf32>,
        %get3A_849 = arith.index_cast %add3A_835 : i32 to index
        %get3A_850 = arith.constant 16 : index
        %get3A_851 = tpu.vector_load %arg11[%get3A_849, %get3A_850] {strides = array<i32>} : memref<112x128xf32, #tpu.memory_space<vmem>>, vector<1x16xf32>,
        %get3A_852 = vector.shape_cast %get3A_851 : vector<1x16xf32> to vector<16xf32>
        %slice3A_853 = vector.extract_strided_slice %get3A_78 {offsets = [7], sizes = [1], strides = [1]} : vector<16xf32> to vector<1xf32>
        %squeeze3A_854 = vector.extract %slice3A_853[0] : f32 from vector<1xf32>
        %mul3A_855 = vector.broadcast %squeeze3A_854 : f32 to vector<16xf32>
        %mul3A_856 = arith.mulf %get3A_852, %mul3A_855 : vector<16xf32>
        %swap3A_857 = arith.index_cast %add3A_835 : i32 to index
        %swap3A_858 = arith.constant 16 : index
        %swap3A_859 = tpu.vector_load %arg11[%swap3A_857, %swap3A_858] {strides = array<i32>} : memref<112x128xf32, #tpu.memory_space<vmem>>, vector<1x16xf32>,
        %swap3A_860 = vector.shape_cast %swap3A_859 : vector<1x16xf32> to vector<16xf32>
        %swap3A_861 = vector.shape_cast %mul3A_856 : vector<16xf32> to vector<1x16xf32>
        tpu.vector_store %arg11[%swap3A_857, %swap3A_858], %swap3A_861 {strides = array<i32>} : memref<112x128xf32, #tpu.memory_space<vmem>>, vector<1x16xf32>,
        %get3A_862 = arith.index_cast %add3A_835 : i32 to index
        %get3A_863 = arith.constant 32 : index
        %get3A_864 = tpu.vector_load %arg11[%get3A_862, %get3A_863] {strides = array<i32>} : memref<112x128xf32, #tpu.memory_space<vmem>>, vector<1x16xf32>,
        %get3A_865 = vector.shape_cast %get3A_864 : vector<1x16xf32> to vector<16xf32>
        %slice3A_866 = vector.extract_strided_slice %get3A_78 {offsets = [7], sizes = [1], strides = [1]} : vector<16xf32> to vector<1xf32>
        %squeeze3A_867 = vector.extract %slice3A_866[0] : f32 from vector<1xf32>
        %mul3A_868 = vector.broadcast %squeeze3A_867 : f32 to vector<16xf32>
        %mul3A_869 = arith.mulf %get3A_865, %mul3A_868 : vector<16xf32>
        %swap3A_870 = arith.index_cast %add3A_835 : i32 to index
        %swap3A_871 = arith.constant 32 : index
        %swap3A_872 = tpu.vector_load %arg11[%swap3A_870, %swap3A_871] {strides = array<i32>} : memref<112x128xf32, #tpu.memory_space<vmem>>, vector<1x16xf32>,
        %swap3A_873 = vector.shape_cast %swap3A_872 : vector<1x16xf32> to vector<16xf32>
        %swap3A_874 = vector.shape_cast %mul3A_869 : vector<16xf32> to vector<1x16xf32>
        tpu.vector_store %arg11[%swap3A_870, %swap3A_871], %swap3A_874 {strides = array<i32>} : memref<112x128xf32, #tpu.memory_space<vmem>>, vector<1x16xf32>,
        %get3A_875 = arith.index_cast %add3A_835 : i32 to index
        %get3A_876 = arith.constant 48 : index
        %get3A_877 = tpu.vector_load %arg11[%get3A_875, %get3A_876] {strides = array<i32>} : memref<112x128xf32, #tpu.memory_space<vmem>>, vector<1x16xf32>,
        %get3A_878 = vector.shape_cast %get3A_877 : vector<1x16xf32> to vector<16xf32>
        %slice3A_879 = vector.extract_strided_slice %get3A_78 {offsets = [7], sizes = [1], strides = [1]} : vector<16xf32> to vector<1xf32>
        %squeeze3A_880 = vector.extract %slice3A_879[0] : f32 from vector<1xf32>
        %mul3A_881 = vector.broadcast %squeeze3A_880 : f32 to vector<16xf32>
        %mul3A_882 = arith.mulf %get3A_878, %mul3A_881 : vector<16xf32>
        %swap3A_883 = arith.index_cast %add3A_835 : i32 to index
        %swap3A_884 = arith.constant 48 : index
        %swap3A_885 = tpu.vector_load %arg11[%swap3A_883, %swap3A_884] {strides = array<i32>} : memref<112x128xf32, #tpu.memory_space<vmem>>, vector<1x16xf32>,
        %swap3A_886 = vector.shape_cast %swap3A_885 : vector<1x16xf32> to vector<16xf32>
        %swap3A_887 = vector.shape_cast %mul3A_882 : vector<16xf32> to vector<1x16xf32>
        tpu.vector_store %arg11[%swap3A_883, %swap3A_884], %swap3A_887 {strides = array<i32>} : memref<112x128xf32, #tpu.memory_space<vmem>>, vector<1x16xf32>,
        %get3A_888 = arith.index_cast %add3A_835 : i32 to index
        %get3A_889 = arith.constant 64 : index
        %get3A_890 = tpu.vector_load %arg11[%get3A_888, %get3A_889] {strides = array<i32>} : memref<112x128xf32, #tpu.memory_space<vmem>>, vector<1x16xf32>,
        %get3A_891 = vector.shape_cast %get3A_890 : vector<1x16xf32> to vector<16xf32>
        %slice3A_892 = vector.extract_strided_slice %get3A_78 {offsets = [7], sizes = [1], strides = [1]} : vector<16xf32> to vector<1xf32>
        %squeeze3A_893 = vector.extract %slice3A_892[0] : f32 from vector<1xf32>
        %mul3A_894 = vector.broadcast %squeeze3A_893 : f32 to vector<16xf32>
        %mul3A_895 = arith.mulf %get3A_891, %mul3A_894 : vector<16xf32>
        %swap3A_896 = arith.index_cast %add3A_835 : i32 to index
        %swap3A_897 = arith.constant 64 : index
        %swap3A_898 = tpu.vector_load %arg11[%swap3A_896, %swap3A_897] {strides = array<i32>} : memref<112x128xf32, #tpu.memory_space<vmem>>, vector<1x16xf32>,
        %swap3A_899 = vector.shape_cast %swap3A_898 : vector<1x16xf32> to vector<16xf32>
        %swap3A_900 = vector.shape_cast %mul3A_895 : vector<16xf32> to vector<1x16xf32>
        tpu.vector_store %arg11[%swap3A_896, %swap3A_897], %swap3A_900 {strides = array<i32>} : memref<112x128xf32, #tpu.memory_space<vmem>>, vector<1x16xf32>,
        %get3A_901 = arith.index_cast %add3A_835 : i32 to index
        %get3A_902 = arith.constant 80 : index
        %get3A_903 = tpu.vector_load %arg11[%get3A_901, %get3A_902] {strides = array<i32>} : memref<112x128xf32, #tpu.memory_space<vmem>>, vector<1x16xf32>,
        %get3A_904 = vector.shape_cast %get3A_903 : vector<1x16xf32> to vector<16xf32>
        %slice3A_905 = vector.extract_strided_slice %get3A_78 {offsets = [7], sizes = [1], strides = [1]} : vector<16xf32> to vector<1xf32>
        %squeeze3A_906 = vector.extract %slice3A_905[0] : f32 from vector<1xf32>
        %mul3A_907 = vector.broadcast %squeeze3A_906 : f32 to vector<16xf32>
        %mul3A_908 = arith.mulf %get3A_904, %mul3A_907 : vector<16xf32>
        %swap3A_909 = arith.index_cast %add3A_835 : i32 to index
        %swap3A_910 = arith.constant 80 : index
        %swap3A_911 = tpu.vector_load %arg11[%swap3A_909, %swap3A_910] {strides = array<i32>} : memref<112x128xf32, #tpu.memory_space<vmem>>, vector<1x16xf32>,
        %swap3A_912 = vector.shape_cast %swap3A_911 : vector<1x16xf32> to vector<16xf32>
        %swap3A_913 = vector.shape_cast %mul3A_908 : vector<16xf32> to vector<1x16xf32>
        tpu.vector_store %arg11[%swap3A_909, %swap3A_910], %swap3A_913 {strides = array<i32>} : memref<112x128xf32, #tpu.memory_space<vmem>>, vector<1x16xf32>,
        %get3A_914 = arith.index_cast %add3A_835 : i32 to index
        %get3A_915 = arith.constant 96 : index
        %get3A_916 = tpu.vector_load %arg11[%get3A_914, %get3A_915] {strides = array<i32>} : memref<112x128xf32, #tpu.memory_space<vmem>>, vector<1x16xf32>,
        %get3A_917 = vector.shape_cast %get3A_916 : vector<1x16xf32> to vector<16xf32>
        %slice3A_918 = vector.extract_strided_slice %get3A_78 {offsets = [7], sizes = [1], strides = [1]} : vector<16xf32> to vector<1xf32>
        %squeeze3A_919 = vector.extract %slice3A_918[0] : f32 from vector<1xf32>
        %mul3A_920 = vector.broadcast %squeeze3A_919 : f32 to vector<16xf32>
        %mul3A_921 = arith.mulf %get3A_917, %mul3A_920 : vector<16xf32>
        %swap3A_922 = arith.index_cast %add3A_835 : i32 to index
        %swap3A_923 = arith.constant 96 : index
        %swap3A_924 = tpu.vector_load %arg11[%swap3A_922, %swap3A_923] {strides = array<i32>} : memref<112x128xf32, #tpu.memory_space<vmem>>, vector<1x16xf32>,
        %swap3A_925 = vector.shape_cast %swap3A_924 : vector<1x16xf32> to vector<16xf32>
        %swap3A_926 = vector.shape_cast %mul3A_921 : vector<16xf32> to vector<1x16xf32>
        tpu.vector_store %arg11[%swap3A_922, %swap3A_923], %swap3A_926 {strides = array<i32>} : memref<112x128xf32, #tpu.memory_space<vmem>>, vector<1x16xf32>,
        %get3A_927 = arith.index_cast %add3A_835 : i32 to index
        %get3A_928 = arith.constant 112 : index
        %get3A_929 = tpu.vector_load %arg11[%get3A_927, %get3A_928] {strides = array<i32>} : memref<112x128xf32, #tpu.memory_space<vmem>>, vector<1x16xf32>,
        %get3A_930 = vector.shape_cast %get3A_929 : vector<1x16xf32> to vector<16xf32>
        %slice3A_931 = vector.extract_strided_slice %get3A_78 {offsets = [7], sizes = [1], strides = [1]} : vector<16xf32> to vector<1xf32>
        %squeeze3A_932 = vector.extract %slice3A_931[0] : f32 from vector<1xf32>
        %mul3A_933 = vector.broadcast %squeeze3A_932 : f32 to vector<16xf32>
        %mul3A_934 = arith.mulf %get3A_930, %mul3A_933 : vector<16xf32>
        %swap3A_935 = arith.index_cast %add3A_835 : i32 to index
        %swap3A_936 = arith.constant 112 : index
        %swap3A_937 = tpu.vector_load %arg11[%swap3A_935, %swap3A_936] {strides = array<i32>} : memref<112x128xf32, #tpu.memory_space<vmem>>, vector<1x16xf32>,
        %swap3A_938 = vector.shape_cast %swap3A_937 : vector<1x16xf32> to vector<16xf32>
        %swap3A_939 = vector.shape_cast %mul3A_934 : vector<16xf32> to vector<1x16xf32>
        tpu.vector_store %arg11[%swap3A_935, %swap3A_936], %swap3A_939 {strides = array<i32>} : memref<112x128xf32, #tpu.memory_space<vmem>>, vector<1x16xf32>,
        %mul3A_940 = arith.constant 16 : i32
        %mul3A_941 = arith.muli %scan3A_73, %mul3A_940 : i32
        %add3A_942 = arith.constant 8 : i32
        %add3A_943 = arith.addi %mul3A_941, %add3A_942 : i32
        %get3A_944 = arith.index_cast %add3A_943 : i32 to index
        %get3A_945 = arith.constant 0 : index
        %get3A_946 = tpu.vector_load %arg11[%get3A_944, %get3A_945] {strides = array<i32>} : memref<112x128xf32, #tpu.memory_space<vmem>>, vector<1x16xf32>,
        %get3A_947 = vector.shape_cast %get3A_946 : vector<1x16xf32> to vector<16xf32>
        %slice3A_948 = vector.extract_strided_slice %get3A_78 {offsets = [8], sizes = [1], strides = [1]} : vector<16xf32> to vector<1xf32>
        %squeeze3A_949 = vector.extract %slice3A_948[0] : f32 from vector<1xf32>
        %mul3A_950 = vector.broadcast %squeeze3A_949 : f32 to vector<16xf32>
        %mul3A_951 = arith.mulf %get3A_947, %mul3A_950 : vector<16xf32>
        %swap3A_952 = arith.index_cast %add3A_943 : i32 to index
        %swap3A_953 = arith.constant 0 : index
        %swap3A_954 = tpu.vector_load %arg11[%swap3A_952, %swap3A_953] {strides = array<i32>} : memref<112x128xf32, #tpu.memory_space<vmem>>, vector<1x16xf32>,
        %swap3A_955 = vector.shape_cast %swap3A_954 : vector<1x16xf32> to vector<16xf32>
        %swap3A_956 = vector.shape_cast %mul3A_951 : vector<16xf32> to vector<1x16xf32>
        tpu.vector_store %arg11[%swap3A_952, %swap3A_953], %swap3A_956 {strides = array<i32>} : memref<112x128xf32, #tpu.memory_space<vmem>>, vector<1x16xf32>,
        %get3A_957 = arith.index_cast %add3A_943 : i32 to index
        %get3A_958 = arith.constant 16 : index
        %get3A_959 = tpu.vector_load %arg11[%get3A_957, %get3A_958] {strides = array<i32>} : memref<112x128xf32, #tpu.memory_space<vmem>>, vector<1x16xf32>,
        %get3A_960 = vector.shape_cast %get3A_959 : vector<1x16xf32> to vector<16xf32>
        %slice3A_961 = vector.extract_strided_slice %get3A_78 {offsets = [8], sizes = [1], strides = [1]} : vector<16xf32> to vector<1xf32>
        %squeeze3A_962 = vector.extract %slice3A_961[0] : f32 from vector<1xf32>
        %mul3A_963 = vector.broadcast %squeeze3A_962 : f32 to vector<16xf32>
        %mul3A_964 = arith.mulf %get3A_960, %mul3A_963 : vector<16xf32>
        %swap3A_965 = arith.index_cast %add3A_943 : i32 to index
        %swap3A_966 = arith.constant 16 : index
        %swap3A_967 = tpu.vector_load %arg11[%swap3A_965, %swap3A_966] {strides = array<i32>} : memref<112x128xf32, #tpu.memory_space<vmem>>, vector<1x16xf32>,
        %swap3A_968 = vector.shape_cast %swap3A_967 : vector<1x16xf32> to vector<16xf32>
        %swap3A_969 = vector.shape_cast %mul3A_964 : vector<16xf32> to vector<1x16xf32>
        tpu.vector_store %arg11[%swap3A_965, %swap3A_966], %swap3A_969 {strides = array<i32>} : memref<112x128xf32, #tpu.memory_space<vmem>>, vector<1x16xf32>,
        %get3A_970 = arith.index_cast %add3A_943 : i32 to index
        %get3A_971 = arith.constant 32 : index
        %get3A_972 = tpu.vector_load %arg11[%get3A_970, %get3A_971] {strides = array<i32>} : memref<112x128xf32, #tpu.memory_space<vmem>>, vector<1x16xf32>,
        %get3A_973 = vector.shape_cast %get3A_972 : vector<1x16xf32> to vector<16xf32>
        %slice3A_974 = vector.extract_strided_slice %get3A_78 {offsets = [8], sizes = [1], strides = [1]} : vector<16xf32> to vector<1xf32>
        %squeeze3A_975 = vector.extract %slice3A_974[0] : f32 from vector<1xf32>
        %mul3A_976 = vector.broadcast %squeeze3A_975 : f32 to vector<16xf32>
        %mul3A_977 = arith.mulf %get3A_973, %mul3A_976 : vector<16xf32>
        %swap3A_978 = arith.index_cast %add3A_943 : i32 to index
        %swap3A_979 = arith.constant 32 : index
        %swap3A_980 = tpu.vector_load %arg11[%swap3A_978, %swap3A_979] {strides = array<i32>} : memref<112x128xf32, #tpu.memory_space<vmem>>, vector<1x16xf32>,
        %swap3A_981 = vector.shape_cast %swap3A_980 : vector<1x16xf32> to vector<16xf32>
        %swap3A_982 = vector.shape_cast %mul3A_977 : vector<16xf32> to vector<1x16xf32>
        tpu.vector_store %arg11[%swap3A_978, %swap3A_979], %swap3A_982 {strides = array<i32>} : memref<112x128xf32, #tpu.memory_space<vmem>>, vector<1x16xf32>,
        %get3A_983 = arith.index_cast %add3A_943 : i32 to index
        %get3A_984 = arith.constant 48 : index
        %get3A_985 = tpu.vector_load %arg11[%get3A_983, %get3A_984] {strides = array<i32>} : memref<112x128xf32, #tpu.memory_space<vmem>>, vector<1x16xf32>,
        %get3A_986 = vector.shape_cast %get3A_985 : vector<1x16xf32> to vector<16xf32>
        %slice3A_987 = vector.extract_strided_slice %get3A_78 {offsets = [8], sizes = [1], strides = [1]} : vector<16xf32> to vector<1xf32>
        %squeeze3A_988 = vector.extract %slice3A_987[0] : f32 from vector<1xf32>
        %mul3A_989 = vector.broadcast %squeeze3A_988 : f32 to vector<16xf32>
        %mul3A_990 = arith.mulf %get3A_986, %mul3A_989 : vector<16xf32>
        %swap3A_991 = arith.index_cast %add3A_943 : i32 to index
        %swap3A_992 = arith.constant 48 : index
        %swap3A_993 = tpu.vector_load %arg11[%swap3A_991, %swap3A_992] {strides = array<i32>} : memref<112x128xf32, #tpu.memory_space<vmem>>, vector<1x16xf32>,
        %swap3A_994 = vector.shape_cast %swap3A_993 : vector<1x16xf32> to vector<16xf32>
        %swap3A_995 = vector.shape_cast %mul3A_990 : vector<16xf32> to vector<1x16xf32>
        tpu.vector_store %arg11[%swap3A_991, %swap3A_992], %swap3A_995 {strides = array<i32>} : memref<112x128xf32, #tpu.memory_space<vmem>>, vector<1x16xf32>,
        %get3A_996 = arith.index_cast %add3A_943 : i32 to index
        %get3A_997 = arith.constant 64 : index
        %get3A_998 = tpu.vector_load %arg11[%get3A_996, %get3A_997] {strides = array<i32>} : memref<112x128xf32, #tpu.memory_space<vmem>>, vector<1x16xf32>,
        %get3A_999 = vector.shape_cast %get3A_998 : vector<1x16xf32> to vector<16xf32>
        %slice3A_1000 = vector.extract_strided_slice %get3A_78 {offsets = [8], sizes = [1], strides = [1]} : vector<16xf32> to vector<1xf32>
        %squeeze3A_1001 = vector.extract %slice3A_1000[0] : f32 from vector<1xf32>
        %mul3A_1002 = vector.broadcast %squeeze3A_1001 : f32 to vector<16xf32>
        %mul3A_1003 = arith.mulf %get3A_999, %mul3A_1002 : vector<16xf32>
        %swap3A_1004 = arith.index_cast %add3A_943 : i32 to index
        %swap3A_1005 = arith.constant 64 : index
        %swap3A_1006 = tpu.vector_load %arg11[%swap3A_1004, %swap3A_1005] {strides = array<i32>} : memref<112x128xf32, #tpu.memory_space<vmem>>, vector<1x16xf32>,
        %swap3A_1007 = vector.shape_cast %swap3A_1006 : vector<1x16xf32> to vector<16xf32>
        %swap3A_1008 = vector.shape_cast %mul3A_1003 : vector<16xf32> to vector<1x16xf32>
        tpu.vector_store %arg11[%swap3A_1004, %swap3A_1005], %swap3A_1008 {strides = array<i32>} : memref<112x128xf32, #tpu.memory_space<vmem>>, vector<1x16xf32>,
        %get3A_1009 = arith.index_cast %add3A_943 : i32 to index
        %get3A_1010 = arith.constant 80 : index
        %get3A_1011 = tpu.vector_load %arg11[%get3A_1009, %get3A_1010] {strides = array<i32>} : memref<112x128xf32, #tpu.memory_space<vmem>>, vector<1x16xf32>,
        %get3A_1012 = vector.shape_cast %get3A_1011 : vector<1x16xf32> to vector<16xf32>
        %slice3A_1013 = vector.extract_strided_slice %get3A_78 {offsets = [8], sizes = [1], strides = [1]} : vector<16xf32> to vector<1xf32>
        %squeeze3A_1014 = vector.extract %slice3A_1013[0] : f32 from vector<1xf32>
        %mul3A_1015 = vector.broadcast %squeeze3A_1014 : f32 to vector<16xf32>
        %mul3A_1016 = arith.mulf %get3A_1012, %mul3A_1015 : vector<16xf32>
        %swap3A_1017 = arith.index_cast %add3A_943 : i32 to index
        %swap3A_1018 = arith.constant 80 : index
        %swap3A_1019 = tpu.vector_load %arg11[%swap3A_1017, %swap3A_1018] {strides = array<i32>} : memref<112x128xf32, #tpu.memory_space<vmem>>, vector<1x16xf32>,
        %swap3A_1020 = vector.shape_cast %swap3A_1019 : vector<1x16xf32> to vector<16xf32>
        %swap3A_1021 = vector.shape_cast %mul3A_1016 : vector<16xf32> to vector<1x16xf32>
        tpu.vector_store %arg11[%swap3A_1017, %swap3A_1018], %swap3A_1021 {strides = array<i32>} : memref<112x128xf32, #tpu.memory_space<vmem>>, vector<1x16xf32>,
        %get3A_1022 = arith.index_cast %add3A_943 : i32 to index
        %get3A_1023 = arith.constant 96 : index
        %get3A_1024 = tpu.vector_load %arg11[%get3A_1022, %get3A_1023] {strides = array<i32>} : memref<112x128xf32, #tpu.memory_space<vmem>>, vector<1x16xf32>,
        %get3A_1025 = vector.shape_cast %get3A_1024 : vector<1x16xf32> to vector<16xf32>
        %slice3A_1026 = vector.extract_strided_slice %get3A_78 {offsets = [8], sizes = [1], strides = [1]} : vector<16xf32> to vector<1xf32>
        %squeeze3A_1027 = vector.extract %slice3A_1026[0] : f32 from vector<1xf32>
        %mul3A_1028 = vector.broadcast %squeeze3A_1027 : f32 to vector<16xf32>
        %mul3A_1029 = arith.mulf %get3A_1025, %mul3A_1028 : vector<16xf32>
        %swap3A_1030 = arith.index_cast %add3A_943 : i32 to index
        %swap3A_1031 = arith.constant 96 : index
        %swap3A_1032 = tpu.vector_load %arg11[%swap3A_1030, %swap3A_1031] {strides = array<i32>} : memref<112x128xf32, #tpu.memory_space<vmem>>, vector<1x16xf32>,
        %swap3A_1033 = vector.shape_cast %swap3A_1032 : vector<1x16xf32> to vector<16xf32>
        %swap3A_1034 = vector.shape_cast %mul3A_1029 : vector<16xf32> to vector<1x16xf32>
        tpu.vector_store %arg11[%swap3A_1030, %swap3A_1031], %swap3A_1034 {strides = array<i32>} : memref<112x128xf32, #tpu.memory_space<vmem>>, vector<1x16xf32>,
        %get3A_1035 = arith.index_cast %add3A_943 : i32 to index
        %get3A_1036 = arith.constant 112 : index
        %get3A_1037 = tpu.vector_load %arg11[%get3A_1035, %get3A_1036] {strides = array<i32>} : memref<112x128xf32, #tpu.memory_space<vmem>>, vector<1x16xf32>,
        %get3A_1038 = vector.shape_cast %get3A_1037 : vector<1x16xf32> to vector<16xf32>
        %slice3A_1039 = vector.extract_strided_slice %get3A_78 {offsets = [8], sizes = [1], strides = [1]} : vector<16xf32> to vector<1xf32>
        %squeeze3A_1040 = vector.extract %slice3A_1039[0] : f32 from vector<1xf32>
        %mul3A_1041 = vector.broadcast %squeeze3A_1040 : f32 to vector<16xf32>
        %mul3A_1042 = arith.mulf %get3A_1038, %mul3A_1041 : vector<16xf32>
        %swap3A_1043 = arith.index_cast %add3A_943 : i32 to index
        %swap3A_1044 = arith.constant 112 : index
        %swap3A_1045 = tpu.vector_load %arg11[%swap3A_1043, %swap3A_1044] {strides = array<i32>} : memref<112x128xf32, #tpu.memory_space<vmem>>, vector<1x16xf32>,
        %swap3A_1046 = vector.shape_cast %swap3A_1045 : vector<1x16xf32> to vector<16xf32>
        %swap3A_1047 = vector.shape_cast %mul3A_1042 : vector<16xf32> to vector<1x16xf32>
        tpu.vector_store %arg11[%swap3A_1043, %swap3A_1044], %swap3A_1047 {strides = array<i32>} : memref<112x128xf32, #tpu.memory_space<vmem>>, vector<1x16xf32>,
        %mul3A_1048 = arith.constant 16 : i32
        %mul3A_1049 = arith.muli %scan3A_73, %mul3A_1048 : i32
        %add3A_1050 = arith.constant 9 : i32
        %add3A_1051 = arith.addi %mul3A_1049, %add3A_1050 : i32
        %get3A_1052 = arith.index_cast %add3A_1051 : i32 to index
        %get3A_1053 = arith.constant 0 : index
        %get3A_1054 = tpu.vector_load %arg11[%get3A_1052, %get3A_1053] {strides = array<i32>} : memref<112x128xf32, #tpu.memory_space<vmem>>, vector<1x16xf32>,
        %get3A_1055 = vector.shape_cast %get3A_1054 : vector<1x16xf32> to vector<16xf32>
        %slice3A_1056 = vector.extract_strided_slice %get3A_78 {offsets = [9], sizes = [1], strides = [1]} : vector<16xf32> to vector<1xf32>
        %squeeze3A_1057 = vector.extract %slice3A_1056[0] : f32 from vector<1xf32>
        %mul3A_1058 = vector.broadcast %squeeze3A_1057 : f32 to vector<16xf32>
        %mul3A_1059 = arith.mulf %get3A_1055, %mul3A_1058 : vector<16xf32>
        %swap3A_1060 = arith.index_cast %add3A_1051 : i32 to index
        %swap3A_1061 = arith.constant 0 : index
        %swap3A_1062 = tpu.vector_load %arg11[%swap3A_1060, %swap3A_1061] {strides = array<i32>} : memref<112x128xf32, #tpu.memory_space<vmem>>, vector<1x16xf32>,
        %swap3A_1063 = vector.shape_cast %swap3A_1062 : vector<1x16xf32> to vector<16xf32>
        %swap3A_1064 = vector.shape_cast %mul3A_1059 : vector<16xf32> to vector<1x16xf32>
        tpu.vector_store %arg11[%swap3A_1060, %swap3A_1061], %swap3A_1064 {strides = array<i32>} : memref<112x128xf32, #tpu.memory_space<vmem>>, vector<1x16xf32>,
        %get3A_1065 = arith.index_cast %add3A_1051 : i32 to index
        %get3A_1066 = arith.constant 16 : index
        %get3A_1067 = tpu.vector_load %arg11[%get3A_1065, %get3A_1066] {strides = array<i32>} : memref<112x128xf32, #tpu.memory_space<vmem>>, vector<1x16xf32>,
        %get3A_1068 = vector.shape_cast %get3A_1067 : vector<1x16xf32> to vector<16xf32>
        %slice3A_1069 = vector.extract_strided_slice %get3A_78 {offsets = [9], sizes = [1], strides = [1]} : vector<16xf32> to vector<1xf32>
        %squeeze3A_1070 = vector.extract %slice3A_1069[0] : f32 from vector<1xf32>
        %mul3A_1071 = vector.broadcast %squeeze3A_1070 : f32 to vector<16xf32>
        %mul3A_1072 = arith.mulf %get3A_1068, %mul3A_1071 : vector<16xf32>
        %swap3A_1073 = arith.index_cast %add3A_1051 : i32 to index
        %swap3A_1074 = arith.constant 16 : index
        %swap3A_1075 = tpu.vector_load %arg11[%swap3A_1073, %swap3A_1074] {strides = array<i32>} : memref<112x128xf32, #tpu.memory_space<vmem>>, vector<1x16xf32>,
        %swap3A_1076 = vector.shape_cast %swap3A_1075 : vector<1x16xf32> to vector<16xf32>
        %swap3A_1077 = vector.shape_cast %mul3A_1072 : vector<16xf32> to vector<1x16xf32>
        tpu.vector_store %arg11[%swap3A_1073, %swap3A_1074], %swap3A_1077 {strides = array<i32>} : memref<112x128xf32, #tpu.memory_space<vmem>>, vector<1x16xf32>,
        %get3A_1078 = arith.index_cast %add3A_1051 : i32 to index
        %get3A_1079 = arith.constant 32 : index
        %get3A_1080 = tpu.vector_load %arg11[%get3A_1078, %get3A_1079] {strides = array<i32>} : memref<112x128xf32, #tpu.memory_space<vmem>>, vector<1x16xf32>,
        %get3A_1081 = vector.shape_cast %get3A_1080 : vector<1x16xf32> to vector<16xf32>
        %slice3A_1082 = vector.extract_strided_slice %get3A_78 {offsets = [9], sizes = [1], strides = [1]} : vector<16xf32> to vector<1xf32>
        %squeeze3A_1083 = vector.extract %slice3A_1082[0] : f32 from vector<1xf32>
        %mul3A_1084 = vector.broadcast %squeeze3A_1083 : f32 to vector<16xf32>
        %mul3A_1085 = arith.mulf %get3A_1081, %mul3A_1084 : vector<16xf32>
        %swap3A_1086 = arith.index_cast %add3A_1051 : i32 to index
        %swap3A_1087 = arith.constant 32 : index
        %swap3A_1088 = tpu.vector_load %arg11[%swap3A_1086, %swap3A_1087] {strides = array<i32>} : memref<112x128xf32, #tpu.memory_space<vmem>>, vector<1x16xf32>,
        %swap3A_1089 = vector.shape_cast %swap3A_1088 : vector<1x16xf32> to vector<16xf32>
        %swap3A_1090 = vector.shape_cast %mul3A_1085 : vector<16xf32> to vector<1x16xf32>
        tpu.vector_store %arg11[%swap3A_1086, %swap3A_1087], %swap3A_1090 {strides = array<i32>} : memref<112x128xf32, #tpu.memory_space<vmem>>, vector<1x16xf32>,
        %get3A_1091 = arith.index_cast %add3A_1051 : i32 to index
        %get3A_1092 = arith.constant 48 : index
        %get3A_1093 = tpu.vector_load %arg11[%get3A_1091, %get3A_1092] {strides = array<i32>} : memref<112x128xf32, #tpu.memory_space<vmem>>, vector<1x16xf32>,
        %get3A_1094 = vector.shape_cast %get3A_1093 : vector<1x16xf32> to vector<16xf32>
        %slice3A_1095 = vector.extract_strided_slice %get3A_78 {offsets = [9], sizes = [1], strides = [1]} : vector<16xf32> to vector<1xf32>
        %squeeze3A_1096 = vector.extract %slice3A_1095[0] : f32 from vector<1xf32>
        %mul3A_1097 = vector.broadcast %squeeze3A_1096 : f32 to vector<16xf32>
        %mul3A_1098 = arith.mulf %get3A_1094, %mul3A_1097 : vector<16xf32>
        %swap3A_1099 = arith.index_cast %add3A_1051 : i32 to index
        %swap3A_1100 = arith.constant 48 : index
        %swap3A_1101 = tpu.vector_load %arg11[%swap3A_1099, %swap3A_1100] {strides = array<i32>} : memref<112x128xf32, #tpu.memory_space<vmem>>, vector<1x16xf32>,
        %swap3A_1102 = vector.shape_cast %swap3A_1101 : vector<1x16xf32> to vector<16xf32>
        %swap3A_1103 = vector.shape_cast %mul3A_1098 : vector<16xf32> to vector<1x16xf32>
        tpu.vector_store %arg11[%swap3A_1099, %swap3A_1100], %swap3A_1103 {strides = array<i32>} : memref<112x128xf32, #tpu.memory_space<vmem>>, vector<1x16xf32>,
        %get3A_1104 = arith.index_cast %add3A_1051 : i32 to index
        %get3A_1105 = arith.constant 64 : index
        %get3A_1106 = tpu.vector_load %arg11[%get3A_1104, %get3A_1105] {strides = array<i32>} : memref<112x128xf32, #tpu.memory_space<vmem>>, vector<1x16xf32>,
        %get3A_1107 = vector.shape_cast %get3A_1106 : vector<1x16xf32> to vector<16xf32>
        %slice3A_1108 = vector.extract_strided_slice %get3A_78 {offsets = [9], sizes = [1], strides = [1]} : vector<16xf32> to vector<1xf32>
        %squeeze3A_1109 = vector.extract %slice3A_1108[0] : f32 from vector<1xf32>
        %mul3A_1110 = vector.broadcast %squeeze3A_1109 : f32 to vector<16xf32>
        %mul3A_1111 = arith.mulf %get3A_1107, %mul3A_1110 : vector<16xf32>
        %swap3A_1112 = arith.index_cast %add3A_1051 : i32 to index
        %swap3A_1113 = arith.constant 64 : index
        %swap3A_1114 = tpu.vector_load %arg11[%swap3A_1112, %swap3A_1113] {strides = array<i32>} : memref<112x128xf32, #tpu.memory_space<vmem>>, vector<1x16xf32>,
        %swap3A_1115 = vector.shape_cast %swap3A_1114 : vector<1x16xf32> to vector<16xf32>
        %swap3A_1116 = vector.shape_cast %mul3A_1111 : vector<16xf32> to vector<1x16xf32>
        tpu.vector_store %arg11[%swap3A_1112, %swap3A_1113], %swap3A_1116 {strides = array<i32>} : memref<112x128xf32, #tpu.memory_space<vmem>>, vector<1x16xf32>,
        %get3A_1117 = arith.index_cast %add3A_1051 : i32 to index
        %get3A_1118 = arith.constant 80 : index
        %get3A_1119 = tpu.vector_load %arg11[%get3A_1117, %get3A_1118] {strides = array<i32>} : memref<112x128xf32, #tpu.memory_space<vmem>>, vector<1x16xf32>,
        %get3A_1120 = vector.shape_cast %get3A_1119 : vector<1x16xf32> to vector<16xf32>
        %slice3A_1121 = vector.extract_strided_slice %get3A_78 {offsets = [9], sizes = [1], strides = [1]} : vector<16xf32> to vector<1xf32>
        %squeeze3A_1122 = vector.extract %slice3A_1121[0] : f32 from vector<1xf32>
        %mul3A_1123 = vector.broadcast %squeeze3A_1122 : f32 to vector<16xf32>
        %mul3A_1124 = arith.mulf %get3A_1120, %mul3A_1123 : vector<16xf32>
        %swap3A_1125 = arith.index_cast %add3A_1051 : i32 to index
        %swap3A_1126 = arith.constant 80 : index
        %swap3A_1127 = tpu.vector_load %arg11[%swap3A_1125, %swap3A_1126] {strides = array<i32>} : memref<112x128xf32, #tpu.memory_space<vmem>>, vector<1x16xf32>,
        %swap3A_1128 = vector.shape_cast %swap3A_1127 : vector<1x16xf32> to vector<16xf32>
        %swap3A_1129 = vector.shape_cast %mul3A_1124 : vector<16xf32> to vector<1x16xf32>
        tpu.vector_store %arg11[%swap3A_1125, %swap3A_1126], %swap3A_1129 {strides = array<i32>} : memref<112x128xf32, #tpu.memory_space<vmem>>, vector<1x16xf32>,
        %get3A_1130 = arith.index_cast %add3A_1051 : i32 to index
        %get3A_1131 = arith.constant 96 : index
        %get3A_1132 = tpu.vector_load %arg11[%get3A_1130, %get3A_1131] {strides = array<i32>} : memref<112x128xf32, #tpu.memory_space<vmem>>, vector<1x16xf32>,
        %get3A_1133 = vector.shape_cast %get3A_1132 : vector<1x16xf32> to vector<16xf32>
        %slice3A_1134 = vector.extract_strided_slice %get3A_78 {offsets = [9], sizes = [1], strides = [1]} : vector<16xf32> to vector<1xf32>
        %squeeze3A_1135 = vector.extract %slice3A_1134[0] : f32 from vector<1xf32>
        %mul3A_1136 = vector.broadcast %squeeze3A_1135 : f32 to vector<16xf32>
        %mul3A_1137 = arith.mulf %get3A_1133, %mul3A_1136 : vector<16xf32>
        %swap3A_1138 = arith.index_cast %add3A_1051 : i32 to index
        %swap3A_1139 = arith.constant 96 : index
        %swap3A_1140 = tpu.vector_load %arg11[%swap3A_1138, %swap3A_1139] {strides = array<i32>} : memref<112x128xf32, #tpu.memory_space<vmem>>, vector<1x16xf32>,
        %swap3A_1141 = vector.shape_cast %swap3A_1140 : vector<1x16xf32> to vector<16xf32>
        %swap3A_1142 = vector.shape_cast %mul3A_1137 : vector<16xf32> to vector<1x16xf32>
        tpu.vector_store %arg11[%swap3A_1138, %swap3A_1139], %swap3A_1142 {strides = array<i32>} : memref<112x128xf32, #tpu.memory_space<vmem>>, vector<1x16xf32>,
        %get3A_1143 = arith.index_cast %add3A_1051 : i32 to index
        %get3A_1144 = arith.constant 112 : index
        %get3A_1145 = tpu.vector_load %arg11[%get3A_1143, %get3A_1144] {strides = array<i32>} : memref<112x128xf32, #tpu.memory_space<vmem>>, vector<1x16xf32>,
        %get3A_1146 = vector.shape_cast %get3A_1145 : vector<1x16xf32> to vector<16xf32>
        %slice3A_1147 = vector.extract_strided_slice %get3A_78 {offsets = [9], sizes = [1], strides = [1]} : vector<16xf32> to vector<1xf32>
        %squeeze3A_1148 = vector.extract %slice3A_1147[0] : f32 from vector<1xf32>
        %mul3A_1149 = vector.broadcast %squeeze3A_1148 : f32 to vector<16xf32>
        %mul3A_1150 = arith.mulf %get3A_1146, %mul3A_1149 : vector<16xf32>
        %swap3A_1151 = arith.index_cast %add3A_1051 : i32 to index
        %swap3A_1152 = arith.constant 112 : index
        %swap3A_1153 = tpu.vector_load %arg11[%swap3A_1151, %swap3A_1152] {strides = array<i32>} : memref<112x128xf32, #tpu.memory_space<vmem>>, vector<1x16xf32>,
        %swap3A_1154 = vector.shape_cast %swap3A_1153 : vector<1x16xf32> to vector<16xf32>
        %swap3A_1155 = vector.shape_cast %mul3A_1150 : vector<16xf32> to vector<1x16xf32>
        tpu.vector_store %arg11[%swap3A_1151, %swap3A_1152], %swap3A_1155 {strides = array<i32>} : memref<112x128xf32, #tpu.memory_space<vmem>>, vector<1x16xf32>,
        %mul3A_1156 = arith.constant 16 : i32
        %mul3A_1157 = arith.muli %scan3A_73, %mul3A_1156 : i32
        %add3A_1158 = arith.constant 10 : i32
        %add3A_1159 = arith.addi %mul3A_1157, %add3A_1158 : i32
        %get3A_1160 = arith.index_cast %add3A_1159 : i32 to index
        %get3A_1161 = arith.constant 0 : index
        %get3A_1162 = tpu.vector_load %arg11[%get3A_1160, %get3A_1161] {strides = array<i32>} : memref<112x128xf32, #tpu.memory_space<vmem>>, vector<1x16xf32>,
        %get3A_1163 = vector.shape_cast %get3A_1162 : vector<1x16xf32> to vector<16xf32>
        %slice3A_1164 = vector.extract_strided_slice %get3A_78 {offsets = [10], sizes = [1], strides = [1]} : vector<16xf32> to vector<1xf32>
        %squeeze3A_1165 = vector.extract %slice3A_1164[0] : f32 from vector<1xf32>
        %mul3A_1166 = vector.broadcast %squeeze3A_1165 : f32 to vector<16xf32>
        %mul3A_1167 = arith.mulf %get3A_1163, %mul3A_1166 : vector<16xf32>
        %swap3A_1168 = arith.index_cast %add3A_1159 : i32 to index
        %swap3A_1169 = arith.constant 0 : index
        %swap3A_1170 = tpu.vector_load %arg11[%swap3A_1168, %swap3A_1169] {strides = array<i32>} : memref<112x128xf32, #tpu.memory_space<vmem>>, vector<1x16xf32>,
        %swap3A_1171 = vector.shape_cast %swap3A_1170 : vector<1x16xf32> to vector<16xf32>
        %swap3A_1172 = vector.shape_cast %mul3A_1167 : vector<16xf32> to vector<1x16xf32>
        tpu.vector_store %arg11[%swap3A_1168, %swap3A_1169], %swap3A_1172 {strides = array<i32>} : memref<112x128xf32, #tpu.memory_space<vmem>>, vector<1x16xf32>,
        %get3A_1173 = arith.index_cast %add3A_1159 : i32 to index
        %get3A_1174 = arith.constant 16 : index
        %get3A_1175 = tpu.vector_load %arg11[%get3A_1173, %get3A_1174] {strides = array<i32>} : memref<112x128xf32, #tpu.memory_space<vmem>>, vector<1x16xf32>,
        %get3A_1176 = vector.shape_cast %get3A_1175 : vector<1x16xf32> to vector<16xf32>
        %slice3A_1177 = vector.extract_strided_slice %get3A_78 {offsets = [10], sizes = [1], strides = [1]} : vector<16xf32> to vector<1xf32>
        %squeeze3A_1178 = vector.extract %slice3A_1177[0] : f32 from vector<1xf32>
        %mul3A_1179 = vector.broadcast %squeeze3A_1178 : f32 to vector<16xf32>
        %mul3A_1180 = arith.mulf %get3A_1176, %mul3A_1179 : vector<16xf32>
        %swap3A_1181 = arith.index_cast %add3A_1159 : i32 to index
        %swap3A_1182 = arith.constant 16 : index
        %swap3A_1183 = tpu.vector_load %arg11[%swap3A_1181, %swap3A_1182] {strides = array<i32>} : memref<112x128xf32, #tpu.memory_space<vmem>>, vector<1x16xf32>,
        %swap3A_1184 = vector.shape_cast %swap3A_1183 : vector<1x16xf32> to vector<16xf32>
        %swap3A_1185 = vector.shape_cast %mul3A_1180 : vector<16xf32> to vector<1x16xf32>
        tpu.vector_store %arg11[%swap3A_1181, %swap3A_1182], %swap3A_1185 {strides = array<i32>} : memref<112x128xf32, #tpu.memory_space<vmem>>, vector<1x16xf32>,
        %get3A_1186 = arith.index_cast %add3A_1159 : i32 to index
        %get3A_1187 = arith.constant 32 : index
        %get3A_1188 = tpu.vector_load %arg11[%get3A_1186, %get3A_1187] {strides = array<i32>} : memref<112x128xf32, #tpu.memory_space<vmem>>, vector<1x16xf32>,
        %get3A_1189 = vector.shape_cast %get3A_1188 : vector<1x16xf32> to vector<16xf32>
        %slice3A_1190 = vector.extract_strided_slice %get3A_78 {offsets = [10], sizes = [1], strides = [1]} : vector<16xf32> to vector<1xf32>
        %squeeze3A_1191 = vector.extract %slice3A_1190[0] : f32 from vector<1xf32>
        %mul3A_1192 = vector.broadcast %squeeze3A_1191 : f32 to vector<16xf32>
        %mul3A_1193 = arith.mulf %get3A_1189, %mul3A_1192 : vector<16xf32>
        %swap3A_1194 = arith.index_cast %add3A_1159 : i32 to index
        %swap3A_1195 = arith.constant 32 : index
        %swap3A_1196 = tpu.vector_load %arg11[%swap3A_1194, %swap3A_1195] {strides = array<i32>} : memref<112x128xf32, #tpu.memory_space<vmem>>, vector<1x16xf32>,
        %swap3A_1197 = vector.shape_cast %swap3A_1196 : vector<1x16xf32> to vector<16xf32>
        %swap3A_1198 = vector.shape_cast %mul3A_1193 : vector<16xf32> to vector<1x16xf32>
        tpu.vector_store %arg11[%swap3A_1194, %swap3A_1195], %swap3A_1198 {strides = array<i32>} : memref<112x128xf32, #tpu.memory_space<vmem>>, vector<1x16xf32>,
        %get3A_1199 = arith.index_cast %add3A_1159 : i32 to index
        %get3A_1200 = arith.constant 48 : index
        %get3A_1201 = tpu.vector_load %arg11[%get3A_1199, %get3A_1200] {strides = array<i32>} : memref<112x128xf32, #tpu.memory_space<vmem>>, vector<1x16xf32>,
        %get3A_1202 = vector.shape_cast %get3A_1201 : vector<1x16xf32> to vector<16xf32>
        %slice3A_1203 = vector.extract_strided_slice %get3A_78 {offsets = [10], sizes = [1], strides = [1]} : vector<16xf32> to vector<1xf32>
        %squeeze3A_1204 = vector.extract %slice3A_1203[0] : f32 from vector<1xf32>
        %mul3A_1205 = vector.broadcast %squeeze3A_1204 : f32 to vector<16xf32>
        %mul3A_1206 = arith.mulf %get3A_1202, %mul3A_1205 : vector<16xf32>
        %swap3A_1207 = arith.index_cast %add3A_1159 : i32 to index
        %swap3A_1208 = arith.constant 48 : index
        %swap3A_1209 = tpu.vector_load %arg11[%swap3A_1207, %swap3A_1208] {strides = array<i32>} : memref<112x128xf32, #tpu.memory_space<vmem>>, vector<1x16xf32>,
        %swap3A_1210 = vector.shape_cast %swap3A_1209 : vector<1x16xf32> to vector<16xf32>
        %swap3A_1211 = vector.shape_cast %mul3A_1206 : vector<16xf32> to vector<1x16xf32>
        tpu.vector_store %arg11[%swap3A_1207, %swap3A_1208], %swap3A_1211 {strides = array<i32>} : memref<112x128xf32, #tpu.memory_space<vmem>>, vector<1x16xf32>,
        %get3A_1212 = arith.index_cast %add3A_1159 : i32 to index
        %get3A_1213 = arith.constant 64 : index
        %get3A_1214 = tpu.vector_load %arg11[%get3A_1212, %get3A_1213] {strides = array<i32>} : memref<112x128xf32, #tpu.memory_space<vmem>>, vector<1x16xf32>,
        %get3A_1215 = vector.shape_cast %get3A_1214 : vector<1x16xf32> to vector<16xf32>
        %slice3A_1216 = vector.extract_strided_slice %get3A_78 {offsets = [10], sizes = [1], strides = [1]} : vector<16xf32> to vector<1xf32>
        %squeeze3A_1217 = vector.extract %slice3A_1216[0] : f32 from vector<1xf32>
        %mul3A_1218 = vector.broadcast %squeeze3A_1217 : f32 to vector<16xf32>
        %mul3A_1219 = arith.mulf %get3A_1215, %mul3A_1218 : vector<16xf32>
        %swap3A_1220 = arith.index_cast %add3A_1159 : i32 to index
        %swap3A_1221 = arith.constant 64 : index
        %swap3A_1222 = tpu.vector_load %arg11[%swap3A_1220, %swap3A_1221] {strides = array<i32>} : memref<112x128xf32, #tpu.memory_space<vmem>>, vector<1x16xf32>,
        %swap3A_1223 = vector.shape_cast %swap3A_1222 : vector<1x16xf32> to vector<16xf32>
        %swap3A_1224 = vector.shape_cast %mul3A_1219 : vector<16xf32> to vector<1x16xf32>
        tpu.vector_store %arg11[%swap3A_1220, %swap3A_1221], %swap3A_1224 {strides = array<i32>} : memref<112x128xf32, #tpu.memory_space<vmem>>, vector<1x16xf32>,
        %get3A_1225 = arith.index_cast %add3A_1159 : i32 to index
        %get3A_1226 = arith.constant 80 : index
        %get3A_1227 = tpu.vector_load %arg11[%get3A_1225, %get3A_1226] {strides = array<i32>} : memref<112x128xf32, #tpu.memory_space<vmem>>, vector<1x16xf32>,
        %get3A_1228 = vector.shape_cast %get3A_1227 : vector<1x16xf32> to vector<16xf32>
        %slice3A_1229 = vector.extract_strided_slice %get3A_78 {offsets = [10], sizes = [1], strides = [1]} : vector<16xf32> to vector<1xf32>
        %squeeze3A_1230 = vector.extract %slice3A_1229[0] : f32 from vector<1xf32>
        %mul3A_1231 = vector.broadcast %squeeze3A_1230 : f32 to vector<16xf32>
        %mul3A_1232 = arith.mulf %get3A_1228, %mul3A_1231 : vector<16xf32>
        %swap3A_1233 = arith.index_cast %add3A_1159 : i32 to index
        %swap3A_1234 = arith.constant 80 : index
        %swap3A_1235 = tpu.vector_load %arg11[%swap3A_1233, %swap3A_1234] {strides = array<i32>} : memref<112x128xf32, #tpu.memory_space<vmem>>, vector<1x16xf32>,
        %swap3A_1236 = vector.shape_cast %swap3A_1235 : vector<1x16xf32> to vector<16xf32>
        %swap3A_1237 = vector.shape_cast %mul3A_1232 : vector<16xf32> to vector<1x16xf32>
        tpu.vector_store %arg11[%swap3A_1233, %swap3A_1234], %swap3A_1237 {strides = array<i32>} : memref<112x128xf32, #tpu.memory_space<vmem>>, vector<1x16xf32>,
        %get3A_1238 = arith.index_cast %add3A_1159 : i32 to index
        %get3A_1239 = arith.constant 96 : index
        %get3A_1240 = tpu.vector_load %arg11[%get3A_1238, %get3A_1239] {strides = array<i32>} : memref<112x128xf32, #tpu.memory_space<vmem>>, vector<1x16xf32>,
        %get3A_1241 = vector.shape_cast %get3A_1240 : vector<1x16xf32> to vector<16xf32>
        %slice3A_1242 = vector.extract_strided_slice %get3A_78 {offsets = [10], sizes = [1], strides = [1]} : vector<16xf32> to vector<1xf32>
        %squeeze3A_1243 = vector.extract %slice3A_1242[0] : f32 from vector<1xf32>
        %mul3A_1244 = vector.broadcast %squeeze3A_1243 : f32 to vector<16xf32>
        %mul3A_1245 = arith.mulf %get3A_1241, %mul3A_1244 : vector<16xf32>
        %swap3A_1246 = arith.index_cast %add3A_1159 : i32 to index
        %swap3A_1247 = arith.constant 96 : index
        %swap3A_1248 = tpu.vector_load %arg11[%swap3A_1246, %swap3A_1247] {strides = array<i32>} : memref<112x128xf32, #tpu.memory_space<vmem>>, vector<1x16xf32>,
        %swap3A_1249 = vector.shape_cast %swap3A_1248 : vector<1x16xf32> to vector<16xf32>
        %swap3A_1250 = vector.shape_cast %mul3A_1245 : vector<16xf32> to vector<1x16xf32>
        tpu.vector_store %arg11[%swap3A_1246, %swap3A_1247], %swap3A_1250 {strides = array<i32>} : memref<112x128xf32, #tpu.memory_space<vmem>>, vector<1x16xf32>,
        %get3A_1251 = arith.index_cast %add3A_1159 : i32 to index
        %get3A_1252 = arith.constant 112 : index
        %get3A_1253 = tpu.vector_load %arg11[%get3A_1251, %get3A_1252] {strides = array<i32>} : memref<112x128xf32, #tpu.memory_space<vmem>>, vector<1x16xf32>,
        %get3A_1254 = vector.shape_cast %get3A_1253 : vector<1x16xf32> to vector<16xf32>
        %slice3A_1255 = vector.extract_strided_slice %get3A_78 {offsets = [10], sizes = [1], strides = [1]} : vector<16xf32> to vector<1xf32>
        %squeeze3A_1256 = vector.extract %slice3A_1255[0] : f32 from vector<1xf32>
        %mul3A_1257 = vector.broadcast %squeeze3A_1256 : f32 to vector<16xf32>
        %mul3A_1258 = arith.mulf %get3A_1254, %mul3A_1257 : vector<16xf32>
        %swap3A_1259 = arith.index_cast %add3A_1159 : i32 to index
        %swap3A_1260 = arith.constant 112 : index
        %swap3A_1261 = tpu.vector_load %arg11[%swap3A_1259, %swap3A_1260] {strides = array<i32>} : memref<112x128xf32, #tpu.memory_space<vmem>>, vector<1x16xf32>,
        %swap3A_1262 = vector.shape_cast %swap3A_1261 : vector<1x16xf32> to vector<16xf32>
        %swap3A_1263 = vector.shape_cast %mul3A_1258 : vector<16xf32> to vector<1x16xf32>
        tpu.vector_store %arg11[%swap3A_1259, %swap3A_1260], %swap3A_1263 {strides = array<i32>} : memref<112x128xf32, #tpu.memory_space<vmem>>, vector<1x16xf32>,
        %mul3A_1264 = arith.constant 16 : i32
        %mul3A_1265 = arith.muli %scan3A_73, %mul3A_1264 : i32
        %add3A_1266 = arith.constant 11 : i32
        %add3A_1267 = arith.addi %mul3A_1265, %add3A_1266 : i32
        %get3A_1268 = arith.index_cast %add3A_1267 : i32 to index
        %get3A_1269 = arith.constant 0 : index
        %get3A_1270 = tpu.vector_load %arg11[%get3A_1268, %get3A_1269] {strides = array<i32>} : memref<112x128xf32, #tpu.memory_space<vmem>>, vector<1x16xf32>,
        %get3A_1271 = vector.shape_cast %get3A_1270 : vector<1x16xf32> to vector<16xf32>
        %slice3A_1272 = vector.extract_strided_slice %get3A_78 {offsets = [11], sizes = [1], strides = [1]} : vector<16xf32> to vector<1xf32>
        %squeeze3A_1273 = vector.extract %slice3A_1272[0] : f32 from vector<1xf32>
        %mul3A_1274 = vector.broadcast %squeeze3A_1273 : f32 to vector<16xf32>
        %mul3A_1275 = arith.mulf %get3A_1271, %mul3A_1274 : vector<16xf32>
        %swap3A_1276 = arith.index_cast %add3A_1267 : i32 to index
        %swap3A_1277 = arith.constant 0 : index
        %swap3A_1278 = tpu.vector_load %arg11[%swap3A_1276, %swap3A_1277] {strides = array<i32>} : memref<112x128xf32, #tpu.memory_space<vmem>>, vector<1x16xf32>,
        %swap3A_1279 = vector.shape_cast %swap3A_1278 : vector<1x16xf32> to vector<16xf32>
        %swap3A_1280 = vector.shape_cast %mul3A_1275 : vector<16xf32> to vector<1x16xf32>
        tpu.vector_store %arg11[%swap3A_1276, %swap3A_1277], %swap3A_1280 {strides = array<i32>} : memref<112x128xf32, #tpu.memory_space<vmem>>, vector<1x16xf32>,
        %get3A_1281 = arith.index_cast %add3A_1267 : i32 to index
        %get3A_1282 = arith.constant 16 : index
        %get3A_1283 = tpu.vector_load %arg11[%get3A_1281, %get3A_1282] {strides = array<i32>} : memref<112x128xf32, #tpu.memory_space<vmem>>, vector<1x16xf32>,
        %get3A_1284 = vector.shape_cast %get3A_1283 : vector<1x16xf32> to vector<16xf32>
        %slice3A_1285 = vector.extract_strided_slice %get3A_78 {offsets = [11], sizes = [1], strides = [1]} : vector<16xf32> to vector<1xf32>
        %squeeze3A_1286 = vector.extract %slice3A_1285[0] : f32 from vector<1xf32>
        %mul3A_1287 = vector.broadcast %squeeze3A_1286 : f32 to vector<16xf32>
        %mul3A_1288 = arith.mulf %get3A_1284, %mul3A_1287 : vector<16xf32>
        %swap3A_1289 = arith.index_cast %add3A_1267 : i32 to index
        %swap3A_1290 = arith.constant 16 : index
        %swap3A_1291 = tpu.vector_load %arg11[%swap3A_1289, %swap3A_1290] {strides = array<i32>} : memref<112x128xf32, #tpu.memory_space<vmem>>, vector<1x16xf32>,
        %swap3A_1292 = vector.shape_cast %swap3A_1291 : vector<1x16xf32> to vector<16xf32>
        %swap3A_1293 = vector.shape_cast %mul3A_1288 : vector<16xf32> to vector<1x16xf32>
        tpu.vector_store %arg11[%swap3A_1289, %swap3A_1290], %swap3A_1293 {strides = array<i32>} : memref<112x128xf32, #tpu.memory_space<vmem>>, vector<1x16xf32>,
        %get3A_1294 = arith.index_cast %add3A_1267 : i32 to index
        %get3A_1295 = arith.constant 32 : index
        %get3A_1296 = tpu.vector_load %arg11[%get3A_1294, %get3A_1295] {strides = array<i32>} : memref<112x128xf32, #tpu.memory_space<vmem>>, vector<1x16xf32>,
        %get3A_1297 = vector.shape_cast %get3A_1296 : vector<1x16xf32> to vector<16xf32>
        %slice3A_1298 = vector.extract_strided_slice %get3A_78 {offsets = [11], sizes = [1], strides = [1]} : vector<16xf32> to vector<1xf32>
        %squeeze3A_1299 = vector.extract %slice3A_1298[0] : f32 from vector<1xf32>
        %mul3A_1300 = vector.broadcast %squeeze3A_1299 : f32 to vector<16xf32>
        %mul3A_1301 = arith.mulf %get3A_1297, %mul3A_1300 : vector<16xf32>
        %swap3A_1302 = arith.index_cast %add3A_1267 : i32 to index
        %swap3A_1303 = arith.constant 32 : index
        %swap3A_1304 = tpu.vector_load %arg11[%swap3A_1302, %swap3A_1303] {strides = array<i32>} : memref<112x128xf32, #tpu.memory_space<vmem>>, vector<1x16xf32>,
        %swap3A_1305 = vector.shape_cast %swap3A_1304 : vector<1x16xf32> to vector<16xf32>
        %swap3A_1306 = vector.shape_cast %mul3A_1301 : vector<16xf32> to vector<1x16xf32>
        tpu.vector_store %arg11[%swap3A_1302, %swap3A_1303], %swap3A_1306 {strides = array<i32>} : memref<112x128xf32, #tpu.memory_space<vmem>>, vector<1x16xf32>,
        %get3A_1307 = arith.index_cast %add3A_1267 : i32 to index
        %get3A_1308 = arith.constant 48 : index
        %get3A_1309 = tpu.vector_load %arg11[%get3A_1307, %get3A_1308] {strides = array<i32>} : memref<112x128xf32, #tpu.memory_space<vmem>>, vector<1x16xf32>,
        %get3A_1310 = vector.shape_cast %get3A_1309 : vector<1x16xf32> to vector<16xf32>
        %slice3A_1311 = vector.extract_strided_slice %get3A_78 {offsets = [11], sizes = [1], strides = [1]} : vector<16xf32> to vector<1xf32>
        %squeeze3A_1312 = vector.extract %slice3A_1311[0] : f32 from vector<1xf32>
        %mul3A_1313 = vector.broadcast %squeeze3A_1312 : f32 to vector<16xf32>
        %mul3A_1314 = arith.mulf %get3A_1310, %mul3A_1313 : vector<16xf32>
        %swap3A_1315 = arith.index_cast %add3A_1267 : i32 to index
        %swap3A_1316 = arith.constant 48 : index
        %swap3A_1317 = tpu.vector_load %arg11[%swap3A_1315, %swap3A_1316] {strides = array<i32>} : memref<112x128xf32, #tpu.memory_space<vmem>>, vector<1x16xf32>,
        %swap3A_1318 = vector.shape_cast %swap3A_1317 : vector<1x16xf32> to vector<16xf32>
        %swap3A_1319 = vector.shape_cast %mul3A_1314 : vector<16xf32> to vector<1x16xf32>
        tpu.vector_store %arg11[%swap3A_1315, %swap3A_1316], %swap3A_1319 {strides = array<i32>} : memref<112x128xf32, #tpu.memory_space<vmem>>, vector<1x16xf32>,
        %get3A_1320 = arith.index_cast %add3A_1267 : i32 to index
        %get3A_1321 = arith.constant 64 : index
        %get3A_1322 = tpu.vector_load %arg11[%get3A_1320, %get3A_1321] {strides = array<i32>} : memref<112x128xf32, #tpu.memory_space<vmem>>, vector<1x16xf32>,
        %get3A_1323 = vector.shape_cast %get3A_1322 : vector<1x16xf32> to vector<16xf32>
        %slice3A_1324 = vector.extract_strided_slice %get3A_78 {offsets = [11], sizes = [1], strides = [1]} : vector<16xf32> to vector<1xf32>
        %squeeze3A_1325 = vector.extract %slice3A_1324[0] : f32 from vector<1xf32>
        %mul3A_1326 = vector.broadcast %squeeze3A_1325 : f32 to vector<16xf32>
        %mul3A_1327 = arith.mulf %get3A_1323, %mul3A_1326 : vector<16xf32>
        %swap3A_1328 = arith.index_cast %add3A_1267 : i32 to index
        %swap3A_1329 = arith.constant 64 : index
        %swap3A_1330 = tpu.vector_load %arg11[%swap3A_1328, %swap3A_1329] {strides = array<i32>} : memref<112x128xf32, #tpu.memory_space<vmem>>, vector<1x16xf32>,
        %swap3A_1331 = vector.shape_cast %swap3A_1330 : vector<1x16xf32> to vector<16xf32>
        %swap3A_1332 = vector.shape_cast %mul3A_1327 : vector<16xf32> to vector<1x16xf32>
        tpu.vector_store %arg11[%swap3A_1328, %swap3A_1329], %swap3A_1332 {strides = array<i32>} : memref<112x128xf32, #tpu.memory_space<vmem>>, vector<1x16xf32>,
        %get3A_1333 = arith.index_cast %add3A_1267 : i32 to index
        %get3A_1334 = arith.constant 80 : index
        %get3A_1335 = tpu.vector_load %arg11[%get3A_1333, %get3A_1334] {strides = array<i32>} : memref<112x128xf32, #tpu.memory_space<vmem>>, vector<1x16xf32>,
        %get3A_1336 = vector.shape_cast %get3A_1335 : vector<1x16xf32> to vector<16xf32>
        %slice3A_1337 = vector.extract_strided_slice %get3A_78 {offsets = [11], sizes = [1], strides = [1]} : vector<16xf32> to vector<1xf32>
        %squeeze3A_1338 = vector.extract %slice3A_1337[0] : f32 from vector<1xf32>
        %mul3A_1339 = vector.broadcast %squeeze3A_1338 : f32 to vector<16xf32>
        %mul3A_1340 = arith.mulf %get3A_1336, %mul3A_1339 : vector<16xf32>
        %swap3A_1341 = arith.index_cast %add3A_1267 : i32 to index
        %swap3A_1342 = arith.constant 80 : index
        %swap3A_1343 = tpu.vector_load %arg11[%swap3A_1341, %swap3A_1342] {strides = array<i32>} : memref<112x128xf32, #tpu.memory_space<vmem>>, vector<1x16xf32>,
        %swap3A_1344 = vector.shape_cast %swap3A_1343 : vector<1x16xf32> to vector<16xf32>
        %swap3A_1345 = vector.shape_cast %mul3A_1340 : vector<16xf32> to vector<1x16xf32>
        tpu.vector_store %arg11[%swap3A_1341, %swap3A_1342], %swap3A_1345 {strides = array<i32>} : memref<112x128xf32, #tpu.memory_space<vmem>>, vector<1x16xf32>,
        %get3A_1346 = arith.index_cast %add3A_1267 : i32 to index
        %get3A_1347 = arith.constant 96 : index
        %get3A_1348 = tpu.vector_load %arg11[%get3A_1346, %get3A_1347] {strides = array<i32>} : memref<112x128xf32, #tpu.memory_space<vmem>>, vector<1x16xf32>,
        %get3A_1349 = vector.shape_cast %get3A_1348 : vector<1x16xf32> to vector<16xf32>
        %slice3A_1350 = vector.extract_strided_slice %get3A_78 {offsets = [11], sizes = [1], strides = [1]} : vector<16xf32> to vector<1xf32>
        %squeeze3A_1351 = vector.extract %slice3A_1350[0] : f32 from vector<1xf32>
        %mul3A_1352 = vector.broadcast %squeeze3A_1351 : f32 to vector<16xf32>
        %mul3A_1353 = arith.mulf %get3A_1349, %mul3A_1352 : vector<16xf32>
        %swap3A_1354 = arith.index_cast %add3A_1267 : i32 to index
        %swap3A_1355 = arith.constant 96 : index
        %swap3A_1356 = tpu.vector_load %arg11[%swap3A_1354, %swap3A_1355] {strides = array<i32>} : memref<112x128xf32, #tpu.memory_space<vmem>>, vector<1x16xf32>,
        %swap3A_1357 = vector.shape_cast %swap3A_1356 : vector<1x16xf32> to vector<16xf32>
        %swap3A_1358 = vector.shape_cast %mul3A_1353 : vector<16xf32> to vector<1x16xf32>
        tpu.vector_store %arg11[%swap3A_1354, %swap3A_1355], %swap3A_1358 {strides = array<i32>} : memref<112x128xf32, #tpu.memory_space<vmem>>, vector<1x16xf32>,
        %get3A_1359 = arith.index_cast %add3A_1267 : i32 to index
        %get3A_1360 = arith.constant 112 : index
        %get3A_1361 = tpu.vector_load %arg11[%get3A_1359, %get3A_1360] {strides = array<i32>} : memref<112x128xf32, #tpu.memory_space<vmem>>, vector<1x16xf32>,
        %get3A_1362 = vector.shape_cast %get3A_1361 : vector<1x16xf32> to vector<16xf32>
        %slice3A_1363 = vector.extract_strided_slice %get3A_78 {offsets = [11], sizes = [1], strides = [1]} : vector<16xf32> to vector<1xf32>
        %squeeze3A_1364 = vector.extract %slice3A_1363[0] : f32 from vector<1xf32>
        %mul3A_1365 = vector.broadcast %squeeze3A_1364 : f32 to vector<16xf32>
        %mul3A_1366 = arith.mulf %get3A_1362, %mul3A_1365 : vector<16xf32>
        %swap3A_1367 = arith.index_cast %add3A_1267 : i32 to index
        %swap3A_1368 = arith.constant 112 : index
        %swap3A_1369 = tpu.vector_load %arg11[%swap3A_1367, %swap3A_1368] {strides = array<i32>} : memref<112x128xf32, #tpu.memory_space<vmem>>, vector<1x16xf32>,
        %swap3A_1370 = vector.shape_cast %swap3A_1369 : vector<1x16xf32> to vector<16xf32>
        %swap3A_1371 = vector.shape_cast %mul3A_1366 : vector<16xf32> to vector<1x16xf32>
        tpu.vector_store %arg11[%swap3A_1367, %swap3A_1368], %swap3A_1371 {strides = array<i32>} : memref<112x128xf32, #tpu.memory_space<vmem>>, vector<1x16xf32>,
        %mul3A_1372 = arith.constant 16 : i32
        %mul3A_1373 = arith.muli %scan3A_73, %mul3A_1372 : i32
        %add3A_1374 = arith.constant 12 : i32
        %add3A_1375 = arith.addi %mul3A_1373, %add3A_1374 : i32
        %get3A_1376 = arith.index_cast %add3A_1375 : i32 to index
        %get3A_1377 = arith.constant 0 : index
        %get3A_1378 = tpu.vector_load %arg11[%get3A_1376, %get3A_1377] {strides = array<i32>} : memref<112x128xf32, #tpu.memory_space<vmem>>, vector<1x16xf32>,
        %get3A_1379 = vector.shape_cast %get3A_1378 : vector<1x16xf32> to vector<16xf32>
        %slice3A_1380 = vector.extract_strided_slice %get3A_78 {offsets = [12], sizes = [1], strides = [1]} : vector<16xf32> to vector<1xf32>
        %squeeze3A_1381 = vector.extract %slice3A_1380[0] : f32 from vector<1xf32>
        %mul3A_1382 = vector.broadcast %squeeze3A_1381 : f32 to vector<16xf32>
        %mul3A_1383 = arith.mulf %get3A_1379, %mul3A_1382 : vector<16xf32>
        %swap3A_1384 = arith.index_cast %add3A_1375 : i32 to index
        %swap3A_1385 = arith.constant 0 : index
        %swap3A_1386 = tpu.vector_load %arg11[%swap3A_1384, %swap3A_1385] {strides = array<i32>} : memref<112x128xf32, #tpu.memory_space<vmem>>, vector<1x16xf32>,
        %swap3A_1387 = vector.shape_cast %swap3A_1386 : vector<1x16xf32> to vector<16xf32>
        %swap3A_1388 = vector.shape_cast %mul3A_1383 : vector<16xf32> to vector<1x16xf32>
        tpu.vector_store %arg11[%swap3A_1384, %swap3A_1385], %swap3A_1388 {strides = array<i32>} : memref<112x128xf32, #tpu.memory_space<vmem>>, vector<1x16xf32>,
        %get3A_1389 = arith.index_cast %add3A_1375 : i32 to index
        %get3A_1390 = arith.constant 16 : index
        %get3A_1391 = tpu.vector_load %arg11[%get3A_1389, %get3A_1390] {strides = array<i32>} : memref<112x128xf32, #tpu.memory_space<vmem>>, vector<1x16xf32>,
        %get3A_1392 = vector.shape_cast %get3A_1391 : vector<1x16xf32> to vector<16xf32>
        %slice3A_1393 = vector.extract_strided_slice %get3A_78 {offsets = [12], sizes = [1], strides = [1]} : vector<16xf32> to vector<1xf32>
        %squeeze3A_1394 = vector.extract %slice3A_1393[0] : f32 from vector<1xf32>
        %mul3A_1395 = vector.broadcast %squeeze3A_1394 : f32 to vector<16xf32>
        %mul3A_1396 = arith.mulf %get3A_1392, %mul3A_1395 : vector<16xf32>
        %swap3A_1397 = arith.index_cast %add3A_1375 : i32 to index
        %swap3A_1398 = arith.constant 16 : index
        %swap3A_1399 = tpu.vector_load %arg11[%swap3A_1397, %swap3A_1398] {strides = array<i32>} : memref<112x128xf32, #tpu.memory_space<vmem>>, vector<1x16xf32>,
        %swap3A_1400 = vector.shape_cast %swap3A_1399 : vector<1x16xf32> to vector<16xf32>
        %swap3A_1401 = vector.shape_cast %mul3A_1396 : vector<16xf32> to vector<1x16xf32>
        tpu.vector_store %arg11[%swap3A_1397, %swap3A_1398], %swap3A_1401 {strides = array<i32>} : memref<112x128xf32, #tpu.memory_space<vmem>>, vector<1x16xf32>,
        %get3A_1402 = arith.index_cast %add3A_1375 : i32 to index
        %get3A_1403 = arith.constant 32 : index
        %get3A_1404 = tpu.vector_load %arg11[%get3A_1402, %get3A_1403] {strides = array<i32>} : memref<112x128xf32, #tpu.memory_space<vmem>>, vector<1x16xf32>,
        %get3A_1405 = vector.shape_cast %get3A_1404 : vector<1x16xf32> to vector<16xf32>
        %slice3A_1406 = vector.extract_strided_slice %get3A_78 {offsets = [12], sizes = [1], strides = [1]} : vector<16xf32> to vector<1xf32>
        %squeeze3A_1407 = vector.extract %slice3A_1406[0] : f32 from vector<1xf32>
        %mul3A_1408 = vector.broadcast %squeeze3A_1407 : f32 to vector<16xf32>
        %mul3A_1409 = arith.mulf %get3A_1405, %mul3A_1408 : vector<16xf32>
        %swap3A_1410 = arith.index_cast %add3A_1375 : i32 to index
        %swap3A_1411 = arith.constant 32 : index
        %swap3A_1412 = tpu.vector_load %arg11[%swap3A_1410, %swap3A_1411] {strides = array<i32>} : memref<112x128xf32, #tpu.memory_space<vmem>>, vector<1x16xf32>,
        %swap3A_1413 = vector.shape_cast %swap3A_1412 : vector<1x16xf32> to vector<16xf32>
        %swap3A_1414 = vector.shape_cast %mul3A_1409 : vector<16xf32> to vector<1x16xf32>
        tpu.vector_store %arg11[%swap3A_1410, %swap3A_1411], %swap3A_1414 {strides = array<i32>} : memref<112x128xf32, #tpu.memory_space<vmem>>, vector<1x16xf32>,
        %get3A_1415 = arith.index_cast %add3A_1375 : i32 to index
        %get3A_1416 = arith.constant 48 : index
        %get3A_1417 = tpu.vector_load %arg11[%get3A_1415, %get3A_1416] {strides = array<i32>} : memref<112x128xf32, #tpu.memory_space<vmem>>, vector<1x16xf32>,
        %get3A_1418 = vector.shape_cast %get3A_1417 : vector<1x16xf32> to vector<16xf32>
        %slice3A_1419 = vector.extract_strided_slice %get3A_78 {offsets = [12], sizes = [1], strides = [1]} : vector<16xf32> to vector<1xf32>
        %squeeze3A_1420 = vector.extract %slice3A_1419[0] : f32 from vector<1xf32>
        %mul3A_1421 = vector.broadcast %squeeze3A_1420 : f32 to vector<16xf32>
        %mul3A_1422 = arith.mulf %get3A_1418, %mul3A_1421 : vector<16xf32>
        %swap3A_1423 = arith.index_cast %add3A_1375 : i32 to index
        %swap3A_1424 = arith.constant 48 : index
        %swap3A_1425 = tpu.vector_load %arg11[%swap3A_1423, %swap3A_1424] {strides = array<i32>} : memref<112x128xf32, #tpu.memory_space<vmem>>, vector<1x16xf32>,
        %swap3A_1426 = vector.shape_cast %swap3A_1425 : vector<1x16xf32> to vector<16xf32>
        %swap3A_1427 = vector.shape_cast %mul3A_1422 : vector<16xf32> to vector<1x16xf32>
        tpu.vector_store %arg11[%swap3A_1423, %swap3A_1424], %swap3A_1427 {strides = array<i32>} : memref<112x128xf32, #tpu.memory_space<vmem>>, vector<1x16xf32>,
        %get3A_1428 = arith.index_cast %add3A_1375 : i32 to index
        %get3A_1429 = arith.constant 64 : index
        %get3A_1430 = tpu.vector_load %arg11[%get3A_1428, %get3A_1429] {strides = array<i32>} : memref<112x128xf32, #tpu.memory_space<vmem>>, vector<1x16xf32>,
        %get3A_1431 = vector.shape_cast %get3A_1430 : vector<1x16xf32> to vector<16xf32>
        %slice3A_1432 = vector.extract_strided_slice %get3A_78 {offsets = [12], sizes = [1], strides = [1]} : vector<16xf32> to vector<1xf32>
        %squeeze3A_1433 = vector.extract %slice3A_1432[0] : f32 from vector<1xf32>
        %mul3A_1434 = vector.broadcast %squeeze3A_1433 : f32 to vector<16xf32>
        %mul3A_1435 = arith.mulf %get3A_1431, %mul3A_1434 : vector<16xf32>
        %swap3A_1436 = arith.index_cast %add3A_1375 : i32 to index
        %swap3A_1437 = arith.constant 64 : index
        %swap3A_1438 = tpu.vector_load %arg11[%swap3A_1436, %swap3A_1437] {strides = array<i32>} : memref<112x128xf32, #tpu.memory_space<vmem>>, vector<1x16xf32>,
        %swap3A_1439 = vector.shape_cast %swap3A_1438 : vector<1x16xf32> to vector<16xf32>
        %swap3A_1440 = vector.shape_cast %mul3A_1435 : vector<16xf32> to vector<1x16xf32>
        tpu.vector_store %arg11[%swap3A_1436, %swap3A_1437], %swap3A_1440 {strides = array<i32>} : memref<112x128xf32, #tpu.memory_space<vmem>>, vector<1x16xf32>,
        %get3A_1441 = arith.index_cast %add3A_1375 : i32 to index
        %get3A_1442 = arith.constant 80 : index
        %get3A_1443 = tpu.vector_load %arg11[%get3A_1441, %get3A_1442] {strides = array<i32>} : memref<112x128xf32, #tpu.memory_space<vmem>>, vector<1x16xf32>,
        %get3A_1444 = vector.shape_cast %get3A_1443 : vector<1x16xf32> to vector<16xf32>
        %slice3A_1445 = vector.extract_strided_slice %get3A_78 {offsets = [12], sizes = [1], strides = [1]} : vector<16xf32> to vector<1xf32>
        %squeeze3A_1446 = vector.extract %slice3A_1445[0] : f32 from vector<1xf32>
        %mul3A_1447 = vector.broadcast %squeeze3A_1446 : f32 to vector<16xf32>
        %mul3A_1448 = arith.mulf %get3A_1444, %mul3A_1447 : vector<16xf32>
        %swap3A_1449 = arith.index_cast %add3A_1375 : i32 to index
        %swap3A_1450 = arith.constant 80 : index
        %swap3A_1451 = tpu.vector_load %arg11[%swap3A_1449, %swap3A_1450] {strides = array<i32>} : memref<112x128xf32, #tpu.memory_space<vmem>>, vector<1x16xf32>,
        %swap3A_1452 = vector.shape_cast %swap3A_1451 : vector<1x16xf32> to vector<16xf32>
        %swap3A_1453 = vector.shape_cast %mul3A_1448 : vector<16xf32> to vector<1x16xf32>
        tpu.vector_store %arg11[%swap3A_1449, %swap3A_1450], %swap3A_1453 {strides = array<i32>} : memref<112x128xf32, #tpu.memory_space<vmem>>, vector<1x16xf32>,
        %get3A_1454 = arith.index_cast %add3A_1375 : i32 to index
        %get3A_1455 = arith.constant 96 : index
        %get3A_1456 = tpu.vector_load %arg11[%get3A_1454, %get3A_1455] {strides = array<i32>} : memref<112x128xf32, #tpu.memory_space<vmem>>, vector<1x16xf32>,
        %get3A_1457 = vector.shape_cast %get3A_1456 : vector<1x16xf32> to vector<16xf32>
        %slice3A_1458 = vector.extract_strided_slice %get3A_78 {offsets = [12], sizes = [1], strides = [1]} : vector<16xf32> to vector<1xf32>
        %squeeze3A_1459 = vector.extract %slice3A_1458[0] : f32 from vector<1xf32>
        %mul3A_1460 = vector.broadcast %squeeze3A_1459 : f32 to vector<16xf32>
        %mul3A_1461 = arith.mulf %get3A_1457, %mul3A_1460 : vector<16xf32>
        %swap3A_1462 = arith.index_cast %add3A_1375 : i32 to index
        %swap3A_1463 = arith.constant 96 : index
        %swap3A_1464 = tpu.vector_load %arg11[%swap3A_1462, %swap3A_1463] {strides = array<i32>} : memref<112x128xf32, #tpu.memory_space<vmem>>, vector<1x16xf32>,
        %swap3A_1465 = vector.shape_cast %swap3A_1464 : vector<1x16xf32> to vector<16xf32>
        %swap3A_1466 = vector.shape_cast %mul3A_1461 : vector<16xf32> to vector<1x16xf32>
        tpu.vector_store %arg11[%swap3A_1462, %swap3A_1463], %swap3A_1466 {strides = array<i32>} : memref<112x128xf32, #tpu.memory_space<vmem>>, vector<1x16xf32>,
        %get3A_1467 = arith.index_cast %add3A_1375 : i32 to index
        %get3A_1468 = arith.constant 112 : index
        %get3A_1469 = tpu.vector_load %arg11[%get3A_1467, %get3A_1468] {strides = array<i32>} : memref<112x128xf32, #tpu.memory_space<vmem>>, vector<1x16xf32>,
        %get3A_1470 = vector.shape_cast %get3A_1469 : vector<1x16xf32> to vector<16xf32>
        %slice3A_1471 = vector.extract_strided_slice %get3A_78 {offsets = [12], sizes = [1], strides = [1]} : vector<16xf32> to vector<1xf32>
        %squeeze3A_1472 = vector.extract %slice3A_1471[0] : f32 from vector<1xf32>
        %mul3A_1473 = vector.broadcast %squeeze3A_1472 : f32 to vector<16xf32>
        %mul3A_1474 = arith.mulf %get3A_1470, %mul3A_1473 : vector<16xf32>
        %swap3A_1475 = arith.index_cast %add3A_1375 : i32 to index
        %swap3A_1476 = arith.constant 112 : index
        %swap3A_1477 = tpu.vector_load %arg11[%swap3A_1475, %swap3A_1476] {strides = array<i32>} : memref<112x128xf32, #tpu.memory_space<vmem>>, vector<1x16xf32>,
        %swap3A_1478 = vector.shape_cast %swap3A_1477 : vector<1x16xf32> to vector<16xf32>
        %swap3A_1479 = vector.shape_cast %mul3A_1474 : vector<16xf32> to vector<1x16xf32>
        tpu.vector_store %arg11[%swap3A_1475, %swap3A_1476], %swap3A_1479 {strides = array<i32>} : memref<112x128xf32, #tpu.memory_space<vmem>>, vector<1x16xf32>,
        %mul3A_1480 = arith.constant 16 : i32
        %mul3A_1481 = arith.muli %scan3A_73, %mul3A_1480 : i32
        %add3A_1482 = arith.constant 13 : i32
        %add3A_1483 = arith.addi %mul3A_1481, %add3A_1482 : i32
        %get3A_1484 = arith.index_cast %add3A_1483 : i32 to index
        %get3A_1485 = arith.constant 0 : index
        %get3A_1486 = tpu.vector_load %arg11[%get3A_1484, %get3A_1485] {strides = array<i32>} : memref<112x128xf32, #tpu.memory_space<vmem>>, vector<1x16xf32>,
        %get3A_1487 = vector.shape_cast %get3A_1486 : vector<1x16xf32> to vector<16xf32>
        %slice3A_1488 = vector.extract_strided_slice %get3A_78 {offsets = [13], sizes = [1], strides = [1]} : vector<16xf32> to vector<1xf32>
        %squeeze3A_1489 = vector.extract %slice3A_1488[0] : f32 from vector<1xf32>
        %mul3A_1490 = vector.broadcast %squeeze3A_1489 : f32 to vector<16xf32>
        %mul3A_1491 = arith.mulf %get3A_1487, %mul3A_1490 : vector<16xf32>
        %swap3A_1492 = arith.index_cast %add3A_1483 : i32 to index
        %swap3A_1493 = arith.constant 0 : index
        %swap3A_1494 = tpu.vector_load %arg11[%swap3A_1492, %swap3A_1493] {strides = array<i32>} : memref<112x128xf32, #tpu.memory_space<vmem>>, vector<1x16xf32>,
        %swap3A_1495 = vector.shape_cast %swap3A_1494 : vector<1x16xf32> to vector<16xf32>
        %swap3A_1496 = vector.shape_cast %mul3A_1491 : vector<16xf32> to vector<1x16xf32>
        tpu.vector_store %arg11[%swap3A_1492, %swap3A_1493], %swap3A_1496 {strides = array<i32>} : memref<112x128xf32, #tpu.memory_space<vmem>>, vector<1x16xf32>,
        %get3A_1497 = arith.index_cast %add3A_1483 : i32 to index
        %get3A_1498 = arith.constant 16 : index
        %get3A_1499 = tpu.vector_load %arg11[%get3A_1497, %get3A_1498] {strides = array<i32>} : memref<112x128xf32, #tpu.memory_space<vmem>>, vector<1x16xf32>,
        %get3A_1500 = vector.shape_cast %get3A_1499 : vector<1x16xf32> to vector<16xf32>
        %slice3A_1501 = vector.extract_strided_slice %get3A_78 {offsets = [13], sizes = [1], strides = [1]} : vector<16xf32> to vector<1xf32>
        %squeeze3A_1502 = vector.extract %slice3A_1501[0] : f32 from vector<1xf32>
        %mul3A_1503 = vector.broadcast %squeeze3A_1502 : f32 to vector<16xf32>
        %mul3A_1504 = arith.mulf %get3A_1500, %mul3A_1503 : vector<16xf32>
        %swap3A_1505 = arith.index_cast %add3A_1483 : i32 to index
        %swap3A_1506 = arith.constant 16 : index
        %swap3A_1507 = tpu.vector_load %arg11[%swap3A_1505, %swap3A_1506] {strides = array<i32>} : memref<112x128xf32, #tpu.memory_space<vmem>>, vector<1x16xf32>,
        %swap3A_1508 = vector.shape_cast %swap3A_1507 : vector<1x16xf32> to vector<16xf32>
        %swap3A_1509 = vector.shape_cast %mul3A_1504 : vector<16xf32> to vector<1x16xf32>
        tpu.vector_store %arg11[%swap3A_1505, %swap3A_1506], %swap3A_1509 {strides = array<i32>} : memref<112x128xf32, #tpu.memory_space<vmem>>, vector<1x16xf32>,
        %get3A_1510 = arith.index_cast %add3A_1483 : i32 to index
        %get3A_1511 = arith.constant 32 : index
        %get3A_1512 = tpu.vector_load %arg11[%get3A_1510, %get3A_1511] {strides = array<i32>} : memref<112x128xf32, #tpu.memory_space<vmem>>, vector<1x16xf32>,
        %get3A_1513 = vector.shape_cast %get3A_1512 : vector<1x16xf32> to vector<16xf32>
        %slice3A_1514 = vector.extract_strided_slice %get3A_78 {offsets = [13], sizes = [1], strides = [1]} : vector<16xf32> to vector<1xf32>
        %squeeze3A_1515 = vector.extract %slice3A_1514[0] : f32 from vector<1xf32>
        %mul3A_1516 = vector.broadcast %squeeze3A_1515 : f32 to vector<16xf32>
        %mul3A_1517 = arith.mulf %get3A_1513, %mul3A_1516 : vector<16xf32>
        %swap3A_1518 = arith.index_cast %add3A_1483 : i32 to index
        %swap3A_1519 = arith.constant 32 : index
        %swap3A_1520 = tpu.vector_load %arg11[%swap3A_1518, %swap3A_1519] {strides = array<i32>} : memref<112x128xf32, #tpu.memory_space<vmem>>, vector<1x16xf32>,
        %swap3A_1521 = vector.shape_cast %swap3A_1520 : vector<1x16xf32> to vector<16xf32>
        %swap3A_1522 = vector.shape_cast %mul3A_1517 : vector<16xf32> to vector<1x16xf32>
        tpu.vector_store %arg11[%swap3A_1518, %swap3A_1519], %swap3A_1522 {strides = array<i32>} : memref<112x128xf32, #tpu.memory_space<vmem>>, vector<1x16xf32>,
        %get3A_1523 = arith.index_cast %add3A_1483 : i32 to index
        %get3A_1524 = arith.constant 48 : index
        %get3A_1525 = tpu.vector_load %arg11[%get3A_1523, %get3A_1524] {strides = array<i32>} : memref<112x128xf32, #tpu.memory_space<vmem>>, vector<1x16xf32>,
        %get3A_1526 = vector.shape_cast %get3A_1525 : vector<1x16xf32> to vector<16xf32>
        %slice3A_1527 = vector.extract_strided_slice %get3A_78 {offsets = [13], sizes = [1], strides = [1]} : vector<16xf32> to vector<1xf32>
        %squeeze3A_1528 = vector.extract %slice3A_1527[0] : f32 from vector<1xf32>
        %mul3A_1529 = vector.broadcast %squeeze3A_1528 : f32 to vector<16xf32>
        %mul3A_1530 = arith.mulf %get3A_1526, %mul3A_1529 : vector<16xf32>
        %swap3A_1531 = arith.index_cast %add3A_1483 : i32 to index
        %swap3A_1532 = arith.constant 48 : index
        %swap3A_1533 = tpu.vector_load %arg11[%swap3A_1531, %swap3A_1532] {strides = array<i32>} : memref<112x128xf32, #tpu.memory_space<vmem>>, vector<1x16xf32>,
        %swap3A_1534 = vector.shape_cast %swap3A_1533 : vector<1x16xf32> to vector<16xf32>
        %swap3A_1535 = vector.shape_cast %mul3A_1530 : vector<16xf32> to vector<1x16xf32>
        tpu.vector_store %arg11[%swap3A_1531, %swap3A_1532], %swap3A_1535 {strides = array<i32>} : memref<112x128xf32, #tpu.memory_space<vmem>>, vector<1x16xf32>,
        %get3A_1536 = arith.index_cast %add3A_1483 : i32 to index
        %get3A_1537 = arith.constant 64 : index
        %get3A_1538 = tpu.vector_load %arg11[%get3A_1536, %get3A_1537] {strides = array<i32>} : memref<112x128xf32, #tpu.memory_space<vmem>>, vector<1x16xf32>,
        %get3A_1539 = vector.shape_cast %get3A_1538 : vector<1x16xf32> to vector<16xf32>
        %slice3A_1540 = vector.extract_strided_slice %get3A_78 {offsets = [13], sizes = [1], strides = [1]} : vector<16xf32> to vector<1xf32>
        %squeeze3A_1541 = vector.extract %slice3A_1540[0] : f32 from vector<1xf32>
        %mul3A_1542 = vector.broadcast %squeeze3A_1541 : f32 to vector<16xf32>
        %mul3A_1543 = arith.mulf %get3A_1539, %mul3A_1542 : vector<16xf32>
        %swap3A_1544 = arith.index_cast %add3A_1483 : i32 to index
        %swap3A_1545 = arith.constant 64 : index
        %swap3A_1546 = tpu.vector_load %arg11[%swap3A_1544, %swap3A_1545] {strides = array<i32>} : memref<112x128xf32, #tpu.memory_space<vmem>>, vector<1x16xf32>,
        %swap3A_1547 = vector.shape_cast %swap3A_1546 : vector<1x16xf32> to vector<16xf32>
        %swap3A_1548 = vector.shape_cast %mul3A_1543 : vector<16xf32> to vector<1x16xf32>
        tpu.vector_store %arg11[%swap3A_1544, %swap3A_1545], %swap3A_1548 {strides = array<i32>} : memref<112x128xf32, #tpu.memory_space<vmem>>, vector<1x16xf32>,
        %get3A_1549 = arith.index_cast %add3A_1483 : i32 to index
        %get3A_1550 = arith.constant 80 : index
        %get3A_1551 = tpu.vector_load %arg11[%get3A_1549, %get3A_1550] {strides = array<i32>} : memref<112x128xf32, #tpu.memory_space<vmem>>, vector<1x16xf32>,
        %get3A_1552 = vector.shape_cast %get3A_1551 : vector<1x16xf32> to vector<16xf32>
        %slice3A_1553 = vector.extract_strided_slice %get3A_78 {offsets = [13], sizes = [1], strides = [1]} : vector<16xf32> to vector<1xf32>
        %squeeze3A_1554 = vector.extract %slice3A_1553[0] : f32 from vector<1xf32>
        %mul3A_1555 = vector.broadcast %squeeze3A_1554 : f32 to vector<16xf32>
        %mul3A_1556 = arith.mulf %get3A_1552, %mul3A_1555 : vector<16xf32>
        %swap3A_1557 = arith.index_cast %add3A_1483 : i32 to index
        %swap3A_1558 = arith.constant 80 : index
        %swap3A_1559 = tpu.vector_load %arg11[%swap3A_1557, %swap3A_1558] {strides = array<i32>} : memref<112x128xf32, #tpu.memory_space<vmem>>, vector<1x16xf32>,
        %swap3A_1560 = vector.shape_cast %swap3A_1559 : vector<1x16xf32> to vector<16xf32>
        %swap3A_1561 = vector.shape_cast %mul3A_1556 : vector<16xf32> to vector<1x16xf32>
        tpu.vector_store %arg11[%swap3A_1557, %swap3A_1558], %swap3A_1561 {strides = array<i32>} : memref<112x128xf32, #tpu.memory_space<vmem>>, vector<1x16xf32>,
        %get3A_1562 = arith.index_cast %add3A_1483 : i32 to index
        %get3A_1563 = arith.constant 96 : index
        %get3A_1564 = tpu.vector_load %arg11[%get3A_1562, %get3A_1563] {strides = array<i32>} : memref<112x128xf32, #tpu.memory_space<vmem>>, vector<1x16xf32>,
        %get3A_1565 = vector.shape_cast %get3A_1564 : vector<1x16xf32> to vector<16xf32>
        %slice3A_1566 = vector.extract_strided_slice %get3A_78 {offsets = [13], sizes = [1], strides = [1]} : vector<16xf32> to vector<1xf32>
        %squeeze3A_1567 = vector.extract %slice3A_1566[0] : f32 from vector<1xf32>
        %mul3A_1568 = vector.broadcast %squeeze3A_1567 : f32 to vector<16xf32>
        %mul3A_1569 = arith.mulf %get3A_1565, %mul3A_1568 : vector<16xf32>
        %swap3A_1570 = arith.index_cast %add3A_1483 : i32 to index
        %swap3A_1571 = arith.constant 96 : index
        %swap3A_1572 = tpu.vector_load %arg11[%swap3A_1570, %swap3A_1571] {strides = array<i32>} : memref<112x128xf32, #tpu.memory_space<vmem>>, vector<1x16xf32>,
        %swap3A_1573 = vector.shape_cast %swap3A_1572 : vector<1x16xf32> to vector<16xf32>
        %swap3A_1574 = vector.shape_cast %mul3A_1569 : vector<16xf32> to vector<1x16xf32>
        tpu.vector_store %arg11[%swap3A_1570, %swap3A_1571], %swap3A_1574 {strides = array<i32>} : memref<112x128xf32, #tpu.memory_space<vmem>>, vector<1x16xf32>,
        %get3A_1575 = arith.index_cast %add3A_1483 : i32 to index
        %get3A_1576 = arith.constant 112 : index
        %get3A_1577 = tpu.vector_load %arg11[%get3A_1575, %get3A_1576] {strides = array<i32>} : memref<112x128xf32, #tpu.memory_space<vmem>>, vector<1x16xf32>,
        %get3A_1578 = vector.shape_cast %get3A_1577 : vector<1x16xf32> to vector<16xf32>
        %slice3A_1579 = vector.extract_strided_slice %get3A_78 {offsets = [13], sizes = [1], strides = [1]} : vector<16xf32> to vector<1xf32>
        %squeeze3A_1580 = vector.extract %slice3A_1579[0] : f32 from vector<1xf32>
        %mul3A_1581 = vector.broadcast %squeeze3A_1580 : f32 to vector<16xf32>
        %mul3A_1582 = arith.mulf %get3A_1578, %mul3A_1581 : vector<16xf32>
        %swap3A_1583 = arith.index_cast %add3A_1483 : i32 to index
        %swap3A_1584 = arith.constant 112 : index
        %swap3A_1585 = tpu.vector_load %arg11[%swap3A_1583, %swap3A_1584] {strides = array<i32>} : memref<112x128xf32, #tpu.memory_space<vmem>>, vector<1x16xf32>,
        %swap3A_1586 = vector.shape_cast %swap3A_1585 : vector<1x16xf32> to vector<16xf32>
        %swap3A_1587 = vector.shape_cast %mul3A_1582 : vector<16xf32> to vector<1x16xf32>
        tpu.vector_store %arg11[%swap3A_1583, %swap3A_1584], %swap3A_1587 {strides = array<i32>} : memref<112x128xf32, #tpu.memory_space<vmem>>, vector<1x16xf32>,
        %mul3A_1588 = arith.constant 16 : i32
        %mul3A_1589 = arith.muli %scan3A_73, %mul3A_1588 : i32
        %add3A_1590 = arith.constant 14 : i32
        %add3A_1591 = arith.addi %mul3A_1589, %add3A_1590 : i32
        %get3A_1592 = arith.index_cast %add3A_1591 : i32 to index
        %get3A_1593 = arith.constant 0 : index
        %get3A_1594 = tpu.vector_load %arg11[%get3A_1592, %get3A_1593] {strides = array<i32>} : memref<112x128xf32, #tpu.memory_space<vmem>>, vector<1x16xf32>,
        %get3A_1595 = vector.shape_cast %get3A_1594 : vector<1x16xf32> to vector<16xf32>
        %slice3A_1596 = vector.extract_strided_slice %get3A_78 {offsets = [14], sizes = [1], strides = [1]} : vector<16xf32> to vector<1xf32>
        %squeeze3A_1597 = vector.extract %slice3A_1596[0] : f32 from vector<1xf32>
        %mul3A_1598 = vector.broadcast %squeeze3A_1597 : f32 to vector<16xf32>
        %mul3A_1599 = arith.mulf %get3A_1595, %mul3A_1598 : vector<16xf32>
        %swap3A_1600 = arith.index_cast %add3A_1591 : i32 to index
        %swap3A_1601 = arith.constant 0 : index
        %swap3A_1602 = tpu.vector_load %arg11[%swap3A_1600, %swap3A_1601] {strides = array<i32>} : memref<112x128xf32, #tpu.memory_space<vmem>>, vector<1x16xf32>,
        %swap3A_1603 = vector.shape_cast %swap3A_1602 : vector<1x16xf32> to vector<16xf32>
        %swap3A_1604 = vector.shape_cast %mul3A_1599 : vector<16xf32> to vector<1x16xf32>
        tpu.vector_store %arg11[%swap3A_1600, %swap3A_1601], %swap3A_1604 {strides = array<i32>} : memref<112x128xf32, #tpu.memory_space<vmem>>, vector<1x16xf32>,
        %get3A_1605 = arith.index_cast %add3A_1591 : i32 to index
        %get3A_1606 = arith.constant 16 : index
        %get3A_1607 = tpu.vector_load %arg11[%get3A_1605, %get3A_1606] {strides = array<i32>} : memref<112x128xf32, #tpu.memory_space<vmem>>, vector<1x16xf32>,
        %get3A_1608 = vector.shape_cast %get3A_1607 : vector<1x16xf32> to vector<16xf32>
        %slice3A_1609 = vector.extract_strided_slice %get3A_78 {offsets = [14], sizes = [1], strides = [1]} : vector<16xf32> to vector<1xf32>
        %squeeze3A_1610 = vector.extract %slice3A_1609[0] : f32 from vector<1xf32>
        %mul3A_1611 = vector.broadcast %squeeze3A_1610 : f32 to vector<16xf32>
        %mul3A_1612 = arith.mulf %get3A_1608, %mul3A_1611 : vector<16xf32>
        %swap3A_1613 = arith.index_cast %add3A_1591 : i32 to index
        %swap3A_1614 = arith.constant 16 : index
        %swap3A_1615 = tpu.vector_load %arg11[%swap3A_1613, %swap3A_1614] {strides = array<i32>} : memref<112x128xf32, #tpu.memory_space<vmem>>, vector<1x16xf32>,
        %swap3A_1616 = vector.shape_cast %swap3A_1615 : vector<1x16xf32> to vector<16xf32>
        %swap3A_1617 = vector.shape_cast %mul3A_1612 : vector<16xf32> to vector<1x16xf32>
        tpu.vector_store %arg11[%swap3A_1613, %swap3A_1614], %swap3A_1617 {strides = array<i32>} : memref<112x128xf32, #tpu.memory_space<vmem>>, vector<1x16xf32>,
        %get3A_1618 = arith.index_cast %add3A_1591 : i32 to index
        %get3A_1619 = arith.constant 32 : index
        %get3A_1620 = tpu.vector_load %arg11[%get3A_1618, %get3A_1619] {strides = array<i32>} : memref<112x128xf32, #tpu.memory_space<vmem>>, vector<1x16xf32>,
        %get3A_1621 = vector.shape_cast %get3A_1620 : vector<1x16xf32> to vector<16xf32>
        %slice3A_1622 = vector.extract_strided_slice %get3A_78 {offsets = [14], sizes = [1], strides = [1]} : vector<16xf32> to vector<1xf32>
        %squeeze3A_1623 = vector.extract %slice3A_1622[0] : f32 from vector<1xf32>
        %mul3A_1624 = vector.broadcast %squeeze3A_1623 : f32 to vector<16xf32>
        %mul3A_1625 = arith.mulf %get3A_1621, %mul3A_1624 : vector<16xf32>
        %swap3A_1626 = arith.index_cast %add3A_1591 : i32 to index
        %swap3A_1627 = arith.constant 32 : index
        %swap3A_1628 = tpu.vector_load %arg11[%swap3A_1626, %swap3A_1627] {strides = array<i32>} : memref<112x128xf32, #tpu.memory_space<vmem>>, vector<1x16xf32>,
        %swap3A_1629 = vector.shape_cast %swap3A_1628 : vector<1x16xf32> to vector<16xf32>
        %swap3A_1630 = vector.shape_cast %mul3A_1625 : vector<16xf32> to vector<1x16xf32>
        tpu.vector_store %arg11[%swap3A_1626, %swap3A_1627], %swap3A_1630 {strides = array<i32>} : memref<112x128xf32, #tpu.memory_space<vmem>>, vector<1x16xf32>,
        %get3A_1631 = arith.index_cast %add3A_1591 : i32 to index
        %get3A_1632 = arith.constant 48 : index
        %get3A_1633 = tpu.vector_load %arg11[%get3A_1631, %get3A_1632] {strides = array<i32>} : memref<112x128xf32, #tpu.memory_space<vmem>>, vector<1x16xf32>,
        %get3A_1634 = vector.shape_cast %get3A_1633 : vector<1x16xf32> to vector<16xf32>
        %slice3A_1635 = vector.extract_strided_slice %get3A_78 {offsets = [14], sizes = [1], strides = [1]} : vector<16xf32> to vector<1xf32>
        %squeeze3A_1636 = vector.extract %slice3A_1635[0] : f32 from vector<1xf32>
        %mul3A_1637 = vector.broadcast %squeeze3A_1636 : f32 to vector<16xf32>
        %mul3A_1638 = arith.mulf %get3A_1634, %mul3A_1637 : vector<16xf32>
        %swap3A_1639 = arith.index_cast %add3A_1591 : i32 to index
        %swap3A_1640 = arith.constant 48 : index
        %swap3A_1641 = tpu.vector_load %arg11[%swap3A_1639, %swap3A_1640] {strides = array<i32>} : memref<112x128xf32, #tpu.memory_space<vmem>>, vector<1x16xf32>,
        %swap3A_1642 = vector.shape_cast %swap3A_1641 : vector<1x16xf32> to vector<16xf32>
        %swap3A_1643 = vector.shape_cast %mul3A_1638 : vector<16xf32> to vector<1x16xf32>
        tpu.vector_store %arg11[%swap3A_1639, %swap3A_1640], %swap3A_1643 {strides = array<i32>} : memref<112x128xf32, #tpu.memory_space<vmem>>, vector<1x16xf32>,
        %get3A_1644 = arith.index_cast %add3A_1591 : i32 to index
        %get3A_1645 = arith.constant 64 : index
        %get3A_1646 = tpu.vector_load %arg11[%get3A_1644, %get3A_1645] {strides = array<i32>} : memref<112x128xf32, #tpu.memory_space<vmem>>, vector<1x16xf32>,
        %get3A_1647 = vector.shape_cast %get3A_1646 : vector<1x16xf32> to vector<16xf32>
        %slice3A_1648 = vector.extract_strided_slice %get3A_78 {offsets = [14], sizes = [1], strides = [1]} : vector<16xf32> to vector<1xf32>
        %squeeze3A_1649 = vector.extract %slice3A_1648[0] : f32 from vector<1xf32>
        %mul3A_1650 = vector.broadcast %squeeze3A_1649 : f32 to vector<16xf32>
        %mul3A_1651 = arith.mulf %get3A_1647, %mul3A_1650 : vector<16xf32>
        %swap3A_1652 = arith.index_cast %add3A_1591 : i32 to index
        %swap3A_1653 = arith.constant 64 : index
        %swap3A_1654 = tpu.vector_load %arg11[%swap3A_1652, %swap3A_1653] {strides = array<i32>} : memref<112x128xf32, #tpu.memory_space<vmem>>, vector<1x16xf32>,
        %swap3A_1655 = vector.shape_cast %swap3A_1654 : vector<1x16xf32> to vector<16xf32>
        %swap3A_1656 = vector.shape_cast %mul3A_1651 : vector<16xf32> to vector<1x16xf32>
        tpu.vector_store %arg11[%swap3A_1652, %swap3A_1653], %swap3A_1656 {strides = array<i32>} : memref<112x128xf32, #tpu.memory_space<vmem>>, vector<1x16xf32>,
        %get3A_1657 = arith.index_cast %add3A_1591 : i32 to index
        %get3A_1658 = arith.constant 80 : index
        %get3A_1659 = tpu.vector_load %arg11[%get3A_1657, %get3A_1658] {strides = array<i32>} : memref<112x128xf32, #tpu.memory_space<vmem>>, vector<1x16xf32>,
        %get3A_1660 = vector.shape_cast %get3A_1659 : vector<1x16xf32> to vector<16xf32>
        %slice3A_1661 = vector.extract_strided_slice %get3A_78 {offsets = [14], sizes = [1], strides = [1]} : vector<16xf32> to vector<1xf32>
        %squeeze3A_1662 = vector.extract %slice3A_1661[0] : f32 from vector<1xf32>
        %mul3A_1663 = vector.broadcast %squeeze3A_1662 : f32 to vector<16xf32>
        %mul3A_1664 = arith.mulf %get3A_1660, %mul3A_1663 : vector<16xf32>
        %swap3A_1665 = arith.index_cast %add3A_1591 : i32 to index
        %swap3A_1666 = arith.constant 80 : index
        %swap3A_1667 = tpu.vector_load %arg11[%swap3A_1665, %swap3A_1666] {strides = array<i32>} : memref<112x128xf32, #tpu.memory_space<vmem>>, vector<1x16xf32>,
        %swap3A_1668 = vector.shape_cast %swap3A_1667 : vector<1x16xf32> to vector<16xf32>
        %swap3A_1669 = vector.shape_cast %mul3A_1664 : vector<16xf32> to vector<1x16xf32>
        tpu.vector_store %arg11[%swap3A_1665, %swap3A_1666], %swap3A_1669 {strides = array<i32>} : memref<112x128xf32, #tpu.memory_space<vmem>>, vector<1x16xf32>,
        %get3A_1670 = arith.index_cast %add3A_1591 : i32 to index
        %get3A_1671 = arith.constant 96 : index
        %get3A_1672 = tpu.vector_load %arg11[%get3A_1670, %get3A_1671] {strides = array<i32>} : memref<112x128xf32, #tpu.memory_space<vmem>>, vector<1x16xf32>,
        %get3A_1673 = vector.shape_cast %get3A_1672 : vector<1x16xf32> to vector<16xf32>
        %slice3A_1674 = vector.extract_strided_slice %get3A_78 {offsets = [14], sizes = [1], strides = [1]} : vector<16xf32> to vector<1xf32>
        %squeeze3A_1675 = vector.extract %slice3A_1674[0] : f32 from vector<1xf32>
        %mul3A_1676 = vector.broadcast %squeeze3A_1675 : f32 to vector<16xf32>
        %mul3A_1677 = arith.mulf %get3A_1673, %mul3A_1676 : vector<16xf32>
        %swap3A_1678 = arith.index_cast %add3A_1591 : i32 to index
        %swap3A_1679 = arith.constant 96 : index
        %swap3A_1680 = tpu.vector_load %arg11[%swap3A_1678, %swap3A_1679] {strides = array<i32>} : memref<112x128xf32, #tpu.memory_space<vmem>>, vector<1x16xf32>,
        %swap3A_1681 = vector.shape_cast %swap3A_1680 : vector<1x16xf32> to vector<16xf32>
        %swap3A_1682 = vector.shape_cast %mul3A_1677 : vector<16xf32> to vector<1x16xf32>
        tpu.vector_store %arg11[%swap3A_1678, %swap3A_1679], %swap3A_1682 {strides = array<i32>} : memref<112x128xf32, #tpu.memory_space<vmem>>, vector<1x16xf32>,
        %get3A_1683 = arith.index_cast %add3A_1591 : i32 to index
        %get3A_1684 = arith.constant 112 : index
        %get3A_1685 = tpu.vector_load %arg11[%get3A_1683, %get3A_1684] {strides = array<i32>} : memref<112x128xf32, #tpu.memory_space<vmem>>, vector<1x16xf32>,
        %get3A_1686 = vector.shape_cast %get3A_1685 : vector<1x16xf32> to vector<16xf32>
        %slice3A_1687 = vector.extract_strided_slice %get3A_78 {offsets = [14], sizes = [1], strides = [1]} : vector<16xf32> to vector<1xf32>
        %squeeze3A_1688 = vector.extract %slice3A_1687[0] : f32 from vector<1xf32>
        %mul3A_1689 = vector.broadcast %squeeze3A_1688 : f32 to vector<16xf32>
        %mul3A_1690 = arith.mulf %get3A_1686, %mul3A_1689 : vector<16xf32>
        %swap3A_1691 = arith.index_cast %add3A_1591 : i32 to index
        %swap3A_1692 = arith.constant 112 : index
        %swap3A_1693 = tpu.vector_load %arg11[%swap3A_1691, %swap3A_1692] {strides = array<i32>} : memref<112x128xf32, #tpu.memory_space<vmem>>, vector<1x16xf32>,
        %swap3A_1694 = vector.shape_cast %swap3A_1693 : vector<1x16xf32> to vector<16xf32>
        %swap3A_1695 = vector.shape_cast %mul3A_1690 : vector<16xf32> to vector<1x16xf32>
        tpu.vector_store %arg11[%swap3A_1691, %swap3A_1692], %swap3A_1695 {strides = array<i32>} : memref<112x128xf32, #tpu.memory_space<vmem>>, vector<1x16xf32>,
        %mul3A_1696 = arith.constant 16 : i32
        %mul3A_1697 = arith.muli %scan3A_73, %mul3A_1696 : i32
        %add3A_1698 = arith.constant 15 : i32
        %add3A_1699 = arith.addi %mul3A_1697, %add3A_1698 : i32
        %get3A_1700 = arith.index_cast %add3A_1699 : i32 to index
        %get3A_1701 = arith.constant 0 : index
        %get3A_1702 = tpu.vector_load %arg11[%get3A_1700, %get3A_1701] {strides = array<i32>} : memref<112x128xf32, #tpu.memory_space<vmem>>, vector<1x16xf32>,
        %get3A_1703 = vector.shape_cast %get3A_1702 : vector<1x16xf32> to vector<16xf32>
        %slice3A_1704 = vector.extract_strided_slice %get3A_78 {offsets = [15], sizes = [1], strides = [1]} : vector<16xf32> to vector<1xf32>
        %squeeze3A_1705 = vector.extract %slice3A_1704[0] : f32 from vector<1xf32>
        %mul3A_1706 = vector.broadcast %squeeze3A_1705 : f32 to vector<16xf32>
        %mul3A_1707 = arith.mulf %get3A_1703, %mul3A_1706 : vector<16xf32>
        %swap3A_1708 = arith.index_cast %add3A_1699 : i32 to index
        %swap3A_1709 = arith.constant 0 : index
        %swap3A_1710 = tpu.vector_load %arg11[%swap3A_1708, %swap3A_1709] {strides = array<i32>} : memref<112x128xf32, #tpu.memory_space<vmem>>, vector<1x16xf32>,
        %swap3A_1711 = vector.shape_cast %swap3A_1710 : vector<1x16xf32> to vector<16xf32>
        %swap3A_1712 = vector.shape_cast %mul3A_1707 : vector<16xf32> to vector<1x16xf32>
        tpu.vector_store %arg11[%swap3A_1708, %swap3A_1709], %swap3A_1712 {strides = array<i32>} : memref<112x128xf32, #tpu.memory_space<vmem>>, vector<1x16xf32>,
        %get3A_1713 = arith.index_cast %add3A_1699 : i32 to index
        %get3A_1714 = arith.constant 16 : index
        %get3A_1715 = tpu.vector_load %arg11[%get3A_1713, %get3A_1714] {strides = array<i32>} : memref<112x128xf32, #tpu.memory_space<vmem>>, vector<1x16xf32>,
        %get3A_1716 = vector.shape_cast %get3A_1715 : vector<1x16xf32> to vector<16xf32>
        %slice3A_1717 = vector.extract_strided_slice %get3A_78 {offsets = [15], sizes = [1], strides = [1]} : vector<16xf32> to vector<1xf32>
        %squeeze3A_1718 = vector.extract %slice3A_1717[0] : f32 from vector<1xf32>
        %mul3A_1719 = vector.broadcast %squeeze3A_1718 : f32 to vector<16xf32>
        %mul3A_1720 = arith.mulf %get3A_1716, %mul3A_1719 : vector<16xf32>
        %swap3A_1721 = arith.index_cast %add3A_1699 : i32 to index
        %swap3A_1722 = arith.constant 16 : index
        %swap3A_1723 = tpu.vector_load %arg11[%swap3A_1721, %swap3A_1722] {strides = array<i32>} : memref<112x128xf32, #tpu.memory_space<vmem>>, vector<1x16xf32>,
        %swap3A_1724 = vector.shape_cast %swap3A_1723 : vector<1x16xf32> to vector<16xf32>
        %swap3A_1725 = vector.shape_cast %mul3A_1720 : vector<16xf32> to vector<1x16xf32>
        tpu.vector_store %arg11[%swap3A_1721, %swap3A_1722], %swap3A_1725 {strides = array<i32>} : memref<112x128xf32, #tpu.memory_space<vmem>>, vector<1x16xf32>,
        %get3A_1726 = arith.index_cast %add3A_1699 : i32 to index
        %get3A_1727 = arith.constant 32 : index
        %get3A_1728 = tpu.vector_load %arg11[%get3A_1726, %get3A_1727] {strides = array<i32>} : memref<112x128xf32, #tpu.memory_space<vmem>>, vector<1x16xf32>,
        %get3A_1729 = vector.shape_cast %get3A_1728 : vector<1x16xf32> to vector<16xf32>
        %slice3A_1730 = vector.extract_strided_slice %get3A_78 {offsets = [15], sizes = [1], strides = [1]} : vector<16xf32> to vector<1xf32>
        %squeeze3A_1731 = vector.extract %slice3A_1730[0] : f32 from vector<1xf32>
        %mul3A_1732 = vector.broadcast %squeeze3A_1731 : f32 to vector<16xf32>
        %mul3A_1733 = arith.mulf %get3A_1729, %mul3A_1732 : vector<16xf32>
        %swap3A_1734 = arith.index_cast %add3A_1699 : i32 to index
        %swap3A_1735 = arith.constant 32 : index
        %swap3A_1736 = tpu.vector_load %arg11[%swap3A_1734, %swap3A_1735] {strides = array<i32>} : memref<112x128xf32, #tpu.memory_space<vmem>>, vector<1x16xf32>,
        %swap3A_1737 = vector.shape_cast %swap3A_1736 : vector<1x16xf32> to vector<16xf32>
        %swap3A_1738 = vector.shape_cast %mul3A_1733 : vector<16xf32> to vector<1x16xf32>
        tpu.vector_store %arg11[%swap3A_1734, %swap3A_1735], %swap3A_1738 {strides = array<i32>} : memref<112x128xf32, #tpu.memory_space<vmem>>, vector<1x16xf32>,
        %get3A_1739 = arith.index_cast %add3A_1699 : i32 to index
        %get3A_1740 = arith.constant 48 : index
        %get3A_1741 = tpu.vector_load %arg11[%get3A_1739, %get3A_1740] {strides = array<i32>} : memref<112x128xf32, #tpu.memory_space<vmem>>, vector<1x16xf32>,
        %get3A_1742 = vector.shape_cast %get3A_1741 : vector<1x16xf32> to vector<16xf32>
        %slice3A_1743 = vector.extract_strided_slice %get3A_78 {offsets = [15], sizes = [1], strides = [1]} : vector<16xf32> to vector<1xf32>
        %squeeze3A_1744 = vector.extract %slice3A_1743[0] : f32 from vector<1xf32>
        %mul3A_1745 = vector.broadcast %squeeze3A_1744 : f32 to vector<16xf32>
        %mul3A_1746 = arith.mulf %get3A_1742, %mul3A_1745 : vector<16xf32>
        %swap3A_1747 = arith.index_cast %add3A_1699 : i32 to index
        %swap3A_1748 = arith.constant 48 : index
        %swap3A_1749 = tpu.vector_load %arg11[%swap3A_1747, %swap3A_1748] {strides = array<i32>} : memref<112x128xf32, #tpu.memory_space<vmem>>, vector<1x16xf32>,
        %swap3A_1750 = vector.shape_cast %swap3A_1749 : vector<1x16xf32> to vector<16xf32>
        %swap3A_1751 = vector.shape_cast %mul3A_1746 : vector<16xf32> to vector<1x16xf32>
        tpu.vector_store %arg11[%swap3A_1747, %swap3A_1748], %swap3A_1751 {strides = array<i32>} : memref<112x128xf32, #tpu.memory_space<vmem>>, vector<1x16xf32>,
        %get3A_1752 = arith.index_cast %add3A_1699 : i32 to index
        %get3A_1753 = arith.constant 64 : index
        %get3A_1754 = tpu.vector_load %arg11[%get3A_1752, %get3A_1753] {strides = array<i32>} : memref<112x128xf32, #tpu.memory_space<vmem>>, vector<1x16xf32>,
        %get3A_1755 = vector.shape_cast %get3A_1754 : vector<1x16xf32> to vector<16xf32>
        %slice3A_1756 = vector.extract_strided_slice %get3A_78 {offsets = [15], sizes = [1], strides = [1]} : vector<16xf32> to vector<1xf32>
        %squeeze3A_1757 = vector.extract %slice3A_1756[0] : f32 from vector<1xf32>
        %mul3A_1758 = vector.broadcast %squeeze3A_1757 : f32 to vector<16xf32>
        %mul3A_1759 = arith.mulf %get3A_1755, %mul3A_1758 : vector<16xf32>
        %swap3A_1760 = arith.index_cast %add3A_1699 : i32 to index
        %swap3A_1761 = arith.constant 64 : index
        %swap3A_1762 = tpu.vector_load %arg11[%swap3A_1760, %swap3A_1761] {strides = array<i32>} : memref<112x128xf32, #tpu.memory_space<vmem>>, vector<1x16xf32>,
        %swap3A_1763 = vector.shape_cast %swap3A_1762 : vector<1x16xf32> to vector<16xf32>
        %swap3A_1764 = vector.shape_cast %mul3A_1759 : vector<16xf32> to vector<1x16xf32>
        tpu.vector_store %arg11[%swap3A_1760, %swap3A_1761], %swap3A_1764 {strides = array<i32>} : memref<112x128xf32, #tpu.memory_space<vmem>>, vector<1x16xf32>,
        %get3A_1765 = arith.index_cast %add3A_1699 : i32 to index
        %get3A_1766 = arith.constant 80 : index
        %get3A_1767 = tpu.vector_load %arg11[%get3A_1765, %get3A_1766] {strides = array<i32>} : memref<112x128xf32, #tpu.memory_space<vmem>>, vector<1x16xf32>,
        %get3A_1768 = vector.shape_cast %get3A_1767 : vector<1x16xf32> to vector<16xf32>
        %slice3A_1769 = vector.extract_strided_slice %get3A_78 {offsets = [15], sizes = [1], strides = [1]} : vector<16xf32> to vector<1xf32>
        %squeeze3A_1770 = vector.extract %slice3A_1769[0] : f32 from vector<1xf32>
        %mul3A_1771 = vector.broadcast %squeeze3A_1770 : f32 to vector<16xf32>
        %mul3A_1772 = arith.mulf %get3A_1768, %mul3A_1771 : vector<16xf32>
        %swap3A_1773 = arith.index_cast %add3A_1699 : i32 to index
        %swap3A_1774 = arith.constant 80 : index
        %swap3A_1775 = tpu.vector_load %arg11[%swap3A_1773, %swap3A_1774] {strides = array<i32>} : memref<112x128xf32, #tpu.memory_space<vmem>>, vector<1x16xf32>,
        %swap3A_1776 = vector.shape_cast %swap3A_1775 : vector<1x16xf32> to vector<16xf32>
        %swap3A_1777 = vector.shape_cast %mul3A_1772 : vector<16xf32> to vector<1x16xf32>
        tpu.vector_store %arg11[%swap3A_1773, %swap3A_1774], %swap3A_1777 {strides = array<i32>} : memref<112x128xf32, #tpu.memory_space<vmem>>, vector<1x16xf32>,
        %get3A_1778 = arith.index_cast %add3A_1699 : i32 to index
        %get3A_1779 = arith.constant 96 : index
        %get3A_1780 = tpu.vector_load %arg11[%get3A_1778, %get3A_1779] {strides = array<i32>} : memref<112x128xf32, #tpu.memory_space<vmem>>, vector<1x16xf32>,
        %get3A_1781 = vector.shape_cast %get3A_1780 : vector<1x16xf32> to vector<16xf32>
        %slice3A_1782 = vector.extract_strided_slice %get3A_78 {offsets = [15], sizes = [1], strides = [1]} : vector<16xf32> to vector<1xf32>
        %squeeze3A_1783 = vector.extract %slice3A_1782[0] : f32 from vector<1xf32>
        %mul3A_1784 = vector.broadcast %squeeze3A_1783 : f32 to vector<16xf32>
        %mul3A_1785 = arith.mulf %get3A_1781, %mul3A_1784 : vector<16xf32>
        %swap3A_1786 = arith.index_cast %add3A_1699 : i32 to index
        %swap3A_1787 = arith.constant 96 : index
        %swap3A_1788 = tpu.vector_load %arg11[%swap3A_1786, %swap3A_1787] {strides = array<i32>} : memref<112x128xf32, #tpu.memory_space<vmem>>, vector<1x16xf32>,
        %swap3A_1789 = vector.shape_cast %swap3A_1788 : vector<1x16xf32> to vector<16xf32>
        %swap3A_1790 = vector.shape_cast %mul3A_1785 : vector<16xf32> to vector<1x16xf32>
        tpu.vector_store %arg11[%swap3A_1786, %swap3A_1787], %swap3A_1790 {strides = array<i32>} : memref<112x128xf32, #tpu.memory_space<vmem>>, vector<1x16xf32>,
        %get3A_1791 = arith.index_cast %add3A_1699 : i32 to index
        %get3A_1792 = arith.constant 112 : index
        %get3A_1793 = tpu.vector_load %arg11[%get3A_1791, %get3A_1792] {strides = array<i32>} : memref<112x128xf32, #tpu.memory_space<vmem>>, vector<1x16xf32>,
        %get3A_1794 = vector.shape_cast %get3A_1793 : vector<1x16xf32> to vector<16xf32>
        %slice3A_1795 = vector.extract_strided_slice %get3A_78 {offsets = [15], sizes = [1], strides = [1]} : vector<16xf32> to vector<1xf32>
        %squeeze3A_1796 = vector.extract %slice3A_1795[0] : f32 from vector<1xf32>
        %mul3A_1797 = vector.broadcast %squeeze3A_1796 : f32 to vector<16xf32>
        %mul3A_1798 = arith.mulf %get3A_1794, %mul3A_1797 : vector<16xf32>
        %swap3A_1799 = arith.index_cast %add3A_1699 : i32 to index
        %swap3A_1800 = arith.constant 112 : index
        %swap3A_1801 = tpu.vector_load %arg11[%swap3A_1799, %swap3A_1800] {strides = array<i32>} : memref<112x128xf32, #tpu.memory_space<vmem>>, vector<1x16xf32>,
        %swap3A_1802 = vector.shape_cast %swap3A_1801 : vector<1x16xf32> to vector<16xf32>
        %swap3A_1803 = vector.shape_cast %mul3A_1798 : vector<16xf32> to vector<1x16xf32>
        tpu.vector_store %arg11[%swap3A_1799, %swap3A_1800], %swap3A_1803 {strides = array<i32>} : memref<112x128xf32, #tpu.memory_space<vmem>>, vector<1x16xf32>,
      }
      %scan3A_72 = arith.constant 7 : i32
      "tpu.region"() ({
        %run_scoped3A = tpu.sem_alloc : memref<!tpu.dma_semaphore, #tpu.memory_space<semaphore_mem>>
        %dma_start3A_73 = arith.constant 0 : i32
        %dma_start3A_74 = tpu.memref_slice %arg9[%scan3A_56, %dma_start3A_73] : memref<48x112xi32, #tpu.memory_space<vmem>> -> memref<1x112xi32, #tpu.memory_space<vmem>>
        %dma_start3A_75 = tpu.memref_squeeze %dma_start3A_74 : memref<1x112xi32, #tpu.memory_space<vmem>> -> memref<112xi32, #tpu.memory_space<vmem>>
        %dma_start3A_76 = arith.constant 0 : i32
        %dma_start3A_77 = arith.constant 0 : i32
        %dma_start3A_78 = tpu.memref_slice %arg7[%dma_start3A_76, %dma_start3A_77] : memref<10240x128xf32, #tpu.memory_space<vmem_shared>> -> memref<10240x128xf32, #tpu.memory_space<vmem_shared>>
        tpu.enqueue_indirect_dma source(%arg11 : memref<112x128xf32, #tpu.memory_space<vmem>>) target(%dma_start3A_78 : memref<10240x128xf32, #tpu.memory_space<vmem_shared>>) offsets(%dma_start3A_75 : memref<112xi32, #tpu.memory_space<vmem>>) semaphore(%run_scoped3A : memref<!tpu.dma_semaphore, #tpu.memory_space<semaphore_mem>>) {add = true}
        %dma_wait3A_79 = arith.constant 0 : i32
        %dma_wait3A_80 = tpu.memref_slice %arg9[%scan3A_56, %dma_wait3A_79] : memref<48x112xi32, #tpu.memory_space<vmem>> -> memref<1x112xi32, #tpu.memory_space<vmem>>
        %dma_wait3A_81 = tpu.memref_squeeze %dma_wait3A_80 : memref<1x112xi32, #tpu.memory_space<vmem>> -> memref<112xi32, #tpu.memory_space<vmem>>
        %dma_wait3A_82 = arith.constant 0 : i32
        %dma_wait3A_83 = arith.constant 0 : i32
        %dma_wait3A_84 = tpu.memref_slice %arg7[%dma_wait3A_82, %dma_wait3A_83] : memref<10240x128xf32, #tpu.memory_space<vmem_shared>> -> memref<10240x128xf32, #tpu.memory_space<vmem_shared>>
        tpu.wait_indirect_dma semaphore(%run_scoped3A : memref<!tpu.dma_semaphore, #tpu.memory_space<semaphore_mem>>) src(%arg11 : memref<112x128xf32, #tpu.memory_space<vmem>>) dst(%dma_wait3A_84 : memref<10240x128xf32, #tpu.memory_space<vmem_shared>>)
        tpu.yield
      }) : () -> ()
    }
    %scan3A_50 = arith.constant 42 : i32
    %barrier3A_51 = arith.constant 0 : index
    tpu.barrier barrier_id(%barrier3A_51)
    %mul3A_52 = arith.constant 640 : i32
    %mul3A_53 = arith.muli %arg1, %mul3A_52 : i32
    %mul3A_54 = arith.constant 640 : i32
    %mul3A_55 = arith.muli %arg1, %mul3A_54 : i32
    "tpu.region"() ({
      %run_scoped3A = tpu.sem_alloc : memref<!tpu.dma_semaphore, #tpu.memory_space<semaphore_mem>>
      %dma_start3A = arith.constant 0 : i32
      %dma_start3A_56 = tpu.memref_slice %arg6[%arg0, %mul3A_55, %dma_start3A] : memref<2x10240x128xf32, #tpu.memory_space<hbm>> -> memref<1x640x128xf32, #tpu.memory_space<hbm>>
      %dma_start3A_57 = tpu.memref_squeeze %dma_start3A_56 : memref<1x640x128xf32, #tpu.memory_space<hbm>> -> memref<640x128xf32, #tpu.memory_space<hbm>>
      %dma_start3A_58 = arith.constant 0 : i32
      %dma_start3A_59 = tpu.memref_slice %arg7[%mul3A_53, %dma_start3A_58] : memref<10240x128xf32, #tpu.memory_space<vmem_shared>> -> memref<640x128xf32, #tpu.memory_space<vmem_shared>>
      tpu.enqueue_dma source(%dma_start3A_59 : memref<640x128xf32, #tpu.memory_space<vmem_shared>>) target(%dma_start3A_57 : memref<640x128xf32, #tpu.memory_space<hbm>>) target_semaphore(%run_scoped3A : memref<!tpu.dma_semaphore, #tpu.memory_space<semaphore_mem>>)
      %dma_wait3A = arith.constant 0 : i32
      %dma_wait3A_60 = tpu.memref_slice %arg6[%arg0, %mul3A_55, %dma_wait3A] : memref<2x10240x128xf32, #tpu.memory_space<hbm>> -> memref<1x640x128xf32, #tpu.memory_space<hbm>>
      %dma_wait3A_61 = tpu.memref_squeeze %dma_wait3A_60 : memref<1x640x128xf32, #tpu.memory_space<hbm>> -> memref<640x128xf32, #tpu.memory_space<hbm>>
      %dma_wait3A_62 = arith.constant 0 : i32
      %dma_wait3A_63 = tpu.memref_slice %arg7[%mul3A_53, %dma_wait3A_62] : memref<10240x128xf32, #tpu.memory_space<vmem_shared>> -> memref<640x128xf32, #tpu.memory_space<vmem_shared>>
      tpu.wait_dma2 semaphore(%run_scoped3A : memref<!tpu.dma_semaphore, #tpu.memory_space<semaphore_mem>>) src(%dma_wait3A_63 : memref<640x128xf32, #tpu.memory_space<vmem_shared>>) dst(%dma_wait3A_61 : memref<640x128xf32, #tpu.memory_space<hbm>>)
      tpu.yield
    }) : () -> ()
    return
  }
}

module attributes {stable_mosaic.version = 14 : i64} {
  func.func @_linear_body(%arg0: i32, %arg1: memref<1000x128xf32, #tpu.memory_space<vmem>>, %arg2: memref<128x128xf32, #tpu.memory_space<vmem>>, %arg3: memref<1x128xf32, #tpu.memory_space<vmem>>, %arg4: memref<1000x128xf32, #tpu.memory_space<vmem>>) attributes {dimension_semantics = [#tpu.dimension_semantics<arbitrary>], iteration_bounds = array<i64: 10>, scalar_prefetch = 0 : i64, scratch_operands = 0 : i64, tpu.core_type = #tpu.core_type<tc>, window_params = [{transform_indices = @transform_0, window_bounds = array<i64: 1000, 128>}, {pipeline_mode = #tpu.pipeline_mode<synchronous>, transform_indices = @transform_1, window_bounds = array<i64: 128, 128>}, {pipeline_mode = #tpu.pipeline_mode<synchronous>, transform_indices = @transform_2, window_bounds = array<i64: 1, 128>}, {transform_indices = @transform_3, window_bounds = array<i64: 1000, 128>}]} {
    %get3A = arith.constant 0 : index
    %get3A_0 = arith.constant 0 : index
    %get3A_1 = vector.load %arg1[%get3A, %get3A_0] : memref<1000x128xf32, #tpu.memory_space<vmem>>, vector<1000x128xf32>
    %get3A_2 = arith.constant 0 : index
    %get3A_3 = arith.constant 0 : index
    %get3A_4 = vector.load %arg2[%get3A_2, %get3A_3] : memref<128x128xf32, #tpu.memory_space<vmem>>, vector<128x128xf32>
    %dot_general3A = arith.constant dense<0.000000e+00> : vector<1000x128xf32>
    %dot_general3A_5 = tpu.matmul %get3A_1, %get3A_4, %dot_general3A {dimension_numbers = #tpu.dot_dimension_numbers<[1], [1], [0], [0], [0, 0, 1, 0], [], []>, transpose_lhs_hint = false} : vector<1000x128xf32>, vector<128x128xf32>, vector<1000x128xf32> -> vector<1000x128xf32>
    %get3A_6 = arith.constant 0 : index
    %get3A_7 = arith.constant 0 : index
    %get3A_8 = vector.load %arg3[%get3A_6, %get3A_7] : memref<1x128xf32, #tpu.memory_space<vmem>>, vector<1x128xf32>
    %add3A = vector.broadcast %get3A_8 : vector<1x128xf32> to vector<1000x128xf32>
    %add3A_9 = arith.addf %dot_general3A_5, %add3A : vector<1000x128xf32>
    %swap3A = arith.constant 0 : index
    %swap3A_10 = arith.constant 0 : index
    %swap3A_11 = vector.load %arg4[%swap3A, %swap3A_10] : memref<1000x128xf32, #tpu.memory_space<vmem>>, vector<1000x128xf32>
    tpu.vector_store %arg4[%swap3A, %swap3A_10], %add3A_9 {strides = array<i32>} : memref<1000x128xf32, #tpu.memory_space<vmem>>, vector<1000x128xf32>,
    return
  }
  func.func @transform_0(%arg0: i32) -> (i32, i32) {
    %c0_i32 = arith.constant 0 : i32
    %c0_i32_0 = arith.constant 0 : i32
    return %arg0, %c0_i32 : i32, i32
  }
  func.func @transform_1(%arg0: i32) -> (i32, i32) {
    %c0_i32 = arith.constant 0 : i32
    %c0_i32_0 = arith.constant 0 : i32
    %c0_i32_1 = arith.constant 0 : i32
    return %c0_i32, %c0_i32_0 : i32, i32
  }
  func.func @transform_2(%arg0: i32) -> (i32, i32) {
    %c0_i32 = arith.constant 0 : i32
    %c0_i32_0 = arith.constant 0 : i32
    %c0_i32_1 = arith.constant 0 : i32
    return %c0_i32, %c0_i32_0 : i32, i32
  }
  func.func @transform_3(%arg0: i32) -> (i32, i32) {
    %c0_i32 = arith.constant 0 : i32
    %c0_i32_0 = arith.constant 0 : i32
    return %arg0, %c0_i32 : i32, i32
  }
}

module attributes {stable_mosaic.version = 14 : i64} {
  func.func @_sum_body(%arg0: i32, %arg1: memref<2x640x128xf32, #tpu.memory_space<vmem>>, %arg2: memref<640x128xf32, #tpu.memory_space<vmem>>) attributes {dimension_semantics = [#tpu.dimension_semantics<arbitrary>], iteration_bounds = array<i64: 16>, scalar_prefetch = 0 : i64, scratch_operands = 0 : i64, tpu.core_type = #tpu.core_type<tc>, window_params = [{transform_indices = @transform_0, window_bounds = array<i64: 2, 640, 128>}, {transform_indices = @transform_1, window_bounds = array<i64: 640, 128>}]} {
    %get3A = arith.constant 0 : index
    %get3A_0 = arith.constant 0 : index
    %get3A_1 = arith.constant 0 : index
    %get3A_2 = vector.load %arg1[%get3A, %get3A_0, %get3A_1] : memref<2x640x128xf32, #tpu.memory_space<vmem>>, vector<1x640x128xf32>
    %get3A_3 = vector.shape_cast %get3A_2 : vector<1x640x128xf32> to vector<640x128xf32>
    %get3A_4 = arith.constant 1 : index
    %get3A_5 = arith.constant 0 : index
    %get3A_6 = arith.constant 0 : index
    %get3A_7 = vector.load %arg1[%get3A_4, %get3A_5, %get3A_6] : memref<2x640x128xf32, #tpu.memory_space<vmem>>, vector<1x640x128xf32>
    %get3A_8 = vector.shape_cast %get3A_7 : vector<1x640x128xf32> to vector<640x128xf32>
    %add3A = arith.addf %get3A_3, %get3A_8 : vector<640x128xf32>
    %swap3A = arith.constant 0 : index
    %swap3A_9 = arith.constant 0 : index
    %swap3A_10 = vector.load %arg2[%swap3A, %swap3A_9] : memref<640x128xf32, #tpu.memory_space<vmem>>, vector<640x128xf32>
    tpu.vector_store %arg2[%swap3A, %swap3A_9], %add3A {strides = array<i32>} : memref<640x128xf32, #tpu.memory_space<vmem>>, vector<640x128xf32>,
    return
  }
  func.func @transform_0(%arg0: i32) -> (i32, i32, i32) {
    %c0_i32 = arith.constant 0 : i32
    %c0_i32_0 = arith.constant 0 : i32
    %c0_i32_1 = arith.constant 0 : i32
    return %c0_i32, %arg0, %c0_i32_0 : i32, i32, i32
  }
  func.func @transform_1(%arg0: i32) -> (i32, i32) {
    %c0_i32 = arith.constant 0 : i32
    %c0_i32_0 = arith.constant 0 : i32
    return %arg0, %c0_i32 : i32, i32
  }
}

</mosaic_0001>

<sc_bundles>
// kernel: kernel.5.cloned.1.call-start
scs
__scs_entry_jumppad:
0x0: {  	(pc) =	sbr.rel $0x88, $3  }
0x1: {  	(tag) =	ssettag $0x0;
	lr =	simm.s32 $0x1  }
0x2: {  	[smem:$0x3F9C] =	sst lr;
	_ =	strace $0xD0000000  }
0x3: {  	_ = 	snop  }
0x4: {  	_ = 	snop  }
0x5: {  	_ = 	snop  }
0x6: {  	_ = 	snop  }
0x7: {  	_ = 	snop  }
__scs_overlays_trampoline_lowered:
0x8: {  	[smem:$0x3FAB] =	sst s0  }
0x9: {  	[smem:$0x3FAC] =	sst s1  }
0xa: {  	[smem:$0x3FAD] =	sst s2  }
0xb: {  	[smem:$0x3FAE] =	sst s3  }
0xc: {  	[smem:$0x3FAF] =	sst s4  }
0xd: {  	[smem:$0x3FB0] =	sst s5  }
0xe: {  	[smem:$0x3FB1] =	sst s6  }
0xf: {  	[smem:$0x3FB2] =	sst s7  }
0x10: {  	[smem:$0x3FB3] =	sst s8  }
0x11: {  	[smem:$0x3FB4] =	sst s9;
	s0 =	simm.s32 @!p0 $0x0  }
0x12: {  	s1 =	sld [smem:$0x3F9A];
	s0 =	simm.s32 @p0 $0x1  }
0x13: {  	[smem:$0x3FB5] =	sst s0;
	s0 =	simm.s32 @!p1 $0x0  }
0x14: {  	s2 =	sld [smem:$0x3F99];
	s0 =	simm.s32 @p1 $0x1  }
0x15: {  	[smem:$0x3FB6] =	sst s0;
	s0 =	simm.s32 @!p2 $0x0  }
0x16: {  	s3 =	sld [smem:$0x3FDB];
	s0 =	simm.s32 @p2 $0x1  }
0x17: {  	s4 =	simm.s32 $0x1BF5;
	[smem:$0x3FB8] =	sst s0  }
0x18: {  	s0 =	sld [smem:$0x3F9B];
	_ =	swait.ge [sflag:s4], $0x0  }
0x19: {  	s7 =	sld [smem:$0x3F9C]  }
0x1a: {  	s8 =	sadd.s32 $0xFFFFE003, lr  }
0x1b: {  	s9 =	sadd.s32 $0xFFFFFEF7, lr;
	s5 =	simm.s32 $0xFFFFFFFF;
	p2 =	slt.u32 s8, $0xFFFFF086  }
0x1c: {  	p1 =	slt.u32 s9, $0xF7A;
	s5 =	simm.s32 @!p2 $0x0  }
0x1d: {  	s5 =	simm.s32 @p1 $0x1;
	p0 =	seq.s32 s7, s2  }
0x1e: {  	s7 =	smul.u32 @!p0 $0xF7A, s2;
	p2 =	seq.s32 @!p0 s5, $0x0  }
0x1f: {  	s9 =	smul.u32 $0xF7A, s1;
	s8 =	simm.s32 @!p0 $0x1BF5;
	p2 =	por !p2, p0  }
0x20: {  	[sflag:s8] =	ssyncset.s32 @!p0 $0xFFFFF086;
	s6 =	sadd.s32 @!p0 s3, s7;
	s7 =	simm.s32 @!p0 $0x108  }
0x21: {  	s3 =	sadd.s32 s3, s9;
	s6 =	sadd.s32 @!p0 $0x88, s6;
	s7 =	simm.s32 @p2 $0x1082  }
0x22: {  	[simem:s7], [sflag:s8] =	dma.local @!p0 [hbm:s6], $0xF7A  }
0x23: {  	s9 =	sor.u32 $0xD0000000, s2;
	s6 =	simm.s32 $0x108;
	_ =	swait.ge @!p0 [sflag:s8], $0x0  }
0x24: {  	s3 =	sadd.s32 $0x88, s3;
	s6 =	simm.s32 @!p1 $0x1082;
	[sflag:s4] =	ssyncset.s32 $0xFFFFF086  }
0x25: {  	[simem:s6], [sflag:s4] =	dma.local [hbm:s3], $0xF7A  }
0x26: {  	[smem:$0x3F9C] =	sst s1;
	(tag) =	ssettag s2;
	_ =	strace s9  }
0x27: {  	s1 =	sld [smem:$0x3FAC]  }
0x28: {  	s2 =	sld [smem:$0x3FAD]  }
0x29: {  	s4 =	sld [smem:$0x3FAF]  }
0x2a: {  	p0 =	seq.s32 s5, $0x0;
	s5 =	sld [smem:$0x3FB0]  }
0x2b: {  	s6 =	sld [smem:$0x3FB1]  }
0x2c: {  	s7 =	sld [smem:$0x3FB2]  }
0x2d: {  	s3 =	simm.s32 $0x108;
	s8 =	sld [smem:$0x3FB3]  }
0x2e: {  	s3 =	simm.s32 @!p0 $0x1082;
	s9 =	sld [smem:$0x3FB4]  }
0x2f: {  	lr =	sadd.s32 s0, s3;
	s0 =	sld [smem:$0x3FAB]  }
0x30: {  	s3 =	sld [smem:$0x3FAE]  }
0x31: {  	[smem:$0x3FB7] =	sst s10  }
0x32: {  	s10 =	sld [smem:$0x3FB5];
	_ =	sdelay $0x3  }
0x33: {  	p0 =	seq.s32 s10, $0x1;
	s10 =	sld [smem:$0x3FB7];
	_ =	sdelay $0x3  }
0x34: {  	[smem:$0x3FB7] =	sst s10  }
0x35: {  	s10 =	sld [smem:$0x3FB6];
	_ =	sdelay $0x3  }
0x36: {  	p1 =	seq.s32 s10, $0x1;
	s10 =	sld [smem:$0x3FB7];
	_ =	sdelay $0x3  }
0x37: {  	[smem:$0x3FB7] =	sst s10  }
0x38: {  	s10 =	sld [smem:$0x3FB8]  }
0x39: {  	_ = 	snop;
	(pc) =	sbr.ind lr, $3  }
0x3a: {  	_ = 	snop  }
0x3b: {  	_ = 	snop  }
0x3c: {  	p2 =	seq.s32 s10, $0x1;
	s10 =	sld [smem:$0x3FB7]  }
0x3d: {  	_ =	shalt  }
0x3e: {  	_ =	shalt  }
0x3f: {  	_ =	shalt  }
0x40: {  	_ =	shalt  }
0x41: {  	_ =	shalt  }
0x42: {  	_ =	shalt  }
0x43: {  	_ =	shalt  }
0x44: {  	_ =	shalt  }
0x45: {  	_ =	shalt  }
0x46: {  	_ =	shalt  }
0x47: {  	_ =	shalt  }
0x48: {  	_ =	shalt  }
0x49: {  	_ =	shalt  }
0x4a: {  	_ =	shalt  }
0x4b: {  	_ =	shalt  }
0x4c: {  	_ =	shalt  }
0x4d: {  	_ =	shalt  }
0x4e: {  	_ =	shalt  }
0x4f: {  	_ =	shalt  }
0x50: {  	_ =	shalt  }
0x51: {  	_ =	shalt  }
0x52: {  	_ =	shalt  }
0x53: {  	_ =	shalt  }
0x54: {  	_ =	shalt  }
0x55: {  	_ =	shalt  }
0x56: {  	_ =	shalt  }
0x57: {  	_ =	shalt  }
0x58: {  	_ =	shalt  }
0x59: {  	_ =	shalt  }
0x5a: {  	_ =	shalt  }
0x5b: {  	_ =	shalt  }
0x5c: {  	_ =	shalt  }
0x5d: {  	_ =	shalt  }
0x5e: {  	_ =	shalt  }
0x5f: {  	_ =	shalt  }
0x60: {  	_ =	shalt  }
0x61: {  	_ =	shalt  }
0x62: {  	_ =	shalt  }
0x63: {  	_ =	shalt  }
0x64: {  	_ =	shalt  }
0x65: {  	_ =	shalt  }
0x66: {  	_ =	shalt  }
0x67: {  	_ =	shalt  }
0x68: {  	_ =	shalt  }
0x69: {  	_ =	shalt  }
0x6a: {  	_ =	shalt  }
0x6b: {  	_ =	shalt  }
0x6c: {  	_ =	shalt  }
0x6d: {  	_ =	shalt  }
0x6e: {  	_ =	shalt  }
0x6f: {  	_ =	shalt  }
0x70: {  	_ =	shalt  }
0x71: {  	_ =	shalt  }
0x72: {  	_ =	shalt  }
0x73: {  	_ =	shalt  }
0x74: {  	_ =	shalt  }
0x75: {  	_ =	shalt  }
0x76: {  	_ =	shalt  }
0x77: {  	_ =	shalt  }
0x78: {  	_ =	shalt  }
0x79: {  	_ =	shalt  }
0x7a: {  	_ =	shalt  }
0x7b: {  	_ =	shalt  }
0x7c: {  	_ =	shalt  }
0x7d: {  	_ =	shalt  }
0x7e: {  	_ =	shalt  }
0x7f: {  	_ =	shalt  }
0x80: {  	_ =	shalt  }
0x81: {  	_ =	shalt  }
0x82: {  	_ =	shalt  }
0x83: {  	_ =	shalt  }
0x84: {  	_ =	shalt  }
0x85: {  	_ =	shalt  }
0x86: {  	_ =	shalt  }
0x87: {  	_ =	shalt  }
.Lfunc_end0:
.L_simem_size_0:
called_computation_lowered:
.L_overlay_start_0:
0x88: {  	s2 =	sld [smem:$0x3FD9]  }
0x89: {  	s3 =	sld [smem:$0x3FFE];
	_ =	sdelay $0x1  }
0x8a: {  	s1 =	srdreg.scid  }
0x8b: {  	s0 =	sand.u32 $0x1, s1  }
0x8c: {  	s17 =	sshll.u32 s0, $0xA;
	s2 =	sadd.s32 s3, s2  }
0x8d: {  	s2 =	sadd.s32 s2, s17  }
0x8e: {  	[smem:$0x3FC3] =	sst s2  }
0x8f: {  	_ = 	snop  }
0x90: {  	s2 =	sld [smem:$0x3FD0];
	(tm) =	ssettm $0x1  }
0x91: {  	s18 =	sld [smem:$0x3FFB];
	_ =	sdelay $0x3  }
0x92: {  	_ =	strace s18  }
0x93: {  	s3 =	sld [smem:$0x3FFC];
	_ =	sdelay $0x3  }
0x94: {  	_ =	strace s3  }
0x95: {  	s3 =	sld [smem:$0x3FFD];
	_ =	sdelay $0x3  }
0x96: {  	_ =	strace s3  }
0x97: {  	_ =	strace $0x8FFFFFFF  }
0x98: {  	s19 =	sld [smem:$0x3FDB];
	_ =	sdelay $0x1  }
0x99: {  	s4 =	simm.s32 $_scs_section_size  }
0x9a: {  	s5 =	simm.s32 $_size__tile_overlayer_lowered;
	s6 =	simm.s32 $_tile_overlayer_lowered  }
0x9b: {  	s22 =	simm.s32 $0x1BFF;
	s21 =	sshll.u32 s6, $0x1;
	s3 =	sadd.s32 s4, s19  }
0x9c: {  	s7 =	simm.s32 $0x0;
	s20 =	sshll.u32 s5, $0x1;
	s5 =	sadd.s32 s21, s3  }
0x9d: {  	[timem:s7], [sflag:s22] =	dma.local [hbm:s5], s20  }
0x9e: {  	_ =	swait.ge [sflag:s22], s20  }
0x9f: {  	s4 =	ssub.s32 $0x0, s20;
	[sflag:s22] =	ssyncset.done $0x0  }
0xa0: {  	[sflag:s22] =	ssyncadd.s32 s4;
	_ =	sdelay $0x1  }
0xa1: {  	s23 =	simm.s32 $0x1B8B  }
0xa2: {  	_ =	swait.ge [sflag:s23], $0x1  }
0xa3: {  	[sflag:s23] =	ssyncset.done $0x0  }
0xa4: {  	s25 =	simm.s32 $0x1B8E;
	s24 =	sld [smem:$0x3FFE];
	[sflag:s23] =	ssyncadd.s32 $0xFFFFFFFF  }
0xa5: {  	s26 =	simm.s32 $execute0_lowered;
	[smem:$0x3FD2] =	sst s25  }
0xa6: {  	s5 =	sshll.u32 s26, $0x1;
	_ =	strace $0x80000046;
	[dreg:$0x1] =	wrdreg $0xFFFFFFFF  }
0xa7: {  	s28 =	simm.s32 $_size_execute0_lowered;
	s3 =	sadd.s32 s3, s5;
	[dreg:$0x0] =	wrdreg $0x0  }
0xa8: {  	s5 =	sshll.u32 s28, $0x1;
	[dreg:$0x2] =	wrdreg s3  }
0xa9: {  	[dreg:$0x3] =	wrdreg s5  }
0xaa: {  	[dreg:$0x4] =	wrdreg $0xC0  }
0xab: {  	_ =	task [dreg:s7], $0x5FFFF  }
0xac: {  	[dreg:$0x1] =	wrdreg $0xFFFFFFFF  }
0xad: {  	[dreg:$0x0] =	wrdreg $0x60  }
0xae: {  	[dreg:$0x2] =	wrdreg s2  }
0xaf: {  	[dreg:$0x3] =	wrdreg s24  }
0xb0: {  	[dreg:$0x4] =	wrdreg $0x0  }
0xb1: {  	[dreg:$0x5] =	wrdreg $0x9  }
0xb2: {  	_ =	task.clear_ibuf [dreg:s7], $0x6FFFF;
	_ =	strace $0x90000046  }
0xb3: {  	s29 =	simm.s32 $0x9;
	_ =	strace $0x80000048  }
0xb4: {  	_ =	swait.ge [sflag:s29], $0x1  }
0xb5: {  	[sflag:s29] =	ssyncadd.s32 $0xFFFFFFFF  }
0xb6: {  	_ =	strace $0x90000048  }
0xb7: {  	_ =	sfence  }
0xb8: {  	s30 =	sld [smem:$0x0];
	_ =	sdelay $0x2  }
0xb9: {  	s31 =	sshll.u32 s1, $0xD;
	s1 =	sshrl.u32 s1, $0x2  }
0xba: {  	s3 =	sand.u32 $0x4000, s31;
	s1 =	sadd.s32 s1, s30  }
0xbb: {  	s0 =	sor.u32 s3, s0;
	s1 =	sshll.u32 s1, $0x11  }
0xbc: {  	s0 =	sor.u32 s1, s0  }
0xbd: {  	s0 =	sadd.s32 $0x8F2B, s0  }
0xbe: {  	[sflag:s0] =	ssyncadd.remote.s32 $0x1  }
0xbf: {  	_ =	sfence.sel $0xFFFF  }
0xc0: {  	[dreg:$0x0] =	wrdreg $0xFFFFFFFF;
	(pc) =	sbr.abs _section_cstart, $3  }
0xc1: {  	[dreg:$0x1] =	wrdreg $0xFFFFFFFF  }
0xc2: {  	_ =	task.clear_ibuf [dreg:s7], $0x2FFFF;
	_ =	strace $0x9FFFFFFF  }
0xc3: {  	(tm) =	ssettm $0x7FFFFFFF  }
tec
execute0_lowered:
.L_overlay_start_1:
0x0: {  	(tag) =	ssettag $0x1  }
0x1: {  	s1 =	rddreg [dreg:$0x0]  }
0x2: {  	s0 =	rddreg [dreg:$0x1]  }
0x3: {  	s2 =	rddreg [dreg:$0x2];
	s3 =	srdreg.scid;
	s4 =	simm.s32 $0x0  }
0x4: {  	s26 =	stileid.u32;
	s21 =	simm.s32 $0x18800;
	s22 =	simm.s32 $0x2  }
0x5: {  	s23 =	simm.s32 $0x14000;
	s24 =	simm.s32 $0x15800;
	s25 =	simm.s32 $0x17000  }
0x6: {  	s28 =	simm.s32 $0x1;
	s5 =	sand.u32 $0x1, s3;
	s7 =	smul.u32 $0x14000, s26  }
0x7: {  	[smem:$0x7FF] =	sst s4;
	s16 =	sadd.s32 $0xCE00, s0;
	s29 =	smul.u32 $0x50000, s26  }
0x8: {  	s17 =	sadd.s32 $0x18E00, s0;
	s18 =	sadd.s32 $0xE00, s0;
	s6 =	smul.u32 $0x140000, s5  }
0x9: {  	_ =	strace $0x80000047;
	s30 =	ssub.s32 $0x2, s5;
	s5 =	sshll.u32 s5, $0x4  }
0xa: {  	s8 =	sshrl.u32 s30, $0x1;
	s9 =	sor.u32 s26, s5;
	s31 =	sshrl.u32 s29, $0x2  }
0xb: {  	s26 =	simm.s32 $0x70;
	s6 =	sadd.s32 s7, s6;
	s20 =	ssub.s32 s30, s8  }
0xc: {  	s5 =	sadd.s32 s31, s2;
	s11 =	smul.u32 $0x3000, s9;
	s6 =	sshrl.u32 s6, $0x3  }
0xd: {  	s7 =	sadd.s32 $0x5000, s5;
	s8 =	sadd.s32 $0x7800, s5;
	s9 =	sadd.s32 $0xA000, s5  }
0xe: {  	s10 =	sadd.s32 $0xC800, s5;
	s12 =	sadd.s32 $0x11800, s5;
	s19 =	sshrl.u32 s11, $0x3  }
0xf: {  	s20 =	smax.u32 s20, $0x1;
	s0 =	sadd.s32 s6, s0;
	s13 =	sadd.s32 s16, s19  }
0x10: {  	s14 =	sadd.s32 s17, s19;
	s15 =	sadd.s32 s18, s19;
	s19 =	sadd.s32 $0x300, s19  }
0x11: {  	s6 =	sadd.s32 $0x2800, s5;
	s11 =	sadd.s32 $0xF000, s5;
	s16 =	sadd.s32 s16, s19  }
0x12: {  	v0 =	vimm.f32 $0.0e+00;
	s17 =	sadd.s32 s17, s19;
	s18 =	sadd.s32 s18, s19;
	s19 =	sadd.s32 $0x24E00, s0  }
.LBB2_1:
0x13: {  	s0 =	simm.s32 $0x0;
	s29 =	simm.s32 $0x200  }
.LBB2_2:
0x14: {  	p0 =	sne.s32 s29, $0x9E00;
	[tilespmem:s0+$0x18870] =	vst v0  }
0x15: {  	[tilespmem:s0+$0x18800] =	vst v0  }
0x16: {  	[tilespmem:s0+$0x18810] =	vst v0  }
.Ltmp0:
0x17: {  	[tilespmem:s0+$0x18820] =	vst v0;
	(pc) =	sbr.rel @p0 .LBB2_2-.Ltmp0, $4  }
0x18: {  	[tilespmem:s0+$0x18830] =	vst v0  }
0x19: {  	[tilespmem:s0+$0x18840] =	vst v0  }
0x1a: {  	[tilespmem:s0+$0x18850] =	vst v0  }
0x1b: {  	[tilespmem:s0+$0x18860] =	vst v0;
	s0 =	sshra.s32 s29, $0x2;
	s29 =	sadd.s32 $0x200, s29  }
0x1c: {  	[tilespmem:s0+$0x18870] =	vst v0  }
0x1d: {  	[tilespmem:s0+$0x18800] =	vst v0  }
0x1e: {  	[tilespmem:s0+$0x18810] =	vst v0  }
0x1f: {  	[tilespmem:s0+$0x18820] =	vst v0  }
0x20: {  	[tilespmem:s0+$0x18830] =	vst v0  }
0x21: {  	[tilespmem:s0+$0x18840] =	vst v0  }
0x22: {  	[tilespmem:s0+$0x18850] =	vst v0  }
0x23: {  	[tilespmem:s0+$0x18860] =	vst v0  }
0x24: {  	[spmem:s5] =	stream.linear.scatter [tilespmem:s21], [sflag:$0x2], $0x2800, $0x38;
	[tilespmem:$0x1C000] =	vst v63  }
0x25: {  	_ =	swait.ge [sflag:s22], $0x2800  }
0x26: {  	[sflag:s22] =	ssyncset.done $0x0  }
0x27: {  	[sflag:s22] =	ssyncadd.s32 $0xFFFFD800  }
0x28: {  	[spmem:s6] =	stream.linear.scatter [tilespmem:s21], [sflag:$0x2], $0x2800, $0x38;
	[tilespmem:$0x1C000] =	vst v63  }
0x29: {  	_ =	swait.ge [sflag:s22], $0x2800  }
0x2a: {  	[sflag:s22] =	ssyncset.done $0x0  }
0x2b: {  	[sflag:s22] =	ssyncadd.s32 $0xFFFFD800  }
0x2c: {  	[spmem:s7] =	stream.linear.scatter [tilespmem:s21], [sflag:$0x2], $0x2800, $0x38;
	[tilespmem:$0x1C000] =	vst v63  }
0x2d: {  	_ =	swait.ge [sflag:s22], $0x2800  }
0x2e: {  	[sflag:s22] =	ssyncset.done $0x0  }
0x2f: {  	[sflag:s22] =	ssyncadd.s32 $0xFFFFD800  }
0x30: {  	[spmem:s8] =	stream.linear.scatter [tilespmem:s21], [sflag:$0x2], $0x2800, $0x38;
	[tilespmem:$0x1C000] =	vst v63  }
0x31: {  	_ =	swait.ge [sflag:s22], $0x2800  }
0x32: {  	[sflag:s22] =	ssyncset.done $0x0  }
0x33: {  	[sflag:s22] =	ssyncadd.s32 $0xFFFFD800  }
0x34: {  	[spmem:s9] =	stream.linear.scatter [tilespmem:s21], [sflag:$0x2], $0x2800, $0x38;
	[tilespmem:$0x1C000] =	vst v63  }
0x35: {  	_ =	swait.ge [sflag:s22], $0x2800  }
0x36: {  	[sflag:s22] =	ssyncset.done $0x0  }
0x37: {  	[sflag:s22] =	ssyncadd.s32 $0xFFFFD800  }
0x38: {  	[spmem:s10] =	stream.linear.scatter [tilespmem:s21], [sflag:$0x2], $0x2800, $0x38;
	[tilespmem:$0x1C000] =	vst v63  }
0x39: {  	_ =	swait.ge [sflag:s22], $0x2800  }
0x3a: {  	[sflag:s22] =	ssyncset.done $0x0  }
0x3b: {  	[sflag:s22] =	ssyncadd.s32 $0xFFFFD800  }
0x3c: {  	[spmem:s11] =	stream.linear.scatter [tilespmem:s21], [sflag:$0x2], $0x2800, $0x38;
	[tilespmem:$0x1C000] =	vst v63  }
0x3d: {  	_ =	swait.ge [sflag:s22], $0x2800  }
0x3e: {  	[sflag:s22] =	ssyncset.done $0x0  }
0x3f: {  	[sflag:s22] =	ssyncadd.s32 $0xFFFFD800  }
0x40: {  	[spmem:s12] =	stream.linear.scatter [tilespmem:s21], [sflag:$0x2], $0x2800, $0x38;
	[tilespmem:$0x1C000] =	vst v63  }
0x41: {  	_ =	swait.ge [sflag:s22], $0x2800  }
0x42: {  	[sflag:s22] =	ssyncset.done $0x0  }
0x43: {  	[sflag:s22] =	ssyncadd.s32 $0xFFFFD800  }
0x44: {  	s29 =	simm.s32 $0x0;
	[bflag:$0x0] =	sbarrier.arrive $0xFFFF  }
0x45: {  	[tilespmem:s23], [sflag:$0x2] =	stream.linear.gather [hbm4b:s13+s29], $0x1800, $0x38;
	[tilespmem:$0x1C000] =	vst v63  }
0x46: {  	_ =	swait.ge [sflag:s22], $0x1800  }
0x47: {  	[sflag:s22] =	ssyncset.done $0x0  }
0x48: {  	[sflag:s22] =	ssyncadd.s32 $0xFFFFE800  }
0x49: {  	[tilespmem:s24], [sflag:$0x2] =	stream.linear.gather [hbm4b:s14+s29], $0x1800, $0x38;
	[tilespmem:$0x1C000] =	vst v63  }
0x4a: {  	_ =	swait.ge [sflag:s22], $0x1800  }
0x4b: {  	[sflag:s22] =	ssyncset.done $0x0  }
0x4c: {  	[sflag:s22] =	ssyncadd.s32 $0xFFFFE800  }
0x4d: {  	[tilespmem:s25], [sflag:$0x2] =	stream.linear.gather [hbm4b:s15+s29], $0x1800, $0x38;
	[tilespmem:$0x1C000] =	vst v63  }
0x4e: {  	_ =	swait.ge [sflag:s22], $0x1800  }
0x4f: {  	[sflag:s22] =	ssyncset.done $0x0  }
0x50: {  	[sflag:s22] =	ssyncadd.s32 $0xFFFFE800  }
.LBB2_4:
0x51: {  	s30 =	sshll.u32 s29, $0x7  }
0x52: {  	s0 =	sadd.s32 $0x17000, s30  }
0x53: {  	s31 =	sadd.s32 $0x14000, s30;
	v1 =	vmov s0  }
0x54: {  	[tilespmem:s21], [sflag:$0x1] =	stream.indirect.gather [hbm4b:s1+s26], $0x80, s31, s26, $0xb8;
	[tilespmem:$0x1C000] =	vst v63  }
0x55: {  	_ =	swait.ge [sflag:s28], $0x3800  }
0x56: {  	s3 =	simm.s32 $0x0;
	[sflag:s28] =	ssyncset.done $0x0  }
0x57: {  	s0 =	sand.u32 $0x3FFFFFF0, s3;
	s31 =	simm.s32 $0x0;
	[sflag:s28] =	ssyncadd.s32 $0xFFFFC800  }
0x58: {  	s31 =	sand.u32 $0x3FFFF800, s31;
	v2 =	vld.idx.msk [tilespmem:v1+s0+$0x0 ss:$0x1], $0xffff  }
0x59: {  	v8 =	vld [tilespmem:s31+$0x188C0]  }
0x5a: {  	v4 =	vld [tilespmem:s31+$0x18820]  }
0x5b: {  	v5 =	vld [tilespmem:s31+$0x18830]  }
0x5c: {  	v11 =	vld [tilespmem:s31+$0x18860]  }
0x5d: {  	v12 =	vld [tilespmem:s31+$0x18870];
	v3 =	vbroadcast v2, $0x0  }
0x5e: {  	v13 =	vld [tilespmem:s31+$0x18880]  }
0x5f: {  	v14 =	vld [tilespmem:s31+$0x18890];
	v4 =	vmul.f32 v4, v3  }
0x60: {  	v15 =	vld [tilespmem:s31+$0x188A0];
	v5 =	vmul.f32 v5, v3  }
0x61: {  	v10 =	vld [tilespmem:s31+$0x188B0];
	v21 =	vbroadcast v2, $0x1;
	v20 =	vmul.f32 v11, v3;
	[tilespmem:s31+$0x18820] =	vst v4  }
0x62: {  	v9 =	vld [tilespmem:s31+$0x188D0];
	v12 =	vmul.f32 v12, v3;
	[tilespmem:s31+$0x18830] =	vst v5  }
0x63: {  	v7 =	vld [tilespmem:s31+$0x18D70];
	v13 =	vmul.f32 v13, v21;
	[tilespmem:s31+$0x18860] =	vst v20  }
0x64: {  	v23 =	vld [tilespmem:s31+$0x188F0];
	v14 =	vmul.f32 v14, v21;
	[tilespmem:s31+$0x18870] =	vst v12  }
0x65: {  	v24 =	vld [tilespmem:s31+$0x18900];
	v15 =	vmul.f32 v15, v21;
	[tilespmem:s31+$0x18880] =	vst v13  }
0x66: {  	v25 =	vld [tilespmem:s31+$0x18910];
	v10 =	vmul.f32 v10, v21;
	[tilespmem:s31+$0x18890] =	vst v14  }
0x67: {  	v22 =	vld [tilespmem:s31+$0x188E0];
	v8 =	vmul.f32 v8, v21;
	[tilespmem:s31+$0x188A0] =	vst v15  }
0x68: {  	v26 =	vld [tilespmem:s31+$0x18920];
	v16 =	vbroadcast v2, $0x2;
	v9 =	vmul.f32 v9, v21;
	[tilespmem:s31+$0x188B0] =	vst v10  }
0x69: {  	v27 =	vld [tilespmem:s31+$0x18930];
	v11 =	vmul.f32 v23, v21;
	[tilespmem:s31+$0x188C0] =	vst v8  }
0x6a: {  	v28 =	vld [tilespmem:s31+$0x18940];
	v6 =	vbroadcast v2, $0xA;
	v30 =	vmul.f32 v24, v16;
	[tilespmem:s31+$0x188D0] =	vst v9  }
0x6b: {  	v29 =	vld [tilespmem:s31+$0x18950];
	v32 =	vmul.f32 v25, v16;
	[tilespmem:s31+$0x188F0] =	vst v11  }
0x6c: {  	v31 =	vld [tilespmem:s31+$0x18960];
	v4 =	vmul.f32 v7, v6;
	[tilespmem:s31+$0x18900] =	vst v30  }
0x6d: {  	v33 =	vld [tilespmem:s31+$0x18970];
	v12 =	vmul.f32 v22, v21;
	[tilespmem:s31+$0x18910] =	vst v32  }
0x6e: {  	v34 =	vld [tilespmem:s31+$0x18980];
	v10 =	vmul.f32 v26, v16;
	[tilespmem:s31+$0x18D70] =	vst v4  }
0x6f: {  	v35 =	vld [tilespmem:s31+$0x18990];
	v8 =	vmul.f32 v27, v16;
	[tilespmem:s31+$0x188E0] =	vst v12  }
0x70: {  	v36 =	vld [tilespmem:s31+$0x189A0];
	v9 =	vmul.f32 v28, v16;
	[tilespmem:s31+$0x18920] =	vst v10  }
0x71: {  	v37 =	vld [tilespmem:s31+$0x189B0];
	v39 =	vbroadcast v2, $0x3;
	v11 =	vmul.f32 v31, v16;
	[tilespmem:s31+$0x18930] =	vst v8  }
0x72: {  	v38 =	vld [tilespmem:s31+$0x189C0];
	v13 =	vmul.f32 v33, v16;
	[tilespmem:s31+$0x18940] =	vst v9  }
0x73: {  	v40 =	vld [tilespmem:s31+$0x189D0];
	v14 =	vmul.f32 v34, v39;
	[tilespmem:s31+$0x18960] =	vst v11  }
0x74: {  	v41 =	vld [tilespmem:s31+$0x189E0];
	v12 =	vmul.f32 v29, v16;
	[tilespmem:s31+$0x18970] =	vst v13  }
0x75: {  	v42 =	vld [tilespmem:s31+$0x189F0];
	v10 =	vmul.f32 v35, v39;
	[tilespmem:s31+$0x18980] =	vst v14  }
0x76: {  	v43 =	vld [tilespmem:s31+$0x18A00];
	v8 =	vmul.f32 v36, v39;
	[tilespmem:s31+$0x18950] =	vst v12  }
0x77: {  	v44 =	vld [tilespmem:s31+$0x18A10];
	v9 =	vmul.f32 v37, v39;
	[tilespmem:s31+$0x18990] =	vst v10  }
0x78: {  	v45 =	vld [tilespmem:s31+$0x18A20];
	v11 =	vmul.f32 v40, v39;
	[tilespmem:s31+$0x189A0] =	vst v8  }
0x79: {  	v46 =	vld [tilespmem:s31+$0x18A30];
	v13 =	vmul.f32 v41, v39;
	[tilespmem:s31+$0x189B0] =	vst v9  }
0x7a: {  	v47 =	vld [tilespmem:s31+$0x18A40];
	v48 =	vbroadcast v2, $0x4;
	v14 =	vmul.f32 v42, v39;
	[tilespmem:s31+$0x189D0] =	vst v11  }
0x7b: {  	v49 =	vld [tilespmem:s31+$0x18A50];
	v12 =	vmul.f32 v38, v39;
	[tilespmem:s31+$0x189E0] =	vst v13  }
0x7c: {  	v50 =	vld [tilespmem:s31+$0x18A60];
	v10 =	vmul.f32 v43, v48;
	[tilespmem:s31+$0x189F0] =	vst v14  }
0x7d: {  	v51 =	vld [tilespmem:s31+$0x18A70];
	v8 =	vmul.f32 v44, v48;
	[tilespmem:s31+$0x189C0] =	vst v12  }
0x7e: {  	v52 =	vld [tilespmem:s31+$0x18A80];
	v9 =	vmul.f32 v45, v48;
	[tilespmem:s31+$0x18A00] =	vst v10  }
0x7f: {  	v53 =	vld [tilespmem:s31+$0x18A90];
	v11 =	vmul.f32 v47, v48;
	[tilespmem:s31+$0x18A10] =	vst v8  }
0x80: {  	v54 =	vld [tilespmem:s31+$0x18AA0];
	v13 =	vmul.f32 v49, v48;
	[tilespmem:s31+$0x18A20] =	vst v9  }
0x81: {  	v55 =	vld [tilespmem:s31+$0x18AB0];
	v14 =	vmul.f32 v50, v48;
	[tilespmem:s31+$0x18A40] =	vst v11  }
0x82: {  	v56 =	vld [tilespmem:s31+$0x18AC0];
	v57 =	vbroadcast v2, $0x5;
	v12 =	vmul.f32 v46, v48;
	[tilespmem:s31+$0x18A50] =	vst v13  }
0x83: {  	v58 =	vld [tilespmem:s31+$0x18AD0];
	v10 =	vmul.f32 v51, v48;
	[tilespmem:s31+$0x18A60] =	vst v14  }
0x84: {  	v59 =	vld [tilespmem:s31+$0x18AE0];
	v8 =	vmul.f32 v52, v57;
	[tilespmem:s31+$0x18A30] =	vst v12  }
0x85: {  	v60 =	vld [tilespmem:s31+$0x18AF0];
	v9 =	vmul.f32 v53, v57;
	[tilespmem:s31+$0x18A70] =	vst v10  }
0x86: {  	v61 =	vld [tilespmem:s31+$0x18B00];
	v11 =	vmul.f32 v55, v57;
	[tilespmem:s31+$0x18A80] =	vst v8  }
0x87: {  	v62 =	vld [tilespmem:s31+$0x18B10];
	v13 =	vmul.f32 v56, v57;
	[tilespmem:s31+$0x18A90] =	vst v9  }
0x88: {  	v63 =	vld [tilespmem:s31+$0x18B20];
	v14 =	vmul.f32 v58, v57;
	[tilespmem:s31+$0x18AB0] =	vst v11  }
0x89: {  	v20 =	vld [tilespmem:s31+$0x18B30];
	v12 =	vmul.f32 v54, v57;
	[tilespmem:s31+$0x18AC0] =	vst v13  }
0x8a: {  	v21 =	vld [tilespmem:s31+$0x18B40];
	v22 =	vbroadcast v2, $0x6;
	v10 =	vmul.f32 v59, v57;
	[tilespmem:s31+$0x18AD0] =	vst v14  }
0x8b: {  	v23 =	vld [tilespmem:s31+$0x18B50];
	v8 =	vmul.f32 v60, v57;
	[tilespmem:s31+$0x18AA0] =	vst v12  }
0x8c: {  	v24 =	vld [tilespmem:s31+$0x18B60];
	v9 =	vmul.f32 v61, v22;
	[tilespmem:s31+$0x18AE0] =	vst v10  }
0x8d: {  	v25 =	vld [tilespmem:s31+$0x18B70];
	v11 =	vmul.f32 v63, v22;
	[tilespmem:s31+$0x18AF0] =	vst v8  }
0x8e: {  	v5 =	vld [tilespmem:s31+$0x18D80];
	v13 =	vmul.f32 v20, v22;
	[tilespmem:s31+$0x18B00] =	vst v9  }
0x8f: {  	v27 =	vld [tilespmem:s31+$0x18B90];
	v14 =	vmul.f32 v21, v22;
	[tilespmem:s31+$0x18B20] =	vst v11  }
0x90: {  	v28 =	vld [tilespmem:s31+$0x18BA0];
	v12 =	vmul.f32 v62, v22;
	[tilespmem:s31+$0x18B30] =	vst v13  }
0x91: {  	v29 =	vld [tilespmem:s31+$0x18BB0];
	v10 =	vmul.f32 v23, v22;
	[tilespmem:s31+$0x18B40] =	vst v14  }
0x92: {  	v31 =	vbroadcast v2, $0x7;
	v53 =	vld [tilespmem:s31+$0x18D00];
	v8 =	vmul.f32 v24, v22;
	[tilespmem:s31+$0x18B10] =	vst v12  }
0x93: {  	v58 =	vld [tilespmem:s31+$0x18D50];
	v9 =	vmul.f32 v25, v22;
	[tilespmem:s31+$0x18B50] =	vst v10  }
0x94: {  	v26 =	vld [tilespmem:s31+$0x18B80];
	v11 =	vmul.f32 v27, v31;
	[tilespmem:s31+$0x18B60] =	vst v8  }
0x95: {  	v30 =	vld [tilespmem:s31+$0x18BC0];
	v13 =	vmul.f32 v28, v31;
	[tilespmem:s31+$0x18B70] =	vst v9  }
0x96: {  	v32 =	vld [tilespmem:s31+$0x18BD0];
	v14 =	vmul.f32 v29, v31;
	[tilespmem:s31+$0x18B90] =	vst v11  }
0x97: {  	v33 =	vld [tilespmem:s31+$0x18BE0];
	v59 =	vmul.f32 v53, v6;
	[tilespmem:s31+$0x18BA0] =	vst v13  }
0x98: {  	v35 =	vld [tilespmem:s31+$0x18C00];
	v21 =	vmul.f32 v58, v6;
	[tilespmem:s31+$0x18BB0] =	vst v14  }
0x99: {  	v36 =	vld [tilespmem:s31+$0x18C10];
	v12 =	vmul.f32 v26, v31;
	[tilespmem:s31+$0x18D00] =	vst v59  }
0x9a: {  	v37 =	vld [tilespmem:s31+$0x18C20];
	v10 =	vmul.f32 v30, v31;
	[tilespmem:s31+$0x18D50] =	vst v21  }
0x9b: {  	v7 =	vld [tilespmem:s31+$0x18D90];
	v40 =	vbroadcast v2, $0x8;
	v8 =	vmul.f32 v32, v31;
	[tilespmem:s31+$0x18B80] =	vst v12  }
0x9c: {  	v34 =	vld [tilespmem:s31+$0x18BF0];
	v9 =	vmul.f32 v33, v31;
	[tilespmem:s31+$0x18BC0] =	vst v10  }
0x9d: {  	v57 =	vld [tilespmem:s31+$0x18D40];
	v11 =	vmul.f32 v35, v40;
	[tilespmem:s31+$0x18BD0] =	vst v8  }
0x9e: {  	v61 =	vld [tilespmem:s31+$0x18800];
	v24 =	vbroadcast v2, $0xB;
	v13 =	vmul.f32 v36, v40;
	[tilespmem:s31+$0x18BE0] =	vst v9  }
0x9f: {  	v4 =	vld [tilespmem:s31+$0x18FD0];
	v14 =	vmul.f32 v37, v40;
	[tilespmem:s31+$0x18C00] =	vst v11  }
0xa0: {  	v38 =	vld [tilespmem:s31+$0x18C30];
	v5 =	vmul.f32 v5, v24;
	[tilespmem:s31+$0x18C10] =	vst v13  }
0xa1: {  	v39 =	vld [tilespmem:s31+$0x18C40];
	v7 =	vmul.f32 v7, v24;
	[tilespmem:s31+$0x18C20] =	vst v14  }
0xa2: {  	v41 =	vld [tilespmem:s31+$0x18C50];
	v19 =	vmul.f32 v57, v6;
	[tilespmem:s31+$0x18D80] =	vst v5  }
0xa3: {  	v43 =	vld [tilespmem:s31+$0x18C70];
	v25 =	vmul.f32 v3, v61;
	[tilespmem:s31+$0x18D90] =	vst v7  }
0xa4: {  	v44 =	vld [tilespmem:s31+$0x18C80];
	v12 =	vmul.f32 v34, v31;
	[tilespmem:s31+$0x18D40] =	vst v19  }
0xa5: {  	v45 =	vld [tilespmem:s31+$0x18C90];
	v10 =	vmul.f32 v38, v40;
	[tilespmem:s31+$0x18800] =	vst v25  }
0xa6: {  	v27 =	vld [tilespmem:s31+$0x18DD0];
	v8 =	vmul.f32 v39, v40;
	[tilespmem:s31+$0x18BF0] =	vst v12  }
0xa7: {  	v49 =	vbroadcast v2, $0x9;
	v29 =	vld [tilespmem:s31+$0x18DF0];
	v9 =	vmul.f32 v41, v40;
	[tilespmem:s31+$0x18C30] =	vst v10  }
0xa8: {  	v42 =	vld [tilespmem:s31+$0x18C60];
	v11 =	vmul.f32 v43, v40;
	[tilespmem:s31+$0x18C40] =	vst v8  }
0xa9: {  	v46 =	vld [tilespmem:s31+$0x18CA0];
	v13 =	vmul.f32 v44, v49;
	[tilespmem:s31+$0x18C50] =	vst v9  }
0xaa: {  	v47 =	vld [tilespmem:s31+$0x18CB0];
	v14 =	vmul.f32 v45, v49;
	[tilespmem:s31+$0x18C70] =	vst v11  }
0xab: {  	v48 =	vld [tilespmem:s31+$0x18CC0];
	v32 =	vmul.f32 v27, v24;
	[tilespmem:s31+$0x18C80] =	vst v13  }
0xac: {  	v51 =	vld [tilespmem:s31+$0x18CE0];
	v7 =	vmul.f32 v29, v24;
	[tilespmem:s31+$0x18C90] =	vst v14  }
0xad: {  	v52 =	vld [tilespmem:s31+$0x18CF0];
	v12 =	vmul.f32 v42, v40;
	[tilespmem:s31+$0x18DD0] =	vst v32  }
0xae: {  	v10 =	vmul.f32 v46, v49;
	[tilespmem:s31+$0x18DF0] =	vst v7  }
0xaf: {  	v28 =	vld [tilespmem:s31+$0x18DE0];
	v8 =	vmul.f32 v47, v49;
	[tilespmem:s31+$0x18C60] =	vst v12  }
0xb0: {  	v30 =	vld [tilespmem:s31+$0x18E00];
	v9 =	vmul.f32 v48, v49;
	[tilespmem:s31+$0x18CA0] =	vst v10  }
0xb1: {  	v50 =	vld [tilespmem:s31+$0x18CD0];
	v5 =	vbroadcast v2, $0xF;
	v11 =	vmul.f32 v51, v49;
	[tilespmem:s31+$0x18CB0] =	vst v8  }
0xb2: {  	v54 =	vld [tilespmem:s31+$0x18D10];
	v13 =	vmul.f32 v52, v49;
	[tilespmem:s31+$0x18CC0] =	vst v9  }
0xb3: {  	v55 =	vld [tilespmem:s31+$0x18D20];
	v35 =	vbroadcast v2, $0xC;
	v4 =	vmul.f32 v4, v5;
	[tilespmem:s31+$0x18CE0] =	vst v11  }
0xb4: {  	v56 =	vld [tilespmem:s31+$0x18D30];
	v40 =	vmul.f32 v28, v24;
	[tilespmem:s31+$0x18CF0] =	vst v13  }
0xb5: {  	v60 =	vld [tilespmem:s31+$0x18D60];
	v16 =	vmul.f32 v30, v35;
	[tilespmem:s31+$0x18FD0] =	vst v4  }
0xb6: {  	v62 =	vld [tilespmem:s31+$0x18810];
	v12 =	vmul.f32 v50, v49;
	[tilespmem:s31+$0x18DE0] =	vst v40  }
0xb7: {  	v63 =	vld [tilespmem:s31+$0x18840];
	v10 =	vmul.f32 v54, v6;
	[tilespmem:s31+$0x18E00] =	vst v16  }
0xb8: {  	v20 =	vld [tilespmem:s31+$0x18850];
	v8 =	vmul.f32 v55, v6;
	[tilespmem:s31+$0x18CD0] =	vst v12  }
0xb9: {  	v33 =	vld [tilespmem:s31+$0x18E30];
	v9 =	vmul.f32 v56, v6;
	[tilespmem:s31+$0x18D10] =	vst v10  }
0xba: {  	v61 =	vld [tilespmem:s31+$0x18FF0];
	v6 =	vmul.f32 v60, v6;
	[tilespmem:s31+$0x18D20] =	vst v8  }
0xbb: {  	v38 =	vld [tilespmem:s31+$0x18E70];
	v13 =	vmul.f32 v62, v3;
	[tilespmem:s31+$0x18D30] =	vst v9  }
0xbc: {  	v22 =	vld [tilespmem:s31+$0x18DA0];
	v4 =	vmul.f32 v63, v3;
	[tilespmem:s31+$0x18D60] =	vst v6  }
0xbd: {  	v23 =	vld [tilespmem:s31+$0x18DB0];
	v3 =	vmul.f32 v20, v3;
	[tilespmem:s31+$0x18810] =	vst v13  }
0xbe: {  	v26 =	vld [tilespmem:s31+$0x18DC0];
	v62 =	vmul.f32 v33, v35;
	[tilespmem:s31+$0x18840] =	vst v4  }
0xbf: {  	v31 =	vld [tilespmem:s31+$0x18E10];
	v63 =	vmul.f32 v61, v5;
	[tilespmem:s31+$0x18850] =	vst v3  }
0xc0: {  	v34 =	vld [tilespmem:s31+$0x18E40];
	v16 =	vmul.f32 v38, v35;
	[tilespmem:s31+$0x18E30] =	vst v62  }
0xc1: {  	v41 =	vld [tilespmem:s31+$0x18EA0];
	v8 =	vmul.f32 v22, v24;
	[tilespmem:s31+$0x18FF0] =	vst v63  }
0xc2: {  	v46 =	vld [tilespmem:s31+$0x18EE0];
	v9 =	vmul.f32 v23, v24;
	[tilespmem:s31+$0x18E70] =	vst v16  }
0xc3: {  	v6 =	vmul.f32 v26, v24;
	v3 =	vld [tilespmem:s31+$0x18E90];
	[tilespmem:s31+$0x18DA0] =	vst v8  }
0xc4: {  	v36 =	vld [tilespmem:s31+$0x18E50];
	v44 =	vbroadcast v2, $0xD;
	v10 =	vmul.f32 v31, v35;
	[tilespmem:s31+$0x18DB0] =	vst v9  }
0xc5: {  	v37 =	vld [tilespmem:s31+$0x18E60];
	v13 =	vmul.f32 v34, v35;
	[tilespmem:s31+$0x18DC0] =	vst v6  }
0xc6: {  	v39 =	vld [tilespmem:s31+$0x18E80];
	v12 =	vmul.f32 v41, v44;
	[tilespmem:s31+$0x18E10] =	vst v10  }
0xc7: {  	v42 =	vld [tilespmem:s31+$0x18EB0];
	v51 =	vmul.f32 v46, v44;
	[tilespmem:s31+$0x18E40] =	vst v13  }
0xc8: {  	v48 =	vld [tilespmem:s31+$0x18F10];
	[tilespmem:s31+$0x18EA0] =	vst v12;
	v3 =	vmul.f32 v3, v44  }
0xc9: {  	v49 =	vld [tilespmem:s31+$0x18F20];
	v9 =	vmul.f32 v36, v35;
	[tilespmem:s31+$0x18EE0] =	vst v51  }
0xca: {  	v6 =	vmul.f32 v37, v35;
	[tilespmem:s31+$0x18E90] =	vst v3;
	v3 =	vld [tilespmem:s31+$0x18F00]  }
0xcb: {  	v2 =	vbroadcast v2, $0xE;
	v50 =	vld [tilespmem:s31+$0x18F30];
	v10 =	vmul.f32 v39, v44;
	[tilespmem:s31+$0x18E50] =	vst v9  }
0xcc: {  	v45 =	vld [tilespmem:s31+$0x18ED0];
	v13 =	vmul.f32 v42, v44;
	[tilespmem:s31+$0x18E60] =	vst v6  }
0xcd: {  	v47 =	vld [tilespmem:s31+$0x18EF0];
	v12 =	vmul.f32 v48, v2;
	[tilespmem:s31+$0x18E80] =	vst v10  }
0xce: {  	v43 =	vld [tilespmem:s31+$0x18EC0];
	v11 =	vmul.f32 v49, v2;
	[tilespmem:s31+$0x18EB0] =	vst v13  }
0xcf: {  	v55 =	vld [tilespmem:s31+$0x18F80];
	[tilespmem:s31+$0x18F10] =	vst v12;
	v3 =	vmul.f32 v3, v2  }
0xd0: {  	v57 =	vld [tilespmem:s31+$0x18FA0];
	v7 =	vmul.f32 v50, v2;
	[tilespmem:s31+$0x18F20] =	vst v11  }
0xd1: {  	v6 =	vmul.f32 v45, v44;
	[tilespmem:s31+$0x18F00] =	vst v3;
	v3 =	vld [tilespmem:s31+$0x18F70]  }
0xd2: {  	v52 =	vld [tilespmem:s31+$0x18F40];
	v10 =	vmul.f32 v47, v44;
	[tilespmem:s31+$0x18F30] =	vst v7  }
0xd3: {  	v56 =	vld [tilespmem:s31+$0x18F90];
	v9 =	vmul.f32 v43, v44;
	[tilespmem:s31+$0x18ED0] =	vst v6  }
0xd4: {  	v54 =	vld [tilespmem:s31+$0x18F60];
	v12 =	vmul.f32 v55, v5;
	[tilespmem:s31+$0x18EF0] =	vst v10  }
0xd5: {  	v58 =	vld [tilespmem:s31+$0x18FB0];
	v7 =	vmul.f32 v57, v5;
	[tilespmem:s31+$0x18EC0] =	vst v9  }
0xd6: {  	v53 =	vld [tilespmem:s31+$0x18F50];
	[tilespmem:s31+$0x18F80] =	vst v12;
	v3 =	vmul.f32 v3, v2  }
0xd7: {  	v59 =	vld [tilespmem:s31+$0x18FC0];
	v6 =	vmul.f32 v52, v2;
	[tilespmem:s31+$0x18FA0] =	vst v7  }
0xd8: {  	v60 =	vld [tilespmem:s31+$0x18FE0];
	[tilespmem:s31+$0x18F70] =	vst v3;
	v3 =	vmul.f32 v56, v5  }
0xd9: {  	v10 =	vmul.f32 v54, v2;
	[tilespmem:s31+$0x18F40] =	vst v6  }
0xda: {  	v4 =	vld [tilespmem:s31+$0x18E20];
	[tilespmem:s31+$0x18F90] =	vst v3;
	v3 =	vmul.f32 v58, v5  }
0xdb: {  	[tilespmem:s31+$0x18F60] =	vst v10;
	v2 =	vmul.f32 v53, v2  }
0xdc: {  	[tilespmem:s31+$0x18FB0] =	vst v3;
	v3 =	vmul.f32 v59, v5  }
0xdd: {  	[tilespmem:s31+$0x18F50] =	vst v2;
	v5 =	vmul.f32 v60, v5  }
0xde: {  	[tilespmem:s31+$0x18FC0] =	vst v3  }
0xdf: {  	s0 =	simm.s32 $0x1;
	v3 =	vmul.f32 v4, v35;
	[tilespmem:s31+$0x18FE0] =	vst v5  }
.LBB2_5:
0xe0: {  	s3 =	sshll.u32 s0, $0x4  }
0xe1: {  	p0 =	sne.s32 s0, $0x6;
	[tilespmem:s31+$0x18E20] =	vst v3;
	s31 =	smov.u32 s0;
	s0 =	sadd.s32 $0x1, s0  }
0xe2: {  	s3 =	sand.u32 $0x3FFFFFF0, s3  }
0xe3: {  	v2 =	vld.idx.msk [tilespmem:v1+s3+$0x0 ss:$0x1], $0xffff  }
0xe4: {  	s3 =	sshll.u32 s31, $0xB  }
0xe5: {  	s31 =	sand.u32 $0x3FFFF800, s3  }
0xe6: {  	v9 =	vld [tilespmem:s31+$0x188C0]  }
0xe7: {  	v10 =	vld [tilespmem:s31+$0x188D0]  }
0xe8: {  	v11 =	vld [tilespmem:s31+$0x188B0]  }
0xe9: {  	v3 =	vbroadcast v2, $0x0;
	v8 =	vbroadcast v2, $0x4;
	v4 =	vld [tilespmem:s31+$0x18820]  }
0xea: {  	v6 =	vld [tilespmem:s31+$0x18830]  }
0xeb: {  	v7 =	vld [tilespmem:s31+$0x18D70]  }
0xec: {  	v12 =	vld [tilespmem:s31+$0x18860]  }
0xed: {  	v13 =	vld [tilespmem:s31+$0x18870]  }
0xee: {  	v5 =	vbroadcast v2, $0xA;
	v4 =	vmul.f32 v4, v3;
	v14 =	vld [tilespmem:s31+$0x18880]  }
0xef: {  	v6 =	vmul.f32 v6, v3;
	v15 =	vld [tilespmem:s31+$0x18890]  }
0xf0: {  	[tilespmem:s31+$0x18820] =	vst v4;
	v16 =	vld [tilespmem:s31+$0x188A0];
	v4 =	vmul.f32 v7, v5  }
0xf1: {  	[tilespmem:s31+$0x18830] =	vst v6;
	v7 =	vmul.f32 v12, v3;
	v12 =	vbroadcast v2, $0x1;
	v6 =	vld [tilespmem:s31+$0x18D80]  }
0xf2: {  	v13 =	vmul.f32 v13, v3;
	[tilespmem:s31+$0x18D70] =	vst v4;
	v4 =	vld [tilespmem:s31+$0x18FD0]  }
0xf3: {  	[tilespmem:s31+$0x18860] =	vst v7;
	v14 =	vmul.f32 v14, v12;
	v7 =	vld [tilespmem:s31+$0x18D90]  }
0xf4: {  	[tilespmem:s31+$0x18870] =	vst v13;
	v13 =	vmul.f32 v15, v12;
	v15 =	vld [tilespmem:s31+$0x188E0]  }
0xf5: {  	[tilespmem:s31+$0x18880] =	vst v14;
	v14 =	vmul.f32 v16, v12;
	v16 =	vld [tilespmem:s31+$0x188F0]  }
0xf6: {  	v11 =	vmul.f32 v11, v12;
	[tilespmem:s31+$0x18890] =	vst v13;
	v13 =	vld [tilespmem:s31+$0x18900]  }
0xf7: {  	v9 =	vmul.f32 v9, v12;
	[tilespmem:s31+$0x188A0] =	vst v14;
	v14 =	vld [tilespmem:s31+$0x18910]  }
0xf8: {  	v10 =	vmul.f32 v10, v12;
	[tilespmem:s31+$0x188B0] =	vst v11;
	v11 =	vld [tilespmem:s31+$0x18920]  }
0xf9: {  	[tilespmem:s31+$0x188C0] =	vst v9;
	v9 =	vmul.f32 v15, v12;
	v15 =	vbroadcast v2, $0x2;
	v17 =	vld [tilespmem:s31+$0x18930]  }
0xfa: {  	[tilespmem:s31+$0x188D0] =	vst v10;
	v10 =	vmul.f32 v16, v12;
	v12 =	vld [tilespmem:s31+$0x18940]  }
0xfb: {  	[tilespmem:s31+$0x188E0] =	vst v9;
	v9 =	vmul.f32 v13, v15;
	v13 =	vld [tilespmem:s31+$0x18950]  }
0xfc: {  	[tilespmem:s31+$0x188F0] =	vst v10;
	v10 =	vmul.f32 v14, v15;
	v14 =	vld [tilespmem:s31+$0x18960]  }
0xfd: {  	[tilespmem:s31+$0x18900] =	vst v9;
	v9 =	vmul.f32 v11, v15;
	v11 =	vld [tilespmem:s31+$0x18970]  }
0xfe: {  	[tilespmem:s31+$0x18910] =	vst v10;
	v10 =	vmul.f32 v17, v15;
	v16 =	vld [tilespmem:s31+$0x18980]  }
0xff: {  	[tilespmem:s31+$0x18920] =	vst v9;
	v9 =	vmul.f32 v12, v15;
	v12 =	vld [tilespmem:s31+$0x18990]  }
0x100: {  	[tilespmem:s31+$0x18930] =	vst v10;
	v10 =	vmul.f32 v13, v15;
	v13 =	vld [tilespmem:s31+$0x189A0]  }
0x101: {  	[tilespmem:s31+$0x18940] =	vst v9;
	v9 =	vmul.f32 v14, v15;
	v14 =	vbroadcast v2, $0x3;
	v17 =	vld [tilespmem:s31+$0x189B0]  }
0x102: {  	[tilespmem:s31+$0x18950] =	vst v10;
	v10 =	vmul.f32 v11, v15;
	v11 =	vld [tilespmem:s31+$0x189C0]  }
0x103: {  	[tilespmem:s31+$0x18960] =	vst v9;
	v9 =	vmul.f32 v16, v14;
	v15 =	vld [tilespmem:s31+$0x189D0]  }
0x104: {  	[tilespmem:s31+$0x18970] =	vst v10;
	v10 =	vmul.f32 v12, v14;
	v12 =	vld [tilespmem:s31+$0x189E0]  }
0x105: {  	[tilespmem:s31+$0x18980] =	vst v9;
	v9 =	vmul.f32 v13, v14;
	v13 =	vld [tilespmem:s31+$0x189F0]  }
0x106: {  	[tilespmem:s31+$0x18990] =	vst v10;
	v10 =	vmul.f32 v17, v14;
	v16 =	vld [tilespmem:s31+$0x18A00]  }
0x107: {  	[tilespmem:s31+$0x189A0] =	vst v9;
	v9 =	vmul.f32 v11, v14;
	v11 =	vld [tilespmem:s31+$0x18A10]  }
0x108: {  	[tilespmem:s31+$0x189B0] =	vst v10;
	v10 =	vmul.f32 v15, v14;
	v15 =	vld [tilespmem:s31+$0x18A20]  }
0x109: {  	[tilespmem:s31+$0x189C0] =	vst v9;
	v9 =	vmul.f32 v12, v14;
	v12 =	vld [tilespmem:s31+$0x18A30]  }
0x10a: {  	[tilespmem:s31+$0x189D0] =	vst v10;
	v10 =	vmul.f32 v13, v14;
	v13 =	vld [tilespmem:s31+$0x18A40]  }
0x10b: {  	[tilespmem:s31+$0x189E0] =	vst v9;
	v9 =	vmul.f32 v16, v8;
	v14 =	vld [tilespmem:s31+$0x18A50]  }
0x10c: {  	[tilespmem:s31+$0x189F0] =	vst v10;
	v10 =	vmul.f32 v11, v8;
	v11 =	vld [tilespmem:s31+$0x18A60]  }
0x10d: {  	[tilespmem:s31+$0x18A00] =	vst v9;
	v9 =	vmul.f32 v15, v8;
	v15 =	vld [tilespmem:s31+$0x18A70]  }
0x10e: {  	[tilespmem:s31+$0x18A10] =	vst v10;
	v10 =	vmul.f32 v12, v8;
	v12 =	vld [tilespmem:s31+$0x18A80]  }
0x10f: {  	[tilespmem:s31+$0x18A20] =	vst v9;
	v9 =	vmul.f32 v13, v8;
	v13 =	vld [tilespmem:s31+$0x18A90]  }
0x110: {  	[tilespmem:s31+$0x18A30] =	vst v10;
	v10 =	vmul.f32 v14, v8;
	v14 =	vld [tilespmem:s31+$0x18AA0]  }
0x111: {  	[tilespmem:s31+$0x18A40] =	vst v9;
	v9 =	vmul.f32 v11, v8;
	v11 =	vbroadcast v2, $0x5;
	v16 =	vld [tilespmem:s31+$0x18AB0]  }
0x112: {  	[tilespmem:s31+$0x18A50] =	vst v10;
	v8 =	vmul.f32 v15, v8;
	v10 =	vld [tilespmem:s31+$0x18AC0]  }
0x113: {  	[tilespmem:s31+$0x18A60] =	vst v9;
	v9 =	vmul.f32 v12, v11;
	v12 =	vld [tilespmem:s31+$0x18AD0]  }
0x114: {  	[tilespmem:s31+$0x18A70] =	vst v8;
	v8 =	vmul.f32 v13, v11;
	v13 =	vld [tilespmem:s31+$0x18AE0]  }
0x115: {  	[tilespmem:s31+$0x18A80] =	vst v9;
	v9 =	vmul.f32 v14, v11;
	v14 =	vld [tilespmem:s31+$0x18AF0]  }
0x116: {  	[tilespmem:s31+$0x18A90] =	vst v8;
	v8 =	vmul.f32 v16, v11;
	v15 =	vld [tilespmem:s31+$0x18B00]  }
0x117: {  	[tilespmem:s31+$0x18AA0] =	vst v9;
	v9 =	vmul.f32 v10, v11;
	v10 =	vld [tilespmem:s31+$0x18B10]  }
0x118: {  	[tilespmem:s31+$0x18AB0] =	vst v8;
	v8 =	vmul.f32 v12, v11;
	v12 =	vld [tilespmem:s31+$0x18B20]  }
0x119: {  	[tilespmem:s31+$0x18AC0] =	vst v9;
	v9 =	vmul.f32 v13, v11;
	v13 =	vbroadcast v2, $0x6;
	v16 =	vld [tilespmem:s31+$0x18B30]  }
0x11a: {  	[tilespmem:s31+$0x18AD0] =	vst v8;
	v8 =	vmul.f32 v14, v11;
	v11 =	vld [tilespmem:s31+$0x18B40]  }
0x11b: {  	[tilespmem:s31+$0x18AE0] =	vst v9;
	v9 =	vmul.f32 v15, v13;
	v14 =	vld [tilespmem:s31+$0x18B50]  }
0x11c: {  	[tilespmem:s31+$0x18AF0] =	vst v8;
	v8 =	vmul.f32 v10, v13;
	v10 =	vld [tilespmem:s31+$0x18B60]  }
0x11d: {  	[tilespmem:s31+$0x18B00] =	vst v9;
	v9 =	vmul.f32 v12, v13;
	v12 =	vld [tilespmem:s31+$0x18B70]  }
0x11e: {  	[tilespmem:s31+$0x18B10] =	vst v8;
	v8 =	vmul.f32 v16, v13;
	v15 =	vld [tilespmem:s31+$0x18B80]  }
0x11f: {  	[tilespmem:s31+$0x18B20] =	vst v9;
	v9 =	vmul.f32 v11, v13;
	v11 =	vld [tilespmem:s31+$0x18B90]  }
0x120: {  	[tilespmem:s31+$0x18B30] =	vst v8;
	v8 =	vmul.f32 v14, v13;
	v14 =	vld [tilespmem:s31+$0x18BA0]  }
0x121: {  	[tilespmem:s31+$0x18B40] =	vst v9;
	v9 =	vmul.f32 v10, v13;
	v10 =	vbroadcast v2, $0x7;
	v16 =	vld [tilespmem:s31+$0x18BB0]  }
0x122: {  	[tilespmem:s31+$0x18B50] =	vst v8;
	v8 =	vmul.f32 v12, v13;
	v12 =	vld [tilespmem:s31+$0x18BC0]  }
0x123: {  	[tilespmem:s31+$0x18B60] =	vst v9;
	v9 =	vmul.f32 v15, v10;
	v13 =	vld [tilespmem:s31+$0x18BD0]  }
0x124: {  	[tilespmem:s31+$0x18B70] =	vst v8;
	v8 =	vmul.f32 v11, v10;
	v11 =	vld [tilespmem:s31+$0x18BE0]  }
0x125: {  	[tilespmem:s31+$0x18B80] =	vst v9;
	v9 =	vmul.f32 v14, v10;
	v14 =	vld [tilespmem:s31+$0x18BF0]  }
0x126: {  	[tilespmem:s31+$0x18B90] =	vst v8;
	v8 =	vmul.f32 v16, v10;
	v15 =	vld [tilespmem:s31+$0x18C00]  }
0x127: {  	[tilespmem:s31+$0x18BA0] =	vst v9;
	v9 =	vmul.f32 v12, v10;
	v12 =	vld [tilespmem:s31+$0x18C10]  }
0x128: {  	[tilespmem:s31+$0x18BB0] =	vst v8;
	v8 =	vmul.f32 v13, v10;
	v13 =	vld [tilespmem:s31+$0x18C20]  }
0x129: {  	[tilespmem:s31+$0x18BC0] =	vst v9;
	v9 =	vmul.f32 v11, v10;
	v11 =	vbroadcast v2, $0x8;
	v16 =	vld [tilespmem:s31+$0x18C30]  }
0x12a: {  	[tilespmem:s31+$0x18BD0] =	vst v8;
	v8 =	vmul.f32 v14, v10;
	v10 =	vld [tilespmem:s31+$0x18C40]  }
0x12b: {  	[tilespmem:s31+$0x18BE0] =	vst v9;
	v9 =	vmul.f32 v15, v11;
	v14 =	vld [tilespmem:s31+$0x18C50]  }
0x12c: {  	[tilespmem:s31+$0x18BF0] =	vst v8;
	v8 =	vmul.f32 v12, v11;
	v12 =	vld [tilespmem:s31+$0x18C60]  }
0x12d: {  	[tilespmem:s31+$0x18C00] =	vst v9;
	v9 =	vmul.f32 v13, v11;
	v13 =	vld [tilespmem:s31+$0x18C70]  }
0x12e: {  	[tilespmem:s31+$0x18C10] =	vst v8;
	v8 =	vmul.f32 v16, v11;
	v15 =	vld [tilespmem:s31+$0x18C80]  }
0x12f: {  	[tilespmem:s31+$0x18C20] =	vst v9;
	v9 =	vmul.f32 v10, v11;
	v10 =	vld [tilespmem:s31+$0x18C90]  }
0x130: {  	[tilespmem:s31+$0x18C30] =	vst v8;
	v8 =	vmul.f32 v14, v11;
	v14 =	vld [tilespmem:s31+$0x18CA0]  }
0x131: {  	[tilespmem:s31+$0x18C40] =	vst v9;
	v9 =	vmul.f32 v12, v11;
	v12 =	vbroadcast v2, $0x9;
	v16 =	vld [tilespmem:s31+$0x18CB0]  }
0x132: {  	[tilespmem:s31+$0x18C50] =	vst v8;
	v8 =	vmul.f32 v13, v11;
	v11 =	vld [tilespmem:s31+$0x18CC0]  }
0x133: {  	[tilespmem:s31+$0x18C60] =	vst v9;
	v9 =	vmul.f32 v15, v12;
	v13 =	vld [tilespmem:s31+$0x18CD0]  }
0x134: {  	[tilespmem:s31+$0x18C70] =	vst v8;
	v8 =	vmul.f32 v10, v12;
	v10 =	vld [tilespmem:s31+$0x18CE0]  }
0x135: {  	[tilespmem:s31+$0x18C80] =	vst v9;
	v9 =	vmul.f32 v14, v12;
	v14 =	vld [tilespmem:s31+$0x18CF0]  }
0x136: {  	[tilespmem:s31+$0x18C90] =	vst v8;
	v8 =	vmul.f32 v16, v12;
	v15 =	vld [tilespmem:s31+$0x18D00]  }
0x137: {  	[tilespmem:s31+$0x18CA0] =	vst v9;
	v9 =	vmul.f32 v11, v12;
	v11 =	vld [tilespmem:s31+$0x18D10]  }
0x138: {  	[tilespmem:s31+$0x18CB0] =	vst v8;
	v8 =	vmul.f32 v13, v12;
	v13 =	vld [tilespmem:s31+$0x18D20]  }
0x139: {  	[tilespmem:s31+$0x18CC0] =	vst v9;
	v9 =	vmul.f32 v10, v12;
	v10 =	vld [tilespmem:s31+$0x18D30]  }
0x13a: {  	[tilespmem:s31+$0x18CD0] =	vst v8;
	v8 =	vmul.f32 v14, v12;
	v12 =	vld [tilespmem:s31+$0x18D40]  }
0x13b: {  	[tilespmem:s31+$0x18CE0] =	vst v9;
	v9 =	vmul.f32 v15, v5;
	v14 =	vld [tilespmem:s31+$0x18D50]  }
0x13c: {  	[tilespmem:s31+$0x18CF0] =	vst v8;
	v8 =	vmul.f32 v11, v5;
	v11 =	vld [tilespmem:s31+$0x18D60]  }
0x13d: {  	v15 =	vld [tilespmem:s31+$0x18800];
	[tilespmem:s31+$0x18D00] =	vst v9;
	v9 =	vmul.f32 v13, v5  }
0x13e: {  	v13 =	vld [tilespmem:s31+$0x18810];
	[tilespmem:s31+$0x18D10] =	vst v8;
	v8 =	vmul.f32 v10, v5  }
0x13f: {  	v10 =	vld [tilespmem:s31+$0x18840];
	[tilespmem:s31+$0x18D20] =	vst v9;
	v9 =	vmul.f32 v12, v5  }
0x140: {  	v12 =	vld [tilespmem:s31+$0x18850];
	[tilespmem:s31+$0x18D30] =	vst v8;
	v8 =	vmul.f32 v14, v5  }
0x141: {  	[tilespmem:s31+$0x18D40] =	vst v9;
	v9 =	vmul.f32 v11, v5;
	v11 =	vbroadcast v2, $0xB;
	v14 =	vld [tilespmem:s31+$0x18DA0]  }
0x142: {  	v5 =	vbroadcast v2, $0xF;
	v15 =	vmul.f32 v3, v15;
	[tilespmem:s31+$0x18D50] =	vst v8;
	v8 =	vld [tilespmem:s31+$0x18DB0]  }
0x143: {  	v13 =	vmul.f32 v13, v3;
	[tilespmem:s31+$0x18D60] =	vst v9;
	v6 =	vmul.f32 v6, v11;
	v9 =	vld [tilespmem:s31+$0x18DC0]  }
0x144: {  	v7 =	vmul.f32 v7, v11;
	[tilespmem:s31+$0x18800] =	vst v15;
	v10 =	vmul.f32 v10, v3;
	v15 =	vld [tilespmem:s31+$0x18DD0]  }
0x145: {  	v4 =	vmul.f32 v4, v5;
	v12 =	vmul.f32 v12, v3;
	[tilespmem:s31+$0x18D80] =	vst v6;
	v3 =	vld [tilespmem:s31+$0x18DE0]  }
0x146: {  	[tilespmem:s31+$0x18D90] =	vst v7;
	v6 =	vmul.f32 v14, v11;
	v7 =	vld [tilespmem:s31+$0x18DF0]  }
0x147: {  	v8 =	vmul.f32 v8, v11;
	v14 =	vld [tilespmem:s31+$0x18E00];
	[tilespmem:s31+$0x18FD0] =	vst v4  }
0x148: {  	[tilespmem:s31+$0x18810] =	vst v13;
	v4 =	vmul.f32 v9, v11;
	v9 =	vld [tilespmem:s31+$0x18E10]  }
0x149: {  	[tilespmem:s31+$0x18840] =	vst v10;
	v10 =	vmul.f32 v15, v11;
	v13 =	vld [tilespmem:s31+$0x18E20]  }
0x14a: {  	v15 =	vbroadcast v2, $0xC;
	[tilespmem:s31+$0x18DA0] =	vst v6;
	v6 =	vmul.f32 v3, v11;
	v16 =	vld [tilespmem:s31+$0x18E30]  }
0x14b: {  	[tilespmem:s31+$0x18DD0] =	vst v10;
	v7 =	vmul.f32 v7, v11;
	v10 =	vld [tilespmem:s31+$0x18E40]  }
0x14c: {  	[tilespmem:s31+$0x18DB0] =	vst v8;
	v3 =	vmul.f32 v14, v15;
	v8 =	vld [tilespmem:s31+$0x18E50]  }
0x14d: {  	[tilespmem:s31+$0x18DC0] =	vst v4;
	v4 =	vmul.f32 v9, v15;
	v9 =	vld [tilespmem:s31+$0x18E60]  }
0x14e: {  	[tilespmem:s31+$0x18E00] =	vst v3;
	v3 =	vmul.f32 v13, v15;
	v11 =	vld [tilespmem:s31+$0x18E70]  }
0x14f: {  	[tilespmem:s31+$0x18E10] =	vst v4;
	v4 =	vld [tilespmem:s31+$0x18E80]  }
0x150: {  	[tilespmem:s31+$0x18850] =	vst v12;
	v10 =	vmul.f32 v10, v15;
	v12 =	vld [tilespmem:s31+$0x18E90]  }
0x151: {  	[tilespmem:s31+$0x18DE0] =	vst v6;
	v6 =	vmul.f32 v8, v15;
	v8 =	vld [tilespmem:s31+$0x18EA0]  }
0x152: {  	[tilespmem:s31+$0x18E40] =	vst v10;
	v9 =	vmul.f32 v9, v15;
	v10 =	vbroadcast v2, $0xD;
	v13 =	vld [tilespmem:s31+$0x18EB0]  }
0x153: {  	[tilespmem:s31+$0x18E50] =	vst v6;
	v6 =	vmul.f32 v11, v15;
	v11 =	vld [tilespmem:s31+$0x18EC0]  }
0x154: {  	[tilespmem:s31+$0x18E60] =	vst v9;
	v4 =	vmul.f32 v4, v10;
	v9 =	vld [tilespmem:s31+$0x18ED0]  }
0x155: {  	[tilespmem:s31+$0x18E70] =	vst v6;
	v6 =	vmul.f32 v12, v10;
	v12 =	vld [tilespmem:s31+$0x18EE0]  }
0x156: {  	[tilespmem:s31+$0x18E80] =	vst v4;
	v4 =	vmul.f32 v8, v10;
	v8 =	vld [tilespmem:s31+$0x18EF0]  }
0x157: {  	[tilespmem:s31+$0x18E90] =	vst v6;
	v6 =	vmul.f32 v13, v10;
	v13 =	vld [tilespmem:s31+$0x18F00]  }
0x158: {  	[tilespmem:s31+$0x18EA0] =	vst v4;
	v4 =	vmul.f32 v11, v10;
	v11 =	vld [tilespmem:s31+$0x18F10]  }
0x159: {  	[tilespmem:s31+$0x18EB0] =	vst v6;
	v6 =	vmul.f32 v9, v10;
	v9 =	vld [tilespmem:s31+$0x18F20]  }
0x15a: {  	v2 =	vbroadcast v2, $0xE;
	[tilespmem:s31+$0x18DF0] =	vst v7;
	v7 =	vmul.f32 v12, v10;
	v12 =	vld [tilespmem:s31+$0x18F30]  }
0x15b: {  	[tilespmem:s31+$0x18ED0] =	vst v6;
	v6 =	vmul.f32 v8, v10;
	v8 =	vld [tilespmem:s31+$0x18F40]  }
0x15c: {  	[tilespmem:s31+$0x18EE0] =	vst v7;
	v7 =	vmul.f32 v13, v2;
	v10 =	vld [tilespmem:s31+$0x18F50]  }
0x15d: {  	[tilespmem:s31+$0x18EF0] =	vst v6;
	v6 =	vmul.f32 v11, v2;
	v11 =	vld [tilespmem:s31+$0x18F60]  }
0x15e: {  	[tilespmem:s31+$0x18F00] =	vst v7;
	v7 =	vmul.f32 v9, v2;
	v9 =	vld [tilespmem:s31+$0x18F70]  }
0x15f: {  	[tilespmem:s31+$0x18F10] =	vst v6;
	v6 =	vmul.f32 v12, v2;
	v12 =	vld [tilespmem:s31+$0x18F80]  }
0x160: {  	[tilespmem:s31+$0x18F20] =	vst v7;
	v7 =	vmul.f32 v8, v2;
	v8 =	vld [tilespmem:s31+$0x18F90]  }
0x161: {  	[tilespmem:s31+$0x18F30] =	vst v6;
	v6 =	vmul.f32 v10, v2;
	v10 =	vld [tilespmem:s31+$0x18FA0]  }
0x162: {  	[tilespmem:s31+$0x18F40] =	vst v7;
	v7 =	vmul.f32 v11, v2;
	v11 =	vld [tilespmem:s31+$0x18FB0]  }
0x163: {  	[tilespmem:s31+$0x18EC0] =	vst v4;
	v2 =	vmul.f32 v9, v2;
	v4 =	vld [tilespmem:s31+$0x18FC0]  }
0x164: {  	[tilespmem:s31+$0x18F60] =	vst v7;
	v7 =	vmul.f32 v12, v5;
	v9 =	vld [tilespmem:s31+$0x18FE0]  }
0x165: {  	[tilespmem:s31+$0x18F70] =	vst v2;
	v2 =	vmul.f32 v8, v5;
	v8 =	vld [tilespmem:s31+$0x18FF0]  }
0x166: {  	[tilespmem:s31+$0x18F80] =	vst v7;
	v7 =	vmul.f32 v10, v5  }
0x167: {  	[tilespmem:s31+$0x18F90] =	vst v2;
	v2 =	vmul.f32 v11, v5  }
0x168: {  	v10 =	vmul.f32 v16, v15;
	[tilespmem:s31+$0x18FA0] =	vst v7  }
0x169: {  	[tilespmem:s31+$0x18FB0] =	vst v2;
	v2 =	vmul.f32 v4, v5  }
.Ltmp1:
0x16a: {  	[tilespmem:s31+$0x18E30] =	vst v10;
	v4 =	vmul.f32 v8, v5;
	(pc) =	sbr.rel @p0 .LBB2_5-.Ltmp1, $4  }
0x16b: {  	[tilespmem:s31+$0x18FC0] =	vst v2  }
0x16c: {  	v2 =	vmul.f32 v9, v5;
	[tilespmem:s31+$0x18FF0] =	vst v4  }
0x16d: {  	[tilespmem:s31+$0x18F50] =	vst v6  }
0x16e: {  	[tilespmem:s31+$0x18FE0] =	vst v2  }
0x16f: {  	s29 =	sadd.s32 $0x1, s29  }
0x170: {  	p0 =	sne.s32 s29, $0x30  }
.Ltmp2:
0x171: {  	[tilespmem:s31+$0x18E20] =	vst v3;
	s0 =	sadd.s32 $0x15800, s30;
	(pc) =	sbr.rel @p0 .LBB2_4-.Ltmp2, $4  }
0x172: {  	[spmem:s2] =	stream.indirect.scatter.add.f32 [tilespmem:s21], [sflag:$0x2], $0x80, s0, s26, $0xb8;
	[tilespmem:$0x1C000] =	vst v63  }
0x173: {  	_ =	swait.ge [sflag:s22], $0x3800  }
0x174: {  	[sflag:s22] =	ssyncset.done $0x0  }
0x175: {  	[sflag:s22] =	ssyncadd.s32 $0xFFFFC800  }
0x176: {  	s29 =	simm.s32 $0x0  }
0x177: {  	[tilespmem:s23], [sflag:$0x2] =	stream.linear.gather [hbm4b:s16+s29], $0x1500, $0x38;
	[tilespmem:$0x1C000] =	vst v63  }
0x178: {  	_ =	swait.ge [sflag:s22], $0x1500  }
0x179: {  	[sflag:s22] =	ssyncset.done $0x0  }
0x17a: {  	[sflag:s22] =	ssyncadd.s32 $0xFFFFEB00  }
0x17b: {  	[tilespmem:s24], [sflag:$0x2] =	stream.linear.gather [hbm4b:s17+s29], $0x1500, $0x38;
	[tilespmem:$0x1C000] =	vst v63  }
0x17c: {  	_ =	swait.ge [sflag:s22], $0x1500  }
0x17d: {  	[sflag:s22] =	ssyncset.done $0x0  }
0x17e: {  	[sflag:s22] =	ssyncadd.s32 $0xFFFFEB00  }
0x17f: {  	[tilespmem:s25], [sflag:$0x2] =	stream.linear.gather [hbm4b:s18+s29], $0x1500, $0x38;
	[tilespmem:$0x1C000] =	vst v63  }
0x180: {  	_ =	swait.ge [sflag:s22], $0x1500  }
0x181: {  	[sflag:s22] =	ssyncset.done $0x0  }
0x182: {  	[sflag:s22] =	ssyncadd.s32 $0xFFFFEB00  }
.LBB2_8:
0x183: {  	s30 =	sshll.u32 s29, $0x7  }
0x184: {  	s0 =	sadd.s32 $0x17000, s30  }
0x185: {  	s3 =	sadd.s32 $0x14000, s30;
	v1 =	vmov s0  }
0x186: {  	[tilespmem:s21], [sflag:$0x1] =	stream.indirect.gather [hbm4b:s1+s26], $0x80, s3, s26, $0xb8;
	[tilespmem:$0x1C000] =	vst v63  }
0x187: {  	_ =	swait.ge [sflag:s28], $0x3800  }
0x188: {  	s3 =	simm.s32 $0x0;
	[sflag:s28] =	ssyncset.done $0x0  }
0x189: {  	s0 =	sand.u32 $0x3FFFFFF0, s3;
	s3 =	simm.s32 $0x0;
	[sflag:s28] =	ssyncadd.s32 $0xFFFFC800  }
0x18a: {  	s31 =	sand.u32 $0x3FFFF800, s3;
	v2 =	vld.idx.msk [tilespmem:v1+s0+$0x0 ss:$0x1], $0xffff  }
0x18b: {  	v8 =	vld [tilespmem:s31+$0x188C0]  }
0x18c: {  	v4 =	vld [tilespmem:s31+$0x18820]  }
0x18d: {  	v5 =	vld [tilespmem:s31+$0x18830]  }
0x18e: {  	v11 =	vld [tilespmem:s31+$0x18860]  }
0x18f: {  	v12 =	vld [tilespmem:s31+$0x18870];
	v3 =	vbroadcast v2, $0x0  }
0x190: {  	v13 =	vld [tilespmem:s31+$0x18880]  }
0x191: {  	v14 =	vld [tilespmem:s31+$0x18890];
	v4 =	vmul.f32 v4, v3  }
0x192: {  	v15 =	vld [tilespmem:s31+$0x188A0];
	v5 =	vmul.f32 v5, v3  }
0x193: {  	v10 =	vld [tilespmem:s31+$0x188B0];
	v21 =	vbroadcast v2, $0x1;
	v20 =	vmul.f32 v11, v3;
	[tilespmem:s31+$0x18820] =	vst v4  }
0x194: {  	v9 =	vld [tilespmem:s31+$0x188D0];
	v12 =	vmul.f32 v12, v3;
	[tilespmem:s31+$0x18830] =	vst v5  }
0x195: {  	v7 =	vld [tilespmem:s31+$0x18D70];
	v13 =	vmul.f32 v13, v21;
	[tilespmem:s31+$0x18860] =	vst v20  }
0x196: {  	v23 =	vld [tilespmem:s31+$0x188F0];
	v14 =	vmul.f32 v14, v21;
	[tilespmem:s31+$0x18870] =	vst v12  }
0x197: {  	v24 =	vld [tilespmem:s31+$0x18900];
	v15 =	vmul.f32 v15, v21;
	[tilespmem:s31+$0x18880] =	vst v13  }
0x198: {  	v25 =	vld [tilespmem:s31+$0x18910];
	v10 =	vmul.f32 v10, v21;
	[tilespmem:s31+$0x18890] =	vst v14  }
0x199: {  	v22 =	vld [tilespmem:s31+$0x188E0];
	v8 =	vmul.f32 v8, v21;
	[tilespmem:s31+$0x188A0] =	vst v15  }
0x19a: {  	v26 =	vld [tilespmem:s31+$0x18920];
	v16 =	vbroadcast v2, $0x2;
	v9 =	vmul.f32 v9, v21;
	[tilespmem:s31+$0x188B0] =	vst v10  }
0x19b: {  	v27 =	vld [tilespmem:s31+$0x18930];
	v11 =	vmul.f32 v23, v21;
	[tilespmem:s31+$0x188C0] =	vst v8  }
0x19c: {  	v28 =	vld [tilespmem:s31+$0x18940];
	v6 =	vbroadcast v2, $0xA;
	v30 =	vmul.f32 v24, v16;
	[tilespmem:s31+$0x188D0] =	vst v9  }
0x19d: {  	v29 =	vld [tilespmem:s31+$0x18950];
	v32 =	vmul.f32 v25, v16;
	[tilespmem:s31+$0x188F0] =	vst v11  }
0x19e: {  	v31 =	vld [tilespmem:s31+$0x18960];
	v4 =	vmul.f32 v7, v6;
	[tilespmem:s31+$0x18900] =	vst v30  }
0x19f: {  	v33 =	vld [tilespmem:s31+$0x18970];
	v12 =	vmul.f32 v22, v21;
	[tilespmem:s31+$0x18910] =	vst v32  }
0x1a0: {  	v34 =	vld [tilespmem:s31+$0x18980];
	v10 =	vmul.f32 v26, v16;
	[tilespmem:s31+$0x18D70] =	vst v4  }
0x1a1: {  	v35 =	vld [tilespmem:s31+$0x18990];
	v8 =	vmul.f32 v27, v16;
	[tilespmem:s31+$0x188E0] =	vst v12  }
0x1a2: {  	v36 =	vld [tilespmem:s31+$0x189A0];
	v9 =	vmul.f32 v28, v16;
	[tilespmem:s31+$0x18920] =	vst v10  }
0x1a3: {  	v37 =	vld [tilespmem:s31+$0x189B0];
	v39 =	vbroadcast v2, $0x3;
	v11 =	vmul.f32 v31, v16;
	[tilespmem:s31+$0x18930] =	vst v8  }
0x1a4: {  	v38 =	vld [tilespmem:s31+$0x189C0];
	v13 =	vmul.f32 v33, v16;
	[tilespmem:s31+$0x18940] =	vst v9  }
0x1a5: {  	v40 =	vld [tilespmem:s31+$0x189D0];
	v14 =	vmul.f32 v34, v39;
	[tilespmem:s31+$0x18960] =	vst v11  }
0x1a6: {  	v41 =	vld [tilespmem:s31+$0x189E0];
	v12 =	vmul.f32 v29, v16;
	[tilespmem:s31+$0x18970] =	vst v13  }
0x1a7: {  	v42 =	vld [tilespmem:s31+$0x189F0];
	v10 =	vmul.f32 v35, v39;
	[tilespmem:s31+$0x18980] =	vst v14  }
0x1a8: {  	v43 =	vld [tilespmem:s31+$0x18A00];
	v8 =	vmul.f32 v36, v39;
	[tilespmem:s31+$0x18950] =	vst v12  }
0x1a9: {  	v44 =	vld [tilespmem:s31+$0x18A10];
	v9 =	vmul.f32 v37, v39;
	[tilespmem:s31+$0x18990] =	vst v10  }
0x1aa: {  	v45 =	vld [tilespmem:s31+$0x18A20];
	v11 =	vmul.f32 v40, v39;
	[tilespmem:s31+$0x189A0] =	vst v8  }
0x1ab: {  	v46 =	vld [tilespmem:s31+$0x18A30];
	v13 =	vmul.f32 v41, v39;
	[tilespmem:s31+$0x189B0] =	vst v9  }
0x1ac: {  	v47 =	vld [tilespmem:s31+$0x18A40];
	v48 =	vbroadcast v2, $0x4;
	v14 =	vmul.f32 v42, v39;
	[tilespmem:s31+$0x189D0] =	vst v11  }
0x1ad: {  	v49 =	vld [tilespmem:s31+$0x18A50];
	v12 =	vmul.f32 v38, v39;
	[tilespmem:s31+$0x189E0] =	vst v13  }
0x1ae: {  	v50 =	vld [tilespmem:s31+$0x18A60];
	v10 =	vmul.f32 v43, v48;
	[tilespmem:s31+$0x189F0] =	vst v14  }
0x1af: {  	v51 =	vld [tilespmem:s31+$0x18A70];
	v8 =	vmul.f32 v44, v48;
	[tilespmem:s31+$0x189C0] =	vst v12  }
0x1b0: {  	v52 =	vld [tilespmem:s31+$0x18A80];
	v9 =	vmul.f32 v45, v48;
	[tilespmem:s31+$0x18A00] =	vst v10  }
0x1b1: {  	v53 =	vld [tilespmem:s31+$0x18A90];
	v11 =	vmul.f32 v47, v48;
	[tilespmem:s31+$0x18A10] =	vst v8  }
0x1b2: {  	v54 =	vld [tilespmem:s31+$0x18AA0];
	v13 =	vmul.f32 v49, v48;
	[tilespmem:s31+$0x18A20] =	vst v9  }
0x1b3: {  	v55 =	vld [tilespmem:s31+$0x18AB0];
	v14 =	vmul.f32 v50, v48;
	[tilespmem:s31+$0x18A40] =	vst v11  }
0x1b4: {  	v56 =	vld [tilespmem:s31+$0x18AC0];
	v57 =	vbroadcast v2, $0x5;
	v12 =	vmul.f32 v46, v48;
	[tilespmem:s31+$0x18A50] =	vst v13  }
0x1b5: {  	v58 =	vld [tilespmem:s31+$0x18AD0];
	v10 =	vmul.f32 v51, v48;
	[tilespmem:s31+$0x18A60] =	vst v14  }
0x1b6: {  	v59 =	vld [tilespmem:s31+$0x18AE0];
	v8 =	vmul.f32 v52, v57;
	[tilespmem:s31+$0x18A30] =	vst v12  }
0x1b7: {  	v60 =	vld [tilespmem:s31+$0x18AF0];
	v9 =	vmul.f32 v53, v57;
	[tilespmem:s31+$0x18A70] =	vst v10  }
0x1b8: {  	v61 =	vld [tilespmem:s31+$0x18B00];
	v11 =	vmul.f32 v55, v57;
	[tilespmem:s31+$0x18A80] =	vst v8  }
0x1b9: {  	v62 =	vld [tilespmem:s31+$0x18B10];
	v13 =	vmul.f32 v56, v57;
	[tilespmem:s31+$0x18A90] =	vst v9  }
0x1ba: {  	v63 =	vld [tilespmem:s31+$0x18B20];
	v14 =	vmul.f32 v58, v57;
	[tilespmem:s31+$0x18AB0] =	vst v11  }
0x1bb: {  	v20 =	vld [tilespmem:s31+$0x18B30];
	v12 =	vmul.f32 v54, v57;
	[tilespmem:s31+$0x18AC0] =	vst v13  }
0x1bc: {  	v21 =	vld [tilespmem:s31+$0x18B40];
	v22 =	vbroadcast v2, $0x6;
	v10 =	vmul.f32 v59, v57;
	[tilespmem:s31+$0x18AD0] =	vst v14  }
0x1bd: {  	v23 =	vld [tilespmem:s31+$0x18B50];
	v8 =	vmul.f32 v60, v57;
	[tilespmem:s31+$0x18AA0] =	vst v12  }
0x1be: {  	v24 =	vld [tilespmem:s31+$0x18B60];
	v9 =	vmul.f32 v61, v22;
	[tilespmem:s31+$0x18AE0] =	vst v10  }
0x1bf: {  	v25 =	vld [tilespmem:s31+$0x18B70];
	v11 =	vmul.f32 v63, v22;
	[tilespmem:s31+$0x18AF0] =	vst v8  }
0x1c0: {  	v5 =	vld [tilespmem:s31+$0x18D80];
	v13 =	vmul.f32 v20, v22;
	[tilespmem:s31+$0x18B00] =	vst v9  }
0x1c1: {  	v27 =	vld [tilespmem:s31+$0x18B90];
	v14 =	vmul.f32 v21, v22;
	[tilespmem:s31+$0x18B20] =	vst v11  }
0x1c2: {  	v28 =	vld [tilespmem:s31+$0x18BA0];
	v12 =	vmul.f32 v62, v22;
	[tilespmem:s31+$0x18B30] =	vst v13  }
0x1c3: {  	v29 =	vld [tilespmem:s31+$0x18BB0];
	v10 =	vmul.f32 v23, v22;
	[tilespmem:s31+$0x18B40] =	vst v14  }
0x1c4: {  	v31 =	vbroadcast v2, $0x7;
	v53 =	vld [tilespmem:s31+$0x18D00];
	v8 =	vmul.f32 v24, v22;
	[tilespmem:s31+$0x18B10] =	vst v12  }
0x1c5: {  	v58 =	vld [tilespmem:s31+$0x18D50];
	v9 =	vmul.f32 v25, v22;
	[tilespmem:s31+$0x18B50] =	vst v10  }
0x1c6: {  	v26 =	vld [tilespmem:s31+$0x18B80];
	v11 =	vmul.f32 v27, v31;
	[tilespmem:s31+$0x18B60] =	vst v8  }
0x1c7: {  	v30 =	vld [tilespmem:s31+$0x18BC0];
	v13 =	vmul.f32 v28, v31;
	[tilespmem:s31+$0x18B70] =	vst v9  }
0x1c8: {  	v32 =	vld [tilespmem:s31+$0x18BD0];
	v14 =	vmul.f32 v29, v31;
	[tilespmem:s31+$0x18B90] =	vst v11  }
0x1c9: {  	v33 =	vld [tilespmem:s31+$0x18BE0];
	v59 =	vmul.f32 v53, v6;
	[tilespmem:s31+$0x18BA0] =	vst v13  }
0x1ca: {  	v35 =	vld [tilespmem:s31+$0x18C00];
	v21 =	vmul.f32 v58, v6;
	[tilespmem:s31+$0x18BB0] =	vst v14  }
0x1cb: {  	v36 =	vld [tilespmem:s31+$0x18C10];
	v12 =	vmul.f32 v26, v31;
	[tilespmem:s31+$0x18D00] =	vst v59  }
0x1cc: {  	v37 =	vld [tilespmem:s31+$0x18C20];
	v10 =	vmul.f32 v30, v31;
	[tilespmem:s31+$0x18D50] =	vst v21  }
0x1cd: {  	v7 =	vld [tilespmem:s31+$0x18D90];
	v40 =	vbroadcast v2, $0x8;
	v8 =	vmul.f32 v32, v31;
	[tilespmem:s31+$0x18B80] =	vst v12  }
0x1ce: {  	v34 =	vld [tilespmem:s31+$0x18BF0];
	v9 =	vmul.f32 v33, v31;
	[tilespmem:s31+$0x18BC0] =	vst v10  }
0x1cf: {  	v57 =	vld [tilespmem:s31+$0x18D40];
	v11 =	vmul.f32 v35, v40;
	[tilespmem:s31+$0x18BD0] =	vst v8  }
0x1d0: {  	v61 =	vld [tilespmem:s31+$0x18800];
	v24 =	vbroadcast v2, $0xB;
	v13 =	vmul.f32 v36, v40;
	[tilespmem:s31+$0x18BE0] =	vst v9  }
0x1d1: {  	v4 =	vld [tilespmem:s31+$0x18FD0];
	v14 =	vmul.f32 v37, v40;
	[tilespmem:s31+$0x18C00] =	vst v11  }
0x1d2: {  	v38 =	vld [tilespmem:s31+$0x18C30];
	v5 =	vmul.f32 v5, v24;
	[tilespmem:s31+$0x18C10] =	vst v13  }
0x1d3: {  	v39 =	vld [tilespmem:s31+$0x18C40];
	v7 =	vmul.f32 v7, v24;
	[tilespmem:s31+$0x18C20] =	vst v14  }
0x1d4: {  	v41 =	vld [tilespmem:s31+$0x18C50];
	v19 =	vmul.f32 v57, v6;
	[tilespmem:s31+$0x18D80] =	vst v5  }
0x1d5: {  	v43 =	vld [tilespmem:s31+$0x18C70];
	v25 =	vmul.f32 v3, v61;
	[tilespmem:s31+$0x18D90] =	vst v7  }
0x1d6: {  	v44 =	vld [tilespmem:s31+$0x18C80];
	v12 =	vmul.f32 v34, v31;
	[tilespmem:s31+$0x18D40] =	vst v19  }
0x1d7: {  	v45 =	vld [tilespmem:s31+$0x18C90];
	v10 =	vmul.f32 v38, v40;
	[tilespmem:s31+$0x18800] =	vst v25  }
0x1d8: {  	v27 =	vld [tilespmem:s31+$0x18DD0];
	v8 =	vmul.f32 v39, v40;
	[tilespmem:s31+$0x18BF0] =	vst v12  }
0x1d9: {  	v49 =	vbroadcast v2, $0x9;
	v29 =	vld [tilespmem:s31+$0x18DF0];
	v9 =	vmul.f32 v41, v40;
	[tilespmem:s31+$0x18C30] =	vst v10  }
0x1da: {  	v42 =	vld [tilespmem:s31+$0x18C60];
	v11 =	vmul.f32 v43, v40;
	[tilespmem:s31+$0x18C40] =	vst v8  }
0x1db: {  	v46 =	vld [tilespmem:s31+$0x18CA0];
	v13 =	vmul.f32 v44, v49;
	[tilespmem:s31+$0x18C50] =	vst v9  }
0x1dc: {  	v47 =	vld [tilespmem:s31+$0x18CB0];
	v14 =	vmul.f32 v45, v49;
	[tilespmem:s31+$0x18C70] =	vst v11  }
0x1dd: {  	v48 =	vld [tilespmem:s31+$0x18CC0];
	v32 =	vmul.f32 v27, v24;
	[tilespmem:s31+$0x18C80] =	vst v13  }
0x1de: {  	v51 =	vld [tilespmem:s31+$0x18CE0];
	v7 =	vmul.f32 v29, v24;
	[tilespmem:s31+$0x18C90] =	vst v14  }
0x1df: {  	v52 =	vld [tilespmem:s31+$0x18CF0];
	v12 =	vmul.f32 v42, v40;
	[tilespmem:s31+$0x18DD0] =	vst v32  }
0x1e0: {  	v10 =	vmul.f32 v46, v49;
	[tilespmem:s31+$0x18DF0] =	vst v7  }
0x1e1: {  	v28 =	vld [tilespmem:s31+$0x18DE0];
	v8 =	vmul.f32 v47, v49;
	[tilespmem:s31+$0x18C60] =	vst v12  }
0x1e2: {  	v30 =	vld [tilespmem:s31+$0x18E00];
	v9 =	vmul.f32 v48, v49;
	[tilespmem:s31+$0x18CA0] =	vst v10  }
0x1e3: {  	v50 =	vld [tilespmem:s31+$0x18CD0];
	v5 =	vbroadcast v2, $0xF;
	v11 =	vmul.f32 v51, v49;
	[tilespmem:s31+$0x18CB0] =	vst v8  }
0x1e4: {  	v54 =	vld [tilespmem:s31+$0x18D10];
	v13 =	vmul.f32 v52, v49;
	[tilespmem:s31+$0x18CC0] =	vst v9  }
0x1e5: {  	v55 =	vld [tilespmem:s31+$0x18D20];
	v35 =	vbroadcast v2, $0xC;
	v4 =	vmul.f32 v4, v5;
	[tilespmem:s31+$0x18CE0] =	vst v11  }
0x1e6: {  	v56 =	vld [tilespmem:s31+$0x18D30];
	v40 =	vmul.f32 v28, v24;
	[tilespmem:s31+$0x18CF0] =	vst v13  }
0x1e7: {  	v60 =	vld [tilespmem:s31+$0x18D60];
	v16 =	vmul.f32 v30, v35;
	[tilespmem:s31+$0x18FD0] =	vst v4  }
0x1e8: {  	v62 =	vld [tilespmem:s31+$0x18810];
	v12 =	vmul.f32 v50, v49;
	[tilespmem:s31+$0x18DE0] =	vst v40  }
0x1e9: {  	v63 =	vld [tilespmem:s31+$0x18840];
	v10 =	vmul.f32 v54, v6;
	[tilespmem:s31+$0x18E00] =	vst v16  }
0x1ea: {  	v20 =	vld [tilespmem:s31+$0x18850];
	v8 =	vmul.f32 v55, v6;
	[tilespmem:s31+$0x18CD0] =	vst v12  }
0x1eb: {  	v33 =	vld [tilespmem:s31+$0x18E30];
	v9 =	vmul.f32 v56, v6;
	[tilespmem:s31+$0x18D10] =	vst v10  }
0x1ec: {  	v61 =	vld [tilespmem:s31+$0x18FF0];
	v6 =	vmul.f32 v60, v6;
	[tilespmem:s31+$0x18D20] =	vst v8  }
0x1ed: {  	v38 =	vld [tilespmem:s31+$0x18E70];
	v13 =	vmul.f32 v62, v3;
	[tilespmem:s31+$0x18D30] =	vst v9  }
0x1ee: {  	v22 =	vld [tilespmem:s31+$0x18DA0];
	v4 =	vmul.f32 v63, v3;
	[tilespmem:s31+$0x18D60] =	vst v6  }
0x1ef: {  	v23 =	vld [tilespmem:s31+$0x18DB0];
	v3 =	vmul.f32 v20, v3;
	[tilespmem:s31+$0x18810] =	vst v13  }
0x1f0: {  	v26 =	vld [tilespmem:s31+$0x18DC0];
	v62 =	vmul.f32 v33, v35;
	[tilespmem:s31+$0x18840] =	vst v4  }
0x1f1: {  	v31 =	vld [tilespmem:s31+$0x18E10];
	v63 =	vmul.f32 v61, v5;
	[tilespmem:s31+$0x18850] =	vst v3  }
0x1f2: {  	v34 =	vld [tilespmem:s31+$0x18E40];
	v16 =	vmul.f32 v38, v35;
	[tilespmem:s31+$0x18E30] =	vst v62  }
0x1f3: {  	v41 =	vld [tilespmem:s31+$0x18EA0];
	v8 =	vmul.f32 v22, v24;
	[tilespmem:s31+$0x18FF0] =	vst v63  }
0x1f4: {  	v46 =	vld [tilespmem:s31+$0x18EE0];
	v9 =	vmul.f32 v23, v24;
	[tilespmem:s31+$0x18E70] =	vst v16  }
0x1f5: {  	v6 =	vmul.f32 v26, v24;
	v3 =	vld [tilespmem:s31+$0x18E90];
	[tilespmem:s31+$0x18DA0] =	vst v8  }
0x1f6: {  	v36 =	vld [tilespmem:s31+$0x18E50];
	v44 =	vbroadcast v2, $0xD;
	v10 =	vmul.f32 v31, v35;
	[tilespmem:s31+$0x18DB0] =	vst v9  }
0x1f7: {  	v37 =	vld [tilespmem:s31+$0x18E60];
	v13 =	vmul.f32 v34, v35;
	[tilespmem:s31+$0x18DC0] =	vst v6  }
0x1f8: {  	v39 =	vld [tilespmem:s31+$0x18E80];
	v12 =	vmul.f32 v41, v44;
	[tilespmem:s31+$0x18E10] =	vst v10  }
0x1f9: {  	v42 =	vld [tilespmem:s31+$0x18EB0];
	v51 =	vmul.f32 v46, v44;
	[tilespmem:s31+$0x18E40] =	vst v13  }
0x1fa: {  	v48 =	vld [tilespmem:s31+$0x18F10];
	[tilespmem:s31+$0x18EA0] =	vst v12;
	v3 =	vmul.f32 v3, v44  }
0x1fb: {  	v49 =	vld [tilespmem:s31+$0x18F20];
	v9 =	vmul.f32 v36, v35;
	[tilespmem:s31+$0x18EE0] =	vst v51  }
0x1fc: {  	v6 =	vmul.f32 v37, v35;
	[tilespmem:s31+$0x18E90] =	vst v3;
	v3 =	vld [tilespmem:s31+$0x18F00]  }
0x1fd: {  	v2 =	vbroadcast v2, $0xE;
	v50 =	vld [tilespmem:s31+$0x18F30];
	v10 =	vmul.f32 v39, v44;
	[tilespmem:s31+$0x18E50] =	vst v9  }
0x1fe: {  	v45 =	vld [tilespmem:s31+$0x18ED0];
	v13 =	vmul.f32 v42, v44;
	[tilespmem:s31+$0x18E60] =	vst v6  }
0x1ff: {  	v47 =	vld [tilespmem:s31+$0x18EF0];
	v12 =	vmul.f32 v48, v2;
	[tilespmem:s31+$0x18E80] =	vst v10  }
0x200: {  	v43 =	vld [tilespmem:s31+$0x18EC0];
	v11 =	vmul.f32 v49, v2;
	[tilespmem:s31+$0x18EB0] =	vst v13  }
0x201: {  	v55 =	vld [tilespmem:s31+$0x18F80];
	[tilespmem:s31+$0x18F10] =	vst v12;
	v3 =	vmul.f32 v3, v2  }
0x202: {  	v57 =	vld [tilespmem:s31+$0x18FA0];
	v7 =	vmul.f32 v50, v2;
	[tilespmem:s31+$0x18F20] =	vst v11  }
0x203: {  	v6 =	vmul.f32 v45, v44;
	[tilespmem:s31+$0x18F00] =	vst v3;
	v3 =	vld [tilespmem:s31+$0x18F70]  }
0x204: {  	v52 =	vld [tilespmem:s31+$0x18F40];
	v10 =	vmul.f32 v47, v44;
	[tilespmem:s31+$0x18F30] =	vst v7  }
0x205: {  	v56 =	vld [tilespmem:s31+$0x18F90];
	v9 =	vmul.f32 v43, v44;
	[tilespmem:s31+$0x18ED0] =	vst v6  }
0x206: {  	v54 =	vld [tilespmem:s31+$0x18F60];
	v12 =	vmul.f32 v55, v5;
	[tilespmem:s31+$0x18EF0] =	vst v10  }
0x207: {  	v58 =	vld [tilespmem:s31+$0x18FB0];
	v7 =	vmul.f32 v57, v5;
	[tilespmem:s31+$0x18EC0] =	vst v9  }
0x208: {  	v53 =	vld [tilespmem:s31+$0x18F50];
	[tilespmem:s31+$0x18F80] =	vst v12;
	v3 =	vmul.f32 v3, v2  }
0x209: {  	v59 =	vld [tilespmem:s31+$0x18FC0];
	v6 =	vmul.f32 v52, v2;
	[tilespmem:s31+$0x18FA0] =	vst v7  }
0x20a: {  	v60 =	vld [tilespmem:s31+$0x18FE0];
	[tilespmem:s31+$0x18F70] =	vst v3;
	v3 =	vmul.f32 v56, v5  }
0x20b: {  	v10 =	vmul.f32 v54, v2;
	[tilespmem:s31+$0x18F40] =	vst v6  }
0x20c: {  	v4 =	vld [tilespmem:s31+$0x18E20];
	[tilespmem:s31+$0x18F90] =	vst v3;
	v3 =	vmul.f32 v58, v5  }
0x20d: {  	[tilespmem:s31+$0x18F60] =	vst v10;
	v2 =	vmul.f32 v53, v2  }
0x20e: {  	[tilespmem:s31+$0x18FB0] =	vst v3;
	v3 =	vmul.f32 v59, v5  }
0x20f: {  	[tilespmem:s31+$0x18F50] =	vst v2;
	v5 =	vmul.f32 v60, v5  }
0x210: {  	[tilespmem:s31+$0x18FC0] =	vst v3  }
0x211: {  	s0 =	simm.s32 $0x1;
	v3 =	vmul.f32 v4, v35;
	[tilespmem:s31+$0x18FE0] =	vst v5  }
.LBB2_9:
0x212: {  	s3 =	sshll.u32 s0, $0x4  }
0x213: {  	p0 =	sne.s32 s0, $0x6;
	[tilespmem:s31+$0x18E20] =	vst v3;
	s31 =	smov.u32 s0;
	s0 =	sadd.s32 $0x1, s0  }
0x214: {  	s3 =	sand.u32 $0x3FFFFFF0, s3  }
0x215: {  	v2 =	vld.idx.msk [tilespmem:v1+s3+$0x0 ss:$0x1], $0xffff  }
0x216: {  	s3 =	sshll.u32 s31, $0xB  }
0x217: {  	s31 =	sand.u32 $0x3FFFF800, s3  }
0x218: {  	v9 =	vld [tilespmem:s31+$0x188C0]  }
0x219: {  	v10 =	vld [tilespmem:s31+$0x188D0]  }
0x21a: {  	v11 =	vld [tilespmem:s31+$0x188B0]  }
0x21b: {  	v3 =	vbroadcast v2, $0x0;
	v8 =	vbroadcast v2, $0x4;
	v4 =	vld [tilespmem:s31+$0x18820]  }
0x21c: {  	v6 =	vld [tilespmem:s31+$0x18830]  }
0x21d: {  	v7 =	vld [tilespmem:s31+$0x18D70]  }
0x21e: {  	v12 =	vld [tilespmem:s31+$0x18860]  }
0x21f: {  	v13 =	vld [tilespmem:s31+$0x18870]  }
0x220: {  	v5 =	vbroadcast v2, $0xA;
	v4 =	vmul.f32 v4, v3;
	v14 =	vld [tilespmem:s31+$0x18880]  }
0x221: {  	v6 =	vmul.f32 v6, v3;
	v15 =	vld [tilespmem:s31+$0x18890]  }
0x222: {  	[tilespmem:s31+$0x18820] =	vst v4;
	v16 =	vld [tilespmem:s31+$0x188A0];
	v4 =	vmul.f32 v7, v5  }
0x223: {  	[tilespmem:s31+$0x18830] =	vst v6;
	v7 =	vmul.f32 v12, v3;
	v12 =	vbroadcast v2, $0x1;
	v6 =	vld [tilespmem:s31+$0x18D80]  }
0x224: {  	v13 =	vmul.f32 v13, v3;
	[tilespmem:s31+$0x18D70] =	vst v4;
	v4 =	vld [tilespmem:s31+$0x18FD0]  }
0x225: {  	[tilespmem:s31+$0x18860] =	vst v7;
	v14 =	vmul.f32 v14, v12;
	v7 =	vld [tilespmem:s31+$0x18D90]  }
0x226: {  	[tilespmem:s31+$0x18870] =	vst v13;
	v13 =	vmul.f32 v15, v12;
	v15 =	vld [tilespmem:s31+$0x188E0]  }
0x227: {  	[tilespmem:s31+$0x18880] =	vst v14;
	v14 =	vmul.f32 v16, v12;
	v16 =	vld [tilespmem:s31+$0x188F0]  }
0x228: {  	v11 =	vmul.f32 v11, v12;
	[tilespmem:s31+$0x18890] =	vst v13;
	v13 =	vld [tilespmem:s31+$0x18900]  }
0x229: {  	v9 =	vmul.f32 v9, v12;
	[tilespmem:s31+$0x188A0] =	vst v14;
	v14 =	vld [tilespmem:s31+$0x18910]  }
0x22a: {  	v10 =	vmul.f32 v10, v12;
	[tilespmem:s31+$0x188B0] =	vst v11;
	v11 =	vld [tilespmem:s31+$0x18920]  }
0x22b: {  	[tilespmem:s31+$0x188C0] =	vst v9;
	v9 =	vmul.f32 v15, v12;
	v15 =	vbroadcast v2, $0x2;
	v17 =	vld [tilespmem:s31+$0x18930]  }
0x22c: {  	[tilespmem:s31+$0x188D0] =	vst v10;
	v10 =	vmul.f32 v16, v12;
	v12 =	vld [tilespmem:s31+$0x18940]  }
0x22d: {  	[tilespmem:s31+$0x188E0] =	vst v9;
	v9 =	vmul.f32 v13, v15;
	v13 =	vld [tilespmem:s31+$0x18950]  }
0x22e: {  	[tilespmem:s31+$0x188F0] =	vst v10;
	v10 =	vmul.f32 v14, v15;
	v14 =	vld [tilespmem:s31+$0x18960]  }
0x22f: {  	[tilespmem:s31+$0x18900] =	vst v9;
	v9 =	vmul.f32 v11, v15;
	v11 =	vld [tilespmem:s31+$0x18970]  }
0x230: {  	[tilespmem:s31+$0x18910] =	vst v10;
	v10 =	vmul.f32 v17, v15;
	v16 =	vld [tilespmem:s31+$0x18980]  }
0x231: {  	[tilespmem:s31+$0x18920] =	vst v9;
	v9 =	vmul.f32 v12, v15;
	v12 =	vld [tilespmem:s31+$0x18990]  }
0x232: {  	[tilespmem:s31+$0x18930] =	vst v10;
	v10 =	vmul.f32 v13, v15;
	v13 =	vld [tilespmem:s31+$0x189A0]  }
0x233: {  	[tilespmem:s31+$0x18940] =	vst v9;
	v9 =	vmul.f32 v14, v15;
	v14 =	vbroadcast v2, $0x3;
	v17 =	vld [tilespmem:s31+$0x189B0]  }
0x234: {  	[tilespmem:s31+$0x18950] =	vst v10;
	v10 =	vmul.f32 v11, v15;
	v11 =	vld [tilespmem:s31+$0x189C0]  }
0x235: {  	[tilespmem:s31+$0x18960] =	vst v9;
	v9 =	vmul.f32 v16, v14;
	v15 =	vld [tilespmem:s31+$0x189D0]  }
0x236: {  	[tilespmem:s31+$0x18970] =	vst v10;
	v10 =	vmul.f32 v12, v14;
	v12 =	vld [tilespmem:s31+$0x189E0]  }
0x237: {  	[tilespmem:s31+$0x18980] =	vst v9;
	v9 =	vmul.f32 v13, v14;
	v13 =	vld [tilespmem:s31+$0x189F0]  }
0x238: {  	[tilespmem:s31+$0x18990] =	vst v10;
	v10 =	vmul.f32 v17, v14;
	v16 =	vld [tilespmem:s31+$0x18A00]  }
0x239: {  	[tilespmem:s31+$0x189A0] =	vst v9;
	v9 =	vmul.f32 v11, v14;
	v11 =	vld [tilespmem:s31+$0x18A10]  }
0x23a: {  	[tilespmem:s31+$0x189B0] =	vst v10;
	v10 =	vmul.f32 v15, v14;
	v15 =	vld [tilespmem:s31+$0x18A20]  }
0x23b: {  	[tilespmem:s31+$0x189C0] =	vst v9;
	v9 =	vmul.f32 v12, v14;
	v12 =	vld [tilespmem:s31+$0x18A30]  }
0x23c: {  	[tilespmem:s31+$0x189D0] =	vst v10;
	v10 =	vmul.f32 v13, v14;
	v13 =	vld [tilespmem:s31+$0x18A40]  }
0x23d: {  	[tilespmem:s31+$0x189E0] =	vst v9;
	v9 =	vmul.f32 v16, v8;
	v14 =	vld [tilespmem:s31+$0x18A50]  }
0x23e: {  	[tilespmem:s31+$0x189F0] =	vst v10;
	v10 =	vmul.f32 v11, v8;
	v11 =	vld [tilespmem:s31+$0x18A60]  }
0x23f: {  	[tilespmem:s31+$0x18A00] =	vst v9;
	v9 =	vmul.f32 v15, v8;
	v15 =	vld [tilespmem:s31+$0x18A70]  }
0x240: {  	[tilespmem:s31+$0x18A10] =	vst v10;
	v10 =	vmul.f32 v12, v8;
	v12 =	vld [tilespmem:s31+$0x18A80]  }
0x241: {  	[tilespmem:s31+$0x18A20] =	vst v9;
	v9 =	vmul.f32 v13, v8;
	v13 =	vld [tilespmem:s31+$0x18A90]  }
0x242: {  	[tilespmem:s31+$0x18A30] =	vst v10;
	v10 =	vmul.f32 v14, v8;
	v14 =	vld [tilespmem:s31+$0x18AA0]  }
0x243: {  	[tilespmem:s31+$0x18A40] =	vst v9;
	v9 =	vmul.f32 v11, v8;
	v11 =	vbroadcast v2, $0x5;
	v16 =	vld [tilespmem:s31+$0x18AB0]  }
0x244: {  	[tilespmem:s31+$0x18A50] =	vst v10;
	v8 =	vmul.f32 v15, v8;
	v10 =	vld [tilespmem:s31+$0x18AC0]  }
0x245: {  	[tilespmem:s31+$0x18A60] =	vst v9;
	v9 =	vmul.f32 v12, v11;
	v12 =	vld [tilespmem:s31+$0x18AD0]  }
0x246: {  	[tilespmem:s31+$0x18A70] =	vst v8;
	v8 =	vmul.f32 v13, v11;
	v13 =	vld [tilespmem:s31+$0x18AE0]  }
0x247: {  	[tilespmem:s31+$0x18A80] =	vst v9;
	v9 =	vmul.f32 v14, v11;
	v14 =	vld [tilespmem:s31+$0x18AF0]  }
0x248: {  	[tilespmem:s31+$0x18A90] =	vst v8;
	v8 =	vmul.f32 v16, v11;
	v15 =	vld [tilespmem:s31+$0x18B00]  }
0x249: {  	[tilespmem:s31+$0x18AA0] =	vst v9;
	v9 =	vmul.f32 v10, v11;
	v10 =	vld [tilespmem:s31+$0x18B10]  }
0x24a: {  	[tilespmem:s31+$0x18AB0] =	vst v8;
	v8 =	vmul.f32 v12, v11;
	v12 =	vld [tilespmem:s31+$0x18B20]  }
0x24b: {  	[tilespmem:s31+$0x18AC0] =	vst v9;
	v9 =	vmul.f32 v13, v11;
	v13 =	vbroadcast v2, $0x6;
	v16 =	vld [tilespmem:s31+$0x18B30]  }
0x24c: {  	[tilespmem:s31+$0x18AD0] =	vst v8;
	v8 =	vmul.f32 v14, v11;
	v11 =	vld [tilespmem:s31+$0x18B40]  }
0x24d: {  	[tilespmem:s31+$0x18AE0] =	vst v9;
	v9 =	vmul.f32 v15, v13;
	v14 =	vld [tilespmem:s31+$0x18B50]  }
0x24e: {  	[tilespmem:s31+$0x18AF0] =	vst v8;
	v8 =	vmul.f32 v10, v13;
	v10 =	vld [tilespmem:s31+$0x18B60]  }
0x24f: {  	[tilespmem:s31+$0x18B00] =	vst v9;
	v9 =	vmul.f32 v12, v13;
	v12 =	vld [tilespmem:s31+$0x18B70]  }
0x250: {  	[tilespmem:s31+$0x18B10] =	vst v8;
	v8 =	vmul.f32 v16, v13;
	v15 =	vld [tilespmem:s31+$0x18B80]  }
0x251: {  	[tilespmem:s31+$0x18B20] =	vst v9;
	v9 =	vmul.f32 v11, v13;
	v11 =	vld [tilespmem:s31+$0x18B90]  }
0x252: {  	[tilespmem:s31+$0x18B30] =	vst v8;
	v8 =	vmul.f32 v14, v13;
	v14 =	vld [tilespmem:s31+$0x18BA0]  }
0x253: {  	[tilespmem:s31+$0x18B40] =	vst v9;
	v9 =	vmul.f32 v10, v13;
	v10 =	vbroadcast v2, $0x7;
	v16 =	vld [tilespmem:s31+$0x18BB0]  }
0x254: {  	[tilespmem:s31+$0x18B50] =	vst v8;
	v8 =	vmul.f32 v12, v13;
	v12 =	vld [tilespmem:s31+$0x18BC0]  }
0x255: {  	[tilespmem:s31+$0x18B60] =	vst v9;
	v9 =	vmul.f32 v15, v10;
	v13 =	vld [tilespmem:s31+$0x18BD0]  }
0x256: {  	[tilespmem:s31+$0x18B70] =	vst v8;
	v8 =	vmul.f32 v11, v10;
	v11 =	vld [tilespmem:s31+$0x18BE0]  }
0x257: {  	[tilespmem:s31+$0x18B80] =	vst v9;
	v9 =	vmul.f32 v14, v10;
	v14 =	vld [tilespmem:s31+$0x18BF0]  }
0x258: {  	[tilespmem:s31+$0x18B90] =	vst v8;
	v8 =	vmul.f32 v16, v10;
	v15 =	vld [tilespmem:s31+$0x18C00]  }
0x259: {  	[tilespmem:s31+$0x18BA0] =	vst v9;
	v9 =	vmul.f32 v12, v10;
	v12 =	vld [tilespmem:s31+$0x18C10]  }
0x25a: {  	[tilespmem:s31+$0x18BB0] =	vst v8;
	v8 =	vmul.f32 v13, v10;
	v13 =	vld [tilespmem:s31+$0x18C20]  }
0x25b: {  	[tilespmem:s31+$0x18BC0] =	vst v9;
	v9 =	vmul.f32 v11, v10;
	v11 =	vbroadcast v2, $0x8;
	v16 =	vld [tilespmem:s31+$0x18C30]  }
0x25c: {  	[tilespmem:s31+$0x18BD0] =	vst v8;
	v8 =	vmul.f32 v14, v10;
	v10 =	vld [tilespmem:s31+$0x18C40]  }
0x25d: {  	[tilespmem:s31+$0x18BE0] =	vst v9;
	v9 =	vmul.f32 v15, v11;
	v14 =	vld [tilespmem:s31+$0x18C50]  }
0x25e: {  	[tilespmem:s31+$0x18BF0] =	vst v8;
	v8 =	vmul.f32 v12, v11;
	v12 =	vld [tilespmem:s31+$0x18C60]  }
0x25f: {  	[tilespmem:s31+$0x18C00] =	vst v9;
	v9 =	vmul.f32 v13, v11;
	v13 =	vld [tilespmem:s31+$0x18C70]  }
0x260: {  	[tilespmem:s31+$0x18C10] =	vst v8;
	v8 =	vmul.f32 v16, v11;
	v15 =	vld [tilespmem:s31+$0x18C80]  }
0x261: {  	[tilespmem:s31+$0x18C20] =	vst v9;
	v9 =	vmul.f32 v10, v11;
	v10 =	vld [tilespmem:s31+$0x18C90]  }
0x262: {  	[tilespmem:s31+$0x18C30] =	vst v8;
	v8 =	vmul.f32 v14, v11;
	v14 =	vld [tilespmem:s31+$0x18CA0]  }
0x263: {  	[tilespmem:s31+$0x18C40] =	vst v9;
	v9 =	vmul.f32 v12, v11;
	v12 =	vbroadcast v2, $0x9;
	v16 =	vld [tilespmem:s31+$0x18CB0]  }
0x264: {  	[tilespmem:s31+$0x18C50] =	vst v8;
	v8 =	vmul.f32 v13, v11;
	v11 =	vld [tilespmem:s31+$0x18CC0]  }
0x265: {  	[tilespmem:s31+$0x18C60] =	vst v9;
	v9 =	vmul.f32 v15, v12;
	v13 =	vld [tilespmem:s31+$0x18CD0]  }
0x266: {  	[tilespmem:s31+$0x18C70] =	vst v8;
	v8 =	vmul.f32 v10, v12;
	v10 =	vld [tilespmem:s31+$0x18CE0]  }
0x267: {  	[tilespmem:s31+$0x18C80] =	vst v9;
	v9 =	vmul.f32 v14, v12;
	v14 =	vld [tilespmem:s31+$0x18CF0]  }
0x268: {  	[tilespmem:s31+$0x18C90] =	vst v8;
	v8 =	vmul.f32 v16, v12;
	v15 =	vld [tilespmem:s31+$0x18D00]  }
0x269: {  	[tilespmem:s31+$0x18CA0] =	vst v9;
	v9 =	vmul.f32 v11, v12;
	v11 =	vld [tilespmem:s31+$0x18D10]  }
0x26a: {  	[tilespmem:s31+$0x18CB0] =	vst v8;
	v8 =	vmul.f32 v13, v12;
	v13 =	vld [tilespmem:s31+$0x18D20]  }
0x26b: {  	[tilespmem:s31+$0x18CC0] =	vst v9;
	v9 =	vmul.f32 v10, v12;
	v10 =	vld [tilespmem:s31+$0x18D30]  }
0x26c: {  	[tilespmem:s31+$0x18CD0] =	vst v8;
	v8 =	vmul.f32 v14, v12;
	v12 =	vld [tilespmem:s31+$0x18D40]  }
0x26d: {  	[tilespmem:s31+$0x18CE0] =	vst v9;
	v9 =	vmul.f32 v15, v5;
	v14 =	vld [tilespmem:s31+$0x18D50]  }
0x26e: {  	[tilespmem:s31+$0x18CF0] =	vst v8;
	v8 =	vmul.f32 v11, v5;
	v11 =	vld [tilespmem:s31+$0x18D60]  }
0x26f: {  	v15 =	vld [tilespmem:s31+$0x18800];
	[tilespmem:s31+$0x18D00] =	vst v9;
	v9 =	vmul.f32 v13, v5  }
0x270: {  	v13 =	vld [tilespmem:s31+$0x18810];
	[tilespmem:s31+$0x18D10] =	vst v8;
	v8 =	vmul.f32 v10, v5  }
0x271: {  	v10 =	vld [tilespmem:s31+$0x18840];
	[tilespmem:s31+$0x18D20] =	vst v9;
	v9 =	vmul.f32 v12, v5  }
0x272: {  	v12 =	vld [tilespmem:s31+$0x18850];
	[tilespmem:s31+$0x18D30] =	vst v8;
	v8 =	vmul.f32 v14, v5  }
0x273: {  	[tilespmem:s31+$0x18D40] =	vst v9;
	v9 =	vmul.f32 v11, v5;
	v11 =	vbroadcast v2, $0xB;
	v14 =	vld [tilespmem:s31+$0x18DA0]  }
0x274: {  	v5 =	vbroadcast v2, $0xF;
	v15 =	vmul.f32 v3, v15;
	[tilespmem:s31+$0x18D50] =	vst v8;
	v8 =	vld [tilespmem:s31+$0x18DB0]  }
0x275: {  	v13 =	vmul.f32 v13, v3;
	[tilespmem:s31+$0x18D60] =	vst v9;
	v6 =	vmul.f32 v6, v11;
	v9 =	vld [tilespmem:s31+$0x18DC0]  }
0x276: {  	v7 =	vmul.f32 v7, v11;
	[tilespmem:s31+$0x18800] =	vst v15;
	v10 =	vmul.f32 v10, v3;
	v15 =	vld [tilespmem:s31+$0x18DD0]  }
0x277: {  	v4 =	vmul.f32 v4, v5;
	v12 =	vmul.f32 v12, v3;
	[tilespmem:s31+$0x18D80] =	vst v6;
	v3 =	vld [tilespmem:s31+$0x18DE0]  }
0x278: {  	[tilespmem:s31+$0x18D90] =	vst v7;
	v6 =	vmul.f32 v14, v11;
	v7 =	vld [tilespmem:s31+$0x18DF0]  }
0x279: {  	v8 =	vmul.f32 v8, v11;
	v14 =	vld [tilespmem:s31+$0x18E00];
	[tilespmem:s31+$0x18FD0] =	vst v4  }
0x27a: {  	[tilespmem:s31+$0x18810] =	vst v13;
	v4 =	vmul.f32 v9, v11;
	v9 =	vld [tilespmem:s31+$0x18E10]  }
0x27b: {  	[tilespmem:s31+$0x18840] =	vst v10;
	v10 =	vmul.f32 v15, v11;
	v13 =	vld [tilespmem:s31+$0x18E20]  }
0x27c: {  	v15 =	vbroadcast v2, $0xC;
	[tilespmem:s31+$0x18DA0] =	vst v6;
	v6 =	vmul.f32 v3, v11;
	v16 =	vld [tilespmem:s31+$0x18E30]  }
0x27d: {  	[tilespmem:s31+$0x18DD0] =	vst v10;
	v7 =	vmul.f32 v7, v11;
	v10 =	vld [tilespmem:s31+$0x18E40]  }
0x27e: {  	[tilespmem:s31+$0x18DB0] =	vst v8;
	v3 =	vmul.f32 v14, v15;
	v8 =	vld [tilespmem:s31+$0x18E50]  }
0x27f: {  	[tilespmem:s31+$0x18DC0] =	vst v4;
	v4 =	vmul.f32 v9, v15;
	v9 =	vld [tilespmem:s31+$0x18E60]  }
0x280: {  	[tilespmem:s31+$0x18E00] =	vst v3;
	v3 =	vmul.f32 v13, v15;
	v11 =	vld [tilespmem:s31+$0x18E70]  }
0x281: {  	[tilespmem:s31+$0x18E10] =	vst v4;
	v4 =	vld [tilespmem:s31+$0x18E80]  }
0x282: {  	[tilespmem:s31+$0x18850] =	vst v12;
	v10 =	vmul.f32 v10, v15;
	v12 =	vld [tilespmem:s31+$0x18E90]  }
0x283: {  	[tilespmem:s31+$0x18DE0] =	vst v6;
	v6 =	vmul.f32 v8, v15;
	v8 =	vld [tilespmem:s31+$0x18EA0]  }
0x284: {  	[tilespmem:s31+$0x18E40] =	vst v10;
	v9 =	vmul.f32 v9, v15;
	v10 =	vbroadcast v2, $0xD;
	v13 =	vld [tilespmem:s31+$0x18EB0]  }
0x285: {  	[tilespmem:s31+$0x18E50] =	vst v6;
	v6 =	vmul.f32 v11, v15;
	v11 =	vld [tilespmem:s31+$0x18EC0]  }
0x286: {  	[tilespmem:s31+$0x18E60] =	vst v9;
	v4 =	vmul.f32 v4, v10;
	v9 =	vld [tilespmem:s31+$0x18ED0]  }
0x287: {  	[tilespmem:s31+$0x18E70] =	vst v6;
	v6 =	vmul.f32 v12, v10;
	v12 =	vld [tilespmem:s31+$0x18EE0]  }
0x288: {  	[tilespmem:s31+$0x18E80] =	vst v4;
	v4 =	vmul.f32 v8, v10;
	v8 =	vld [tilespmem:s31+$0x18EF0]  }
0x289: {  	[tilespmem:s31+$0x18E90] =	vst v6;
	v6 =	vmul.f32 v13, v10;
	v13 =	vld [tilespmem:s31+$0x18F00]  }
0x28a: {  	[tilespmem:s31+$0x18EA0] =	vst v4;
	v4 =	vmul.f32 v11, v10;
	v11 =	vld [tilespmem:s31+$0x18F10]  }
0x28b: {  	[tilespmem:s31+$0x18EB0] =	vst v6;
	v6 =	vmul.f32 v9, v10;
	v9 =	vld [tilespmem:s31+$0x18F20]  }
0x28c: {  	v2 =	vbroadcast v2, $0xE;
	[tilespmem:s31+$0x18DF0] =	vst v7;
	v7 =	vmul.f32 v12, v10;
	v12 =	vld [tilespmem:s31+$0x18F30]  }
0x28d: {  	[tilespmem:s31+$0x18ED0] =	vst v6;
	v6 =	vmul.f32 v8, v10;
	v8 =	vld [tilespmem:s31+$0x18F40]  }
0x28e: {  	[tilespmem:s31+$0x18EE0] =	vst v7;
	v7 =	vmul.f32 v13, v2;
	v10 =	vld [tilespmem:s31+$0x18F50]  }
0x28f: {  	[tilespmem:s31+$0x18EF0] =	vst v6;
	v6 =	vmul.f32 v11, v2;
	v11 =	vld [tilespmem:s31+$0x18F60]  }
0x290: {  	[tilespmem:s31+$0x18F00] =	vst v7;
	v7 =	vmul.f32 v9, v2;
	v9 =	vld [tilespmem:s31+$0x18F70]  }
0x291: {  	[tilespmem:s31+$0x18F10] =	vst v6;
	v6 =	vmul.f32 v12, v2;
	v12 =	vld [tilespmem:s31+$0x18F80]  }
0x292: {  	[tilespmem:s31+$0x18F20] =	vst v7;
	v7 =	vmul.f32 v8, v2;
	v8 =	vld [tilespmem:s31+$0x18F90]  }
0x293: {  	[tilespmem:s31+$0x18F30] =	vst v6;
	v6 =	vmul.f32 v10, v2;
	v10 =	vld [tilespmem:s31+$0x18FA0]  }
0x294: {  	[tilespmem:s31+$0x18F40] =	vst v7;
	v7 =	vmul.f32 v11, v2;
	v11 =	vld [tilespmem:s31+$0x18FB0]  }
0x295: {  	[tilespmem:s31+$0x18EC0] =	vst v4;
	v2 =	vmul.f32 v9, v2;
	v4 =	vld [tilespmem:s31+$0x18FC0]  }
0x296: {  	[tilespmem:s31+$0x18F60] =	vst v7;
	v7 =	vmul.f32 v12, v5;
	v9 =	vld [tilespmem:s31+$0x18FE0]  }
0x297: {  	[tilespmem:s31+$0x18F70] =	vst v2;
	v2 =	vmul.f32 v8, v5;
	v8 =	vld [tilespmem:s31+$0x18FF0]  }
0x298: {  	[tilespmem:s31+$0x18F80] =	vst v7;
	v7 =	vmul.f32 v10, v5  }
0x299: {  	[tilespmem:s31+$0x18F90] =	vst v2;
	v2 =	vmul.f32 v11, v5  }
0x29a: {  	v10 =	vmul.f32 v16, v15;
	[tilespmem:s31+$0x18FA0] =	vst v7  }
0x29b: {  	[tilespmem:s31+$0x18FB0] =	vst v2;
	v2 =	vmul.f32 v4, v5  }
.Ltmp3:
0x29c: {  	[tilespmem:s31+$0x18E30] =	vst v10;
	v4 =	vmul.f32 v8, v5;
	(pc) =	sbr.rel @p0 .LBB2_9-.Ltmp3, $4  }
0x29d: {  	[tilespmem:s31+$0x18FC0] =	vst v2  }
0x29e: {  	v2 =	vmul.f32 v9, v5;
	[tilespmem:s31+$0x18FF0] =	vst v4  }
0x29f: {  	[tilespmem:s31+$0x18F50] =	vst v6  }
0x2a0: {  	[tilespmem:s31+$0x18FE0] =	vst v2  }
0x2a1: {  	s29 =	sadd.s32 $0x1, s29  }
0x2a2: {  	p0 =	sne.s32 s29, $0x2A  }
.Ltmp4:
0x2a3: {  	[tilespmem:s31+$0x18E20] =	vst v3;
	s0 =	sadd.s32 $0x15800, s30;
	(pc) =	sbr.rel @p0 .LBB2_8-.Ltmp4, $4  }
0x2a4: {  	[spmem:s2] =	stream.indirect.scatter.add.f32 [tilespmem:s21], [sflag:$0x2], $0x80, s0, s26, $0xb8;
	[tilespmem:$0x1C000] =	vst v63  }
0x2a5: {  	_ =	swait.ge [sflag:s22], $0x3800  }
0x2a6: {  	[sflag:s22] =	ssyncset.done $0x0  }
0x2a7: {  	[sflag:s22] =	ssyncadd.s32 $0xFFFFC800  }
0x2a8: {  	s0 =	stileid.u32;
	s4 =	sadd.s32 $0x1, s4  }
0x2a9: {  	[bflag:$0x0] =	sbarrier.arrive $0xFFFF;
	s0 =	sshll.u32 s0, $0x6;
	p0 =	sne.s32 s4, s20  }
.Ltmp5:
0x2aa: {  	s3 =	sshrl.u32 s5, $0x3;
	s0 =	sor.u32 $0x1C02, s0;
	(pc) =	sbr.rel @p0 .LBB2_1-.Ltmp5, $4  }
0x2ab: {  	[hbm:s19], [sflag:s0] =	dma.local [spmem:s3], $0x2800  }
0x2ac: {  	_ =	swait.ge [sflag:s22], $0x2800  }
0x2ad: {  	[sflag:s22] =	ssyncset.done $0x0  }
0x2ae: {  	[sflag:s22] =	ssyncadd.s32 $0xFFFFD800  }
0x2af: {  	_ =	sfence.sel $0x180000  }
0x2b0: {  	[bflag:$0x0] =	sbarrier.arrive $0xFFFF  }
0x2b1: {  	_ =	strace $0x90000047  }
0x2b2: {  	s0 =	stileid.u32;
	[bflag:$0x2] =	sbarrier.arrive $0xFFFF  }
0x2b3: {  	p0 =	sne.s32 s0, $0x0;
	s0 =	rddreg [dreg:$0x3]  }
0x2b4: {  	s0 =	sadd.s32 @!p0 $0x100000, s0  }
0x2b5: {  	[sflag:s0] =	ssyncadd.tile.s32 @!p0 $0x1;
	_ =	shalt  }
.Lfunc_end2:
_tile_overlayer_lowered:
.L_overlay_start_2:
0x2b6: {  	(tag) =	ssettag $0x2  }
0x2b7: {  	s0 =	rddreg [dreg:$0x0];
	s2 =	stileid.u32  }
0x2b8: {  	s1 =	rddreg [dreg:$0x1];
	p0 =	sne.s32 s2, $0x0  }
0x2b9: {  	s3 =	rddreg [dreg:$0x2];
	[bflag:$0x3] =	sbarrier.arrive $0xFFFF;
	s2 =	simm.s32 @!p0 $0x1C02  }
0x2ba: {  	[timem:s3], [sflag:s2] =	dma.local @!p0 [hbm:s0], s1  }
0x2bb: {  	s0 =	simm.s32 @!p0 $0x2  }
0x2bc: {  	_ =	swait.ge @!p0 [sflag:s0], s1  }
0x2bd: {  	s1 =	ssub.s32 @!p0 $0x0, s1;
	[sflag:s0] =	ssyncset.done @!p0 $0x0  }
0x2be: {  	[sflag:s0] =	ssyncadd.s32 @!p0 s1  }
0x2bf: {  	[bflag:$0x3] =	sbarrier.arrive $0xFFFF  }
0x2c0: {  	_ =	shalt  }

</sc_bundles>
